<compile_context>
chip_gen: v7x
topology: tpu7x:2x2x1
jax: 0.10.2.dev20260603
libtpu: 0.0.44.dev20260713+nightly
codegen_flags: <defaults>
</compile_context>

<pallas_src>
import functools

import jax
import jax.numpy as jnp
from jax import lax
from jax.experimental import pallas as pl
from jax.experimental.pallas import tpu as pltpu
from jax.experimental.pallas import tpu_sc as plsc

N = 10000
D = 128
E = 320000

NC = 2
NS = 16
NW = NC * NS

B = 128
NCH = 80
E_PAD = NW * NCH * B
NPAD = 10240
GARBAGE = N + 100
NPASS = 3
RPP = 3456
ACC1_ROWS = RPP + 8
GARB_LOCAL = RPP
RPT1 = RPP // NS
OUT1_ROWS = NPASS * RPP
C0 = 56
NCHX = NCH - C0
LLEN = (NCH + NCHX + 4) * B
NBUF = 2

_mesh = plsc.VectorSubcoreMesh(core_axis_name="c", subcore_axis_name="s")



def _deg_body(dsts_hbm, degp_hbm, dst_v, acc, sem):
    cid = lax.axis_index("c")
    sid = lax.axis_index("s")
    wid = cid * NS + sid

    pltpu.sync_copy(dsts_hbm.at[wid], dst_v)

    def fill(i, _):
        acc[pl.ds(i * 16, 16)] = jnp.zeros((16,), jnp.float32)
        return 0

    lax.fori_loop(0, NPAD // 16, fill, 0)

    ones16 = jnp.ones((16,), jnp.float32)

    def chunk(j, _):
        for s in range(B // 16):
            idx = dst_v[j, pl.ds(s * 16, 16)]
            plsc.addupdate_scatter(acc, [idx], ones16)
        return 0

    lax.fori_loop(0, NCH, chunk, 0)
    pltpu.sync_copy(acc, degp_hbm.at[wid])


_deg_kernel = functools.partial(
    pl.kernel,
    out_type=jax.ShapeDtypeStruct((NW, NPAD), jnp.float32),
    mesh=_mesh,
    compiler_params=pltpu.CompilerParams(needs_layout_passes=False, internal_scratch_in_bytes=0),
    scratch_types=[
        pltpu.VMEM((NCH, B), jnp.int32),
        pltpu.VMEM((NPAD,), jnp.float32),
        pltpu.SemaphoreType.DMA,
    ],
)(_deg_body)


def _agg1_body(y_hbm, p0_hbm, p1_hbm, p2_hbm, out_hbm, pk_v, pkx_v, lsrc,
               ldst, ldst2, bufs, acc, sem, sems):
    cid = lax.axis_index("c")
    sid = lax.axis_index("s")
    wid = cid * NS + sid

    n_main = jnp.where(cid == 1, C0 * (B // 16), NCH * (B // 16))
    n_x = jnp.where(cid == 1, 0, NCHX * (B // 16))

    lo = sid * RPT1
    for p, p_hbm in ((0, p0_hbm), (1, p1_hbm), (2, p2_hbm)):
        pltpu.sync_copy(p_hbm.at[wid], pk_v)

        @pl.when(cid == 0)
        def _():
            pltpu.sync_copy(p_hbm.at[wid + NS].at[pl.ds(C0, NCHX)], pkx_v)

        def zfill(i, _):
            bufs[0, lax.div(i, 8), pl.ds(lax.rem(i, 8) * 16, 16)] = (
                jnp.zeros((16,), jnp.float32))
            return 0

        lax.fori_loop(0, B * 8, zfill, 0)
        for k, sz in ((0, B), (1, RPT1 - B)):
            pltpu.sync_copy(bufs.at[0].at[pl.ds(0, sz)],
                            acc.at[pl.ds(lo + k * B, sz)])

        def pfill(i, _):
            lsrc[pl.ds(i * 16, 16)] = jnp.zeros((16,), jnp.int32)
            ldst[pl.ds(i * 16, 16)] = jnp.full((16,), GARB_LOCAL, jnp.int32)
            return 0

        lax.fori_loop(0, LLEN // 16, pfill, 0)

        def comp(t, cnt):
            r = lax.div(t, B // 16)
            c = lax.rem(t, B // 16)
            v = pk_v[r, pl.ds(c * 16, 16)]
            vs = lax.shift_right_logical(v, 12)
            vd = lax.bitwise_and(v, 4095)
            m = vd < GARB_LOCAL
            plsc.store_compressed(lsrc.at[pl.ds(cnt, 16)], vs, mask=m)
            plsc.store_compressed(ldst.at[pl.ds(cnt, 16)], vd, mask=m)
            return cnt + jnp.max(plsc.all_reduce_population_count(m))

        cnt = lax.fori_loop(0, n_main, comp, jnp.int32(0))

        def compx(t, cnt):
            r = lax.div(t, B // 16)
            c = lax.rem(t, B // 16)
            v = pkx_v[r, pl.ds(c * 16, 16)]
            vs = lax.shift_right_logical(v, 12)
            vd = lax.bitwise_and(v, 4095)
            m = vd < GARB_LOCAL
            plsc.store_compressed(lsrc.at[pl.ds(cnt, 16)], vs, mask=m)
            plsc.store_compressed(ldst.at[pl.ds(cnt, 16)], vd, mask=m)
            return cnt + jnp.max(plsc.all_reduce_population_count(m))

        cnt = lax.fori_loop(0, n_x, compx, cnt)
        nch4 = lax.div(cnt + (NBUF * B - 1), NBUF * B)

        def lcopy(j, _):
            for st in range(B // 16):
                ldst2[j, pl.ds(st * 16, 16)] = ldst[pl.ds(j * B + st * 16, 16)]
            return 0

        lax.fori_loop(0, nch4 * NBUF, lcopy, 0)
        plsc.subcore_barrier()

        def chunk4(i, _):
            j0 = i * NBUF
            hs = []
            for k in range(NBUF):
                hs.append(pltpu.async_copy(
                    y_hbm.at[lsrc.at[pl.ds((j0 + k) * B, B)]], bufs.at[k],
                    sem))
            ss = []
            for k in range(NBUF):
                hs[k].wait()
                ss.append(pltpu.async_copy(
                    bufs.at[k], acc.at[ldst2.at[j0 + k]], sems, add=True))
            for k in range(NBUF):
                ss[k].wait()
            return 0

        lax.fori_loop(0, nch4, chunk4, 0)
        plsc.subcore_barrier()
        for k, sz in ((0, B), (1, RPT1 - B)):
            pltpu.sync_copy(acc.at[pl.ds(lo + k * B, sz)],
                            bufs.at[0].at[pl.ds(0, sz)])
            pltpu.sync_copy(
                bufs.at[0].at[pl.ds(0, sz)],
                out_hbm.at[cid, pl.ds(p * RPP + lo + k * B, sz)])
        plsc.subcore_barrier()


_agg1_kernel = functools.partial(
    pl.kernel,
    out_type=jax.ShapeDtypeStruct((NC, OUT1_ROWS, D), jnp.float32),
    mesh=_mesh,
    compiler_params=pltpu.CompilerParams(needs_layout_passes=False),
    scratch_types=[
        pltpu.VMEM((NCH, B), jnp.int32),
        pltpu.VMEM((NCHX, B), jnp.int32),
        pltpu.VMEM((LLEN,), jnp.int32),
        pltpu.VMEM((LLEN,), jnp.int32),
        pltpu.VMEM((LLEN // B, B), jnp.int32),
        pltpu.VMEM((NBUF, B, D), jnp.float32),
        pltpu.VMEM_SHARED((ACC1_ROWS, D), jnp.float32),
        pltpu.SemaphoreType.DMA,
        pltpu.SemaphoreType.DMA,
    ],
)(_agg1_body)


def _agg2_body(yt_hbm, srcs_hbm, dsts_hbm, out_hbm, src_v, dst_v, bufs, acc,
               sem):
    cid = lax.axis_index("c")
    sid = lax.axis_index("s")
    wid = cid * NS + sid

    pltpu.sync_copy(srcs_hbm.at[wid], src_v)
    pltpu.sync_copy(dsts_hbm.at[wid], dst_v)

    def zfill(i, _):
        for f in range(2):
            acc[f, pl.ds(i * 16, 16)] = jnp.zeros((16,), jnp.float32)
        return 0

    lax.fori_loop(0, NPAD // 16, zfill, 0)

    fidx = [jnp.full((16,), f, jnp.int32) for f in range(2)]
    yfs = [yt_hbm.at[pl.ds(f * NPAD, NPAD)] for f in range(2)]

    def chunk2(i, _):
        hs = []
        for k in range(2):
            j = i * 2 + k
            for f in range(2):
                hs.append(pltpu.async_copy(
                    yfs[f].at[src_v.at[j]], bufs.at[k * 2 + f], sem))
        for k in range(2):
            j = i * 2 + k
            for f in range(2):
                hs[k * 2 + f].wait()
                for st in range(B // 16):
                    vals = bufs[k * 2 + f, pl.ds(st * 16, 16)]
                    idx = dst_v[j, pl.ds(st * 16, 16)]
                    plsc.addupdate_scatter(acc, [fidx[f], idx], vals)
        return 0

    lax.fori_loop(0, NCH // 2, chunk2, 0)
    pltpu.sync_copy(acc, out_hbm.at[wid])


_agg2_kernel = functools.partial(
    pl.kernel,
    out_type=jax.ShapeDtypeStruct((NW, 2, NPAD), jnp.float32),
    mesh=_mesh,
    compiler_params=pltpu.CompilerParams(needs_layout_passes=False, internal_scratch_in_bytes=0),
    scratch_types=[
        pltpu.VMEM((NCH, B), jnp.int32),
        pltpu.VMEM((NCH, B), jnp.int32),
        pltpu.VMEM((4, B), jnp.float32),
        pltpu.VMEM((2, NPAD), jnp.float32),
        pltpu.SemaphoreType.DMA,
    ],
)(_agg2_body)



def _tc_a_body(x_ref, w_ref, dp_ref, y_ref):
    deg = jnp.sum(dp_ref[0], axis=0) + 1.0
    dis = lax.rsqrt(deg)
    xw = jnp.dot(x_ref[...], w_ref[...], preferred_element_type=jnp.float32)
    y_ref[...] = xw * dis[:, None]


def _tc_b_body(p_ref, y1_ref, dp_ref, b1_ref, w2_ref, y2t_ref):
    deg = jnp.sum(dp_ref[0], axis=0) + 1.0
    dis = lax.rsqrt(deg)
    agg = p_ref[0] + p_ref[1]
    h = dis[:, None] * (agg + y1_ref[...]) + b1_ref[...]
    h = jnp.maximum(h, 0.0)
    hw = jnp.dot(h, w2_ref[...], preferred_element_type=jnp.float32)
    y2t_ref[...] = (hw * dis[:, None]).T


def _tc_d_body(q_ref, y2t_ref, dp_ref, b2_ref, out_ref):
    deg = jnp.sum(dp_ref[...], axis=0) + 1.0
    dis = lax.rsqrt(deg)
    agg = jnp.sum(q_ref[...], axis=0)
    out_ref[...] = dis[None, :] * (agg + y2t_ref[...]) + b2_ref[...]


_RB = 1024
_G = NPAD // _RB


def _tc_a(xp, W1, dp):
    return pl.pallas_call(
        _tc_a_body,
        grid=(_G,),
        in_specs=[
            pl.BlockSpec((_RB, D), lambda i: (i, 0)),
            pl.BlockSpec((D, D), lambda i: (0, 0)),
            pl.BlockSpec((1, NW, _RB), lambda i: (i, 0, 0)),
        ],
        out_specs=pl.BlockSpec((_RB, D), lambda i: (i, 0)),
        out_shape=jax.ShapeDtypeStruct((NPAD, D), jnp.float32),
    )(xp, W1, dp)


def _tc_b(p, y1, dp, b1, W2):
    return pl.pallas_call(
        _tc_b_body,
        grid=(_G,),
        in_specs=[
            pl.BlockSpec((NC, _RB, D), lambda i: (0, i, 0)),
            pl.BlockSpec((_RB, D), lambda i: (i, 0)),
            pl.BlockSpec((1, NW, _RB), lambda i: (i, 0, 0)),
            pl.BlockSpec((1, D), lambda i: (0, 0)),
            pl.BlockSpec((D, 2), lambda i: (0, 0)),
        ],
        out_specs=pl.BlockSpec((2, _RB), lambda i: (0, i)),
        out_shape=jax.ShapeDtypeStruct((2, NPAD), jnp.float32),
    )(p, y1, dp, b1, W2)


def _tc_d(q, y2t, dp, b2):
    return pl.pallas_call(
        _tc_d_body,
        in_specs=[
            pl.BlockSpec((NW, 2, NPAD), lambda: (0, 0, 0)),
            pl.BlockSpec((2, NPAD), lambda: (0, 0)),
            pl.BlockSpec((NW, NPAD), lambda: (0, 0)),
            pl.BlockSpec((2, 1), lambda: (0, 0)),
        ],
        out_specs=pl.BlockSpec((2, NPAD), lambda: (0, 0)),
        out_shape=jax.ShapeDtypeStruct((2, NPAD), jnp.float32),
    )(q, y2t, dp, b2)



@jax.jit
def kernel(x, edge_index, W1, b1, W2, b2):
    ei = edge_index.astype(jnp.int32)
    srcf = jnp.concatenate([ei[0], jnp.zeros((E_PAD - E,), jnp.int32)])
    dstf = jnp.concatenate([ei[1], jnp.full((E_PAD - E,), GARBAGE, jnp.int32)])
    src = srcf.reshape(NW, NCH, B)
    dst = dstf.reshape(NW, NCH, B)
    s12 = srcf * 4096
    pk0 = (s12 + jnp.where(dstf < RPP, dstf, GARB_LOCAL)).reshape(
        NW, NCH, B)
    pk1 = (s12 + jnp.where((dstf >= RPP) & (dstf < 2 * RPP), dstf - RPP,
                           GARB_LOCAL)).reshape(NW, NCH, B)
    pk2 = (s12 + jnp.where(dstf >= 2 * RPP, dstf - 2 * RPP,
                           GARB_LOCAL)).reshape(NW, NCH, B)
    xp = jnp.pad(x, ((0, NPAD - N), (0, 0)))

    degp = _deg_kernel(dst)
    dpr = jnp.transpose(degp.reshape(NW, _G, _RB), (1, 0, 2))

    y1 = _tc_a(xp, W1, dpr)
    p = _agg1_kernel(y1, pk0, pk1, pk2)
    y2t = _tc_b(p, y1, dpr, b1.reshape(1, D), W2)
    q = _agg2_kernel(y2t.reshape(2 * NPAD), src, dst)
    outt = _tc_d(q, y2t, degp, b2.reshape(2, 1))
    return outt[:, :N].T

# --- scband reference (transcript-rebuilt; emitter-appended) ---
"""Pipeline reference for scband-gcn-63823214018912 (READ-ONLY COPY).

The authoritative reference and input builder live on the scoring server;
editing this copy changes nothing except your own understanding.
"""

import jax, jax.numpy as jnp
import numpy as np

N_NODES = 10000


def gcn_conv(x, src, dst, norm, W, b):
    # x: [N, d_in], W: [d_in, d_out]
    xw = x @ W
    msg = xw[src] * norm[:, None]
    out = jnp.zeros((x.shape[0], W.shape[1]), dtype=xw.dtype).at[dst].add(msg)
    return out + b


def gcn_norm(edge_index, num_nodes):
    # PyG-style: add self loops, symmetric D^{-1/2} A_hat D^{-1/2} normalization
    loop = jnp.arange(num_nodes, dtype=edge_index.dtype)
    src = jnp.concatenate([edge_index[0], loop])
    dst = jnp.concatenate([edge_index[1], loop])
    deg = jnp.zeros((num_nodes,), dtype=jnp.float32).at[dst].add(1.0)
    deg_inv_sqrt = jnp.where(deg > 0, jax.lax.rsqrt(jnp.maximum(deg, 1e-12)), 0.0)
    norm = deg_inv_sqrt[src] * deg_inv_sqrt[dst]
    return src, dst, norm


def setup_inputs(seed: int = 0) -> dict:
    key = jax.random.key(seed)
    k1, k2, k3, k4 = jax.random.split(key, 4)
    x = jax.random.normal(k1, (N_NODES, 128), dtype=jnp.float32)
    edge_index = jax.random.randint(k2, (2, 320000), 0, N_NODES, dtype=jnp.int64)
    W1 = jax.random.normal(k3, (128, 128), dtype=jnp.float32) * (1.0 / np.sqrt(128.0))
    b1 = jnp.zeros((128,), dtype=jnp.float32)
    W2 = jax.random.normal(k4, (128, 2), dtype=jnp.float32) * (1.0 / np.sqrt(128.0))
    b2 = jnp.zeros((2,), dtype=jnp.float32)
    return {"x": x, "edge_index": edge_index, "W1": W1, "b1": b1, "W2": W2, "b2": b2}


def reference(x, edge_index, W1, b1, W2, b2):
    src, dst, norm = gcn_norm(edge_index, x.shape[0])
    h = gcn_conv(x, src, dst, norm, W1, b1)
    h = jax.nn.relu(h)
    out = gcn_conv(h, src, dst, norm, W2, b2)
    return out

if __name__ == "__main__":
    import jax
    _d = setup_inputs()
    print(jax.jit(kernel)(*tuple(_d.values())))

</pallas_src>

<mosaic_0001>
#map = affine_map<(d0, d1) -> (0)>
#map1 = affine_map<(d0, d1) -> (0, 0, 0)>
module attributes {stable_mosaic.version = 14 : i64} {
  func.func @_agg2_body(%arg0: i32, %arg1: i32, %arg2: memref<20480xf32, #tpu.memory_space<hbm>>, %arg3: memref<32x80x128xi32, #tpu.memory_space<hbm>>, %arg4: memref<32x80x128xi32, #tpu.memory_space<hbm>>, %arg5: memref<32x2x10240xf32, #tpu.memory_space<hbm>>, %arg6: memref<80x128xi32, #tpu.memory_space<vmem>>, %arg7: memref<80x128xi32, #tpu.memory_space<vmem>>, %arg8: memref<4x128xf32, #tpu.memory_space<vmem>>, %arg9: memref<2x10240xf32, #tpu.memory_space<vmem>>, %arg10: memref<!tpu.dma_semaphore, #tpu.memory_space<semaphore_mem>>) attributes {dimension_semantics = [#tpu.dimension_semantics<core_parallel>, #tpu.dimension_semantics<subcore_parallel>], iteration_bounds = array<i64: 2, 16>, scalar_prefetch = 0 : i64, scratch_operands = 5 : i64, tpu.core_type = #tpu.core_type<sc_vector_subcore>, window_params = [{transform_indices = #map}, {transform_indices = #map1}, {transform_indices = #map1}, {transform_indices = #map1}]} {
    %mul3A = arith.constant 16 : i32
    %mul3A_0 = arith.muli %arg0, %mul3A : i32
    %add3A = arith.addi %mul3A_0, %arg1 : i32
    "tpu.region"() ({
      %run_scoped3A = tpu.sem_alloc : memref<!tpu.dma_semaphore, #tpu.memory_space<semaphore_mem>>
      %dma_start3A = arith.constant 0 : i32
      %dma_start3A_17 = arith.constant 0 : i32
      %dma_start3A_18 = tpu.memref_slice %arg3[%add3A, %dma_start3A, %dma_start3A_17] : memref<32x80x128xi32, #tpu.memory_space<hbm>> -> memref<1x80x128xi32, #tpu.memory_space<hbm>>
      %dma_start3A_19 = tpu.memref_squeeze %dma_start3A_18 : memref<1x80x128xi32, #tpu.memory_space<hbm>> -> memref<80x128xi32, #tpu.memory_space<hbm>>
      %dma_start3A_20 = arith.constant 0 : i32
      %dma_start3A_21 = arith.constant 0 : i32
      %dma_start3A_22 = tpu.memref_slice %arg3[%add3A, %dma_start3A_20, %dma_start3A_21] : memref<32x80x128xi32, #tpu.memory_space<hbm>> -> memref<1x80x128xi32, #tpu.memory_space<hbm>>
      %dma_start3A_23 = tpu.memref_squeeze %dma_start3A_22 : memref<1x80x128xi32, #tpu.memory_space<hbm>> -> memref<80x128xi32, #tpu.memory_space<hbm>>
      tpu.enqueue_dma source(%dma_start3A_23 : memref<80x128xi32, #tpu.memory_space<hbm>>) target(%arg6 : memref<80x128xi32, #tpu.memory_space<vmem>>) target_semaphore(%run_scoped3A : memref<!tpu.dma_semaphore, #tpu.memory_space<semaphore_mem>>)
      %dma_wait3A = arith.constant 0 : i32
      %dma_wait3A_24 = arith.constant 0 : i32
      %dma_wait3A_25 = tpu.memref_slice %arg3[%add3A, %dma_wait3A, %dma_wait3A_24] : memref<32x80x128xi32, #tpu.memory_space<hbm>> -> memref<1x80x128xi32, #tpu.memory_space<hbm>>
      %dma_wait3A_26 = tpu.memref_squeeze %dma_wait3A_25 : memref<1x80x128xi32, #tpu.memory_space<hbm>> -> memref<80x128xi32, #tpu.memory_space<hbm>>
      %dma_wait3A_27 = arith.constant 0 : i32
      %dma_wait3A_28 = arith.constant 0 : i32
      %dma_wait3A_29 = tpu.memref_slice %arg3[%add3A, %dma_wait3A_27, %dma_wait3A_28] : memref<32x80x128xi32, #tpu.memory_space<hbm>> -> memref<1x80x128xi32, #tpu.memory_space<hbm>>
      %dma_wait3A_30 = tpu.memref_squeeze %dma_wait3A_29 : memref<1x80x128xi32, #tpu.memory_space<hbm>> -> memref<80x128xi32, #tpu.memory_space<hbm>>
      tpu.wait_dma2 semaphore(%run_scoped3A : memref<!tpu.dma_semaphore, #tpu.memory_space<semaphore_mem>>) src(%dma_wait3A_30 : memref<80x128xi32, #tpu.memory_space<hbm>>) dst(%arg6 : memref<80x128xi32, #tpu.memory_space<vmem>>)
      tpu.yield
    }) : () -> ()
    "tpu.region"() ({
      %run_scoped3A = tpu.sem_alloc : memref<!tpu.dma_semaphore, #tpu.memory_space<semaphore_mem>>
      %dma_start3A = arith.constant 0 : i32
      %dma_start3A_17 = arith.constant 0 : i32
      %dma_start3A_18 = tpu.memref_slice %arg4[%add3A, %dma_start3A, %dma_start3A_17] : memref<32x80x128xi32, #tpu.memory_space<hbm>> -> memref<1x80x128xi32, #tpu.memory_space<hbm>>
      %dma_start3A_19 = tpu.memref_squeeze %dma_start3A_18 : memref<1x80x128xi32, #tpu.memory_space<hbm>> -> memref<80x128xi32, #tpu.memory_space<hbm>>
      %dma_start3A_20 = arith.constant 0 : i32
      %dma_start3A_21 = arith.constant 0 : i32
      %dma_start3A_22 = tpu.memref_slice %arg4[%add3A, %dma_start3A_20, %dma_start3A_21] : memref<32x80x128xi32, #tpu.memory_space<hbm>> -> memref<1x80x128xi32, #tpu.memory_space<hbm>>
      %dma_start3A_23 = tpu.memref_squeeze %dma_start3A_22 : memref<1x80x128xi32, #tpu.memory_space<hbm>> -> memref<80x128xi32, #tpu.memory_space<hbm>>
      tpu.enqueue_dma source(%dma_start3A_23 : memref<80x128xi32, #tpu.memory_space<hbm>>) target(%arg7 : memref<80x128xi32, #tpu.memory_space<vmem>>) target_semaphore(%run_scoped3A : memref<!tpu.dma_semaphore, #tpu.memory_space<semaphore_mem>>)
      %dma_wait3A = arith.constant 0 : i32
      %dma_wait3A_24 = arith.constant 0 : i32
      %dma_wait3A_25 = tpu.memref_slice %arg4[%add3A, %dma_wait3A, %dma_wait3A_24] : memref<32x80x128xi32, #tpu.memory_space<hbm>> -> memref<1x80x128xi32, #tpu.memory_space<hbm>>
      %dma_wait3A_26 = tpu.memref_squeeze %dma_wait3A_25 : memref<1x80x128xi32, #tpu.memory_space<hbm>> -> memref<80x128xi32, #tpu.memory_space<hbm>>
      %dma_wait3A_27 = arith.constant 0 : i32
      %dma_wait3A_28 = arith.constant 0 : i32
      %dma_wait3A_29 = tpu.memref_slice %arg4[%add3A, %dma_wait3A_27, %dma_wait3A_28] : memref<32x80x128xi32, #tpu.memory_space<hbm>> -> memref<1x80x128xi32, #tpu.memory_space<hbm>>
      %dma_wait3A_30 = tpu.memref_squeeze %dma_wait3A_29 : memref<1x80x128xi32, #tpu.memory_space<hbm>> -> memref<80x128xi32, #tpu.memory_space<hbm>>
      tpu.wait_dma2 semaphore(%run_scoped3A : memref<!tpu.dma_semaphore, #tpu.memory_space<semaphore_mem>>) src(%dma_wait3A_30 : memref<80x128xi32, #tpu.memory_space<hbm>>) dst(%arg7 : memref<80x128xi32, #tpu.memory_space<vmem>>)
      tpu.yield
    }) : () -> ()
    %scan3A = arith.constant 0 : i32
    %scan3A_1 = arith.constant 0 : i32
    %scan3A_2 = arith.constant 640 : i32
    %scan3A_3 = arith.addi %scan3A_1, %scan3A_2 : i32
    %scan3A_4 = arith.constant 1 : i32
    %scan3A_5 = scf.for %scan3A_17 = %scan3A_1 to %scan3A_3 step %scan3A_4 iter_args(%scan3A_18 = %scan3A) -> (i32)  : i32 {
      %broadcast_in_dim3A_19 = arith.constant 0.000000e+00 : f32
      %broadcast_in_dim3A_20 = vector.broadcast %broadcast_in_dim3A_19 : f32 to vector<16xf32>
      %mul3A_21 = arith.constant 16 : i32
      %mul3A_22 = arith.muli %scan3A_17, %mul3A_21 : i32
      %swap3A = arith.constant 0 : i32
      %swap3A_23 = arith.index_cast %swap3A : i32 to index
      %swap3A_24 = arith.index_cast %mul3A_22 : i32 to index
      %swap3A_25 = tpu.vector_load %arg9[%swap3A_23, %swap3A_24] {strides = array<i32>} : memref<2x10240xf32, #tpu.memory_space<vmem>>, vector<16xf32>,
      tpu.vector_store %arg9[%swap3A_23, %swap3A_24], %broadcast_in_dim3A_20 {strides = array<i32>} : memref<2x10240xf32, #tpu.memory_space<vmem>>, vector<16xf32>,
      %broadcast_in_dim3A_26 = arith.constant 0.000000e+00 : f32
      %broadcast_in_dim3A_27 = vector.broadcast %broadcast_in_dim3A_26 : f32 to vector<16xf32>
      %mul3A_28 = arith.constant 16 : i32
      %mul3A_29 = arith.muli %scan3A_17, %mul3A_28 : i32
      %swap3A_30 = arith.constant 1 : i32
      %swap3A_31 = arith.index_cast %swap3A_30 : i32 to index
      %swap3A_32 = arith.index_cast %mul3A_29 : i32 to index
      %swap3A_33 = tpu.vector_load %arg9[%swap3A_31, %swap3A_32] {strides = array<i32>} : memref<2x10240xf32, #tpu.memory_space<vmem>>, vector<16xf32>,
      tpu.vector_store %arg9[%swap3A_31, %swap3A_32], %broadcast_in_dim3A_27 {strides = array<i32>} : memref<2x10240xf32, #tpu.memory_space<vmem>>, vector<16xf32>,
      %scan3A_34 = arith.constant 0 : i32
      scf.yield %scan3A_34 : i32
    }
    %scan3A_6 = arith.constant 640 : i32
    %broadcast_in_dim3A = arith.constant 0 : i32
    %broadcast_in_dim3A_7 = vector.broadcast %broadcast_in_dim3A : i32 to vector<16xi32>
    %broadcast_in_dim3A_8 = arith.constant 1 : i32
    %broadcast_in_dim3A_9 = vector.broadcast %broadcast_in_dim3A_8 : i32 to vector<16xi32>
    %scan3A_10 = arith.constant 0 : i32
    %scan3A_11 = arith.constant 0 : i32
    %scan3A_12 = arith.constant 40 : i32
    %scan3A_13 = arith.addi %scan3A_11, %scan3A_12 : i32
    %scan3A_14 = arith.constant 1 : i32
    %scan3A_15 = scf.for %scan3A_17 = %scan3A_11 to %scan3A_13 step %scan3A_14 iter_args(%scan3A_18 = %scan3A_10) -> (i32)  : i32 {
      %mul3A_19 = arith.constant 2 : i32
      %mul3A_20 = arith.muli %scan3A_17, %mul3A_19 : i32
      %add3A_21 = arith.constant 0 : i32
      %add3A_22 = arith.addi %mul3A_20, %add3A_21 : i32
      %dma_start3A = arith.constant 0 : i32
      %dma_start3A_23 = arith.constant 0 : i32
      %dma_start3A_24 = tpu.memref_slice %arg8[%dma_start3A, %dma_start3A_23] : memref<4x128xf32, #tpu.memory_space<vmem>> -> memref<1x128xf32, #tpu.memory_space<vmem>>
      %dma_start3A_25 = tpu.memref_squeeze %dma_start3A_24 : memref<1x128xf32, #tpu.memory_space<vmem>> -> memref<128xf32, #tpu.memory_space<vmem>>
      %dma_start3A_26 = arith.constant 0 : i32
      %dma_start3A_27 = tpu.memref_slice %arg6[%add3A_22, %dma_start3A_26] : memref<80x128xi32, #tpu.memory_space<vmem>> -> memref<1x128xi32, #tpu.memory_space<vmem>>
      %dma_start3A_28 = tpu.memref_squeeze %dma_start3A_27 : memref<1x128xi32, #tpu.memory_space<vmem>> -> memref<128xi32, #tpu.memory_space<vmem>>
      %dma_start3A_29 = arith.constant 0 : i32
      %dma_start3A_30 = tpu.memref_slice %arg2[%dma_start3A_29] : memref<20480xf32, #tpu.memory_space<hbm>> -> memref<10240xf32, #tpu.memory_space<hbm>>
      %dma_start3A_31 = arith.constant 0 : i32
      %dma_start3A_32 = tpu.memref_slice %dma_start3A_30[%dma_start3A_31] : memref<10240xf32, #tpu.memory_space<hbm>> -> memref<10240xf32, #tpu.memory_space<hbm>>
      tpu.enqueue_indirect_dma source(%dma_start3A_32 : memref<10240xf32, #tpu.memory_space<hbm>>) target(%dma_start3A_25 : memref<128xf32, #tpu.memory_space<vmem>>) offsets(%dma_start3A_28 : memref<128xi32, #tpu.memory_space<vmem>>) semaphore(%arg10 : memref<!tpu.dma_semaphore, #tpu.memory_space<semaphore_mem>>)
      %dma_start3A_33 = arith.constant 1 : i32
      %dma_start3A_34 = arith.constant 0 : i32
      %dma_start3A_35 = tpu.memref_slice %arg8[%dma_start3A_33, %dma_start3A_34] : memref<4x128xf32, #tpu.memory_space<vmem>> -> memref<1x128xf32, #tpu.memory_space<vmem>>
      %dma_start3A_36 = tpu.memref_squeeze %dma_start3A_35 : memref<1x128xf32, #tpu.memory_space<vmem>> -> memref<128xf32, #tpu.memory_space<vmem>>
      %dma_start3A_37 = arith.constant 0 : i32
      %dma_start3A_38 = tpu.memref_slice %arg6[%add3A_22, %dma_start3A_37] : memref<80x128xi32, #tpu.memory_space<vmem>> -> memref<1x128xi32, #tpu.memory_space<vmem>>
      %dma_start3A_39 = tpu.memref_squeeze %dma_start3A_38 : memref<1x128xi32, #tpu.memory_space<vmem>> -> memref<128xi32, #tpu.memory_space<vmem>>
      %dma_start3A_40 = arith.constant 10240 : i32
      %dma_start3A_41 = tpu.memref_slice %arg2[%dma_start3A_40] : memref<20480xf32, #tpu.memory_space<hbm>> -> memref<10240xf32, #tpu.memory_space<hbm>>
      %dma_start3A_42 = arith.constant 0 : i32
      %dma_start3A_43 = tpu.memref_slice %dma_start3A_41[%dma_start3A_42] : memref<10240xf32, #tpu.memory_space<hbm>> -> memref<10240xf32, #tpu.memory_space<hbm>>
      tpu.enqueue_indirect_dma source(%dma_start3A_43 : memref<10240xf32, #tpu.memory_space<hbm>>) target(%dma_start3A_36 : memref<128xf32, #tpu.memory_space<vmem>>) offsets(%dma_start3A_39 : memref<128xi32, #tpu.memory_space<vmem>>) semaphore(%arg10 : memref<!tpu.dma_semaphore, #tpu.memory_space<semaphore_mem>>)
      %mul3A_44 = arith.constant 2 : i32
      %mul3A_45 = arith.muli %scan3A_17, %mul3A_44 : i32
      %add3A_46 = arith.constant 1 : i32
      %add3A_47 = arith.addi %mul3A_45, %add3A_46 : i32
      %dma_start3A_48 = arith.constant 2 : i32
      %dma_start3A_49 = arith.constant 0 : i32
      %dma_start3A_50 = tpu.memref_slice %arg8[%dma_start3A_48, %dma_start3A_49] : memref<4x128xf32, #tpu.memory_space<vmem>> -> memref<1x128xf32, #tpu.memory_space<vmem>>
      %dma_start3A_51 = tpu.memref_squeeze %dma_start3A_50 : memref<1x128xf32, #tpu.memory_space<vmem>> -> memref<128xf32, #tpu.memory_space<vmem>>
      %dma_start3A_52 = arith.constant 0 : i32
      %dma_start3A_53 = tpu.memref_slice %arg6[%add3A_47, %dma_start3A_52] : memref<80x128xi32, #tpu.memory_space<vmem>> -> memref<1x128xi32, #tpu.memory_space<vmem>>
      %dma_start3A_54 = tpu.memref_squeeze %dma_start3A_53 : memref<1x128xi32, #tpu.memory_space<vmem>> -> memref<128xi32, #tpu.memory_space<vmem>>
      %dma_start3A_55 = arith.constant 0 : i32
      %dma_start3A_56 = tpu.memref_slice %arg2[%dma_start3A_55] : memref<20480xf32, #tpu.memory_space<hbm>> -> memref<10240xf32, #tpu.memory_space<hbm>>
      %dma_start3A_57 = arith.constant 0 : i32
      %dma_start3A_58 = tpu.memref_slice %dma_start3A_56[%dma_start3A_57] : memref<10240xf32, #tpu.memory_space<hbm>> -> memref<10240xf32, #tpu.memory_space<hbm>>
      tpu.enqueue_indirect_dma source(%dma_start3A_58 : memref<10240xf32, #tpu.memory_space<hbm>>) target(%dma_start3A_51 : memref<128xf32, #tpu.memory_space<vmem>>) offsets(%dma_start3A_54 : memref<128xi32, #tpu.memory_space<vmem>>) semaphore(%arg10 : memref<!tpu.dma_semaphore, #tpu.memory_space<semaphore_mem>>)
      %dma_start3A_59 = arith.constant 3 : i32
      %dma_start3A_60 = arith.constant 0 : i32
      %dma_start3A_61 = tpu.memref_slice %arg8[%dma_start3A_59, %dma_start3A_60] : memref<4x128xf32, #tpu.memory_space<vmem>> -> memref<1x128xf32, #tpu.memory_space<vmem>>
      %dma_start3A_62 = tpu.memref_squeeze %dma_start3A_61 : memref<1x128xf32, #tpu.memory_space<vmem>> -> memref<128xf32, #tpu.memory_space<vmem>>
      %dma_start3A_63 = arith.constant 0 : i32
      %dma_start3A_64 = tpu.memref_slice %arg6[%add3A_47, %dma_start3A_63] : memref<80x128xi32, #tpu.memory_space<vmem>> -> memref<1x128xi32, #tpu.memory_space<vmem>>
      %dma_start3A_65 = tpu.memref_squeeze %dma_start3A_64 : memref<1x128xi32, #tpu.memory_space<vmem>> -> memref<128xi32, #tpu.memory_space<vmem>>
      %dma_start3A_66 = arith.constant 10240 : i32
      %dma_start3A_67 = tpu.memref_slice %arg2[%dma_start3A_66] : memref<20480xf32, #tpu.memory_space<hbm>> -> memref<10240xf32, #tpu.memory_space<hbm>>
      %dma_start3A_68 = arith.constant 0 : i32
      %dma_start3A_69 = tpu.memref_slice %dma_start3A_67[%dma_start3A_68] : memref<10240xf32, #tpu.memory_space<hbm>> -> memref<10240xf32, #tpu.memory_space<hbm>>
      tpu.enqueue_indirect_dma source(%dma_start3A_69 : memref<10240xf32, #tpu.memory_space<hbm>>) target(%dma_start3A_62 : memref<128xf32, #tpu.memory_space<vmem>>) offsets(%dma_start3A_65 : memref<128xi32, #tpu.memory_space<vmem>>) semaphore(%arg10 : memref<!tpu.dma_semaphore, #tpu.memory_space<semaphore_mem>>)
      %mul3A_70 = arith.constant 2 : i32
      %mul3A_71 = arith.muli %scan3A_17, %mul3A_70 : i32
      %add3A_72 = arith.constant 0 : i32
      %add3A_73 = arith.addi %mul3A_71, %add3A_72 : i32
      %dma_wait3A = arith.constant 0 : i32
      %dma_wait3A_74 = arith.constant 0 : i32
      %dma_wait3A_75 = tpu.memref_slice %arg8[%dma_wait3A, %dma_wait3A_74] : memref<4x128xf32, #tpu.memory_space<vmem>> -> memref<1x128xf32, #tpu.memory_space<vmem>>
      %dma_wait3A_76 = tpu.memref_squeeze %dma_wait3A_75 : memref<1x128xf32, #tpu.memory_space<vmem>> -> memref<128xf32, #tpu.memory_space<vmem>>
      %dma_wait3A_77 = arith.constant 0 : i32
      %dma_wait3A_78 = tpu.memref_slice %arg6[%add3A_22, %dma_wait3A_77] : memref<80x128xi32, #tpu.memory_space<vmem>> -> memref<1x128xi32, #tpu.memory_space<vmem>>
      %dma_wait3A_79 = tpu.memref_squeeze %dma_wait3A_78 : memref<1x128xi32, #tpu.memory_space<vmem>> -> memref<128xi32, #tpu.memory_space<vmem>>
      %dma_wait3A_80 = arith.constant 0 : i32
      %dma_wait3A_81 = tpu.memref_slice %arg2[%dma_wait3A_80] : memref<20480xf32, #tpu.memory_space<hbm>> -> memref<10240xf32, #tpu.memory_space<hbm>>
      %dma_wait3A_82 = arith.constant 0 : i32
      %dma_wait3A_83 = tpu.memref_slice %dma_wait3A_81[%dma_wait3A_82] : memref<10240xf32, #tpu.memory_space<hbm>> -> memref<10240xf32, #tpu.memory_space<hbm>>
      tpu.wait_indirect_dma semaphore(%arg10 : memref<!tpu.dma_semaphore, #tpu.memory_space<semaphore_mem>>) src(%dma_wait3A_83 : memref<10240xf32, #tpu.memory_space<hbm>>) dst(%dma_wait3A_76 : memref<128xf32, #tpu.memory_space<vmem>>)
      %get3A = arith.constant 0 : i32
      %get3A_84 = arith.index_cast %get3A : i32 to index
      %get3A_85 = arith.constant 0 : index
      %get3A_86 = tpu.vector_load %arg8[%get3A_84, %get3A_85] {strides = array<i32>} : memref<4x128xf32, #tpu.memory_space<vmem>>, vector<16xf32>,
      %get3A_87 = arith.index_cast %add3A_73 : i32 to index
      %get3A_88 = arith.constant 0 : index
      %get3A_89 = tpu.vector_load %arg7[%get3A_87, %get3A_88] {strides = array<i32>} : memref<80x128xi32, #tpu.memory_space<vmem>>, vector<16xi32>,
      tpu.vector_store_idx %arg9[%broadcast_in_dim3A_7, %get3A_89], %get3A_86 {add = true} : memref<2x10240xf32, #tpu.memory_space<vmem>>[vector<16xi32>, vector<16xi32>], vector<16xf32>,
      %get3A_90 = arith.constant 0 : i32
      %get3A_91 = arith.index_cast %get3A_90 : i32 to index
      %get3A_92 = arith.constant 16 : index
      %get3A_93 = tpu.vector_load %arg8[%get3A_91, %get3A_92] {strides = array<i32>} : memref<4x128xf32, #tpu.memory_space<vmem>>, vector<16xf32>,
      %get3A_94 = arith.index_cast %add3A_73 : i32 to index
      %get3A_95 = arith.constant 16 : index
      %get3A_96 = tpu.vector_load %arg7[%get3A_94, %get3A_95] {strides = array<i32>} : memref<80x128xi32, #tpu.memory_space<vmem>>, vector<16xi32>,
      tpu.vector_store_idx %arg9[%broadcast_in_dim3A_7, %get3A_96], %get3A_93 {add = true} : memref<2x10240xf32, #tpu.memory_space<vmem>>[vector<16xi32>, vector<16xi32>], vector<16xf32>,
      %get3A_97 = arith.constant 0 : i32
      %get3A_98 = arith.index_cast %get3A_97 : i32 to index
      %get3A_99 = arith.constant 32 : index
      %get3A_100 = tpu.vector_load %arg8[%get3A_98, %get3A_99] {strides = array<i32>} : memref<4x128xf32, #tpu.memory_space<vmem>>, vector<16xf32>,
      %get3A_101 = arith.index_cast %add3A_73 : i32 to index
      %get3A_102 = arith.constant 32 : index
      %get3A_103 = tpu.vector_load %arg7[%get3A_101, %get3A_102] {strides = array<i32>} : memref<80x128xi32, #tpu.memory_space<vmem>>, vector<16xi32>,
      tpu.vector_store_idx %arg9[%broadcast_in_dim3A_7, %get3A_103], %get3A_100 {add = true} : memref<2x10240xf32, #tpu.memory_space<vmem>>[vector<16xi32>, vector<16xi32>], vector<16xf32>,
      %get3A_104 = arith.constant 0 : i32
      %get3A_105 = arith.index_cast %get3A_104 : i32 to index
      %get3A_106 = arith.constant 48 : index
      %get3A_107 = tpu.vector_load %arg8[%get3A_105, %get3A_106] {strides = array<i32>} : memref<4x128xf32, #tpu.memory_space<vmem>>, vector<16xf32>,
      %get3A_108 = arith.index_cast %add3A_73 : i32 to index
      %get3A_109 = arith.constant 48 : index
      %get3A_110 = tpu.vector_load %arg7[%get3A_108, %get3A_109] {strides = array<i32>} : memref<80x128xi32, #tpu.memory_space<vmem>>, vector<16xi32>,
      tpu.vector_store_idx %arg9[%broadcast_in_dim3A_7, %get3A_110], %get3A_107 {add = true} : memref<2x10240xf32, #tpu.memory_space<vmem>>[vector<16xi32>, vector<16xi32>], vector<16xf32>,
      %get3A_111 = arith.constant 0 : i32
      %get3A_112 = arith.index_cast %get3A_111 : i32 to index
      %get3A_113 = arith.constant 64 : index
      %get3A_114 = tpu.vector_load %arg8[%get3A_112, %get3A_113] {strides = array<i32>} : memref<4x128xf32, #tpu.memory_space<vmem>>, vector<16xf32>,
      %get3A_115 = arith.index_cast %add3A_73 : i32 to index
      %get3A_116 = arith.constant 64 : index
      %get3A_117 = tpu.vector_load %arg7[%get3A_115, %get3A_116] {strides = array<i32>} : memref<80x128xi32, #tpu.memory_space<vmem>>, vector<16xi32>,
      tpu.vector_store_idx %arg9[%broadcast_in_dim3A_7, %get3A_117], %get3A_114 {add = true} : memref<2x10240xf32, #tpu.memory_space<vmem>>[vector<16xi32>, vector<16xi32>], vector<16xf32>,
      %get3A_118 = arith.constant 0 : i32
      %get3A_119 = arith.index_cast %get3A_118 : i32 to index
      %get3A_120 = arith.constant 80 : index
      %get3A_121 = tpu.vector_load %arg8[%get3A_119, %get3A_120] {strides = array<i32>} : memref<4x128xf32, #tpu.memory_space<vmem>>, vector<16xf32>,
      %get3A_122 = arith.index_cast %add3A_73 : i32 to index
      %get3A_123 = arith.constant 80 : index
      %get3A_124 = tpu.vector_load %arg7[%get3A_122, %get3A_123] {strides = array<i32>} : memref<80x128xi32, #tpu.memory_space<vmem>>, vector<16xi32>,
      tpu.vector_store_idx %arg9[%broadcast_in_dim3A_7, %get3A_124], %get3A_121 {add = true} : memref<2x10240xf32, #tpu.memory_space<vmem>>[vector<16xi32>, vector<16xi32>], vector<16xf32>,
      %get3A_125 = arith.constant 0 : i32
      %get3A_126 = arith.index_cast %get3A_125 : i32 to index
      %get3A_127 = arith.constant 96 : index
      %get3A_128 = tpu.vector_load %arg8[%get3A_126, %get3A_127] {strides = array<i32>} : memref<4x128xf32, #tpu.memory_space<vmem>>, vector<16xf32>,
      %get3A_129 = arith.index_cast %add3A_73 : i32 to index
      %get3A_130 = arith.constant 96 : index
      %get3A_131 = tpu.vector_load %arg7[%get3A_129, %get3A_130] {strides = array<i32>} : memref<80x128xi32, #tpu.memory_space<vmem>>, vector<16xi32>,
      tpu.vector_store_idx %arg9[%broadcast_in_dim3A_7, %get3A_131], %get3A_128 {add = true} : memref<2x10240xf32, #tpu.memory_space<vmem>>[vector<16xi32>, vector<16xi32>], vector<16xf32>,
      %get3A_132 = arith.constant 0 : i32
      %get3A_133 = arith.index_cast %get3A_132 : i32 to index
      %get3A_134 = arith.constant 112 : index
      %get3A_135 = tpu.vector_load %arg8[%get3A_133, %get3A_134] {strides = array<i32>} : memref<4x128xf32, #tpu.memory_space<vmem>>, vector<16xf32>,
      %get3A_136 = arith.index_cast %add3A_73 : i32 to index
      %get3A_137 = arith.constant 112 : index
      %get3A_138 = tpu.vector_load %arg7[%get3A_136, %get3A_137] {strides = array<i32>} : memref<80x128xi32, #tpu.memory_space<vmem>>, vector<16xi32>,
      tpu.vector_store_idx %arg9[%broadcast_in_dim3A_7, %get3A_138], %get3A_135 {add = true} : memref<2x10240xf32, #tpu.memory_space<vmem>>[vector<16xi32>, vector<16xi32>], vector<16xf32>,
      %dma_wait3A_139 = arith.constant 1 : i32
      %dma_wait3A_140 = arith.constant 0 : i32
      %dma_wait3A_141 = tpu.memref_slice %arg8[%dma_wait3A_139, %dma_wait3A_140] : memref<4x128xf32, #tpu.memory_space<vmem>> -> memref<1x128xf32, #tpu.memory_space<vmem>>
      %dma_wait3A_142 = tpu.memref_squeeze %dma_wait3A_141 : memref<1x128xf32, #tpu.memory_space<vmem>> -> memref<128xf32, #tpu.memory_space<vmem>>
      %dma_wait3A_143 = arith.constant 0 : i32
      %dma_wait3A_144 = tpu.memref_slice %arg6[%add3A_22, %dma_wait3A_143] : memref<80x128xi32, #tpu.memory_space<vmem>> -> memref<1x128xi32, #tpu.memory_space<vmem>>
      %dma_wait3A_145 = tpu.memref_squeeze %dma_wait3A_144 : memref<1x128xi32, #tpu.memory_space<vmem>> -> memref<128xi32, #tpu.memory_space<vmem>>
      %dma_wait3A_146 = arith.constant 10240 : i32
      %dma_wait3A_147 = tpu.memref_slice %arg2[%dma_wait3A_146] : memref<20480xf32, #tpu.memory_space<hbm>> -> memref<10240xf32, #tpu.memory_space<hbm>>
      %dma_wait3A_148 = arith.constant 0 : i32
      %dma_wait3A_149 = tpu.memref_slice %dma_wait3A_147[%dma_wait3A_148] : memref<10240xf32, #tpu.memory_space<hbm>> -> memref<10240xf32, #tpu.memory_space<hbm>>
      tpu.wait_indirect_dma semaphore(%arg10 : memref<!tpu.dma_semaphore, #tpu.memory_space<semaphore_mem>>) src(%dma_wait3A_149 : memref<10240xf32, #tpu.memory_space<hbm>>) dst(%dma_wait3A_142 : memref<128xf32, #tpu.memory_space<vmem>>)
      %get3A_150 = arith.constant 1 : i32
      %get3A_151 = arith.index_cast %get3A_150 : i32 to index
      %get3A_152 = arith.constant 0 : index
      %get3A_153 = tpu.vector_load %arg8[%get3A_151, %get3A_152] {strides = array<i32>} : memref<4x128xf32, #tpu.memory_space<vmem>>, vector<16xf32>,
      %get3A_154 = arith.index_cast %add3A_73 : i32 to index
      %get3A_155 = arith.constant 0 : index
      %get3A_156 = tpu.vector_load %arg7[%get3A_154, %get3A_155] {strides = array<i32>} : memref<80x128xi32, #tpu.memory_space<vmem>>, vector<16xi32>,
      tpu.vector_store_idx %arg9[%broadcast_in_dim3A_9, %get3A_156], %get3A_153 {add = true} : memref<2x10240xf32, #tpu.memory_space<vmem>>[vector<16xi32>, vector<16xi32>], vector<16xf32>,
      %get3A_157 = arith.constant 1 : i32
      %get3A_158 = arith.index_cast %get3A_157 : i32 to index
      %get3A_159 = arith.constant 16 : index
      %get3A_160 = tpu.vector_load %arg8[%get3A_158, %get3A_159] {strides = array<i32>} : memref<4x128xf32, #tpu.memory_space<vmem>>, vector<16xf32>,
      %get3A_161 = arith.index_cast %add3A_73 : i32 to index
      %get3A_162 = arith.constant 16 : index
      %get3A_163 = tpu.vector_load %arg7[%get3A_161, %get3A_162] {strides = array<i32>} : memref<80x128xi32, #tpu.memory_space<vmem>>, vector<16xi32>,
      tpu.vector_store_idx %arg9[%broadcast_in_dim3A_9, %get3A_163], %get3A_160 {add = true} : memref<2x10240xf32, #tpu.memory_space<vmem>>[vector<16xi32>, vector<16xi32>], vector<16xf32>,
      %get3A_164 = arith.constant 1 : i32
      %get3A_165 = arith.index_cast %get3A_164 : i32 to index
      %get3A_166 = arith.constant 32 : index
      %get3A_167 = tpu.vector_load %arg8[%get3A_165, %get3A_166] {strides = array<i32>} : memref<4x128xf32, #tpu.memory_space<vmem>>, vector<16xf32>,
      %get3A_168 = arith.index_cast %add3A_73 : i32 to index
      %get3A_169 = arith.constant 32 : index
      %get3A_170 = tpu.vector_load %arg7[%get3A_168, %get3A_169] {strides = array<i32>} : memref<80x128xi32, #tpu.memory_space<vmem>>, vector<16xi32>,
      tpu.vector_store_idx %arg9[%broadcast_in_dim3A_9, %get3A_170], %get3A_167 {add = true} : memref<2x10240xf32, #tpu.memory_space<vmem>>[vector<16xi32>, vector<16xi32>], vector<16xf32>,
      %get3A_171 = arith.constant 1 : i32
      %get3A_172 = arith.index_cast %get3A_171 : i32 to index
      %get3A_173 = arith.constant 48 : index
      %get3A_174 = tpu.vector_load %arg8[%get3A_172, %get3A_173] {strides = array<i32>} : memref<4x128xf32, #tpu.memory_space<vmem>>, vector<16xf32>,
      %get3A_175 = arith.index_cast %add3A_73 : i32 to index
      %get3A_176 = arith.constant 48 : index
      %get3A_177 = tpu.vector_load %arg7[%get3A_175, %get3A_176] {strides = array<i32>} : memref<80x128xi32, #tpu.memory_space<vmem>>, vector<16xi32>,
      tpu.vector_store_idx %arg9[%broadcast_in_dim3A_9, %get3A_177], %get3A_174 {add = true} : memref<2x10240xf32, #tpu.memory_space<vmem>>[vector<16xi32>, vector<16xi32>], vector<16xf32>,
      %get3A_178 = arith.constant 1 : i32
      %get3A_179 = arith.index_cast %get3A_178 : i32 to index
      %get3A_180 = arith.constant 64 : index
      %get3A_181 = tpu.vector_load %arg8[%get3A_179, %get3A_180] {strides = array<i32>} : memref<4x128xf32, #tpu.memory_space<vmem>>, vector<16xf32>,
      %get3A_182 = arith.index_cast %add3A_73 : i32 to index
      %get3A_183 = arith.constant 64 : index
      %get3A_184 = tpu.vector_load %arg7[%get3A_182, %get3A_183] {strides = array<i32>} : memref<80x128xi32, #tpu.memory_space<vmem>>, vector<16xi32>,
      tpu.vector_store_idx %arg9[%broadcast_in_dim3A_9, %get3A_184], %get3A_181 {add = true} : memref<2x10240xf32, #tpu.memory_space<vmem>>[vector<16xi32>, vector<16xi32>], vector<16xf32>,
      %get3A_185 = arith.constant 1 : i32
      %get3A_186 = arith.index_cast %get3A_185 : i32 to index
      %get3A_187 = arith.constant 80 : index
      %get3A_188 = tpu.vector_load %arg8[%get3A_186, %get3A_187] {strides = array<i32>} : memref<4x128xf32, #tpu.memory_space<vmem>>, vector<16xf32>,
      %get3A_189 = arith.index_cast %add3A_73 : i32 to index
      %get3A_190 = arith.constant 80 : index
      %get3A_191 = tpu.vector_load %arg7[%get3A_189, %get3A_190] {strides = array<i32>} : memref<80x128xi32, #tpu.memory_space<vmem>>, vector<16xi32>,
      tpu.vector_store_idx %arg9[%broadcast_in_dim3A_9, %get3A_191], %get3A_188 {add = true} : memref<2x10240xf32, #tpu.memory_space<vmem>>[vector<16xi32>, vector<16xi32>], vector<16xf32>,
      %get3A_192 = arith.constant 1 : i32
      %get3A_193 = arith.index_cast %get3A_192 : i32 to index
      %get3A_194 = arith.constant 96 : index
      %get3A_195 = tpu.vector_load %arg8[%get3A_193, %get3A_194] {strides = array<i32>} : memref<4x128xf32, #tpu.memory_space<vmem>>, vector<16xf32>,
      %get3A_196 = arith.index_cast %add3A_73 : i32 to index
      %get3A_197 = arith.constant 96 : index
      %get3A_198 = tpu.vector_load %arg7[%get3A_196, %get3A_197] {strides = array<i32>} : memref<80x128xi32, #tpu.memory_space<vmem>>, vector<16xi32>,
      tpu.vector_store_idx %arg9[%broadcast_in_dim3A_9, %get3A_198], %get3A_195 {add = true} : memref<2x10240xf32, #tpu.memory_space<vmem>>[vector<16xi32>, vector<16xi32>], vector<16xf32>,
      %get3A_199 = arith.constant 1 : i32
      %get3A_200 = arith.index_cast %get3A_199 : i32 to index
      %get3A_201 = arith.constant 112 : index
      %get3A_202 = tpu.vector_load %arg8[%get3A_200, %get3A_201] {strides = array<i32>} : memref<4x128xf32, #tpu.memory_space<vmem>>, vector<16xf32>,
      %get3A_203 = arith.index_cast %add3A_73 : i32 to index
      %get3A_204 = arith.constant 112 : index
      %get3A_205 = tpu.vector_load %arg7[%get3A_203, %get3A_204] {strides = array<i32>} : memref<80x128xi32, #tpu.memory_space<vmem>>, vector<16xi32>,
      tpu.vector_store_idx %arg9[%broadcast_in_dim3A_9, %get3A_205], %get3A_202 {add = true} : memref<2x10240xf32, #tpu.memory_space<vmem>>[vector<16xi32>, vector<16xi32>], vector<16xf32>,
      %mul3A_206 = arith.constant 2 : i32
      %mul3A_207 = arith.muli %scan3A_17, %mul3A_206 : i32
      %add3A_208 = arith.constant 1 : i32
      %add3A_209 = arith.addi %mul3A_207, %add3A_208 : i32
      %dma_wait3A_210 = arith.constant 2 : i32
      %dma_wait3A_211 = arith.constant 0 : i32
      %dma_wait3A_212 = tpu.memref_slice %arg8[%dma_wait3A_210, %dma_wait3A_211] : memref<4x128xf32, #tpu.memory_space<vmem>> -> memref<1x128xf32, #tpu.memory_space<vmem>>
      %dma_wait3A_213 = tpu.memref_squeeze %dma_wait3A_212 : memref<1x128xf32, #tpu.memory_space<vmem>> -> memref<128xf32, #tpu.memory_space<vmem>>
      %dma_wait3A_214 = arith.constant 0 : i32
      %dma_wait3A_215 = tpu.memref_slice %arg6[%add3A_47, %dma_wait3A_214] : memref<80x128xi32, #tpu.memory_space<vmem>> -> memref<1x128xi32, #tpu.memory_space<vmem>>
      %dma_wait3A_216 = tpu.memref_squeeze %dma_wait3A_215 : memref<1x128xi32, #tpu.memory_space<vmem>> -> memref<128xi32, #tpu.memory_space<vmem>>
      %dma_wait3A_217 = arith.constant 0 : i32
      %dma_wait3A_218 = tpu.memref_slice %arg2[%dma_wait3A_217] : memref<20480xf32, #tpu.memory_space<hbm>> -> memref<10240xf32, #tpu.memory_space<hbm>>
      %dma_wait3A_219 = arith.constant 0 : i32
      %dma_wait3A_220 = tpu.memref_slice %dma_wait3A_218[%dma_wait3A_219] : memref<10240xf32, #tpu.memory_space<hbm>> -> memref<10240xf32, #tpu.memory_space<hbm>>
      tpu.wait_indirect_dma semaphore(%arg10 : memref<!tpu.dma_semaphore, #tpu.memory_space<semaphore_mem>>) src(%dma_wait3A_220 : memref<10240xf32, #tpu.memory_space<hbm>>) dst(%dma_wait3A_213 : memref<128xf32, #tpu.memory_space<vmem>>)
      %get3A_221 = arith.constant 2 : i32
      %get3A_222 = arith.index_cast %get3A_221 : i32 to index
      %get3A_223 = arith.constant 0 : index
      %get3A_224 = tpu.vector_load %arg8[%get3A_222, %get3A_223] {strides = array<i32>} : memref<4x128xf32, #tpu.memory_space<vmem>>, vector<16xf32>,
      %get3A_225 = arith.index_cast %add3A_209 : i32 to index
      %get3A_226 = arith.constant 0 : index
      %get3A_227 = tpu.vector_load %arg7[%get3A_225, %get3A_226] {strides = array<i32>} : memref<80x128xi32, #tpu.memory_space<vmem>>, vector<16xi32>,
      tpu.vector_store_idx %arg9[%broadcast_in_dim3A_7, %get3A_227], %get3A_224 {add = true} : memref<2x10240xf32, #tpu.memory_space<vmem>>[vector<16xi32>, vector<16xi32>], vector<16xf32>,
      %get3A_228 = arith.constant 2 : i32
      %get3A_229 = arith.index_cast %get3A_228 : i32 to index
      %get3A_230 = arith.constant 16 : index
      %get3A_231 = tpu.vector_load %arg8[%get3A_229, %get3A_230] {strides = array<i32>} : memref<4x128xf32, #tpu.memory_space<vmem>>, vector<16xf32>,
      %get3A_232 = arith.index_cast %add3A_209 : i32 to index
      %get3A_233 = arith.constant 16 : index
      %get3A_234 = tpu.vector_load %arg7[%get3A_232, %get3A_233] {strides = array<i32>} : memref<80x128xi32, #tpu.memory_space<vmem>>, vector<16xi32>,
      tpu.vector_store_idx %arg9[%broadcast_in_dim3A_7, %get3A_234], %get3A_231 {add = true} : memref<2x10240xf32, #tpu.memory_space<vmem>>[vector<16xi32>, vector<16xi32>], vector<16xf32>,
      %get3A_235 = arith.constant 2 : i32
      %get3A_236 = arith.index_cast %get3A_235 : i32 to index
      %get3A_237 = arith.constant 32 : index
      %get3A_238 = tpu.vector_load %arg8[%get3A_236, %get3A_237] {strides = array<i32>} : memref<4x128xf32, #tpu.memory_space<vmem>>, vector<16xf32>,
      %get3A_239 = arith.index_cast %add3A_209 : i32 to index
      %get3A_240 = arith.constant 32 : index
      %get3A_241 = tpu.vector_load %arg7[%get3A_239, %get3A_240] {strides = array<i32>} : memref<80x128xi32, #tpu.memory_space<vmem>>, vector<16xi32>,
      tpu.vector_store_idx %arg9[%broadcast_in_dim3A_7, %get3A_241], %get3A_238 {add = true} : memref<2x10240xf32, #tpu.memory_space<vmem>>[vector<16xi32>, vector<16xi32>], vector<16xf32>,
      %get3A_242 = arith.constant 2 : i32
      %get3A_243 = arith.index_cast %get3A_242 : i32 to index
      %get3A_244 = arith.constant 48 : index
      %get3A_245 = tpu.vector_load %arg8[%get3A_243, %get3A_244] {strides = array<i32>} : memref<4x128xf32, #tpu.memory_space<vmem>>, vector<16xf32>,
      %get3A_246 = arith.index_cast %add3A_209 : i32 to index
      %get3A_247 = arith.constant 48 : index
      %get3A_248 = tpu.vector_load %arg7[%get3A_246, %get3A_247] {strides = array<i32>} : memref<80x128xi32, #tpu.memory_space<vmem>>, vector<16xi32>,
      tpu.vector_store_idx %arg9[%broadcast_in_dim3A_7, %get3A_248], %get3A_245 {add = true} : memref<2x10240xf32, #tpu.memory_space<vmem>>[vector<16xi32>, vector<16xi32>], vector<16xf32>,
      %get3A_249 = arith.constant 2 : i32
      %get3A_250 = arith.index_cast %get3A_249 : i32 to index
      %get3A_251 = arith.constant 64 : index
      %get3A_252 = tpu.vector_load %arg8[%get3A_250, %get3A_251] {strides = array<i32>} : memref<4x128xf32, #tpu.memory_space<vmem>>, vector<16xf32>,
      %get3A_253 = arith.index_cast %add3A_209 : i32 to index
      %get3A_254 = arith.constant 64 : index
      %get3A_255 = tpu.vector_load %arg7[%get3A_253, %get3A_254] {strides = array<i32>} : memref<80x128xi32, #tpu.memory_space<vmem>>, vector<16xi32>,
      tpu.vector_store_idx %arg9[%broadcast_in_dim3A_7, %get3A_255], %get3A_252 {add = true} : memref<2x10240xf32, #tpu.memory_space<vmem>>[vector<16xi32>, vector<16xi32>], vector<16xf32>,
      %get3A_256 = arith.constant 2 : i32
      %get3A_257 = arith.index_cast %get3A_256 : i32 to index
      %get3A_258 = arith.constant 80 : index
      %get3A_259 = tpu.vector_load %arg8[%get3A_257, %get3A_258] {strides = array<i32>} : memref<4x128xf32, #tpu.memory_space<vmem>>, vector<16xf32>,
      %get3A_260 = arith.index_cast %add3A_209 : i32 to index
      %get3A_261 = arith.constant 80 : index
      %get3A_262 = tpu.vector_load %arg7[%get3A_260, %get3A_261] {strides = array<i32>} : memref<80x128xi32, #tpu.memory_space<vmem>>, vector<16xi32>,
      tpu.vector_store_idx %arg9[%broadcast_in_dim3A_7, %get3A_262], %get3A_259 {add = true} : memref<2x10240xf32, #tpu.memory_space<vmem>>[vector<16xi32>, vector<16xi32>], vector<16xf32>,
      %get3A_263 = arith.constant 2 : i32
      %get3A_264 = arith.index_cast %get3A_263 : i32 to index
      %get3A_265 = arith.constant 96 : index
      %get3A_266 = tpu.vector_load %arg8[%get3A_264, %get3A_265] {strides = array<i32>} : memref<4x128xf32, #tpu.memory_space<vmem>>, vector<16xf32>,
      %get3A_267 = arith.index_cast %add3A_209 : i32 to index
      %get3A_268 = arith.constant 96 : index
      %get3A_269 = tpu.vector_load %arg7[%get3A_267, %get3A_268] {strides = array<i32>} : memref<80x128xi32, #tpu.memory_space<vmem>>, vector<16xi32>,
      tpu.vector_store_idx %arg9[%broadcast_in_dim3A_7, %get3A_269], %get3A_266 {add = true} : memref<2x10240xf32, #tpu.memory_space<vmem>>[vector<16xi32>, vector<16xi32>], vector<16xf32>,
      %get3A_270 = arith.constant 2 : i32
      %get3A_271 = arith.index_cast %get3A_270 : i32 to index
      %get3A_272 = arith.constant 112 : index
      %get3A_273 = tpu.vector_load %arg8[%get3A_271, %get3A_272] {strides = array<i32>} : memref<4x128xf32, #tpu.memory_space<vmem>>, vector<16xf32>,
      %get3A_274 = arith.index_cast %add3A_209 : i32 to index
      %get3A_275 = arith.constant 112 : index
      %get3A_276 = tpu.vector_load %arg7[%get3A_274, %get3A_275] {strides = array<i32>} : memref<80x128xi32, #tpu.memory_space<vmem>>, vector<16xi32>,
      tpu.vector_store_idx %arg9[%broadcast_in_dim3A_7, %get3A_276], %get3A_273 {add = true} : memref<2x10240xf32, #tpu.memory_space<vmem>>[vector<16xi32>, vector<16xi32>], vector<16xf32>,
      %dma_wait3A_277 = arith.constant 3 : i32
      %dma_wait3A_278 = arith.constant 0 : i32
      %dma_wait3A_279 = tpu.memref_slice %arg8[%dma_wait3A_277, %dma_wait3A_278] : memref<4x128xf32, #tpu.memory_space<vmem>> -> memref<1x128xf32, #tpu.memory_space<vmem>>
      %dma_wait3A_280 = tpu.memref_squeeze %dma_wait3A_279 : memref<1x128xf32, #tpu.memory_space<vmem>> -> memref<128xf32, #tpu.memory_space<vmem>>
      %dma_wait3A_281 = arith.constant 0 : i32
      %dma_wait3A_282 = tpu.memref_slice %arg6[%add3A_47, %dma_wait3A_281] : memref<80x128xi32, #tpu.memory_space<vmem>> -> memref<1x128xi32, #tpu.memory_space<vmem>>
      %dma_wait3A_283 = tpu.memref_squeeze %dma_wait3A_282 : memref<1x128xi32, #tpu.memory_space<vmem>> -> memref<128xi32, #tpu.memory_space<vmem>>
      %dma_wait3A_284 = arith.constant 10240 : i32
      %dma_wait3A_285 = tpu.memref_slice %arg2[%dma_wait3A_284] : memref<20480xf32, #tpu.memory_space<hbm>> -> memref<10240xf32, #tpu.memory_space<hbm>>
      %dma_wait3A_286 = arith.constant 0 : i32
      %dma_wait3A_287 = tpu.memref_slice %dma_wait3A_285[%dma_wait3A_286] : memref<10240xf32, #tpu.memory_space<hbm>> -> memref<10240xf32, #tpu.memory_space<hbm>>
      tpu.wait_indirect_dma semaphore(%arg10 : memref<!tpu.dma_semaphore, #tpu.memory_space<semaphore_mem>>) src(%dma_wait3A_287 : memref<10240xf32, #tpu.memory_space<hbm>>) dst(%dma_wait3A_280 : memref<128xf32, #tpu.memory_space<vmem>>)
      %get3A_288 = arith.constant 3 : i32
      %get3A_289 = arith.index_cast %get3A_288 : i32 to index
      %get3A_290 = arith.constant 0 : index
      %get3A_291 = tpu.vector_load %arg8[%get3A_289, %get3A_290] {strides = array<i32>} : memref<4x128xf32, #tpu.memory_space<vmem>>, vector<16xf32>,
      %get3A_292 = arith.index_cast %add3A_209 : i32 to index
      %get3A_293 = arith.constant 0 : index
      %get3A_294 = tpu.vector_load %arg7[%get3A_292, %get3A_293] {strides = array<i32>} : memref<80x128xi32, #tpu.memory_space<vmem>>, vector<16xi32>,
      tpu.vector_store_idx %arg9[%broadcast_in_dim3A_9, %get3A_294], %get3A_291 {add = true} : memref<2x10240xf32, #tpu.memory_space<vmem>>[vector<16xi32>, vector<16xi32>], vector<16xf32>,
      %get3A_295 = arith.constant 3 : i32
      %get3A_296 = arith.index_cast %get3A_295 : i32 to index
      %get3A_297 = arith.constant 16 : index
      %get3A_298 = tpu.vector_load %arg8[%get3A_296, %get3A_297] {strides = array<i32>} : memref<4x128xf32, #tpu.memory_space<vmem>>, vector<16xf32>,
      %get3A_299 = arith.index_cast %add3A_209 : i32 to index
      %get3A_300 = arith.constant 16 : index
      %get3A_301 = tpu.vector_load %arg7[%get3A_299, %get3A_300] {strides = array<i32>} : memref<80x128xi32, #tpu.memory_space<vmem>>, vector<16xi32>,
      tpu.vector_store_idx %arg9[%broadcast_in_dim3A_9, %get3A_301], %get3A_298 {add = true} : memref<2x10240xf32, #tpu.memory_space<vmem>>[vector<16xi32>, vector<16xi32>], vector<16xf32>,
      %get3A_302 = arith.constant 3 : i32
      %get3A_303 = arith.index_cast %get3A_302 : i32 to index
      %get3A_304 = arith.constant 32 : index
      %get3A_305 = tpu.vector_load %arg8[%get3A_303, %get3A_304] {strides = array<i32>} : memref<4x128xf32, #tpu.memory_space<vmem>>, vector<16xf32>,
      %get3A_306 = arith.index_cast %add3A_209 : i32 to index
      %get3A_307 = arith.constant 32 : index
      %get3A_308 = tpu.vector_load %arg7[%get3A_306, %get3A_307] {strides = array<i32>} : memref<80x128xi32, #tpu.memory_space<vmem>>, vector<16xi32>,
      tpu.vector_store_idx %arg9[%broadcast_in_dim3A_9, %get3A_308], %get3A_305 {add = true} : memref<2x10240xf32, #tpu.memory_space<vmem>>[vector<16xi32>, vector<16xi32>], vector<16xf32>,
      %get3A_309 = arith.constant 3 : i32
      %get3A_310 = arith.index_cast %get3A_309 : i32 to index
      %get3A_311 = arith.constant 48 : index
      %get3A_312 = tpu.vector_load %arg8[%get3A_310, %get3A_311] {strides = array<i32>} : memref<4x128xf32, #tpu.memory_space<vmem>>, vector<16xf32>,
      %get3A_313 = arith.index_cast %add3A_209 : i32 to index
      %get3A_314 = arith.constant 48 : index
      %get3A_315 = tpu.vector_load %arg7[%get3A_313, %get3A_314] {strides = array<i32>} : memref<80x128xi32, #tpu.memory_space<vmem>>, vector<16xi32>,
      tpu.vector_store_idx %arg9[%broadcast_in_dim3A_9, %get3A_315], %get3A_312 {add = true} : memref<2x10240xf32, #tpu.memory_space<vmem>>[vector<16xi32>, vector<16xi32>], vector<16xf32>,
      %get3A_316 = arith.constant 3 : i32
      %get3A_317 = arith.index_cast %get3A_316 : i32 to index
      %get3A_318 = arith.constant 64 : index
      %get3A_319 = tpu.vector_load %arg8[%get3A_317, %get3A_318] {strides = array<i32>} : memref<4x128xf32, #tpu.memory_space<vmem>>, vector<16xf32>,
      %get3A_320 = arith.index_cast %add3A_209 : i32 to index
      %get3A_321 = arith.constant 64 : index
      %get3A_322 = tpu.vector_load %arg7[%get3A_320, %get3A_321] {strides = array<i32>} : memref<80x128xi32, #tpu.memory_space<vmem>>, vector<16xi32>,
      tpu.vector_store_idx %arg9[%broadcast_in_dim3A_9, %get3A_322], %get3A_319 {add = true} : memref<2x10240xf32, #tpu.memory_space<vmem>>[vector<16xi32>, vector<16xi32>], vector<16xf32>,
      %get3A_323 = arith.constant 3 : i32
      %get3A_324 = arith.index_cast %get3A_323 : i32 to index
      %get3A_325 = arith.constant 80 : index
      %get3A_326 = tpu.vector_load %arg8[%get3A_324, %get3A_325] {strides = array<i32>} : memref<4x128xf32, #tpu.memory_space<vmem>>, vector<16xf32>,
      %get3A_327 = arith.index_cast %add3A_209 : i32 to index
      %get3A_328 = arith.constant 80 : index
      %get3A_329 = tpu.vector_load %arg7[%get3A_327, %get3A_328] {strides = array<i32>} : memref<80x128xi32, #tpu.memory_space<vmem>>, vector<16xi32>,
      tpu.vector_store_idx %arg9[%broadcast_in_dim3A_9, %get3A_329], %get3A_326 {add = true} : memref<2x10240xf32, #tpu.memory_space<vmem>>[vector<16xi32>, vector<16xi32>], vector<16xf32>,
      %get3A_330 = arith.constant 3 : i32
      %get3A_331 = arith.index_cast %get3A_330 : i32 to index
      %get3A_332 = arith.constant 96 : index
      %get3A_333 = tpu.vector_load %arg8[%get3A_331, %get3A_332] {strides = array<i32>} : memref<4x128xf32, #tpu.memory_space<vmem>>, vector<16xf32>,
      %get3A_334 = arith.index_cast %add3A_209 : i32 to index
      %get3A_335 = arith.constant 96 : index
      %get3A_336 = tpu.vector_load %arg7[%get3A_334, %get3A_335] {strides = array<i32>} : memref<80x128xi32, #tpu.memory_space<vmem>>, vector<16xi32>,
      tpu.vector_store_idx %arg9[%broadcast_in_dim3A_9, %get3A_336], %get3A_333 {add = true} : memref<2x10240xf32, #tpu.memory_space<vmem>>[vector<16xi32>, vector<16xi32>], vector<16xf32>,
      %get3A_337 = arith.constant 3 : i32
      %get3A_338 = arith.index_cast %get3A_337 : i32 to index
      %get3A_339 = arith.constant 112 : index
      %get3A_340 = tpu.vector_load %arg8[%get3A_338, %get3A_339] {strides = array<i32>} : memref<4x128xf32, #tpu.memory_space<vmem>>, vector<16xf32>,
      %get3A_341 = arith.index_cast %add3A_209 : i32 to index
      %get3A_342 = arith.constant 112 : index
      %get3A_343 = tpu.vector_load %arg7[%get3A_341, %get3A_342] {strides = array<i32>} : memref<80x128xi32, #tpu.memory_space<vmem>>, vector<16xi32>,
      tpu.vector_store_idx %arg9[%broadcast_in_dim3A_9, %get3A_343], %get3A_340 {add = true} : memref<2x10240xf32, #tpu.memory_space<vmem>>[vector<16xi32>, vector<16xi32>], vector<16xf32>,
      %scan3A_344 = arith.constant 0 : i32
      scf.yield %scan3A_344 : i32
    }
    %scan3A_16 = arith.constant 40 : i32
    "tpu.region"() ({
      %run_scoped3A = tpu.sem_alloc : memref<!tpu.dma_semaphore, #tpu.memory_space<semaphore_mem>>
      %dma_start3A = arith.constant 0 : i32
      %dma_start3A_17 = arith.constant 0 : i32
      %dma_start3A_18 = tpu.memref_slice %arg5[%add3A, %dma_start3A, %dma_start3A_17] : memref<32x2x10240xf32, #tpu.memory_space<hbm>> -> memref<1x2x10240xf32, #tpu.memory_space<hbm>>
      %dma_start3A_19 = tpu.memref_squeeze %dma_start3A_18 : memref<1x2x10240xf32, #tpu.memory_space<hbm>> -> memref<2x10240xf32, #tpu.memory_space<hbm>>
      %dma_start3A_20 = arith.constant 0 : i32
      %dma_start3A_21 = arith.constant 0 : i32
      %dma_start3A_22 = tpu.memref_slice %arg5[%add3A, %dma_start3A_20, %dma_start3A_21] : memref<32x2x10240xf32, #tpu.memory_space<hbm>> -> memref<1x2x10240xf32, #tpu.memory_space<hbm>>
      %dma_start3A_23 = tpu.memref_squeeze %dma_start3A_22 : memref<1x2x10240xf32, #tpu.memory_space<hbm>> -> memref<2x10240xf32, #tpu.memory_space<hbm>>
      tpu.enqueue_dma source(%arg9 : memref<2x10240xf32, #tpu.memory_space<vmem>>) target(%dma_start3A_23 : memref<2x10240xf32, #tpu.memory_space<hbm>>) target_semaphore(%run_scoped3A : memref<!tpu.dma_semaphore, #tpu.memory_space<semaphore_mem>>)
      %dma_wait3A = arith.constant 0 : i32
      %dma_wait3A_24 = arith.constant 0 : i32
      %dma_wait3A_25 = tpu.memref_slice %arg5[%add3A, %dma_wait3A, %dma_wait3A_24] : memref<32x2x10240xf32, #tpu.memory_space<hbm>> -> memref<1x2x10240xf32, #tpu.memory_space<hbm>>
      %dma_wait3A_26 = tpu.memref_squeeze %dma_wait3A_25 : memref<1x2x10240xf32, #tpu.memory_space<hbm>> -> memref<2x10240xf32, #tpu.memory_space<hbm>>
      %dma_wait3A_27 = arith.constant 0 : i32
      %dma_wait3A_28 = arith.constant 0 : i32
      %dma_wait3A_29 = tpu.memref_slice %arg5[%add3A, %dma_wait3A_27, %dma_wait3A_28] : memref<32x2x10240xf32, #tpu.memory_space<hbm>> -> memref<1x2x10240xf32, #tpu.memory_space<hbm>>
      %dma_wait3A_30 = tpu.memref_squeeze %dma_wait3A_29 : memref<1x2x10240xf32, #tpu.memory_space<hbm>> -> memref<2x10240xf32, #tpu.memory_space<hbm>>
      tpu.wait_dma2 semaphore(%run_scoped3A : memref<!tpu.dma_semaphore, #tpu.memory_space<semaphore_mem>>) src(%arg9 : memref<2x10240xf32, #tpu.memory_space<vmem>>) dst(%dma_wait3A_30 : memref<2x10240xf32, #tpu.memory_space<hbm>>)
      tpu.yield
    }) : () -> ()
    return
  }
}

#map = affine_map<(d0, d1) -> (0, 0, 0)>
#map1 = affine_map<(d0, d1) -> (0, 0)>
module attributes {stable_mosaic.version = 14 : i64} {
  func.func @_deg_body(%arg0: i32, %arg1: i32, %arg2: memref<32x80x128xi32, #tpu.memory_space<hbm>>, %arg3: memref<32x10240xf32, #tpu.memory_space<hbm>>, %arg4: memref<80x128xi32, #tpu.memory_space<vmem>>, %arg5: memref<10240xf32, #tpu.memory_space<vmem>>, %arg6: memref<!tpu.dma_semaphore, #tpu.memory_space<semaphore_mem>>) attributes {dimension_semantics = [#tpu.dimension_semantics<core_parallel>, #tpu.dimension_semantics<subcore_parallel>], iteration_bounds = array<i64: 2, 16>, scalar_prefetch = 0 : i64, scratch_operands = 3 : i64, tpu.core_type = #tpu.core_type<sc_vector_subcore>, window_params = [{transform_indices = #map}, {transform_indices = #map1}]} {
    %mul3A = arith.constant 16 : i32
    %mul3A_0 = arith.muli %arg0, %mul3A : i32
    %add3A = arith.addi %mul3A_0, %arg1 : i32
    "tpu.region"() ({
      %run_scoped3A = tpu.sem_alloc : memref<!tpu.dma_semaphore, #tpu.memory_space<semaphore_mem>>
      %dma_start3A = arith.constant 0 : i32
      %dma_start3A_15 = arith.constant 0 : i32
      %dma_start3A_16 = tpu.memref_slice %arg2[%add3A, %dma_start3A, %dma_start3A_15] : memref<32x80x128xi32, #tpu.memory_space<hbm>> -> memref<1x80x128xi32, #tpu.memory_space<hbm>>
      %dma_start3A_17 = tpu.memref_squeeze %dma_start3A_16 : memref<1x80x128xi32, #tpu.memory_space<hbm>> -> memref<80x128xi32, #tpu.memory_space<hbm>>
      %dma_start3A_18 = arith.constant 0 : i32
      %dma_start3A_19 = arith.constant 0 : i32
      %dma_start3A_20 = tpu.memref_slice %arg2[%add3A, %dma_start3A_18, %dma_start3A_19] : memref<32x80x128xi32, #tpu.memory_space<hbm>> -> memref<1x80x128xi32, #tpu.memory_space<hbm>>
      %dma_start3A_21 = tpu.memref_squeeze %dma_start3A_20 : memref<1x80x128xi32, #tpu.memory_space<hbm>> -> memref<80x128xi32, #tpu.memory_space<hbm>>
      tpu.enqueue_dma source(%dma_start3A_21 : memref<80x128xi32, #tpu.memory_space<hbm>>) target(%arg4 : memref<80x128xi32, #tpu.memory_space<vmem>>) target_semaphore(%run_scoped3A : memref<!tpu.dma_semaphore, #tpu.memory_space<semaphore_mem>>)
      %dma_wait3A = arith.constant 0 : i32
      %dma_wait3A_22 = arith.constant 0 : i32
      %dma_wait3A_23 = tpu.memref_slice %arg2[%add3A, %dma_wait3A, %dma_wait3A_22] : memref<32x80x128xi32, #tpu.memory_space<hbm>> -> memref<1x80x128xi32, #tpu.memory_space<hbm>>
      %dma_wait3A_24 = tpu.memref_squeeze %dma_wait3A_23 : memref<1x80x128xi32, #tpu.memory_space<hbm>> -> memref<80x128xi32, #tpu.memory_space<hbm>>
      %dma_wait3A_25 = arith.constant 0 : i32
      %dma_wait3A_26 = arith.constant 0 : i32
      %dma_wait3A_27 = tpu.memref_slice %arg2[%add3A, %dma_wait3A_25, %dma_wait3A_26] : memref<32x80x128xi32, #tpu.memory_space<hbm>> -> memref<1x80x128xi32, #tpu.memory_space<hbm>>
      %dma_wait3A_28 = tpu.memref_squeeze %dma_wait3A_27 : memref<1x80x128xi32, #tpu.memory_space<hbm>> -> memref<80x128xi32, #tpu.memory_space<hbm>>
      tpu.wait_dma2 semaphore(%run_scoped3A : memref<!tpu.dma_semaphore, #tpu.memory_space<semaphore_mem>>) src(%dma_wait3A_28 : memref<80x128xi32, #tpu.memory_space<hbm>>) dst(%arg4 : memref<80x128xi32, #tpu.memory_space<vmem>>)
      tpu.yield
    }) : () -> ()
    %scan3A = arith.constant 0 : i32
    %scan3A_1 = arith.constant 0 : i32
    %scan3A_2 = arith.constant 640 : i32
    %scan3A_3 = arith.addi %scan3A_1, %scan3A_2 : i32
    %scan3A_4 = arith.constant 1 : i32
    %scan3A_5 = scf.for %scan3A_15 = %scan3A_1 to %scan3A_3 step %scan3A_4 iter_args(%scan3A_16 = %scan3A) -> (i32)  : i32 {
      %broadcast_in_dim3A_17 = arith.constant 0.000000e+00 : f32
      %broadcast_in_dim3A_18 = vector.broadcast %broadcast_in_dim3A_17 : f32 to vector<16xf32>
      %mul3A_19 = arith.constant 16 : i32
      %mul3A_20 = arith.muli %scan3A_15, %mul3A_19 : i32
      %swap3A = arith.index_cast %mul3A_20 : i32 to index
      %swap3A_21 = tpu.vector_load %arg5[%swap3A] {strides = array<i32>} : memref<10240xf32, #tpu.memory_space<vmem>>, vector<16xf32>,
      tpu.vector_store %arg5[%swap3A], %broadcast_in_dim3A_18 {strides = array<i32>} : memref<10240xf32, #tpu.memory_space<vmem>>, vector<16xf32>,
      %scan3A_22 = arith.constant 0 : i32
      scf.yield %scan3A_22 : i32
    }
    %scan3A_6 = arith.constant 640 : i32
    %broadcast_in_dim3A = arith.constant 1.000000e+00 : f32
    %broadcast_in_dim3A_7 = vector.broadcast %broadcast_in_dim3A : f32 to vector<16xf32>
    %scan3A_8 = arith.constant 0 : i32
    %scan3A_9 = arith.constant 0 : i32
    %scan3A_10 = arith.constant 80 : i32
    %scan3A_11 = arith.addi %scan3A_9, %scan3A_10 : i32
    %scan3A_12 = arith.constant 1 : i32
    %scan3A_13 = scf.for %scan3A_15 = %scan3A_9 to %scan3A_11 step %scan3A_12 iter_args(%scan3A_16 = %scan3A_8) -> (i32)  : i32 {
      %get3A = arith.index_cast %scan3A_15 : i32 to index
      %get3A_17 = arith.constant 0 : index
      %get3A_18 = tpu.vector_load %arg4[%get3A, %get3A_17] {strides = array<i32>} : memref<80x128xi32, #tpu.memory_space<vmem>>, vector<16xi32>,
      tpu.vector_store_idx %arg5[%get3A_18], %broadcast_in_dim3A_7 {add = true} : memref<10240xf32, #tpu.memory_space<vmem>>[vector<16xi32>], vector<16xf32>,
      %get3A_19 = arith.index_cast %scan3A_15 : i32 to index
      %get3A_20 = arith.constant 16 : index
      %get3A_21 = tpu.vector_load %arg4[%get3A_19, %get3A_20] {strides = array<i32>} : memref<80x128xi32, #tpu.memory_space<vmem>>, vector<16xi32>,
      tpu.vector_store_idx %arg5[%get3A_21], %broadcast_in_dim3A_7 {add = true} : memref<10240xf32, #tpu.memory_space<vmem>>[vector<16xi32>], vector<16xf32>,
      %get3A_22 = arith.index_cast %scan3A_15 : i32 to index
      %get3A_23 = arith.constant 32 : index
      %get3A_24 = tpu.vector_load %arg4[%get3A_22, %get3A_23] {strides = array<i32>} : memref<80x128xi32, #tpu.memory_space<vmem>>, vector<16xi32>,
      tpu.vector_store_idx %arg5[%get3A_24], %broadcast_in_dim3A_7 {add = true} : memref<10240xf32, #tpu.memory_space<vmem>>[vector<16xi32>], vector<16xf32>,
      %get3A_25 = arith.index_cast %scan3A_15 : i32 to index
      %get3A_26 = arith.constant 48 : index
      %get3A_27 = tpu.vector_load %arg4[%get3A_25, %get3A_26] {strides = array<i32>} : memref<80x128xi32, #tpu.memory_space<vmem>>, vector<16xi32>,
      tpu.vector_store_idx %arg5[%get3A_27], %broadcast_in_dim3A_7 {add = true} : memref<10240xf32, #tpu.memory_space<vmem>>[vector<16xi32>], vector<16xf32>,
      %get3A_28 = arith.index_cast %scan3A_15 : i32 to index
      %get3A_29 = arith.constant 64 : index
      %get3A_30 = tpu.vector_load %arg4[%get3A_28, %get3A_29] {strides = array<i32>} : memref<80x128xi32, #tpu.memory_space<vmem>>, vector<16xi32>,
      tpu.vector_store_idx %arg5[%get3A_30], %broadcast_in_dim3A_7 {add = true} : memref<10240xf32, #tpu.memory_space<vmem>>[vector<16xi32>], vector<16xf32>,
      %get3A_31 = arith.index_cast %scan3A_15 : i32 to index
      %get3A_32 = arith.constant 80 : index
      %get3A_33 = tpu.vector_load %arg4[%get3A_31, %get3A_32] {strides = array<i32>} : memref<80x128xi32, #tpu.memory_space<vmem>>, vector<16xi32>,
      tpu.vector_store_idx %arg5[%get3A_33], %broadcast_in_dim3A_7 {add = true} : memref<10240xf32, #tpu.memory_space<vmem>>[vector<16xi32>], vector<16xf32>,
      %get3A_34 = arith.index_cast %scan3A_15 : i32 to index
      %get3A_35 = arith.constant 96 : index
      %get3A_36 = tpu.vector_load %arg4[%get3A_34, %get3A_35] {strides = array<i32>} : memref<80x128xi32, #tpu.memory_space<vmem>>, vector<16xi32>,
      tpu.vector_store_idx %arg5[%get3A_36], %broadcast_in_dim3A_7 {add = true} : memref<10240xf32, #tpu.memory_space<vmem>>[vector<16xi32>], vector<16xf32>,
      %get3A_37 = arith.index_cast %scan3A_15 : i32 to index
      %get3A_38 = arith.constant 112 : index
      %get3A_39 = tpu.vector_load %arg4[%get3A_37, %get3A_38] {strides = array<i32>} : memref<80x128xi32, #tpu.memory_space<vmem>>, vector<16xi32>,
      tpu.vector_store_idx %arg5[%get3A_39], %broadcast_in_dim3A_7 {add = true} : memref<10240xf32, #tpu.memory_space<vmem>>[vector<16xi32>], vector<16xf32>,
      %scan3A_40 = arith.constant 0 : i32
      scf.yield %scan3A_40 : i32
    }
    %scan3A_14 = arith.constant 80 : i32
    "tpu.region"() ({
      %run_scoped3A = tpu.sem_alloc : memref<!tpu.dma_semaphore, #tpu.memory_space<semaphore_mem>>
      %dma_start3A = arith.constant 0 : i32
      %dma_start3A_15 = tpu.memref_slice %arg3[%add3A, %dma_start3A] : memref<32x10240xf32, #tpu.memory_space<hbm>> -> memref<1x10240xf32, #tpu.memory_space<hbm>>
      %dma_start3A_16 = tpu.memref_squeeze %dma_start3A_15 : memref<1x10240xf32, #tpu.memory_space<hbm>> -> memref<10240xf32, #tpu.memory_space<hbm>>
      %dma_start3A_17 = arith.constant 0 : i32
      %dma_start3A_18 = tpu.memref_slice %arg3[%add3A, %dma_start3A_17] : memref<32x10240xf32, #tpu.memory_space<hbm>> -> memref<1x10240xf32, #tpu.memory_space<hbm>>
      %dma_start3A_19 = tpu.memref_squeeze %dma_start3A_18 : memref<1x10240xf32, #tpu.memory_space<hbm>> -> memref<10240xf32, #tpu.memory_space<hbm>>
      tpu.enqueue_dma source(%arg5 : memref<10240xf32, #tpu.memory_space<vmem>>) target(%dma_start3A_19 : memref<10240xf32, #tpu.memory_space<hbm>>) target_semaphore(%run_scoped3A : memref<!tpu.dma_semaphore, #tpu.memory_space<semaphore_mem>>)
      %dma_wait3A = arith.constant 0 : i32
      %dma_wait3A_20 = tpu.memref_slice %arg3[%add3A, %dma_wait3A] : memref<32x10240xf32, #tpu.memory_space<hbm>> -> memref<1x10240xf32, #tpu.memory_space<hbm>>
      %dma_wait3A_21 = tpu.memref_squeeze %dma_wait3A_20 : memref<1x10240xf32, #tpu.memory_space<hbm>> -> memref<10240xf32, #tpu.memory_space<hbm>>
      %dma_wait3A_22 = arith.constant 0 : i32
      %dma_wait3A_23 = tpu.memref_slice %arg3[%add3A, %dma_wait3A_22] : memref<32x10240xf32, #tpu.memory_space<hbm>> -> memref<1x10240xf32, #tpu.memory_space<hbm>>
      %dma_wait3A_24 = tpu.memref_squeeze %dma_wait3A_23 : memref<1x10240xf32, #tpu.memory_space<hbm>> -> memref<10240xf32, #tpu.memory_space<hbm>>
      tpu.wait_dma2 semaphore(%run_scoped3A : memref<!tpu.dma_semaphore, #tpu.memory_space<semaphore_mem>>) src(%arg5 : memref<10240xf32, #tpu.memory_space<vmem>>) dst(%dma_wait3A_24 : memref<10240xf32, #tpu.memory_space<hbm>>)
      tpu.yield
    }) : () -> ()
    return
  }
}

#map = affine_map<(d0, d1) -> (0, 0)>
#map1 = affine_map<(d0, d1) -> (0, 0, 0)>
module attributes {stable_mosaic.version = 14 : i64} {
  func.func @_agg1_body(%arg0: i32, %arg1: i32, %arg2: memref<10240x128xf32, #tpu.memory_space<hbm>>, %arg3: memref<32x80x128xi32, #tpu.memory_space<hbm>>, %arg4: memref<32x80x128xi32, #tpu.memory_space<hbm>>, %arg5: memref<32x80x128xi32, #tpu.memory_space<hbm>>, %arg6: memref<2x10368x128xf32, #tpu.memory_space<hbm>>, %arg7: memref<80x128xi32, #tpu.memory_space<vmem>>, %arg8: memref<24x128xi32, #tpu.memory_space<vmem>>, %arg9: memref<13824xi32, #tpu.memory_space<vmem>>, %arg10: memref<13824xi32, #tpu.memory_space<vmem>>, %arg11: memref<108x128xi32, #tpu.memory_space<vmem>>, %arg12: memref<2x128x128xf32, #tpu.memory_space<vmem>>, %arg13: memref<3464x128xf32, #tpu.memory_space<vmem_shared>>, %arg14: memref<!tpu.dma_semaphore, #tpu.memory_space<semaphore_mem>>, %arg15: memref<!tpu.dma_semaphore, #tpu.memory_space<semaphore_mem>>) attributes {dimension_semantics = [#tpu.dimension_semantics<core_parallel>, #tpu.dimension_semantics<subcore_parallel>], iteration_bounds = array<i64: 2, 16>, scalar_prefetch = 0 : i64, scratch_operands = 9 : i64, tpu.core_type = #tpu.core_type<sc_vector_subcore>, window_params = [{transform_indices = #map}, {transform_indices = #map1}, {transform_indices = #map1}, {transform_indices = #map1}, {transform_indices = #map1}]} {
    %mul3A = arith.constant 16 : i32
    %mul3A_0 = arith.muli %arg0, %mul3A : i32
    %add3A = arith.addi %mul3A_0, %arg1 : i32
    %eq3A = arith.constant 1 : i32
    %eq3A_1 = arith.cmpi eq, %arg0, %eq3A : i32
    %jit3A = arith.constant 448 : i32
    %jit3A_2 = arith.constant 640 : i32
    %select_n3A = arith.select %eq3A_1, %jit3A, %jit3A_2 : i32
    %eq3A_3 = arith.constant 1 : i32
    %eq3A_4 = arith.cmpi eq, %arg0, %eq3A_3 : i32
    %jit3A_5 = arith.constant 0 : i32
    %jit3A_6 = arith.constant 192 : i32
    %select_n3A_7 = arith.select %eq3A_4, %jit3A_5, %jit3A_6 : i32
    %mul3A_8 = arith.constant 216 : i32
    %mul3A_9 = arith.muli %arg1, %mul3A_8 : i32
    "tpu.region"() ({
      %run_scoped3A_294 = tpu.sem_alloc : memref<!tpu.dma_semaphore, #tpu.memory_space<semaphore_mem>>
      %dma_start3A = arith.constant 0 : i32
      %dma_start3A_295 = arith.constant 0 : i32
      %dma_start3A_296 = tpu.memref_slice %arg3[%add3A, %dma_start3A, %dma_start3A_295] : memref<32x80x128xi32, #tpu.memory_space<hbm>> -> memref<1x80x128xi32, #tpu.memory_space<hbm>>
      %dma_start3A_297 = tpu.memref_squeeze %dma_start3A_296 : memref<1x80x128xi32, #tpu.memory_space<hbm>> -> memref<80x128xi32, #tpu.memory_space<hbm>>
      %dma_start3A_298 = arith.constant 0 : i32
      %dma_start3A_299 = arith.constant 0 : i32
      %dma_start3A_300 = tpu.memref_slice %arg3[%add3A, %dma_start3A_298, %dma_start3A_299] : memref<32x80x128xi32, #tpu.memory_space<hbm>> -> memref<1x80x128xi32, #tpu.memory_space<hbm>>
      %dma_start3A_301 = tpu.memref_squeeze %dma_start3A_300 : memref<1x80x128xi32, #tpu.memory_space<hbm>> -> memref<80x128xi32, #tpu.memory_space<hbm>>
      tpu.enqueue_dma source(%dma_start3A_301 : memref<80x128xi32, #tpu.memory_space<hbm>>) target(%arg7 : memref<80x128xi32, #tpu.memory_space<vmem>>) target_semaphore(%run_scoped3A_294 : memref<!tpu.dma_semaphore, #tpu.memory_space<semaphore_mem>>)
      %dma_wait3A = arith.constant 0 : i32
      %dma_wait3A_302 = arith.constant 0 : i32
      %dma_wait3A_303 = tpu.memref_slice %arg3[%add3A, %dma_wait3A, %dma_wait3A_302] : memref<32x80x128xi32, #tpu.memory_space<hbm>> -> memref<1x80x128xi32, #tpu.memory_space<hbm>>
      %dma_wait3A_304 = tpu.memref_squeeze %dma_wait3A_303 : memref<1x80x128xi32, #tpu.memory_space<hbm>> -> memref<80x128xi32, #tpu.memory_space<hbm>>
      %dma_wait3A_305 = arith.constant 0 : i32
      %dma_wait3A_306 = arith.constant 0 : i32
      %dma_wait3A_307 = tpu.memref_slice %arg3[%add3A, %dma_wait3A_305, %dma_wait3A_306] : memref<32x80x128xi32, #tpu.memory_space<hbm>> -> memref<1x80x128xi32, #tpu.memory_space<hbm>>
      %dma_wait3A_308 = tpu.memref_squeeze %dma_wait3A_307 : memref<1x80x128xi32, #tpu.memory_space<hbm>> -> memref<80x128xi32, #tpu.memory_space<hbm>>
      tpu.wait_dma2 semaphore(%run_scoped3A_294 : memref<!tpu.dma_semaphore, #tpu.memory_space<semaphore_mem>>) src(%dma_wait3A_308 : memref<80x128xi32, #tpu.memory_space<hbm>>) dst(%arg7 : memref<80x128xi32, #tpu.memory_space<vmem>>)
      tpu.yield
    }) : () -> ()
    %eq3A_10 = arith.constant 0 : i32
    %eq3A_11 = arith.cmpi eq, %arg0, %eq3A_10 : i32
    %convert_element_type3A = arith.extui %eq3A_11 : i1 to i32
    %cond3A = arith.constant 0 : i32
    %cond3A_12 = arith.cmpi ne, %convert_element_type3A, %cond3A : i32
    scf.if %cond3A_12 {
      %add3A_294 = arith.constant 16 : i32
      %add3A_295 = arith.addi %add3A, %add3A_294 : i32
      "tpu.region"() ({
        %run_scoped3A_296 = tpu.sem_alloc : memref<!tpu.dma_semaphore, #tpu.memory_space<semaphore_mem>>
        %dma_start3A = arith.constant 0 : i32
        %dma_start3A_297 = arith.constant 0 : i32
        %dma_start3A_298 = tpu.memref_slice %arg3[%add3A_295, %dma_start3A, %dma_start3A_297] : memref<32x80x128xi32, #tpu.memory_space<hbm>> -> memref<1x80x128xi32, #tpu.memory_space<hbm>>
        %dma_start3A_299 = tpu.memref_squeeze %dma_start3A_298 : memref<1x80x128xi32, #tpu.memory_space<hbm>> -> memref<80x128xi32, #tpu.memory_space<hbm>>
        %dma_start3A_300 = arith.constant 56 : i32
        %dma_start3A_301 = arith.constant 0 : i32
        %dma_start3A_302 = tpu.memref_slice %dma_start3A_299[%dma_start3A_300, %dma_start3A_301] : memref<80x128xi32, #tpu.memory_space<hbm>> -> memref<24x128xi32, #tpu.memory_space<hbm>>
        %dma_start3A_303 = arith.constant 0 : i32
        %dma_start3A_304 = arith.constant 0 : i32
        %dma_start3A_305 = tpu.memref_slice %arg3[%add3A_295, %dma_start3A_303, %dma_start3A_304] : memref<32x80x128xi32, #tpu.memory_space<hbm>> -> memref<1x80x128xi32, #tpu.memory_space<hbm>>
        %dma_start3A_306 = tpu.memref_squeeze %dma_start3A_305 : memref<1x80x128xi32, #tpu.memory_space<hbm>> -> memref<80x128xi32, #tpu.memory_space<hbm>>
        %dma_start3A_307 = arith.constant 56 : i32
        %dma_start3A_308 = arith.constant 0 : i32
        %dma_start3A_309 = tpu.memref_slice %dma_start3A_306[%dma_start3A_307, %dma_start3A_308] : memref<80x128xi32, #tpu.memory_space<hbm>> -> memref<24x128xi32, #tpu.memory_space<hbm>>
        tpu.enqueue_dma source(%dma_start3A_309 : memref<24x128xi32, #tpu.memory_space<hbm>>) target(%arg8 : memref<24x128xi32, #tpu.memory_space<vmem>>) target_semaphore(%run_scoped3A_296 : memref<!tpu.dma_semaphore, #tpu.memory_space<semaphore_mem>>)
        %dma_wait3A = arith.constant 0 : i32
        %dma_wait3A_310 = arith.constant 0 : i32
        %dma_wait3A_311 = tpu.memref_slice %arg3[%add3A_295, %dma_wait3A, %dma_wait3A_310] : memref<32x80x128xi32, #tpu.memory_space<hbm>> -> memref<1x80x128xi32, #tpu.memory_space<hbm>>
        %dma_wait3A_312 = tpu.memref_squeeze %dma_wait3A_311 : memref<1x80x128xi32, #tpu.memory_space<hbm>> -> memref<80x128xi32, #tpu.memory_space<hbm>>
        %dma_wait3A_313 = arith.constant 56 : i32
        %dma_wait3A_314 = arith.constant 0 : i32
        %dma_wait3A_315 = tpu.memref_slice %dma_wait3A_312[%dma_wait3A_313, %dma_wait3A_314] : memref<80x128xi32, #tpu.memory_space<hbm>> -> memref<24x128xi32, #tpu.memory_space<hbm>>
        %dma_wait3A_316 = arith.constant 0 : i32
        %dma_wait3A_317 = arith.constant 0 : i32
        %dma_wait3A_318 = tpu.memref_slice %arg3[%add3A_295, %dma_wait3A_316, %dma_wait3A_317] : memref<32x80x128xi32, #tpu.memory_space<hbm>> -> memref<1x80x128xi32, #tpu.memory_space<hbm>>
        %dma_wait3A_319 = tpu.memref_squeeze %dma_wait3A_318 : memref<1x80x128xi32, #tpu.memory_space<hbm>> -> memref<80x128xi32, #tpu.memory_space<hbm>>
        %dma_wait3A_320 = arith.constant 56 : i32
        %dma_wait3A_321 = arith.constant 0 : i32
        %dma_wait3A_322 = tpu.memref_slice %dma_wait3A_319[%dma_wait3A_320, %dma_wait3A_321] : memref<80x128xi32, #tpu.memory_space<hbm>> -> memref<24x128xi32, #tpu.memory_space<hbm>>
        tpu.wait_dma2 semaphore(%run_scoped3A_296 : memref<!tpu.dma_semaphore, #tpu.memory_space<semaphore_mem>>) src(%dma_wait3A_322 : memref<24x128xi32, #tpu.memory_space<hbm>>) dst(%arg8 : memref<24x128xi32, #tpu.memory_space<vmem>>)
        tpu.yield
      }) : () -> ()
    } else {
    }
    %scan3A = arith.constant 0 : i32
    %scan3A_13 = arith.constant 0 : i32
    %scan3A_14 = arith.constant 1024 : i32
    %scan3A_15 = arith.addi %scan3A_13, %scan3A_14 : i32
    %scan3A_16 = arith.constant 1 : i32
    %scan3A_17 = scf.for %scan3A_294 = %scan3A_13 to %scan3A_15 step %scan3A_16 iter_args(%scan3A_295 = %scan3A) -> (i32)  : i32 {
      %broadcast_in_dim3A = arith.constant 0.000000e+00 : f32
      %broadcast_in_dim3A_296 = vector.broadcast %broadcast_in_dim3A : f32 to vector<16xf32>
      %div3A_297 = arith.constant 8 : i32
      %div3A_298 = arith.divsi %scan3A_294, %div3A_297 : i32
      %rem3A = arith.constant 8 : i32
      %rem3A_299 = arith.remsi %scan3A_294, %rem3A : i32
      %mul3A_300 = arith.constant 16 : i32
      %mul3A_301 = arith.muli %rem3A_299, %mul3A_300 : i32
      %swap3A = arith.constant 0 : i32
      %swap3A_302 = arith.index_cast %swap3A : i32 to index
      %swap3A_303 = arith.index_cast %div3A_298 : i32 to index
      %swap3A_304 = arith.index_cast %mul3A_301 : i32 to index
      %swap3A_305 = tpu.vector_load %arg12[%swap3A_302, %swap3A_303, %swap3A_304] {strides = array<i32>} : memref<2x128x128xf32, #tpu.memory_space<vmem>>, vector<16xf32>,
      tpu.vector_store %arg12[%swap3A_302, %swap3A_303, %swap3A_304], %broadcast_in_dim3A_296 {strides = array<i32>} : memref<2x128x128xf32, #tpu.memory_space<vmem>>, vector<16xf32>,
      %scan3A_306 = arith.constant 0 : i32
      scf.yield %scan3A_306 : i32
    }
    %scan3A_18 = arith.constant 1024 : i32
    %add3A_19 = arith.constant 0 : i32
    %add3A_20 = arith.addi %mul3A_9, %add3A_19 : i32
    %run_scoped3A = arith.constant 0 : i32
    "tpu.region"() ({
      %run_scoped3A_294 = tpu.sem_alloc : memref<!tpu.dma_semaphore, #tpu.memory_space<semaphore_mem>>
      %dma_start3A = arith.constant 0 : i32
      %dma_start3A_295 = arith.constant 0 : i32
      %dma_start3A_296 = tpu.memref_slice %arg12[%run_scoped3A, %dma_start3A, %dma_start3A_295] : memref<2x128x128xf32, #tpu.memory_space<vmem>> -> memref<1x128x128xf32, #tpu.memory_space<vmem>>
      %dma_start3A_297 = tpu.memref_squeeze %dma_start3A_296 : memref<1x128x128xf32, #tpu.memory_space<vmem>> -> memref<128x128xf32, #tpu.memory_space<vmem>>
      %dma_start3A_298 = arith.constant 0 : i32
      %dma_start3A_299 = arith.constant 0 : i32
      %dma_start3A_300 = tpu.memref_slice %dma_start3A_297[%dma_start3A_298, %dma_start3A_299] : memref<128x128xf32, #tpu.memory_space<vmem>> -> memref<128x128xf32, #tpu.memory_space<vmem>>
      %dma_start3A_301 = arith.constant 0 : i32
      %dma_start3A_302 = tpu.memref_slice %arg13[%add3A_20, %dma_start3A_301] : memref<3464x128xf32, #tpu.memory_space<vmem_shared>> -> memref<128x128xf32, #tpu.memory_space<vmem_shared>>
      %dma_start3A_303 = arith.constant 0 : i32
      %dma_start3A_304 = tpu.memref_slice %arg13[%add3A_20, %dma_start3A_303] : memref<3464x128xf32, #tpu.memory_space<vmem_shared>> -> memref<128x128xf32, #tpu.memory_space<vmem_shared>>
      %dma_start3A_305 = arith.constant 0 : i32
      %dma_start3A_306 = arith.constant 0 : i32
      %dma_start3A_307 = tpu.memref_slice %arg12[%run_scoped3A, %dma_start3A_305, %dma_start3A_306] : memref<2x128x128xf32, #tpu.memory_space<vmem>> -> memref<1x128x128xf32, #tpu.memory_space<vmem>>
      %dma_start3A_308 = tpu.memref_squeeze %dma_start3A_307 : memref<1x128x128xf32, #tpu.memory_space<vmem>> -> memref<128x128xf32, #tpu.memory_space<vmem>>
      %dma_start3A_309 = arith.constant 0 : i32
      %dma_start3A_310 = arith.constant 0 : i32
      %dma_start3A_311 = tpu.memref_slice %dma_start3A_308[%dma_start3A_309, %dma_start3A_310] : memref<128x128xf32, #tpu.memory_space<vmem>> -> memref<128x128xf32, #tpu.memory_space<vmem>>
      tpu.enqueue_dma source(%dma_start3A_311 : memref<128x128xf32, #tpu.memory_space<vmem>>) target(%dma_start3A_304 : memref<128x128xf32, #tpu.memory_space<vmem_shared>>) target_semaphore(%run_scoped3A_294 : memref<!tpu.dma_semaphore, #tpu.memory_space<semaphore_mem>>)
      %dma_wait3A = arith.constant 0 : i32
      %dma_wait3A_312 = arith.constant 0 : i32
      %dma_wait3A_313 = tpu.memref_slice %arg12[%run_scoped3A, %dma_wait3A, %dma_wait3A_312] : memref<2x128x128xf32, #tpu.memory_space<vmem>> -> memref<1x128x128xf32, #tpu.memory_space<vmem>>
      %dma_wait3A_314 = tpu.memref_squeeze %dma_wait3A_313 : memref<1x128x128xf32, #tpu.memory_space<vmem>> -> memref<128x128xf32, #tpu.memory_space<vmem>>
      %dma_wait3A_315 = arith.constant 0 : i32
      %dma_wait3A_316 = arith.constant 0 : i32
      %dma_wait3A_317 = tpu.memref_slice %dma_wait3A_314[%dma_wait3A_315, %dma_wait3A_316] : memref<128x128xf32, #tpu.memory_space<vmem>> -> memref<128x128xf32, #tpu.memory_space<vmem>>
      %dma_wait3A_318 = arith.constant 0 : i32
      %dma_wait3A_319 = tpu.memref_slice %arg13[%add3A_20, %dma_wait3A_318] : memref<3464x128xf32, #tpu.memory_space<vmem_shared>> -> memref<128x128xf32, #tpu.memory_space<vmem_shared>>
      %dma_wait3A_320 = arith.constant 0 : i32
      %dma_wait3A_321 = tpu.memref_slice %arg13[%add3A_20, %dma_wait3A_320] : memref<3464x128xf32, #tpu.memory_space<vmem_shared>> -> memref<128x128xf32, #tpu.memory_space<vmem_shared>>
      %dma_wait3A_322 = arith.constant 0 : i32
      %dma_wait3A_323 = arith.constant 0 : i32
      %dma_wait3A_324 = tpu.memref_slice %arg12[%run_scoped3A, %dma_wait3A_322, %dma_wait3A_323] : memref<2x128x128xf32, #tpu.memory_space<vmem>> -> memref<1x128x128xf32, #tpu.memory_space<vmem>>
      %dma_wait3A_325 = tpu.memref_squeeze %dma_wait3A_324 : memref<1x128x128xf32, #tpu.memory_space<vmem>> -> memref<128x128xf32, #tpu.memory_space<vmem>>
      %dma_wait3A_326 = arith.constant 0 : i32
      %dma_wait3A_327 = arith.constant 0 : i32
      %dma_wait3A_328 = tpu.memref_slice %dma_wait3A_325[%dma_wait3A_326, %dma_wait3A_327] : memref<128x128xf32, #tpu.memory_space<vmem>> -> memref<128x128xf32, #tpu.memory_space<vmem>>
      tpu.wait_dma2 semaphore(%run_scoped3A_294 : memref<!tpu.dma_semaphore, #tpu.memory_space<semaphore_mem>>) src(%dma_wait3A_328 : memref<128x128xf32, #tpu.memory_space<vmem>>) dst(%dma_wait3A_321 : memref<128x128xf32, #tpu.memory_space<vmem_shared>>)
      tpu.yield
    }) : () -> ()
    %add3A_21 = arith.constant 128 : i32
    %add3A_22 = arith.addi %mul3A_9, %add3A_21 : i32
    %run_scoped3A_23 = arith.constant 0 : i32
    "tpu.region"() ({
      %run_scoped3A_294 = tpu.sem_alloc : memref<!tpu.dma_semaphore, #tpu.memory_space<semaphore_mem>>
      %dma_start3A = arith.constant 0 : i32
      %dma_start3A_295 = arith.constant 0 : i32
      %dma_start3A_296 = tpu.memref_slice %arg12[%run_scoped3A_23, %dma_start3A, %dma_start3A_295] : memref<2x128x128xf32, #tpu.memory_space<vmem>> -> memref<1x128x128xf32, #tpu.memory_space<vmem>>
      %dma_start3A_297 = tpu.memref_squeeze %dma_start3A_296 : memref<1x128x128xf32, #tpu.memory_space<vmem>> -> memref<128x128xf32, #tpu.memory_space<vmem>>
      %dma_start3A_298 = arith.constant 0 : i32
      %dma_start3A_299 = arith.constant 0 : i32
      %dma_start3A_300 = tpu.memref_slice %dma_start3A_297[%dma_start3A_298, %dma_start3A_299] : memref<128x128xf32, #tpu.memory_space<vmem>> -> memref<88x128xf32, #tpu.memory_space<vmem>>
      %dma_start3A_301 = arith.constant 0 : i32
      %dma_start3A_302 = tpu.memref_slice %arg13[%add3A_22, %dma_start3A_301] : memref<3464x128xf32, #tpu.memory_space<vmem_shared>> -> memref<88x128xf32, #tpu.memory_space<vmem_shared>>
      %dma_start3A_303 = arith.constant 0 : i32
      %dma_start3A_304 = tpu.memref_slice %arg13[%add3A_22, %dma_start3A_303] : memref<3464x128xf32, #tpu.memory_space<vmem_shared>> -> memref<88x128xf32, #tpu.memory_space<vmem_shared>>
      %dma_start3A_305 = arith.constant 0 : i32
      %dma_start3A_306 = arith.constant 0 : i32
      %dma_start3A_307 = tpu.memref_slice %arg12[%run_scoped3A_23, %dma_start3A_305, %dma_start3A_306] : memref<2x128x128xf32, #tpu.memory_space<vmem>> -> memref<1x128x128xf32, #tpu.memory_space<vmem>>
      %dma_start3A_308 = tpu.memref_squeeze %dma_start3A_307 : memref<1x128x128xf32, #tpu.memory_space<vmem>> -> memref<128x128xf32, #tpu.memory_space<vmem>>
      %dma_start3A_309 = arith.constant 0 : i32
      %dma_start3A_310 = arith.constant 0 : i32
      %dma_start3A_311 = tpu.memref_slice %dma_start3A_308[%dma_start3A_309, %dma_start3A_310] : memref<128x128xf32, #tpu.memory_space<vmem>> -> memref<88x128xf32, #tpu.memory_space<vmem>>
      tpu.enqueue_dma source(%dma_start3A_311 : memref<88x128xf32, #tpu.memory_space<vmem>>) target(%dma_start3A_304 : memref<88x128xf32, #tpu.memory_space<vmem_shared>>) target_semaphore(%run_scoped3A_294 : memref<!tpu.dma_semaphore, #tpu.memory_space<semaphore_mem>>)
      %dma_wait3A = arith.constant 0 : i32
      %dma_wait3A_312 = arith.constant 0 : i32
      %dma_wait3A_313 = tpu.memref_slice %arg12[%run_scoped3A_23, %dma_wait3A, %dma_wait3A_312] : memref<2x128x128xf32, #tpu.memory_space<vmem>> -> memref<1x128x128xf32, #tpu.memory_space<vmem>>
      %dma_wait3A_314 = tpu.memref_squeeze %dma_wait3A_313 : memref<1x128x128xf32, #tpu.memory_space<vmem>> -> memref<128x128xf32, #tpu.memory_space<vmem>>
      %dma_wait3A_315 = arith.constant 0 : i32
      %dma_wait3A_316 = arith.constant 0 : i32
      %dma_wait3A_317 = tpu.memref_slice %dma_wait3A_314[%dma_wait3A_315, %dma_wait3A_316] : memref<128x128xf32, #tpu.memory_space<vmem>> -> memref<88x128xf32, #tpu.memory_space<vmem>>
      %dma_wait3A_318 = arith.constant 0 : i32
      %dma_wait3A_319 = tpu.memref_slice %arg13[%add3A_22, %dma_wait3A_318] : memref<3464x128xf32, #tpu.memory_space<vmem_shared>> -> memref<88x128xf32, #tpu.memory_space<vmem_shared>>
      %dma_wait3A_320 = arith.constant 0 : i32
      %dma_wait3A_321 = tpu.memref_slice %arg13[%add3A_22, %dma_wait3A_320] : memref<3464x128xf32, #tpu.memory_space<vmem_shared>> -> memref<88x128xf32, #tpu.memory_space<vmem_shared>>
      %dma_wait3A_322 = arith.constant 0 : i32
      %dma_wait3A_323 = arith.constant 0 : i32
      %dma_wait3A_324 = tpu.memref_slice %arg12[%run_scoped3A_23, %dma_wait3A_322, %dma_wait3A_323] : memref<2x128x128xf32, #tpu.memory_space<vmem>> -> memref<1x128x128xf32, #tpu.memory_space<vmem>>
      %dma_wait3A_325 = tpu.memref_squeeze %dma_wait3A_324 : memref<1x128x128xf32, #tpu.memory_space<vmem>> -> memref<128x128xf32, #tpu.memory_space<vmem>>
      %dma_wait3A_326 = arith.constant 0 : i32
      %dma_wait3A_327 = arith.constant 0 : i32
      %dma_wait3A_328 = tpu.memref_slice %dma_wait3A_325[%dma_wait3A_326, %dma_wait3A_327] : memref<128x128xf32, #tpu.memory_space<vmem>> -> memref<88x128xf32, #tpu.memory_space<vmem>>
      tpu.wait_dma2 semaphore(%run_scoped3A_294 : memref<!tpu.dma_semaphore, #tpu.memory_space<semaphore_mem>>) src(%dma_wait3A_328 : memref<88x128xf32, #tpu.memory_space<vmem>>) dst(%dma_wait3A_321 : memref<88x128xf32, #tpu.memory_space<vmem_shared>>)
      tpu.yield
    }) : () -> ()
    %scan3A_24 = arith.constant 0 : i32
    %scan3A_25 = arith.constant 0 : i32
    %scan3A_26 = arith.constant 864 : i32
    %scan3A_27 = arith.addi %scan3A_25, %scan3A_26 : i32
    %scan3A_28 = arith.constant 1 : i32
    %scan3A_29 = scf.for %scan3A_294 = %scan3A_25 to %scan3A_27 step %scan3A_28 iter_args(%scan3A_295 = %scan3A_24) -> (i32)  : i32 {
      %broadcast_in_dim3A = arith.constant 0 : i32
      %broadcast_in_dim3A_296 = vector.broadcast %broadcast_in_dim3A : i32 to vector<16xi32>
      %mul3A_297 = arith.constant 16 : i32
      %mul3A_298 = arith.muli %scan3A_294, %mul3A_297 : i32
      %swap3A = arith.index_cast %mul3A_298 : i32 to index
      %swap3A_299 = tpu.vector_load %arg9[%swap3A] {strides = array<i32>} : memref<13824xi32, #tpu.memory_space<vmem>>, vector<16xi32>,
      tpu.vector_store %arg9[%swap3A], %broadcast_in_dim3A_296 {strides = array<i32>} : memref<13824xi32, #tpu.memory_space<vmem>>, vector<16xi32>,
      %broadcast_in_dim3A_300 = arith.constant 3456 : i32
      %broadcast_in_dim3A_301 = vector.broadcast %broadcast_in_dim3A_300 : i32 to vector<16xi32>
      %mul3A_302 = arith.constant 16 : i32
      %mul3A_303 = arith.muli %scan3A_294, %mul3A_302 : i32
      %swap3A_304 = arith.index_cast %mul3A_303 : i32 to index
      %swap3A_305 = tpu.vector_load %arg10[%swap3A_304] {strides = array<i32>} : memref<13824xi32, #tpu.memory_space<vmem>>, vector<16xi32>,
      tpu.vector_store %arg10[%swap3A_304], %broadcast_in_dim3A_301 {strides = array<i32>} : memref<13824xi32, #tpu.memory_space<vmem>>, vector<16xi32>,
      %scan3A_306 = arith.constant 0 : i32
      scf.yield %scan3A_306 : i32
    }
    %scan3A_30 = arith.constant 864 : i32
    %while3A = arith.constant 0 : i32
    %while3A_31 = arith.constant 0 : i32
    %while3A_32 = arith.subi %select_n3A, %while3A : i32
    %while3A_33 = arith.addi %while3A, %while3A_32 : i32
    %while3A_34 = arith.constant 1 : i32
    %while3A_35 = arith.divsi %while3A_32, %while3A_34 : i32
    %while3A_36 = arith.muli %while3A_35, %while3A_34 : i32
    %while3A_37 = arith.addi %while3A, %while3A_36 : i32
    %while3A_38 = arith.constant 1 : i32
    %while3A_39 = scf.for %while3A_294 = %while3A to %while3A_37 step %while3A_38 iter_args(%while3A_295 = %while3A_31) -> (i32)  : i32 {
      %div3A_296 = arith.constant 8 : i32
      %div3A_297 = arith.divsi %while3A_294, %div3A_296 : i32
      %rem3A = arith.constant 8 : i32
      %rem3A_298 = arith.remsi %while3A_294, %rem3A : i32
      %mul3A_299 = arith.constant 16 : i32
      %mul3A_300 = arith.muli %rem3A_298, %mul3A_299 : i32
      %get3A = arith.index_cast %div3A_297 : i32 to index
      %get3A_301 = arith.index_cast %mul3A_300 : i32 to index
      %get3A_302 = tpu.vector_load %arg7[%get3A, %get3A_301] {strides = array<i32>} : memref<80x128xi32, #tpu.memory_space<vmem>>, vector<16xi32>,
      %shift_right_logical3A = arith.constant 12 : i32
      %shift_right_logical3A_303 = vector.broadcast %shift_right_logical3A : i32 to vector<16xi32>
      %shift_right_logical3A_304 = arith.shrui %get3A_302, %shift_right_logical3A_303 : vector<16xi32>
      %and3A = arith.constant 4095 : i32
      %and3A_305 = vector.broadcast %and3A : i32 to vector<16xi32>
      %and3A_306 = arith.andi %get3A_302, %and3A_305 : vector<16xi32>
      %lt3A = arith.constant 3456 : i32
      %lt3A_307 = vector.broadcast %lt3A : i32 to vector<16xi32>
      %lt3A_308 = arith.cmpi slt, %and3A_306, %lt3A_307 : vector<16xi32>
      %swap3A = arith.index_cast %while3A_295 : i32 to index
      %swap3A_309 = tpu.vector_load %arg9[%swap3A] masked %lt3A_308 {strides = array<i32>} : memref<13824xi32, #tpu.memory_space<vmem>>, vector<16xi32>, vector<16xi1>
      tpu.vector_store %arg9[%swap3A], %shift_right_logical3A_304 masked %lt3A_308 {strides = array<i32>} : memref<13824xi32, #tpu.memory_space<vmem>>, vector<16xi32>, vector<16xi1>
      %swap3A_310 = arith.index_cast %while3A_295 : i32 to index
      %swap3A_311 = tpu.vector_load %arg10[%swap3A_310] masked %lt3A_308 {strides = array<i32>} : memref<13824xi32, #tpu.memory_space<vmem>>, vector<16xi32>, vector<16xi1>
      tpu.vector_store %arg10[%swap3A_310], %and3A_306 masked %lt3A_308 {strides = array<i32>} : memref<13824xi32, #tpu.memory_space<vmem>>, vector<16xi32>, vector<16xi1>
      %all_reduce_population_count3A = tpu.all_reduce %lt3A_308 {dim = 0 : i64, kind = #tpu.reduction_kind<sum>} : vector<16xi1> -> vector<16xi32>
      %reduce_max3A = arith.constant true
      %reduce_max3A_312 = vector.broadcast %reduce_max3A : i1 to vector<16xi1>
      %reduce_max3A_313 = arith.constant -2147483648 : i32
      %reduce_max3A_314 = vector.broadcast %reduce_max3A_313 : i32 to vector<16xi32>
      %reduce_max3A_315 = arith.xori %all_reduce_population_count3A, %reduce_max3A_314 : vector<16xi32>
      %reduce_max3A_316 = tpu.scan <max>, %reduce_max3A_315 masked %reduce_max3A_312 : vector<16xi32>, vector<16xi1> -> vector<16xi32>
      %reduce_max3A_317 = arith.xori %reduce_max3A_316, %reduce_max3A_314 : vector<16xi32>
      %reduce_max3A_318 = vector.extract %reduce_max3A_317[15] : i32 from vector<16xi32>
      %add3A_319 = arith.addi %while3A_295, %reduce_max3A_318 : i32
      scf.yield %add3A_319 : i32
    }
    %while3A_40 = arith.constant 1 : i32
    %while3A_41 = scf.for %while3A_294 = %while3A_37 to %while3A_33 step %while3A_40 iter_args(%while3A_295 = %while3A_39) -> (i32)  : i32 {
      %div3A_296 = arith.constant 8 : i32
      %div3A_297 = arith.divsi %while3A_294, %div3A_296 : i32
      %rem3A = arith.constant 8 : i32
      %rem3A_298 = arith.remsi %while3A_294, %rem3A : i32
      %mul3A_299 = arith.constant 16 : i32
      %mul3A_300 = arith.muli %rem3A_298, %mul3A_299 : i32
      %get3A = arith.index_cast %div3A_297 : i32 to index
      %get3A_301 = arith.index_cast %mul3A_300 : i32 to index
      %get3A_302 = tpu.vector_load %arg7[%get3A, %get3A_301] {strides = array<i32>} : memref<80x128xi32, #tpu.memory_space<vmem>>, vector<16xi32>,
      %shift_right_logical3A = arith.constant 12 : i32
      %shift_right_logical3A_303 = vector.broadcast %shift_right_logical3A : i32 to vector<16xi32>
      %shift_right_logical3A_304 = arith.shrui %get3A_302, %shift_right_logical3A_303 : vector<16xi32>
      %and3A = arith.constant 4095 : i32
      %and3A_305 = vector.broadcast %and3A : i32 to vector<16xi32>
      %and3A_306 = arith.andi %get3A_302, %and3A_305 : vector<16xi32>
      %lt3A = arith.constant 3456 : i32
      %lt3A_307 = vector.broadcast %lt3A : i32 to vector<16xi32>
      %lt3A_308 = arith.cmpi slt, %and3A_306, %lt3A_307 : vector<16xi32>
      %swap3A = arith.index_cast %while3A_295 : i32 to index
      %swap3A_309 = tpu.vector_load %arg9[%swap3A] masked %lt3A_308 {strides = array<i32>} : memref<13824xi32, #tpu.memory_space<vmem>>, vector<16xi32>, vector<16xi1>
      tpu.vector_store %arg9[%swap3A], %shift_right_logical3A_304 masked %lt3A_308 {strides = array<i32>} : memref<13824xi32, #tpu.memory_space<vmem>>, vector<16xi32>, vector<16xi1>
      %swap3A_310 = arith.index_cast %while3A_295 : i32 to index
      %swap3A_311 = tpu.vector_load %arg10[%swap3A_310] masked %lt3A_308 {strides = array<i32>} : memref<13824xi32, #tpu.memory_space<vmem>>, vector<16xi32>, vector<16xi1>
      tpu.vector_store %arg10[%swap3A_310], %and3A_306 masked %lt3A_308 {strides = array<i32>} : memref<13824xi32, #tpu.memory_space<vmem>>, vector<16xi32>, vector<16xi1>
      %all_reduce_population_count3A = tpu.all_reduce %lt3A_308 {dim = 0 : i64, kind = #tpu.reduction_kind<sum>} : vector<16xi1> -> vector<16xi32>
      %reduce_max3A = arith.constant true
      %reduce_max3A_312 = vector.broadcast %reduce_max3A : i1 to vector<16xi1>
      %reduce_max3A_313 = arith.constant -2147483648 : i32
      %reduce_max3A_314 = vector.broadcast %reduce_max3A_313 : i32 to vector<16xi32>
      %reduce_max3A_315 = arith.xori %all_reduce_population_count3A, %reduce_max3A_314 : vector<16xi32>
      %reduce_max3A_316 = tpu.scan <max>, %reduce_max3A_315 masked %reduce_max3A_312 : vector<16xi32>, vector<16xi1> -> vector<16xi32>
      %reduce_max3A_317 = arith.xori %reduce_max3A_316, %reduce_max3A_314 : vector<16xi32>
      %reduce_max3A_318 = vector.extract %reduce_max3A_317[15] : i32 from vector<16xi32>
      %add3A_319 = arith.addi %while3A_295, %reduce_max3A_318 : i32
      scf.yield %add3A_319 : i32
    }
    %while3A_42 = arith.constant 0 : i32
    %while3A_43 = arith.subi %select_n3A_7, %while3A_42 : i32
    %while3A_44 = arith.addi %while3A_42, %while3A_43 : i32
    %while3A_45 = arith.constant 1 : i32
    %while3A_46 = arith.divsi %while3A_43, %while3A_45 : i32
    %while3A_47 = arith.muli %while3A_46, %while3A_45 : i32
    %while3A_48 = arith.addi %while3A_42, %while3A_47 : i32
    %while3A_49 = arith.constant 1 : i32
    %while3A_50 = scf.for %while3A_294 = %while3A_42 to %while3A_48 step %while3A_49 iter_args(%while3A_295 = %while3A_41) -> (i32)  : i32 {
      %div3A_296 = arith.constant 8 : i32
      %div3A_297 = arith.divsi %while3A_294, %div3A_296 : i32
      %rem3A = arith.constant 8 : i32
      %rem3A_298 = arith.remsi %while3A_294, %rem3A : i32
      %mul3A_299 = arith.constant 16 : i32
      %mul3A_300 = arith.muli %rem3A_298, %mul3A_299 : i32
      %get3A = arith.index_cast %div3A_297 : i32 to index
      %get3A_301 = arith.index_cast %mul3A_300 : i32 to index
      %get3A_302 = tpu.vector_load %arg8[%get3A, %get3A_301] {strides = array<i32>} : memref<24x128xi32, #tpu.memory_space<vmem>>, vector<16xi32>,
      %shift_right_logical3A = arith.constant 12 : i32
      %shift_right_logical3A_303 = vector.broadcast %shift_right_logical3A : i32 to vector<16xi32>
      %shift_right_logical3A_304 = arith.shrui %get3A_302, %shift_right_logical3A_303 : vector<16xi32>
      %and3A = arith.constant 4095 : i32
      %and3A_305 = vector.broadcast %and3A : i32 to vector<16xi32>
      %and3A_306 = arith.andi %get3A_302, %and3A_305 : vector<16xi32>
      %lt3A = arith.constant 3456 : i32
      %lt3A_307 = vector.broadcast %lt3A : i32 to vector<16xi32>
      %lt3A_308 = arith.cmpi slt, %and3A_306, %lt3A_307 : vector<16xi32>
      %swap3A = arith.index_cast %while3A_295 : i32 to index
      %swap3A_309 = tpu.vector_load %arg9[%swap3A] masked %lt3A_308 {strides = array<i32>} : memref<13824xi32, #tpu.memory_space<vmem>>, vector<16xi32>, vector<16xi1>
      tpu.vector_store %arg9[%swap3A], %shift_right_logical3A_304 masked %lt3A_308 {strides = array<i32>} : memref<13824xi32, #tpu.memory_space<vmem>>, vector<16xi32>, vector<16xi1>
      %swap3A_310 = arith.index_cast %while3A_295 : i32 to index
      %swap3A_311 = tpu.vector_load %arg10[%swap3A_310] masked %lt3A_308 {strides = array<i32>} : memref<13824xi32, #tpu.memory_space<vmem>>, vector<16xi32>, vector<16xi1>
      tpu.vector_store %arg10[%swap3A_310], %and3A_306 masked %lt3A_308 {strides = array<i32>} : memref<13824xi32, #tpu.memory_space<vmem>>, vector<16xi32>, vector<16xi1>
      %all_reduce_population_count3A = tpu.all_reduce %lt3A_308 {dim = 0 : i64, kind = #tpu.reduction_kind<sum>} : vector<16xi1> -> vector<16xi32>
      %reduce_max3A = arith.constant true
      %reduce_max3A_312 = vector.broadcast %reduce_max3A : i1 to vector<16xi1>
      %reduce_max3A_313 = arith.constant -2147483648 : i32
      %reduce_max3A_314 = vector.broadcast %reduce_max3A_313 : i32 to vector<16xi32>
      %reduce_max3A_315 = arith.xori %all_reduce_population_count3A, %reduce_max3A_314 : vector<16xi32>
      %reduce_max3A_316 = tpu.scan <max>, %reduce_max3A_315 masked %reduce_max3A_312 : vector<16xi32>, vector<16xi1> -> vector<16xi32>
      %reduce_max3A_317 = arith.xori %reduce_max3A_316, %reduce_max3A_314 : vector<16xi32>
      %reduce_max3A_318 = vector.extract %reduce_max3A_317[15] : i32 from vector<16xi32>
      %add3A_319 = arith.addi %while3A_295, %reduce_max3A_318 : i32
      scf.yield %add3A_319 : i32
    }
    %while3A_51 = arith.constant 1 : i32
    %while3A_52 = scf.for %while3A_294 = %while3A_48 to %while3A_44 step %while3A_51 iter_args(%while3A_295 = %while3A_50) -> (i32)  : i32 {
      %div3A_296 = arith.constant 8 : i32
      %div3A_297 = arith.divsi %while3A_294, %div3A_296 : i32
      %rem3A = arith.constant 8 : i32
      %rem3A_298 = arith.remsi %while3A_294, %rem3A : i32
      %mul3A_299 = arith.constant 16 : i32
      %mul3A_300 = arith.muli %rem3A_298, %mul3A_299 : i32
      %get3A = arith.index_cast %div3A_297 : i32 to index
      %get3A_301 = arith.index_cast %mul3A_300 : i32 to index
      %get3A_302 = tpu.vector_load %arg8[%get3A, %get3A_301] {strides = array<i32>} : memref<24x128xi32, #tpu.memory_space<vmem>>, vector<16xi32>,
      %shift_right_logical3A = arith.constant 12 : i32
      %shift_right_logical3A_303 = vector.broadcast %shift_right_logical3A : i32 to vector<16xi32>
      %shift_right_logical3A_304 = arith.shrui %get3A_302, %shift_right_logical3A_303 : vector<16xi32>
      %and3A = arith.constant 4095 : i32
      %and3A_305 = vector.broadcast %and3A : i32 to vector<16xi32>
      %and3A_306 = arith.andi %get3A_302, %and3A_305 : vector<16xi32>
      %lt3A = arith.constant 3456 : i32
      %lt3A_307 = vector.broadcast %lt3A : i32 to vector<16xi32>
      %lt3A_308 = arith.cmpi slt, %and3A_306, %lt3A_307 : vector<16xi32>
      %swap3A = arith.index_cast %while3A_295 : i32 to index
      %swap3A_309 = tpu.vector_load %arg9[%swap3A] masked %lt3A_308 {strides = array<i32>} : memref<13824xi32, #tpu.memory_space<vmem>>, vector<16xi32>, vector<16xi1>
      tpu.vector_store %arg9[%swap3A], %shift_right_logical3A_304 masked %lt3A_308 {strides = array<i32>} : memref<13824xi32, #tpu.memory_space<vmem>>, vector<16xi32>, vector<16xi1>
      %swap3A_310 = arith.index_cast %while3A_295 : i32 to index
      %swap3A_311 = tpu.vector_load %arg10[%swap3A_310] masked %lt3A_308 {strides = array<i32>} : memref<13824xi32, #tpu.memory_space<vmem>>, vector<16xi32>, vector<16xi1>
      tpu.vector_store %arg10[%swap3A_310], %and3A_306 masked %lt3A_308 {strides = array<i32>} : memref<13824xi32, #tpu.memory_space<vmem>>, vector<16xi32>, vector<16xi1>
      %all_reduce_population_count3A = tpu.all_reduce %lt3A_308 {dim = 0 : i64, kind = #tpu.reduction_kind<sum>} : vector<16xi1> -> vector<16xi32>
      %reduce_max3A = arith.constant true
      %reduce_max3A_312 = vector.broadcast %reduce_max3A : i1 to vector<16xi1>
      %reduce_max3A_313 = arith.constant -2147483648 : i32
      %reduce_max3A_314 = vector.broadcast %reduce_max3A_313 : i32 to vector<16xi32>
      %reduce_max3A_315 = arith.xori %all_reduce_population_count3A, %reduce_max3A_314 : vector<16xi32>
      %reduce_max3A_316 = tpu.scan <max>, %reduce_max3A_315 masked %reduce_max3A_312 : vector<16xi32>, vector<16xi1> -> vector<16xi32>
      %reduce_max3A_317 = arith.xori %reduce_max3A_316, %reduce_max3A_314 : vector<16xi32>
      %reduce_max3A_318 = vector.extract %reduce_max3A_317[15] : i32 from vector<16xi32>
      %add3A_319 = arith.addi %while3A_295, %reduce_max3A_318 : i32
      scf.yield %add3A_319 : i32
    }
    %add3A_53 = arith.constant 255 : i32
    %add3A_54 = arith.addi %while3A_52, %add3A_53 : i32
    %div3A = arith.constant 256 : i32
    %div3A_55 = arith.divsi %add3A_54, %div3A : i32
    %mul3A_56 = arith.constant 2 : i32
    %mul3A_57 = arith.muli %div3A_55, %mul3A_56 : i32
    %while3A_58 = arith.constant 0 : i32
    %while3A_59 = arith.constant 0 : i32
    %while3A_60 = arith.subi %mul3A_57, %while3A_58 : i32
    %while3A_61 = arith.addi %while3A_58, %while3A_60 : i32
    %while3A_62 = arith.constant 1 : i32
    %while3A_63 = arith.divsi %while3A_60, %while3A_62 : i32
    %while3A_64 = arith.muli %while3A_63, %while3A_62 : i32
    %while3A_65 = arith.addi %while3A_58, %while3A_64 : i32
    %while3A_66 = arith.constant 1 : i32
    %while3A_67 = scf.for %while3A_294 = %while3A_58 to %while3A_65 step %while3A_66 iter_args(%while3A_295 = %while3A_59) -> (i32)  : i32 {
      %mul3A_296 = arith.constant 128 : i32
      %mul3A_297 = arith.muli %while3A_294, %mul3A_296 : i32
      %add3A_298 = arith.constant 0 : i32
      %add3A_299 = arith.addi %mul3A_297, %add3A_298 : i32
      %get3A = arith.index_cast %add3A_299 : i32 to index
      %get3A_300 = tpu.vector_load %arg10[%get3A] {strides = array<i32>} : memref<13824xi32, #tpu.memory_space<vmem>>, vector<16xi32>,
      %swap3A = arith.index_cast %while3A_294 : i32 to index
      %swap3A_301 = arith.constant 0 : index
      %swap3A_302 = tpu.vector_load %arg11[%swap3A, %swap3A_301] {strides = array<i32>} : memref<108x128xi32, #tpu.memory_space<vmem>>, vector<16xi32>,
      tpu.vector_store %arg11[%swap3A, %swap3A_301], %get3A_300 {strides = array<i32>} : memref<108x128xi32, #tpu.memory_space<vmem>>, vector<16xi32>,
      %mul3A_303 = arith.constant 128 : i32
      %mul3A_304 = arith.muli %while3A_294, %mul3A_303 : i32
      %add3A_305 = arith.constant 16 : i32
      %add3A_306 = arith.addi %mul3A_304, %add3A_305 : i32
      %get3A_307 = arith.index_cast %add3A_306 : i32 to index
      %get3A_308 = tpu.vector_load %arg10[%get3A_307] {strides = array<i32>} : memref<13824xi32, #tpu.memory_space<vmem>>, vector<16xi32>,
      %swap3A_309 = arith.index_cast %while3A_294 : i32 to index
      %swap3A_310 = arith.constant 16 : index
      %swap3A_311 = tpu.vector_load %arg11[%swap3A_309, %swap3A_310] {strides = array<i32>} : memref<108x128xi32, #tpu.memory_space<vmem>>, vector<16xi32>,
      tpu.vector_store %arg11[%swap3A_309, %swap3A_310], %get3A_308 {strides = array<i32>} : memref<108x128xi32, #tpu.memory_space<vmem>>, vector<16xi32>,
      %mul3A_312 = arith.constant 128 : i32
      %mul3A_313 = arith.muli %while3A_294, %mul3A_312 : i32
      %add3A_314 = arith.constant 32 : i32
      %add3A_315 = arith.addi %mul3A_313, %add3A_314 : i32
      %get3A_316 = arith.index_cast %add3A_315 : i32 to index
      %get3A_317 = tpu.vector_load %arg10[%get3A_316] {strides = array<i32>} : memref<13824xi32, #tpu.memory_space<vmem>>, vector<16xi32>,
      %swap3A_318 = arith.index_cast %while3A_294 : i32 to index
      %swap3A_319 = arith.constant 32 : index
      %swap3A_320 = tpu.vector_load %arg11[%swap3A_318, %swap3A_319] {strides = array<i32>} : memref<108x128xi32, #tpu.memory_space<vmem>>, vector<16xi32>,
      tpu.vector_store %arg11[%swap3A_318, %swap3A_319], %get3A_317 {strides = array<i32>} : memref<108x128xi32, #tpu.memory_space<vmem>>, vector<16xi32>,
      %mul3A_321 = arith.constant 128 : i32
      %mul3A_322 = arith.muli %while3A_294, %mul3A_321 : i32
      %add3A_323 = arith.constant 48 : i32
      %add3A_324 = arith.addi %mul3A_322, %add3A_323 : i32
      %get3A_325 = arith.index_cast %add3A_324 : i32 to index
      %get3A_326 = tpu.vector_load %arg10[%get3A_325] {strides = array<i32>} : memref<13824xi32, #tpu.memory_space<vmem>>, vector<16xi32>,
      %swap3A_327 = arith.index_cast %while3A_294 : i32 to index
      %swap3A_328 = arith.constant 48 : index
      %swap3A_329 = tpu.vector_load %arg11[%swap3A_327, %swap3A_328] {strides = array<i32>} : memref<108x128xi32, #tpu.memory_space<vmem>>, vector<16xi32>,
      tpu.vector_store %arg11[%swap3A_327, %swap3A_328], %get3A_326 {strides = array<i32>} : memref<108x128xi32, #tpu.memory_space<vmem>>, vector<16xi32>,
      %mul3A_330 = arith.constant 128 : i32
      %mul3A_331 = arith.muli %while3A_294, %mul3A_330 : i32
      %add3A_332 = arith.constant 64 : i32
      %add3A_333 = arith.addi %mul3A_331, %add3A_332 : i32
      %get3A_334 = arith.index_cast %add3A_333 : i32 to index
      %get3A_335 = tpu.vector_load %arg10[%get3A_334] {strides = array<i32>} : memref<13824xi32, #tpu.memory_space<vmem>>, vector<16xi32>,
      %swap3A_336 = arith.index_cast %while3A_294 : i32 to index
      %swap3A_337 = arith.constant 64 : index
      %swap3A_338 = tpu.vector_load %arg11[%swap3A_336, %swap3A_337] {strides = array<i32>} : memref<108x128xi32, #tpu.memory_space<vmem>>, vector<16xi32>,
      tpu.vector_store %arg11[%swap3A_336, %swap3A_337], %get3A_335 {strides = array<i32>} : memref<108x128xi32, #tpu.memory_space<vmem>>, vector<16xi32>,
      %mul3A_339 = arith.constant 128 : i32
      %mul3A_340 = arith.muli %while3A_294, %mul3A_339 : i32
      %add3A_341 = arith.constant 80 : i32
      %add3A_342 = arith.addi %mul3A_340, %add3A_341 : i32
      %get3A_343 = arith.index_cast %add3A_342 : i32 to index
      %get3A_344 = tpu.vector_load %arg10[%get3A_343] {strides = array<i32>} : memref<13824xi32, #tpu.memory_space<vmem>>, vector<16xi32>,
      %swap3A_345 = arith.index_cast %while3A_294 : i32 to index
      %swap3A_346 = arith.constant 80 : index
      %swap3A_347 = tpu.vector_load %arg11[%swap3A_345, %swap3A_346] {strides = array<i32>} : memref<108x128xi32, #tpu.memory_space<vmem>>, vector<16xi32>,
      tpu.vector_store %arg11[%swap3A_345, %swap3A_346], %get3A_344 {strides = array<i32>} : memref<108x128xi32, #tpu.memory_space<vmem>>, vector<16xi32>,
      %mul3A_348 = arith.constant 128 : i32
      %mul3A_349 = arith.muli %while3A_294, %mul3A_348 : i32
      %add3A_350 = arith.constant 96 : i32
      %add3A_351 = arith.addi %mul3A_349, %add3A_350 : i32
      %get3A_352 = arith.index_cast %add3A_351 : i32 to index
      %get3A_353 = tpu.vector_load %arg10[%get3A_352] {strides = array<i32>} : memref<13824xi32, #tpu.memory_space<vmem>>, vector<16xi32>,
      %swap3A_354 = arith.index_cast %while3A_294 : i32 to index
      %swap3A_355 = arith.constant 96 : index
      %swap3A_356 = tpu.vector_load %arg11[%swap3A_354, %swap3A_355] {strides = array<i32>} : memref<108x128xi32, #tpu.memory_space<vmem>>, vector<16xi32>,
      tpu.vector_store %arg11[%swap3A_354, %swap3A_355], %get3A_353 {strides = array<i32>} : memref<108x128xi32, #tpu.memory_space<vmem>>, vector<16xi32>,
      %mul3A_357 = arith.constant 128 : i32
      %mul3A_358 = arith.muli %while3A_294, %mul3A_357 : i32
      %add3A_359 = arith.constant 112 : i32
      %add3A_360 = arith.addi %mul3A_358, %add3A_359 : i32
      %get3A_361 = arith.index_cast %add3A_360 : i32 to index
      %get3A_362 = tpu.vector_load %arg10[%get3A_361] {strides = array<i32>} : memref<13824xi32, #tpu.memory_space<vmem>>, vector<16xi32>,
      %swap3A_363 = arith.index_cast %while3A_294 : i32 to index
      %swap3A_364 = arith.constant 112 : index
      %swap3A_365 = tpu.vector_load %arg11[%swap3A_363, %swap3A_364] {strides = array<i32>} : memref<108x128xi32, #tpu.memory_space<vmem>>, vector<16xi32>,
      tpu.vector_store %arg11[%swap3A_363, %swap3A_364], %get3A_362 {strides = array<i32>} : memref<108x128xi32, #tpu.memory_space<vmem>>, vector<16xi32>,
      %while3A_366 = arith.constant 0 : i32
      scf.yield %while3A_366 : i32
    }
    %while3A_68 = arith.constant 1 : i32
    %while3A_69 = scf.for %while3A_294 = %while3A_65 to %while3A_61 step %while3A_68 iter_args(%while3A_295 = %while3A_67) -> (i32)  : i32 {
      %mul3A_296 = arith.constant 128 : i32
      %mul3A_297 = arith.muli %while3A_294, %mul3A_296 : i32
      %add3A_298 = arith.constant 0 : i32
      %add3A_299 = arith.addi %mul3A_297, %add3A_298 : i32
      %get3A = arith.index_cast %add3A_299 : i32 to index
      %get3A_300 = tpu.vector_load %arg10[%get3A] {strides = array<i32>} : memref<13824xi32, #tpu.memory_space<vmem>>, vector<16xi32>,
      %swap3A = arith.index_cast %while3A_294 : i32 to index
      %swap3A_301 = arith.constant 0 : index
      %swap3A_302 = tpu.vector_load %arg11[%swap3A, %swap3A_301] {strides = array<i32>} : memref<108x128xi32, #tpu.memory_space<vmem>>, vector<16xi32>,
      tpu.vector_store %arg11[%swap3A, %swap3A_301], %get3A_300 {strides = array<i32>} : memref<108x128xi32, #tpu.memory_space<vmem>>, vector<16xi32>,
      %mul3A_303 = arith.constant 128 : i32
      %mul3A_304 = arith.muli %while3A_294, %mul3A_303 : i32
      %add3A_305 = arith.constant 16 : i32
      %add3A_306 = arith.addi %mul3A_304, %add3A_305 : i32
      %get3A_307 = arith.index_cast %add3A_306 : i32 to index
      %get3A_308 = tpu.vector_load %arg10[%get3A_307] {strides = array<i32>} : memref<13824xi32, #tpu.memory_space<vmem>>, vector<16xi32>,
      %swap3A_309 = arith.index_cast %while3A_294 : i32 to index
      %swap3A_310 = arith.constant 16 : index
      %swap3A_311 = tpu.vector_load %arg11[%swap3A_309, %swap3A_310] {strides = array<i32>} : memref<108x128xi32, #tpu.memory_space<vmem>>, vector<16xi32>,
      tpu.vector_store %arg11[%swap3A_309, %swap3A_310], %get3A_308 {strides = array<i32>} : memref<108x128xi32, #tpu.memory_space<vmem>>, vector<16xi32>,
      %mul3A_312 = arith.constant 128 : i32
      %mul3A_313 = arith.muli %while3A_294, %mul3A_312 : i32
      %add3A_314 = arith.constant 32 : i32
      %add3A_315 = arith.addi %mul3A_313, %add3A_314 : i32
      %get3A_316 = arith.index_cast %add3A_315 : i32 to index
      %get3A_317 = tpu.vector_load %arg10[%get3A_316] {strides = array<i32>} : memref<13824xi32, #tpu.memory_space<vmem>>, vector<16xi32>,
      %swap3A_318 = arith.index_cast %while3A_294 : i32 to index
      %swap3A_319 = arith.constant 32 : index
      %swap3A_320 = tpu.vector_load %arg11[%swap3A_318, %swap3A_319] {strides = array<i32>} : memref<108x128xi32, #tpu.memory_space<vmem>>, vector<16xi32>,
      tpu.vector_store %arg11[%swap3A_318, %swap3A_319], %get3A_317 {strides = array<i32>} : memref<108x128xi32, #tpu.memory_space<vmem>>, vector<16xi32>,
      %mul3A_321 = arith.constant 128 : i32
      %mul3A_322 = arith.muli %while3A_294, %mul3A_321 : i32
      %add3A_323 = arith.constant 48 : i32
      %add3A_324 = arith.addi %mul3A_322, %add3A_323 : i32
      %get3A_325 = arith.index_cast %add3A_324 : i32 to index
      %get3A_326 = tpu.vector_load %arg10[%get3A_325] {strides = array<i32>} : memref<13824xi32, #tpu.memory_space<vmem>>, vector<16xi32>,
      %swap3A_327 = arith.index_cast %while3A_294 : i32 to index
      %swap3A_328 = arith.constant 48 : index
      %swap3A_329 = tpu.vector_load %arg11[%swap3A_327, %swap3A_328] {strides = array<i32>} : memref<108x128xi32, #tpu.memory_space<vmem>>, vector<16xi32>,
      tpu.vector_store %arg11[%swap3A_327, %swap3A_328], %get3A_326 {strides = array<i32>} : memref<108x128xi32, #tpu.memory_space<vmem>>, vector<16xi32>,
      %mul3A_330 = arith.constant 128 : i32
      %mul3A_331 = arith.muli %while3A_294, %mul3A_330 : i32
      %add3A_332 = arith.constant 64 : i32
      %add3A_333 = arith.addi %mul3A_331, %add3A_332 : i32
      %get3A_334 = arith.index_cast %add3A_333 : i32 to index
      %get3A_335 = tpu.vector_load %arg10[%get3A_334] {strides = array<i32>} : memref<13824xi32, #tpu.memory_space<vmem>>, vector<16xi32>,
      %swap3A_336 = arith.index_cast %while3A_294 : i32 to index
      %swap3A_337 = arith.constant 64 : index
      %swap3A_338 = tpu.vector_load %arg11[%swap3A_336, %swap3A_337] {strides = array<i32>} : memref<108x128xi32, #tpu.memory_space<vmem>>, vector<16xi32>,
      tpu.vector_store %arg11[%swap3A_336, %swap3A_337], %get3A_335 {strides = array<i32>} : memref<108x128xi32, #tpu.memory_space<vmem>>, vector<16xi32>,
      %mul3A_339 = arith.constant 128 : i32
      %mul3A_340 = arith.muli %while3A_294, %mul3A_339 : i32
      %add3A_341 = arith.constant 80 : i32
      %add3A_342 = arith.addi %mul3A_340, %add3A_341 : i32
      %get3A_343 = arith.index_cast %add3A_342 : i32 to index
      %get3A_344 = tpu.vector_load %arg10[%get3A_343] {strides = array<i32>} : memref<13824xi32, #tpu.memory_space<vmem>>, vector<16xi32>,
      %swap3A_345 = arith.index_cast %while3A_294 : i32 to index
      %swap3A_346 = arith.constant 80 : index
      %swap3A_347 = tpu.vector_load %arg11[%swap3A_345, %swap3A_346] {strides = array<i32>} : memref<108x128xi32, #tpu.memory_space<vmem>>, vector<16xi32>,
      tpu.vector_store %arg11[%swap3A_345, %swap3A_346], %get3A_344 {strides = array<i32>} : memref<108x128xi32, #tpu.memory_space<vmem>>, vector<16xi32>,
      %mul3A_348 = arith.constant 128 : i32
      %mul3A_349 = arith.muli %while3A_294, %mul3A_348 : i32
      %add3A_350 = arith.constant 96 : i32
      %add3A_351 = arith.addi %mul3A_349, %add3A_350 : i32
      %get3A_352 = arith.index_cast %add3A_351 : i32 to index
      %get3A_353 = tpu.vector_load %arg10[%get3A_352] {strides = array<i32>} : memref<13824xi32, #tpu.memory_space<vmem>>, vector<16xi32>,
      %swap3A_354 = arith.index_cast %while3A_294 : i32 to index
      %swap3A_355 = arith.constant 96 : index
      %swap3A_356 = tpu.vector_load %arg11[%swap3A_354, %swap3A_355] {strides = array<i32>} : memref<108x128xi32, #tpu.memory_space<vmem>>, vector<16xi32>,
      tpu.vector_store %arg11[%swap3A_354, %swap3A_355], %get3A_353 {strides = array<i32>} : memref<108x128xi32, #tpu.memory_space<vmem>>, vector<16xi32>,
      %mul3A_357 = arith.constant 128 : i32
      %mul3A_358 = arith.muli %while3A_294, %mul3A_357 : i32
      %add3A_359 = arith.constant 112 : i32
      %add3A_360 = arith.addi %mul3A_358, %add3A_359 : i32
      %get3A_361 = arith.index_cast %add3A_360 : i32 to index
      %get3A_362 = tpu.vector_load %arg10[%get3A_361] {strides = array<i32>} : memref<13824xi32, #tpu.memory_space<vmem>>, vector<16xi32>,
      %swap3A_363 = arith.index_cast %while3A_294 : i32 to index
      %swap3A_364 = arith.constant 112 : index
      %swap3A_365 = tpu.vector_load %arg11[%swap3A_363, %swap3A_364] {strides = array<i32>} : memref<108x128xi32, #tpu.memory_space<vmem>>, vector<16xi32>,
      tpu.vector_store %arg11[%swap3A_363, %swap3A_364], %get3A_362 {strides = array<i32>} : memref<108x128xi32, #tpu.memory_space<vmem>>, vector<16xi32>,
      %while3A_366 = arith.constant 0 : i32
      scf.yield %while3A_366 : i32
    }
    %barrier3A = arith.constant 0 : index
    tpu.barrier barrier_id(%barrier3A)
    %while3A_70 = arith.constant 0 : i32
    %while3A_71 = arith.constant 0 : i32
    %while3A_72 = arith.subi %div3A_55, %while3A_70 : i32
    %while3A_73 = arith.addi %while3A_70, %while3A_72 : i32
    %while3A_74 = arith.constant 1 : i32
    %while3A_75 = arith.divsi %while3A_72, %while3A_74 : i32
    %while3A_76 = arith.muli %while3A_75, %while3A_74 : i32
    %while3A_77 = arith.addi %while3A_70, %while3A_76 : i32
    %while3A_78 = arith.constant 1 : i32
    %while3A_79 = scf.for %while3A_294 = %while3A_70 to %while3A_77 step %while3A_78 iter_args(%while3A_295 = %while3A_71) -> (i32)  : i32 {
      %mul3A_296 = arith.constant 2 : i32
      %mul3A_297 = arith.muli %while3A_294, %mul3A_296 : i32
      %add3A_298 = arith.constant 0 : i32
      %add3A_299 = arith.addi %mul3A_297, %add3A_298 : i32
      %mul3A_300 = arith.constant 128 : i32
      %mul3A_301 = arith.muli %add3A_299, %mul3A_300 : i32
      %dma_start3A = arith.constant 0 : i32
      %dma_start3A_302 = arith.constant 0 : i32
      %dma_start3A_303 = arith.constant 0 : i32
      %dma_start3A_304 = tpu.memref_slice %arg12[%dma_start3A, %dma_start3A_302, %dma_start3A_303] : memref<2x128x128xf32, #tpu.memory_space<vmem>> -> memref<1x128x128xf32, #tpu.memory_space<vmem>>
      %dma_start3A_305 = tpu.memref_squeeze %dma_start3A_304 : memref<1x128x128xf32, #tpu.memory_space<vmem>> -> memref<128x128xf32, #tpu.memory_space<vmem>>
      %dma_start3A_306 = tpu.memref_slice %arg9[%mul3A_301] : memref<13824xi32, #tpu.memory_space<vmem>> -> memref<128xi32, #tpu.memory_space<vmem>>
      %dma_start3A_307 = arith.constant 0 : i32
      %dma_start3A_308 = arith.constant 0 : i32
      %dma_start3A_309 = tpu.memref_slice %arg2[%dma_start3A_307, %dma_start3A_308] : memref<10240x128xf32, #tpu.memory_space<hbm>> -> memref<10240x128xf32, #tpu.memory_space<hbm>>
      tpu.enqueue_indirect_dma source(%dma_start3A_309 : memref<10240x128xf32, #tpu.memory_space<hbm>>) target(%dma_start3A_305 : memref<128x128xf32, #tpu.memory_space<vmem>>) offsets(%dma_start3A_306 : memref<128xi32, #tpu.memory_space<vmem>>) semaphore(%arg14 : memref<!tpu.dma_semaphore, #tpu.memory_space<semaphore_mem>>)
      %add3A_310 = arith.constant 1 : i32
      %add3A_311 = arith.addi %mul3A_297, %add3A_310 : i32
      %mul3A_312 = arith.constant 128 : i32
      %mul3A_313 = arith.muli %add3A_311, %mul3A_312 : i32
      %dma_start3A_314 = arith.constant 1 : i32
      %dma_start3A_315 = arith.constant 0 : i32
      %dma_start3A_316 = arith.constant 0 : i32
      %dma_start3A_317 = tpu.memref_slice %arg12[%dma_start3A_314, %dma_start3A_315, %dma_start3A_316] : memref<2x128x128xf32, #tpu.memory_space<vmem>> -> memref<1x128x128xf32, #tpu.memory_space<vmem>>
      %dma_start3A_318 = tpu.memref_squeeze %dma_start3A_317 : memref<1x128x128xf32, #tpu.memory_space<vmem>> -> memref<128x128xf32, #tpu.memory_space<vmem>>
      %dma_start3A_319 = tpu.memref_slice %arg9[%mul3A_313] : memref<13824xi32, #tpu.memory_space<vmem>> -> memref<128xi32, #tpu.memory_space<vmem>>
      %dma_start3A_320 = arith.constant 0 : i32
      %dma_start3A_321 = arith.constant 0 : i32
      %dma_start3A_322 = tpu.memref_slice %arg2[%dma_start3A_320, %dma_start3A_321] : memref<10240x128xf32, #tpu.memory_space<hbm>> -> memref<10240x128xf32, #tpu.memory_space<hbm>>
      tpu.enqueue_indirect_dma source(%dma_start3A_322 : memref<10240x128xf32, #tpu.memory_space<hbm>>) target(%dma_start3A_318 : memref<128x128xf32, #tpu.memory_space<vmem>>) offsets(%dma_start3A_319 : memref<128xi32, #tpu.memory_space<vmem>>) semaphore(%arg14 : memref<!tpu.dma_semaphore, #tpu.memory_space<semaphore_mem>>)
      %dma_wait3A = arith.constant 0 : i32
      %dma_wait3A_323 = arith.constant 0 : i32
      %dma_wait3A_324 = arith.constant 0 : i32
      %dma_wait3A_325 = tpu.memref_slice %arg12[%dma_wait3A, %dma_wait3A_323, %dma_wait3A_324] : memref<2x128x128xf32, #tpu.memory_space<vmem>> -> memref<1x128x128xf32, #tpu.memory_space<vmem>>
      %dma_wait3A_326 = tpu.memref_squeeze %dma_wait3A_325 : memref<1x128x128xf32, #tpu.memory_space<vmem>> -> memref<128x128xf32, #tpu.memory_space<vmem>>
      %dma_wait3A_327 = tpu.memref_slice %arg9[%mul3A_301] : memref<13824xi32, #tpu.memory_space<vmem>> -> memref<128xi32, #tpu.memory_space<vmem>>
      %dma_wait3A_328 = arith.constant 0 : i32
      %dma_wait3A_329 = arith.constant 0 : i32
      %dma_wait3A_330 = tpu.memref_slice %arg2[%dma_wait3A_328, %dma_wait3A_329] : memref<10240x128xf32, #tpu.memory_space<hbm>> -> memref<10240x128xf32, #tpu.memory_space<hbm>>
      tpu.wait_indirect_dma semaphore(%arg14 : memref<!tpu.dma_semaphore, #tpu.memory_space<semaphore_mem>>) src(%dma_wait3A_330 : memref<10240x128xf32, #tpu.memory_space<hbm>>) dst(%dma_wait3A_326 : memref<128x128xf32, #tpu.memory_space<vmem>>)
      %add3A_331 = arith.constant 0 : i32
      %add3A_332 = arith.addi %mul3A_297, %add3A_331 : i32
      %dma_start3A_333 = arith.constant 0 : i32
      %dma_start3A_334 = arith.constant 0 : i32
      %dma_start3A_335 = arith.constant 0 : i32
      %dma_start3A_336 = tpu.memref_slice %arg12[%dma_start3A_333, %dma_start3A_334, %dma_start3A_335] : memref<2x128x128xf32, #tpu.memory_space<vmem>> -> memref<1x128x128xf32, #tpu.memory_space<vmem>>
      %dma_start3A_337 = tpu.memref_squeeze %dma_start3A_336 : memref<1x128x128xf32, #tpu.memory_space<vmem>> -> memref<128x128xf32, #tpu.memory_space<vmem>>
      %dma_start3A_338 = arith.constant 0 : i32
      %dma_start3A_339 = tpu.memref_slice %arg11[%add3A_332, %dma_start3A_338] : memref<108x128xi32, #tpu.memory_space<vmem>> -> memref<1x128xi32, #tpu.memory_space<vmem>>
      %dma_start3A_340 = tpu.memref_squeeze %dma_start3A_339 : memref<1x128xi32, #tpu.memory_space<vmem>> -> memref<128xi32, #tpu.memory_space<vmem>>
      %dma_start3A_341 = arith.constant 0 : i32
      %dma_start3A_342 = arith.constant 0 : i32
      %dma_start3A_343 = tpu.memref_slice %arg13[%dma_start3A_341, %dma_start3A_342] : memref<3464x128xf32, #tpu.memory_space<vmem_shared>> -> memref<3464x128xf32, #tpu.memory_space<vmem_shared>>
      tpu.enqueue_indirect_dma source(%dma_start3A_337 : memref<128x128xf32, #tpu.memory_space<vmem>>) target(%dma_start3A_343 : memref<3464x128xf32, #tpu.memory_space<vmem_shared>>) offsets(%dma_start3A_340 : memref<128xi32, #tpu.memory_space<vmem>>) semaphore(%arg15 : memref<!tpu.dma_semaphore, #tpu.memory_space<semaphore_mem>>) {add = true}
      %dma_wait3A_344 = arith.constant 1 : i32
      %dma_wait3A_345 = arith.constant 0 : i32
      %dma_wait3A_346 = arith.constant 0 : i32
      %dma_wait3A_347 = tpu.memref_slice %arg12[%dma_wait3A_344, %dma_wait3A_345, %dma_wait3A_346] : memref<2x128x128xf32, #tpu.memory_space<vmem>> -> memref<1x128x128xf32, #tpu.memory_space<vmem>>
      %dma_wait3A_348 = tpu.memref_squeeze %dma_wait3A_347 : memref<1x128x128xf32, #tpu.memory_space<vmem>> -> memref<128x128xf32, #tpu.memory_space<vmem>>
      %dma_wait3A_349 = tpu.memref_slice %arg9[%mul3A_313] : memref<13824xi32, #tpu.memory_space<vmem>> -> memref<128xi32, #tpu.memory_space<vmem>>
      %dma_wait3A_350 = arith.constant 0 : i32
      %dma_wait3A_351 = arith.constant 0 : i32
      %dma_wait3A_352 = tpu.memref_slice %arg2[%dma_wait3A_350, %dma_wait3A_351] : memref<10240x128xf32, #tpu.memory_space<hbm>> -> memref<10240x128xf32, #tpu.memory_space<hbm>>
      tpu.wait_indirect_dma semaphore(%arg14 : memref<!tpu.dma_semaphore, #tpu.memory_space<semaphore_mem>>) src(%dma_wait3A_352 : memref<10240x128xf32, #tpu.memory_space<hbm>>) dst(%dma_wait3A_348 : memref<128x128xf32, #tpu.memory_space<vmem>>)
      %add3A_353 = arith.constant 1 : i32
      %add3A_354 = arith.addi %mul3A_297, %add3A_353 : i32
      %dma_start3A_355 = arith.constant 1 : i32
      %dma_start3A_356 = arith.constant 0 : i32
      %dma_start3A_357 = arith.constant 0 : i32
      %dma_start3A_358 = tpu.memref_slice %arg12[%dma_start3A_355, %dma_start3A_356, %dma_start3A_357] : memref<2x128x128xf32, #tpu.memory_space<vmem>> -> memref<1x128x128xf32, #tpu.memory_space<vmem>>
      %dma_start3A_359 = tpu.memref_squeeze %dma_start3A_358 : memref<1x128x128xf32, #tpu.memory_space<vmem>> -> memref<128x128xf32, #tpu.memory_space<vmem>>
      %dma_start3A_360 = arith.constant 0 : i32
      %dma_start3A_361 = tpu.memref_slice %arg11[%add3A_354, %dma_start3A_360] : memref<108x128xi32, #tpu.memory_space<vmem>> -> memref<1x128xi32, #tpu.memory_space<vmem>>
      %dma_start3A_362 = tpu.memref_squeeze %dma_start3A_361 : memref<1x128xi32, #tpu.memory_space<vmem>> -> memref<128xi32, #tpu.memory_space<vmem>>
      %dma_start3A_363 = arith.constant 0 : i32
      %dma_start3A_364 = arith.constant 0 : i32
      %dma_start3A_365 = tpu.memref_slice %arg13[%dma_start3A_363, %dma_start3A_364] : memref<3464x128xf32, #tpu.memory_space<vmem_shared>> -> memref<3464x128xf32, #tpu.memory_space<vmem_shared>>
      tpu.enqueue_indirect_dma source(%dma_start3A_359 : memref<128x128xf32, #tpu.memory_space<vmem>>) target(%dma_start3A_365 : memref<3464x128xf32, #tpu.memory_space<vmem_shared>>) offsets(%dma_start3A_362 : memref<128xi32, #tpu.memory_space<vmem>>) semaphore(%arg15 : memref<!tpu.dma_semaphore, #tpu.memory_space<semaphore_mem>>) {add = true}
      %dma_wait3A_366 = arith.constant 0 : i32
      %dma_wait3A_367 = arith.constant 0 : i32
      %dma_wait3A_368 = arith.constant 0 : i32
      %dma_wait3A_369 = tpu.memref_slice %arg12[%dma_wait3A_366, %dma_wait3A_367, %dma_wait3A_368] : memref<2x128x128xf32, #tpu.memory_space<vmem>> -> memref<1x128x128xf32, #tpu.memory_space<vmem>>
      %dma_wait3A_370 = tpu.memref_squeeze %dma_wait3A_369 : memref<1x128x128xf32, #tpu.memory_space<vmem>> -> memref<128x128xf32, #tpu.memory_space<vmem>>
      %dma_wait3A_371 = arith.constant 0 : i32
      %dma_wait3A_372 = tpu.memref_slice %arg11[%add3A_332, %dma_wait3A_371] : memref<108x128xi32, #tpu.memory_space<vmem>> -> memref<1x128xi32, #tpu.memory_space<vmem>>
      %dma_wait3A_373 = tpu.memref_squeeze %dma_wait3A_372 : memref<1x128xi32, #tpu.memory_space<vmem>> -> memref<128xi32, #tpu.memory_space<vmem>>
      %dma_wait3A_374 = arith.constant 0 : i32
      %dma_wait3A_375 = arith.constant 0 : i32
      %dma_wait3A_376 = tpu.memref_slice %arg13[%dma_wait3A_374, %dma_wait3A_375] : memref<3464x128xf32, #tpu.memory_space<vmem_shared>> -> memref<3464x128xf32, #tpu.memory_space<vmem_shared>>
      tpu.wait_indirect_dma semaphore(%arg15 : memref<!tpu.dma_semaphore, #tpu.memory_space<semaphore_mem>>) src(%dma_wait3A_370 : memref<128x128xf32, #tpu.memory_space<vmem>>) dst(%dma_wait3A_376 : memref<3464x128xf32, #tpu.memory_space<vmem_shared>>)
      %dma_wait3A_377 = arith.constant 1 : i32
      %dma_wait3A_378 = arith.constant 0 : i32
      %dma_wait3A_379 = arith.constant 0 : i32
      %dma_wait3A_380 = tpu.memref_slice %arg12[%dma_wait3A_377, %dma_wait3A_378, %dma_wait3A_379] : memref<2x128x128xf32, #tpu.memory_space<vmem>> -> memref<1x128x128xf32, #tpu.memory_space<vmem>>
      %dma_wait3A_381 = tpu.memref_squeeze %dma_wait3A_380 : memref<1x128x128xf32, #tpu.memory_space<vmem>> -> memref<128x128xf32, #tpu.memory_space<vmem>>
      %dma_wait3A_382 = arith.constant 0 : i32
      %dma_wait3A_383 = tpu.memref_slice %arg11[%add3A_354, %dma_wait3A_382] : memref<108x128xi32, #tpu.memory_space<vmem>> -> memref<1x128xi32, #tpu.memory_space<vmem>>
      %dma_wait3A_384 = tpu.memref_squeeze %dma_wait3A_383 : memref<1x128xi32, #tpu.memory_space<vmem>> -> memref<128xi32, #tpu.memory_space<vmem>>
      %dma_wait3A_385 = arith.constant 0 : i32
      %dma_wait3A_386 = arith.constant 0 : i32
      %dma_wait3A_387 = tpu.memref_slice %arg13[%dma_wait3A_385, %dma_wait3A_386] : memref<3464x128xf32, #tpu.memory_space<vmem_shared>> -> memref<3464x128xf32, #tpu.memory_space<vmem_shared>>
      tpu.wait_indirect_dma semaphore(%arg15 : memref<!tpu.dma_semaphore, #tpu.memory_space<semaphore_mem>>) src(%dma_wait3A_381 : memref<128x128xf32, #tpu.memory_space<vmem>>) dst(%dma_wait3A_387 : memref<3464x128xf32, #tpu.memory_space<vmem_shared>>)
      %while3A_388 = arith.constant 0 : i32
      scf.yield %while3A_388 : i32
    }
    %while3A_80 = arith.constant 1 : i32
    %while3A_81 = scf.for %while3A_294 = %while3A_77 to %while3A_73 step %while3A_80 iter_args(%while3A_295 = %while3A_79) -> (i32)  : i32 {
      %mul3A_296 = arith.constant 2 : i32
      %mul3A_297 = arith.muli %while3A_294, %mul3A_296 : i32
      %add3A_298 = arith.constant 0 : i32
      %add3A_299 = arith.addi %mul3A_297, %add3A_298 : i32
      %mul3A_300 = arith.constant 128 : i32
      %mul3A_301 = arith.muli %add3A_299, %mul3A_300 : i32
      %dma_start3A = arith.constant 0 : i32
      %dma_start3A_302 = arith.constant 0 : i32
      %dma_start3A_303 = arith.constant 0 : i32
      %dma_start3A_304 = tpu.memref_slice %arg12[%dma_start3A, %dma_start3A_302, %dma_start3A_303] : memref<2x128x128xf32, #tpu.memory_space<vmem>> -> memref<1x128x128xf32, #tpu.memory_space<vmem>>
      %dma_start3A_305 = tpu.memref_squeeze %dma_start3A_304 : memref<1x128x128xf32, #tpu.memory_space<vmem>> -> memref<128x128xf32, #tpu.memory_space<vmem>>
      %dma_start3A_306 = tpu.memref_slice %arg9[%mul3A_301] : memref<13824xi32, #tpu.memory_space<vmem>> -> memref<128xi32, #tpu.memory_space<vmem>>
      %dma_start3A_307 = arith.constant 0 : i32
      %dma_start3A_308 = arith.constant 0 : i32
      %dma_start3A_309 = tpu.memref_slice %arg2[%dma_start3A_307, %dma_start3A_308] : memref<10240x128xf32, #tpu.memory_space<hbm>> -> memref<10240x128xf32, #tpu.memory_space<hbm>>
      tpu.enqueue_indirect_dma source(%dma_start3A_309 : memref<10240x128xf32, #tpu.memory_space<hbm>>) target(%dma_start3A_305 : memref<128x128xf32, #tpu.memory_space<vmem>>) offsets(%dma_start3A_306 : memref<128xi32, #tpu.memory_space<vmem>>) semaphore(%arg14 : memref<!tpu.dma_semaphore, #tpu.memory_space<semaphore_mem>>)
      %add3A_310 = arith.constant 1 : i32
      %add3A_311 = arith.addi %mul3A_297, %add3A_310 : i32
      %mul3A_312 = arith.constant 128 : i32
      %mul3A_313 = arith.muli %add3A_311, %mul3A_312 : i32
      %dma_start3A_314 = arith.constant 1 : i32
      %dma_start3A_315 = arith.constant 0 : i32
      %dma_start3A_316 = arith.constant 0 : i32
      %dma_start3A_317 = tpu.memref_slice %arg12[%dma_start3A_314, %dma_start3A_315, %dma_start3A_316] : memref<2x128x128xf32, #tpu.memory_space<vmem>> -> memref<1x128x128xf32, #tpu.memory_space<vmem>>
      %dma_start3A_318 = tpu.memref_squeeze %dma_start3A_317 : memref<1x128x128xf32, #tpu.memory_space<vmem>> -> memref<128x128xf32, #tpu.memory_space<vmem>>
      %dma_start3A_319 = tpu.memref_slice %arg9[%mul3A_313] : memref<13824xi32, #tpu.memory_space<vmem>> -> memref<128xi32, #tpu.memory_space<vmem>>
      %dma_start3A_320 = arith.constant 0 : i32
      %dma_start3A_321 = arith.constant 0 : i32
      %dma_start3A_322 = tpu.memref_slice %arg2[%dma_start3A_320, %dma_start3A_321] : memref<10240x128xf32, #tpu.memory_space<hbm>> -> memref<10240x128xf32, #tpu.memory_space<hbm>>
      tpu.enqueue_indirect_dma source(%dma_start3A_322 : memref<10240x128xf32, #tpu.memory_space<hbm>>) target(%dma_start3A_318 : memref<128x128xf32, #tpu.memory_space<vmem>>) offsets(%dma_start3A_319 : memref<128xi32, #tpu.memory_space<vmem>>) semaphore(%arg14 : memref<!tpu.dma_semaphore, #tpu.memory_space<semaphore_mem>>)
      %dma_wait3A = arith.constant 0 : i32
      %dma_wait3A_323 = arith.constant 0 : i32
      %dma_wait3A_324 = arith.constant 0 : i32
      %dma_wait3A_325 = tpu.memref_slice %arg12[%dma_wait3A, %dma_wait3A_323, %dma_wait3A_324] : memref<2x128x128xf32, #tpu.memory_space<vmem>> -> memref<1x128x128xf32, #tpu.memory_space<vmem>>
      %dma_wait3A_326 = tpu.memref_squeeze %dma_wait3A_325 : memref<1x128x128xf32, #tpu.memory_space<vmem>> -> memref<128x128xf32, #tpu.memory_space<vmem>>
      %dma_wait3A_327 = tpu.memref_slice %arg9[%mul3A_301] : memref<13824xi32, #tpu.memory_space<vmem>> -> memref<128xi32, #tpu.memory_space<vmem>>
      %dma_wait3A_328 = arith.constant 0 : i32
      %dma_wait3A_329 = arith.constant 0 : i32
      %dma_wait3A_330 = tpu.memref_slice %arg2[%dma_wait3A_328, %dma_wait3A_329] : memref<10240x128xf32, #tpu.memory_space<hbm>> -> memref<10240x128xf32, #tpu.memory_space<hbm>>
      tpu.wait_indirect_dma semaphore(%arg14 : memref<!tpu.dma_semaphore, #tpu.memory_space<semaphore_mem>>) src(%dma_wait3A_330 : memref<10240x128xf32, #tpu.memory_space<hbm>>) dst(%dma_wait3A_326 : memref<128x128xf32, #tpu.memory_space<vmem>>)
      %add3A_331 = arith.constant 0 : i32
      %add3A_332 = arith.addi %mul3A_297, %add3A_331 : i32
      %dma_start3A_333 = arith.constant 0 : i32
      %dma_start3A_334 = arith.constant 0 : i32
      %dma_start3A_335 = arith.constant 0 : i32
      %dma_start3A_336 = tpu.memref_slice %arg12[%dma_start3A_333, %dma_start3A_334, %dma_start3A_335] : memref<2x128x128xf32, #tpu.memory_space<vmem>> -> memref<1x128x128xf32, #tpu.memory_space<vmem>>
      %dma_start3A_337 = tpu.memref_squeeze %dma_start3A_336 : memref<1x128x128xf32, #tpu.memory_space<vmem>> -> memref<128x128xf32, #tpu.memory_space<vmem>>
      %dma_start3A_338 = arith.constant 0 : i32
      %dma_start3A_339 = tpu.memref_slice %arg11[%add3A_332, %dma_start3A_338] : memref<108x128xi32, #tpu.memory_space<vmem>> -> memref<1x128xi32, #tpu.memory_space<vmem>>
      %dma_start3A_340 = tpu.memref_squeeze %dma_start3A_339 : memref<1x128xi32, #tpu.memory_space<vmem>> -> memref<128xi32, #tpu.memory_space<vmem>>
      %dma_start3A_341 = arith.constant 0 : i32
      %dma_start3A_342 = arith.constant 0 : i32
      %dma_start3A_343 = tpu.memref_slice %arg13[%dma_start3A_341, %dma_start3A_342] : memref<3464x128xf32, #tpu.memory_space<vmem_shared>> -> memref<3464x128xf32, #tpu.memory_space<vmem_shared>>
      tpu.enqueue_indirect_dma source(%dma_start3A_337 : memref<128x128xf32, #tpu.memory_space<vmem>>) target(%dma_start3A_343 : memref<3464x128xf32, #tpu.memory_space<vmem_shared>>) offsets(%dma_start3A_340 : memref<128xi32, #tpu.memory_space<vmem>>) semaphore(%arg15 : memref<!tpu.dma_semaphore, #tpu.memory_space<semaphore_mem>>) {add = true}
      %dma_wait3A_344 = arith.constant 1 : i32
      %dma_wait3A_345 = arith.constant 0 : i32
      %dma_wait3A_346 = arith.constant 0 : i32
      %dma_wait3A_347 = tpu.memref_slice %arg12[%dma_wait3A_344, %dma_wait3A_345, %dma_wait3A_346] : memref<2x128x128xf32, #tpu.memory_space<vmem>> -> memref<1x128x128xf32, #tpu.memory_space<vmem>>
      %dma_wait3A_348 = tpu.memref_squeeze %dma_wait3A_347 : memref<1x128x128xf32, #tpu.memory_space<vmem>> -> memref<128x128xf32, #tpu.memory_space<vmem>>
      %dma_wait3A_349 = tpu.memref_slice %arg9[%mul3A_313] : memref<13824xi32, #tpu.memory_space<vmem>> -> memref<128xi32, #tpu.memory_space<vmem>>
      %dma_wait3A_350 = arith.constant 0 : i32
      %dma_wait3A_351 = arith.constant 0 : i32
      %dma_wait3A_352 = tpu.memref_slice %arg2[%dma_wait3A_350, %dma_wait3A_351] : memref<10240x128xf32, #tpu.memory_space<hbm>> -> memref<10240x128xf32, #tpu.memory_space<hbm>>
      tpu.wait_indirect_dma semaphore(%arg14 : memref<!tpu.dma_semaphore, #tpu.memory_space<semaphore_mem>>) src(%dma_wait3A_352 : memref<10240x128xf32, #tpu.memory_space<hbm>>) dst(%dma_wait3A_348 : memref<128x128xf32, #tpu.memory_space<vmem>>)
      %add3A_353 = arith.constant 1 : i32
      %add3A_354 = arith.addi %mul3A_297, %add3A_353 : i32
      %dma_start3A_355 = arith.constant 1 : i32
      %dma_start3A_356 = arith.constant 0 : i32
      %dma_start3A_357 = arith.constant 0 : i32
      %dma_start3A_358 = tpu.memref_slice %arg12[%dma_start3A_355, %dma_start3A_356, %dma_start3A_357] : memref<2x128x128xf32, #tpu.memory_space<vmem>> -> memref<1x128x128xf32, #tpu.memory_space<vmem>>
      %dma_start3A_359 = tpu.memref_squeeze %dma_start3A_358 : memref<1x128x128xf32, #tpu.memory_space<vmem>> -> memref<128x128xf32, #tpu.memory_space<vmem>>
      %dma_start3A_360 = arith.constant 0 : i32
      %dma_start3A_361 = tpu.memref_slice %arg11[%add3A_354, %dma_start3A_360] : memref<108x128xi32, #tpu.memory_space<vmem>> -> memref<1x128xi32, #tpu.memory_space<vmem>>
      %dma_start3A_362 = tpu.memref_squeeze %dma_start3A_361 : memref<1x128xi32, #tpu.memory_space<vmem>> -> memref<128xi32, #tpu.memory_space<vmem>>
      %dma_start3A_363 = arith.constant 0 : i32
      %dma_start3A_364 = arith.constant 0 : i32
      %dma_start3A_365 = tpu.memref_slice %arg13[%dma_start3A_363, %dma_start3A_364] : memref<3464x128xf32, #tpu.memory_space<vmem_shared>> -> memref<3464x128xf32, #tpu.memory_space<vmem_shared>>
      tpu.enqueue_indirect_dma source(%dma_start3A_359 : memref<128x128xf32, #tpu.memory_space<vmem>>) target(%dma_start3A_365 : memref<3464x128xf32, #tpu.memory_space<vmem_shared>>) offsets(%dma_start3A_362 : memref<128xi32, #tpu.memory_space<vmem>>) semaphore(%arg15 : memref<!tpu.dma_semaphore, #tpu.memory_space<semaphore_mem>>) {add = true}
      %dma_wait3A_366 = arith.constant 0 : i32
      %dma_wait3A_367 = arith.constant 0 : i32
      %dma_wait3A_368 = arith.constant 0 : i32
      %dma_wait3A_369 = tpu.memref_slice %arg12[%dma_wait3A_366, %dma_wait3A_367, %dma_wait3A_368] : memref<2x128x128xf32, #tpu.memory_space<vmem>> -> memref<1x128x128xf32, #tpu.memory_space<vmem>>
      %dma_wait3A_370 = tpu.memref_squeeze %dma_wait3A_369 : memref<1x128x128xf32, #tpu.memory_space<vmem>> -> memref<128x128xf32, #tpu.memory_space<vmem>>
      %dma_wait3A_371 = arith.constant 0 : i32
      %dma_wait3A_372 = tpu.memref_slice %arg11[%add3A_332, %dma_wait3A_371] : memref<108x128xi32, #tpu.memory_space<vmem>> -> memref<1x128xi32, #tpu.memory_space<vmem>>
      %dma_wait3A_373 = tpu.memref_squeeze %dma_wait3A_372 : memref<1x128xi32, #tpu.memory_space<vmem>> -> memref<128xi32, #tpu.memory_space<vmem>>
      %dma_wait3A_374 = arith.constant 0 : i32
      %dma_wait3A_375 = arith.constant 0 : i32
      %dma_wait3A_376 = tpu.memref_slice %arg13[%dma_wait3A_374, %dma_wait3A_375] : memref<3464x128xf32, #tpu.memory_space<vmem_shared>> -> memref<3464x128xf32, #tpu.memory_space<vmem_shared>>
      tpu.wait_indirect_dma semaphore(%arg15 : memref<!tpu.dma_semaphore, #tpu.memory_space<semaphore_mem>>) src(%dma_wait3A_370 : memref<128x128xf32, #tpu.memory_space<vmem>>) dst(%dma_wait3A_376 : memref<3464x128xf32, #tpu.memory_space<vmem_shared>>)
      %dma_wait3A_377 = arith.constant 1 : i32
      %dma_wait3A_378 = arith.constant 0 : i32
      %dma_wait3A_379 = arith.constant 0 : i32
      %dma_wait3A_380 = tpu.memref_slice %arg12[%dma_wait3A_377, %dma_wait3A_378, %dma_wait3A_379] : memref<2x128x128xf32, #tpu.memory_space<vmem>> -> memref<1x128x128xf32, #tpu.memory_space<vmem>>
      %dma_wait3A_381 = tpu.memref_squeeze %dma_wait3A_380 : memref<1x128x128xf32, #tpu.memory_space<vmem>> -> memref<128x128xf32, #tpu.memory_space<vmem>>
      %dma_wait3A_382 = arith.constant 0 : i32
      %dma_wait3A_383 = tpu.memref_slice %arg11[%add3A_354, %dma_wait3A_382] : memref<108x128xi32, #tpu.memory_space<vmem>> -> memref<1x128xi32, #tpu.memory_space<vmem>>
      %dma_wait3A_384 = tpu.memref_squeeze %dma_wait3A_383 : memref<1x128xi32, #tpu.memory_space<vmem>> -> memref<128xi32, #tpu.memory_space<vmem>>
      %dma_wait3A_385 = arith.constant 0 : i32
      %dma_wait3A_386 = arith.constant 0 : i32
      %dma_wait3A_387 = tpu.memref_slice %arg13[%dma_wait3A_385, %dma_wait3A_386] : memref<3464x128xf32, #tpu.memory_space<vmem_shared>> -> memref<3464x128xf32, #tpu.memory_space<vmem_shared>>
      tpu.wait_indirect_dma semaphore(%arg15 : memref<!tpu.dma_semaphore, #tpu.memory_space<semaphore_mem>>) src(%dma_wait3A_381 : memref<128x128xf32, #tpu.memory_space<vmem>>) dst(%dma_wait3A_387 : memref<3464x128xf32, #tpu.memory_space<vmem_shared>>)
      %while3A_388 = arith.constant 0 : i32
      scf.yield %while3A_388 : i32
    }
    %barrier3A_82 = arith.constant 0 : index
    tpu.barrier barrier_id(%barrier3A_82)
    %add3A_83 = arith.constant 0 : i32
    %add3A_84 = arith.addi %mul3A_9, %add3A_83 : i32
    %run_scoped3A_85 = arith.constant 0 : i32
    "tpu.region"() ({
      %run_scoped3A_294 = tpu.sem_alloc : memref<!tpu.dma_semaphore, #tpu.memory_space<semaphore_mem>>
      %dma_start3A = arith.constant 0 : i32
      %dma_start3A_295 = arith.constant 0 : i32
      %dma_start3A_296 = tpu.memref_slice %arg12[%run_scoped3A_85, %dma_start3A, %dma_start3A_295] : memref<2x128x128xf32, #tpu.memory_space<vmem>> -> memref<1x128x128xf32, #tpu.memory_space<vmem>>
      %dma_start3A_297 = tpu.memref_squeeze %dma_start3A_296 : memref<1x128x128xf32, #tpu.memory_space<vmem>> -> memref<128x128xf32, #tpu.memory_space<vmem>>
      %dma_start3A_298 = arith.constant 0 : i32
      %dma_start3A_299 = arith.constant 0 : i32
      %dma_start3A_300 = tpu.memref_slice %dma_start3A_297[%dma_start3A_298, %dma_start3A_299] : memref<128x128xf32, #tpu.memory_space<vmem>> -> memref<128x128xf32, #tpu.memory_space<vmem>>
      %dma_start3A_301 = arith.constant 0 : i32
      %dma_start3A_302 = tpu.memref_slice %arg13[%add3A_84, %dma_start3A_301] : memref<3464x128xf32, #tpu.memory_space<vmem_shared>> -> memref<128x128xf32, #tpu.memory_space<vmem_shared>>
      %dma_start3A_303 = arith.constant 0 : i32
      %dma_start3A_304 = arith.constant 0 : i32
      %dma_start3A_305 = tpu.memref_slice %arg12[%run_scoped3A_85, %dma_start3A_303, %dma_start3A_304] : memref<2x128x128xf32, #tpu.memory_space<vmem>> -> memref<1x128x128xf32, #tpu.memory_space<vmem>>
      %dma_start3A_306 = tpu.memref_squeeze %dma_start3A_305 : memref<1x128x128xf32, #tpu.memory_space<vmem>> -> memref<128x128xf32, #tpu.memory_space<vmem>>
      %dma_start3A_307 = arith.constant 0 : i32
      %dma_start3A_308 = arith.constant 0 : i32
      %dma_start3A_309 = tpu.memref_slice %dma_start3A_306[%dma_start3A_307, %dma_start3A_308] : memref<128x128xf32, #tpu.memory_space<vmem>> -> memref<128x128xf32, #tpu.memory_space<vmem>>
      %dma_start3A_310 = arith.constant 0 : i32
      %dma_start3A_311 = tpu.memref_slice %arg13[%add3A_84, %dma_start3A_310] : memref<3464x128xf32, #tpu.memory_space<vmem_shared>> -> memref<128x128xf32, #tpu.memory_space<vmem_shared>>
      tpu.enqueue_dma source(%dma_start3A_311 : memref<128x128xf32, #tpu.memory_space<vmem_shared>>) target(%dma_start3A_309 : memref<128x128xf32, #tpu.memory_space<vmem>>) target_semaphore(%run_scoped3A_294 : memref<!tpu.dma_semaphore, #tpu.memory_space<semaphore_mem>>)
      %dma_wait3A = arith.constant 0 : i32
      %dma_wait3A_312 = arith.constant 0 : i32
      %dma_wait3A_313 = tpu.memref_slice %arg12[%run_scoped3A_85, %dma_wait3A, %dma_wait3A_312] : memref<2x128x128xf32, #tpu.memory_space<vmem>> -> memref<1x128x128xf32, #tpu.memory_space<vmem>>
      %dma_wait3A_314 = tpu.memref_squeeze %dma_wait3A_313 : memref<1x128x128xf32, #tpu.memory_space<vmem>> -> memref<128x128xf32, #tpu.memory_space<vmem>>
      %dma_wait3A_315 = arith.constant 0 : i32
      %dma_wait3A_316 = arith.constant 0 : i32
      %dma_wait3A_317 = tpu.memref_slice %dma_wait3A_314[%dma_wait3A_315, %dma_wait3A_316] : memref<128x128xf32, #tpu.memory_space<vmem>> -> memref<128x128xf32, #tpu.memory_space<vmem>>
      %dma_wait3A_318 = arith.constant 0 : i32
      %dma_wait3A_319 = tpu.memref_slice %arg13[%add3A_84, %dma_wait3A_318] : memref<3464x128xf32, #tpu.memory_space<vmem_shared>> -> memref<128x128xf32, #tpu.memory_space<vmem_shared>>
      %dma_wait3A_320 = arith.constant 0 : i32
      %dma_wait3A_321 = arith.constant 0 : i32
      %dma_wait3A_322 = tpu.memref_slice %arg12[%run_scoped3A_85, %dma_wait3A_320, %dma_wait3A_321] : memref<2x128x128xf32, #tpu.memory_space<vmem>> -> memref<1x128x128xf32, #tpu.memory_space<vmem>>
      %dma_wait3A_323 = tpu.memref_squeeze %dma_wait3A_322 : memref<1x128x128xf32, #tpu.memory_space<vmem>> -> memref<128x128xf32, #tpu.memory_space<vmem>>
      %dma_wait3A_324 = arith.constant 0 : i32
      %dma_wait3A_325 = arith.constant 0 : i32
      %dma_wait3A_326 = tpu.memref_slice %dma_wait3A_323[%dma_wait3A_324, %dma_wait3A_325] : memref<128x128xf32, #tpu.memory_space<vmem>> -> memref<128x128xf32, #tpu.memory_space<vmem>>
      %dma_wait3A_327 = arith.constant 0 : i32
      %dma_wait3A_328 = tpu.memref_slice %arg13[%add3A_84, %dma_wait3A_327] : memref<3464x128xf32, #tpu.memory_space<vmem_shared>> -> memref<128x128xf32, #tpu.memory_space<vmem_shared>>
      tpu.wait_dma2 semaphore(%run_scoped3A_294 : memref<!tpu.dma_semaphore, #tpu.memory_space<semaphore_mem>>) src(%dma_wait3A_328 : memref<128x128xf32, #tpu.memory_space<vmem_shared>>) dst(%dma_wait3A_326 : memref<128x128xf32, #tpu.memory_space<vmem>>)
      tpu.yield
    }) : () -> ()
    %add3A_86 = arith.constant 0 : i32
    %add3A_87 = arith.addi %add3A_86, %mul3A_9 : i32
    %add3A_88 = arith.constant 0 : i32
    %add3A_89 = arith.addi %add3A_87, %add3A_88 : i32
    %run_scoped3A_90 = arith.constant 0 : i32
    "tpu.region"() ({
      %run_scoped3A_294 = tpu.sem_alloc : memref<!tpu.dma_semaphore, #tpu.memory_space<semaphore_mem>>
      %dma_start3A = arith.constant 0 : i32
      %dma_start3A_295 = arith.constant 0 : i32
      %dma_start3A_296 = tpu.memref_slice %arg12[%run_scoped3A_90, %dma_start3A, %dma_start3A_295] : memref<2x128x128xf32, #tpu.memory_space<vmem>> -> memref<1x128x128xf32, #tpu.memory_space<vmem>>
      %dma_start3A_297 = tpu.memref_squeeze %dma_start3A_296 : memref<1x128x128xf32, #tpu.memory_space<vmem>> -> memref<128x128xf32, #tpu.memory_space<vmem>>
      %dma_start3A_298 = arith.constant 0 : i32
      %dma_start3A_299 = arith.constant 0 : i32
      %dma_start3A_300 = tpu.memref_slice %dma_start3A_297[%dma_start3A_298, %dma_start3A_299] : memref<128x128xf32, #tpu.memory_space<vmem>> -> memref<128x128xf32, #tpu.memory_space<vmem>>
      %dma_start3A_301 = arith.constant 0 : i32
      %dma_start3A_302 = tpu.memref_slice %arg6[%arg0, %add3A_89, %dma_start3A_301] : memref<2x10368x128xf32, #tpu.memory_space<hbm>> -> memref<1x128x128xf32, #tpu.memory_space<hbm>>
      %dma_start3A_303 = tpu.memref_squeeze %dma_start3A_302 : memref<1x128x128xf32, #tpu.memory_space<hbm>> -> memref<128x128xf32, #tpu.memory_space<hbm>>
      %dma_start3A_304 = arith.constant 0 : i32
      %dma_start3A_305 = tpu.memref_slice %arg6[%arg0, %add3A_89, %dma_start3A_304] : memref<2x10368x128xf32, #tpu.memory_space<hbm>> -> memref<1x128x128xf32, #tpu.memory_space<hbm>>
      %dma_start3A_306 = tpu.memref_squeeze %dma_start3A_305 : memref<1x128x128xf32, #tpu.memory_space<hbm>> -> memref<128x128xf32, #tpu.memory_space<hbm>>
      %dma_start3A_307 = arith.constant 0 : i32
      %dma_start3A_308 = arith.constant 0 : i32
      %dma_start3A_309 = tpu.memref_slice %arg12[%run_scoped3A_90, %dma_start3A_307, %dma_start3A_308] : memref<2x128x128xf32, #tpu.memory_space<vmem>> -> memref<1x128x128xf32, #tpu.memory_space<vmem>>
      %dma_start3A_310 = tpu.memref_squeeze %dma_start3A_309 : memref<1x128x128xf32, #tpu.memory_space<vmem>> -> memref<128x128xf32, #tpu.memory_space<vmem>>
      %dma_start3A_311 = arith.constant 0 : i32
      %dma_start3A_312 = arith.constant 0 : i32
      %dma_start3A_313 = tpu.memref_slice %dma_start3A_310[%dma_start3A_311, %dma_start3A_312] : memref<128x128xf32, #tpu.memory_space<vmem>> -> memref<128x128xf32, #tpu.memory_space<vmem>>
      tpu.enqueue_dma source(%dma_start3A_313 : memref<128x128xf32, #tpu.memory_space<vmem>>) target(%dma_start3A_306 : memref<128x128xf32, #tpu.memory_space<hbm>>) target_semaphore(%run_scoped3A_294 : memref<!tpu.dma_semaphore, #tpu.memory_space<semaphore_mem>>)
      %dma_wait3A = arith.constant 0 : i32
      %dma_wait3A_314 = arith.constant 0 : i32
      %dma_wait3A_315 = tpu.memref_slice %arg12[%run_scoped3A_90, %dma_wait3A, %dma_wait3A_314] : memref<2x128x128xf32, #tpu.memory_space<vmem>> -> memref<1x128x128xf32, #tpu.memory_space<vmem>>
      %dma_wait3A_316 = tpu.memref_squeeze %dma_wait3A_315 : memref<1x128x128xf32, #tpu.memory_space<vmem>> -> memref<128x128xf32, #tpu.memory_space<vmem>>
      %dma_wait3A_317 = arith.constant 0 : i32
      %dma_wait3A_318 = arith.constant 0 : i32
      %dma_wait3A_319 = tpu.memref_slice %dma_wait3A_316[%dma_wait3A_317, %dma_wait3A_318] : memref<128x128xf32, #tpu.memory_space<vmem>> -> memref<128x128xf32, #tpu.memory_space<vmem>>
      %dma_wait3A_320 = arith.constant 0 : i32
      %dma_wait3A_321 = tpu.memref_slice %arg6[%arg0, %add3A_89, %dma_wait3A_320] : memref<2x10368x128xf32, #tpu.memory_space<hbm>> -> memref<1x128x128xf32, #tpu.memory_space<hbm>>
      %dma_wait3A_322 = tpu.memref_squeeze %dma_wait3A_321 : memref<1x128x128xf32, #tpu.memory_space<hbm>> -> memref<128x128xf32, #tpu.memory_space<hbm>>
      %dma_wait3A_323 = arith.constant 0 : i32
      %dma_wait3A_324 = tpu.memref_slice %arg6[%arg0, %add3A_89, %dma_wait3A_323] : memref<2x10368x128xf32, #tpu.memory_space<hbm>> -> memref<1x128x128xf32, #tpu.memory_space<hbm>>
      %dma_wait3A_325 = tpu.memref_squeeze %dma_wait3A_324 : memref<1x128x128xf32, #tpu.memory_space<hbm>> -> memref<128x128xf32, #tpu.memory_space<hbm>>
      %dma_wait3A_326 = arith.constant 0 : i32
      %dma_wait3A_327 = arith.constant 0 : i32
      %dma_wait3A_328 = tpu.memref_slice %arg12[%run_scoped3A_90, %dma_wait3A_326, %dma_wait3A_327] : memref<2x128x128xf32, #tpu.memory_space<vmem>> -> memref<1x128x128xf32, #tpu.memory_space<vmem>>
      %dma_wait3A_329 = tpu.memref_squeeze %dma_wait3A_328 : memref<1x128x128xf32, #tpu.memory_space<vmem>> -> memref<128x128xf32, #tpu.memory_space<vmem>>
      %dma_wait3A_330 = arith.constant 0 : i32
      %dma_wait3A_331 = arith.constant 0 : i32
      %dma_wait3A_332 = tpu.memref_slice %dma_wait3A_329[%dma_wait3A_330, %dma_wait3A_331] : memref<128x128xf32, #tpu.memory_space<vmem>> -> memref<128x128xf32, #tpu.memory_space<vmem>>
      tpu.wait_dma2 semaphore(%run_scoped3A_294 : memref<!tpu.dma_semaphore, #tpu.memory_space<semaphore_mem>>) src(%dma_wait3A_332 : memref<128x128xf32, #tpu.memory_space<vmem>>) dst(%dma_wait3A_325 : memref<128x128xf32, #tpu.memory_space<hbm>>)
      tpu.yield
    }) : () -> ()
    %add3A_91 = arith.constant 128 : i32
    %add3A_92 = arith.addi %mul3A_9, %add3A_91 : i32
    %run_scoped3A_93 = arith.constant 0 : i32
    "tpu.region"() ({
      %run_scoped3A_294 = tpu.sem_alloc : memref<!tpu.dma_semaphore, #tpu.memory_space<semaphore_mem>>
      %dma_start3A = arith.constant 0 : i32
      %dma_start3A_295 = arith.constant 0 : i32
      %dma_start3A_296 = tpu.memref_slice %arg12[%run_scoped3A_93, %dma_start3A, %dma_start3A_295] : memref<2x128x128xf32, #tpu.memory_space<vmem>> -> memref<1x128x128xf32, #tpu.memory_space<vmem>>
      %dma_start3A_297 = tpu.memref_squeeze %dma_start3A_296 : memref<1x128x128xf32, #tpu.memory_space<vmem>> -> memref<128x128xf32, #tpu.memory_space<vmem>>
      %dma_start3A_298 = arith.constant 0 : i32
      %dma_start3A_299 = arith.constant 0 : i32
      %dma_start3A_300 = tpu.memref_slice %dma_start3A_297[%dma_start3A_298, %dma_start3A_299] : memref<128x128xf32, #tpu.memory_space<vmem>> -> memref<88x128xf32, #tpu.memory_space<vmem>>
      %dma_start3A_301 = arith.constant 0 : i32
      %dma_start3A_302 = tpu.memref_slice %arg13[%add3A_92, %dma_start3A_301] : memref<3464x128xf32, #tpu.memory_space<vmem_shared>> -> memref<88x128xf32, #tpu.memory_space<vmem_shared>>
      %dma_start3A_303 = arith.constant 0 : i32
      %dma_start3A_304 = arith.constant 0 : i32
      %dma_start3A_305 = tpu.memref_slice %arg12[%run_scoped3A_93, %dma_start3A_303, %dma_start3A_304] : memref<2x128x128xf32, #tpu.memory_space<vmem>> -> memref<1x128x128xf32, #tpu.memory_space<vmem>>
      %dma_start3A_306 = tpu.memref_squeeze %dma_start3A_305 : memref<1x128x128xf32, #tpu.memory_space<vmem>> -> memref<128x128xf32, #tpu.memory_space<vmem>>
      %dma_start3A_307 = arith.constant 0 : i32
      %dma_start3A_308 = arith.constant 0 : i32
      %dma_start3A_309 = tpu.memref_slice %dma_start3A_306[%dma_start3A_307, %dma_start3A_308] : memref<128x128xf32, #tpu.memory_space<vmem>> -> memref<88x128xf32, #tpu.memory_space<vmem>>
      %dma_start3A_310 = arith.constant 0 : i32
      %dma_start3A_311 = tpu.memref_slice %arg13[%add3A_92, %dma_start3A_310] : memref<3464x128xf32, #tpu.memory_space<vmem_shared>> -> memref<88x128xf32, #tpu.memory_space<vmem_shared>>
      tpu.enqueue_dma source(%dma_start3A_311 : memref<88x128xf32, #tpu.memory_space<vmem_shared>>) target(%dma_start3A_309 : memref<88x128xf32, #tpu.memory_space<vmem>>) target_semaphore(%run_scoped3A_294 : memref<!tpu.dma_semaphore, #tpu.memory_space<semaphore_mem>>)
      %dma_wait3A = arith.constant 0 : i32
      %dma_wait3A_312 = arith.constant 0 : i32
      %dma_wait3A_313 = tpu.memref_slice %arg12[%run_scoped3A_93, %dma_wait3A, %dma_wait3A_312] : memref<2x128x128xf32, #tpu.memory_space<vmem>> -> memref<1x128x128xf32, #tpu.memory_space<vmem>>
      %dma_wait3A_314 = tpu.memref_squeeze %dma_wait3A_313 : memref<1x128x128xf32, #tpu.memory_space<vmem>> -> memref<128x128xf32, #tpu.memory_space<vmem>>
      %dma_wait3A_315 = arith.constant 0 : i32
      %dma_wait3A_316 = arith.constant 0 : i32
      %dma_wait3A_317 = tpu.memref_slice %dma_wait3A_314[%dma_wait3A_315, %dma_wait3A_316] : memref<128x128xf32, #tpu.memory_space<vmem>> -> memref<88x128xf32, #tpu.memory_space<vmem>>
      %dma_wait3A_318 = arith.constant 0 : i32
      %dma_wait3A_319 = tpu.memref_slice %arg13[%add3A_92, %dma_wait3A_318] : memref<3464x128xf32, #tpu.memory_space<vmem_shared>> -> memref<88x128xf32, #tpu.memory_space<vmem_shared>>
      %dma_wait3A_320 = arith.constant 0 : i32
      %dma_wait3A_321 = arith.constant 0 : i32
      %dma_wait3A_322 = tpu.memref_slice %arg12[%run_scoped3A_93, %dma_wait3A_320, %dma_wait3A_321] : memref<2x128x128xf32, #tpu.memory_space<vmem>> -> memref<1x128x128xf32, #tpu.memory_space<vmem>>
      %dma_wait3A_323 = tpu.memref_squeeze %dma_wait3A_322 : memref<1x128x128xf32, #tpu.memory_space<vmem>> -> memref<128x128xf32, #tpu.memory_space<vmem>>
      %dma_wait3A_324 = arith.constant 0 : i32
      %dma_wait3A_325 = arith.constant 0 : i32
      %dma_wait3A_326 = tpu.memref_slice %dma_wait3A_323[%dma_wait3A_324, %dma_wait3A_325] : memref<128x128xf32, #tpu.memory_space<vmem>> -> memref<88x128xf32, #tpu.memory_space<vmem>>
      %dma_wait3A_327 = arith.constant 0 : i32
      %dma_wait3A_328 = tpu.memref_slice %arg13[%add3A_92, %dma_wait3A_327] : memref<3464x128xf32, #tpu.memory_space<vmem_shared>> -> memref<88x128xf32, #tpu.memory_space<vmem_shared>>
      tpu.wait_dma2 semaphore(%run_scoped3A_294 : memref<!tpu.dma_semaphore, #tpu.memory_space<semaphore_mem>>) src(%dma_wait3A_328 : memref<88x128xf32, #tpu.memory_space<vmem_shared>>) dst(%dma_wait3A_326 : memref<88x128xf32, #tpu.memory_space<vmem>>)
      tpu.yield
    }) : () -> ()
    %add3A_94 = arith.constant 0 : i32
    %add3A_95 = arith.addi %add3A_94, %mul3A_9 : i32
    %add3A_96 = arith.constant 128 : i32
    %add3A_97 = arith.addi %add3A_95, %add3A_96 : i32
    %run_scoped3A_98 = arith.constant 0 : i32
    "tpu.region"() ({
      %run_scoped3A_294 = tpu.sem_alloc : memref<!tpu.dma_semaphore, #tpu.memory_space<semaphore_mem>>
      %dma_start3A = arith.constant 0 : i32
      %dma_start3A_295 = arith.constant 0 : i32
      %dma_start3A_296 = tpu.memref_slice %arg12[%run_scoped3A_98, %dma_start3A, %dma_start3A_295] : memref<2x128x128xf32, #tpu.memory_space<vmem>> -> memref<1x128x128xf32, #tpu.memory_space<vmem>>
      %dma_start3A_297 = tpu.memref_squeeze %dma_start3A_296 : memref<1x128x128xf32, #tpu.memory_space<vmem>> -> memref<128x128xf32, #tpu.memory_space<vmem>>
      %dma_start3A_298 = arith.constant 0 : i32
      %dma_start3A_299 = arith.constant 0 : i32
      %dma_start3A_300 = tpu.memref_slice %dma_start3A_297[%dma_start3A_298, %dma_start3A_299] : memref<128x128xf32, #tpu.memory_space<vmem>> -> memref<88x128xf32, #tpu.memory_space<vmem>>
      %dma_start3A_301 = arith.constant 0 : i32
      %dma_start3A_302 = tpu.memref_slice %arg6[%arg0, %add3A_97, %dma_start3A_301] : memref<2x10368x128xf32, #tpu.memory_space<hbm>> -> memref<1x88x128xf32, #tpu.memory_space<hbm>>
      %dma_start3A_303 = tpu.memref_squeeze %dma_start3A_302 : memref<1x88x128xf32, #tpu.memory_space<hbm>> -> memref<88x128xf32, #tpu.memory_space<hbm>>
      %dma_start3A_304 = arith.constant 0 : i32
      %dma_start3A_305 = tpu.memref_slice %arg6[%arg0, %add3A_97, %dma_start3A_304] : memref<2x10368x128xf32, #tpu.memory_space<hbm>> -> memref<1x88x128xf32, #tpu.memory_space<hbm>>
      %dma_start3A_306 = tpu.memref_squeeze %dma_start3A_305 : memref<1x88x128xf32, #tpu.memory_space<hbm>> -> memref<88x128xf32, #tpu.memory_space<hbm>>
      %dma_start3A_307 = arith.constant 0 : i32
      %dma_start3A_308 = arith.constant 0 : i32
      %dma_start3A_309 = tpu.memref_slice %arg12[%run_scoped3A_98, %dma_start3A_307, %dma_start3A_308] : memref<2x128x128xf32, #tpu.memory_space<vmem>> -> memref<1x128x128xf32, #tpu.memory_space<vmem>>
      %dma_start3A_310 = tpu.memref_squeeze %dma_start3A_309 : memref<1x128x128xf32, #tpu.memory_space<vmem>> -> memref<128x128xf32, #tpu.memory_space<vmem>>
      %dma_start3A_311 = arith.constant 0 : i32
      %dma_start3A_312 = arith.constant 0 : i32
      %dma_start3A_313 = tpu.memref_slice %dma_start3A_310[%dma_start3A_311, %dma_start3A_312] : memref<128x128xf32, #tpu.memory_space<vmem>> -> memref<88x128xf32, #tpu.memory_space<vmem>>
      tpu.enqueue_dma source(%dma_start3A_313 : memref<88x128xf32, #tpu.memory_space<vmem>>) target(%dma_start3A_306 : memref<88x128xf32, #tpu.memory_space<hbm>>) target_semaphore(%run_scoped3A_294 : memref<!tpu.dma_semaphore, #tpu.memory_space<semaphore_mem>>)
      %dma_wait3A = arith.constant 0 : i32
      %dma_wait3A_314 = arith.constant 0 : i32
      %dma_wait3A_315 = tpu.memref_slice %arg12[%run_scoped3A_98, %dma_wait3A, %dma_wait3A_314] : memref<2x128x128xf32, #tpu.memory_space<vmem>> -> memref<1x128x128xf32, #tpu.memory_space<vmem>>
      %dma_wait3A_316 = tpu.memref_squeeze %dma_wait3A_315 : memref<1x128x128xf32, #tpu.memory_space<vmem>> -> memref<128x128xf32, #tpu.memory_space<vmem>>
      %dma_wait3A_317 = arith.constant 0 : i32
      %dma_wait3A_318 = arith.constant 0 : i32
      %dma_wait3A_319 = tpu.memref_slice %dma_wait3A_316[%dma_wait3A_317, %dma_wait3A_318] : memref<128x128xf32, #tpu.memory_space<vmem>> -> memref<88x128xf32, #tpu.memory_space<vmem>>
      %dma_wait3A_320 = arith.constant 0 : i32
      %dma_wait3A_321 = tpu.memref_slice %arg6[%arg0, %add3A_97, %dma_wait3A_320] : memref<2x10368x128xf32, #tpu.memory_space<hbm>> -> memref<1x88x128xf32, #tpu.memory_space<hbm>>
      %dma_wait3A_322 = tpu.memref_squeeze %dma_wait3A_321 : memref<1x88x128xf32, #tpu.memory_space<hbm>> -> memref<88x128xf32, #tpu.memory_space<hbm>>
      %dma_wait3A_323 = arith.constant 0 : i32
      %dma_wait3A_324 = tpu.memref_slice %arg6[%arg0, %add3A_97, %dma_wait3A_323] : memref<2x10368x128xf32, #tpu.memory_space<hbm>> -> memref<1x88x128xf32, #tpu.memory_space<hbm>>
      %dma_wait3A_325 = tpu.memref_squeeze %dma_wait3A_324 : memref<1x88x128xf32, #tpu.memory_space<hbm>> -> memref<88x128xf32, #tpu.memory_space<hbm>>
      %dma_wait3A_326 = arith.constant 0 : i32
      %dma_wait3A_327 = arith.constant 0 : i32
      %dma_wait3A_328 = tpu.memref_slice %arg12[%run_scoped3A_98, %dma_wait3A_326, %dma_wait3A_327] : memref<2x128x128xf32, #tpu.memory_space<vmem>> -> memref<1x128x128xf32, #tpu.memory_space<vmem>>
      %dma_wait3A_329 = tpu.memref_squeeze %dma_wait3A_328 : memref<1x128x128xf32, #tpu.memory_space<vmem>> -> memref<128x128xf32, #tpu.memory_space<vmem>>
      %dma_wait3A_330 = arith.constant 0 : i32
      %dma_wait3A_331 = arith.constant 0 : i32
      %dma_wait3A_332 = tpu.memref_slice %dma_wait3A_329[%dma_wait3A_330, %dma_wait3A_331] : memref<128x128xf32, #tpu.memory_space<vmem>> -> memref<88x128xf32, #tpu.memory_space<vmem>>
      tpu.wait_dma2 semaphore(%run_scoped3A_294 : memref<!tpu.dma_semaphore, #tpu.memory_space<semaphore_mem>>) src(%dma_wait3A_332 : memref<88x128xf32, #tpu.memory_space<vmem>>) dst(%dma_wait3A_325 : memref<88x128xf32, #tpu.memory_space<hbm>>)
      tpu.yield
    }) : () -> ()
    %barrier3A_99 = arith.constant 0 : index
    tpu.barrier barrier_id(%barrier3A_99)
    "tpu.region"() ({
      %run_scoped3A_294 = tpu.sem_alloc : memref<!tpu.dma_semaphore, #tpu.memory_space<semaphore_mem>>
      %dma_start3A = arith.constant 0 : i32
      %dma_start3A_295 = arith.constant 0 : i32
      %dma_start3A_296 = tpu.memref_slice %arg4[%add3A, %dma_start3A, %dma_start3A_295] : memref<32x80x128xi32, #tpu.memory_space<hbm>> -> memref<1x80x128xi32, #tpu.memory_space<hbm>>
      %dma_start3A_297 = tpu.memref_squeeze %dma_start3A_296 : memref<1x80x128xi32, #tpu.memory_space<hbm>> -> memref<80x128xi32, #tpu.memory_space<hbm>>
      %dma_start3A_298 = arith.constant 0 : i32
      %dma_start3A_299 = arith.constant 0 : i32
      %dma_start3A_300 = tpu.memref_slice %arg4[%add3A, %dma_start3A_298, %dma_start3A_299] : memref<32x80x128xi32, #tpu.memory_space<hbm>> -> memref<1x80x128xi32, #tpu.memory_space<hbm>>
      %dma_start3A_301 = tpu.memref_squeeze %dma_start3A_300 : memref<1x80x128xi32, #tpu.memory_space<hbm>> -> memref<80x128xi32, #tpu.memory_space<hbm>>
      tpu.enqueue_dma source(%dma_start3A_301 : memref<80x128xi32, #tpu.memory_space<hbm>>) target(%arg7 : memref<80x128xi32, #tpu.memory_space<vmem>>) target_semaphore(%run_scoped3A_294 : memref<!tpu.dma_semaphore, #tpu.memory_space<semaphore_mem>>)
      %dma_wait3A = arith.constant 0 : i32
      %dma_wait3A_302 = arith.constant 0 : i32
      %dma_wait3A_303 = tpu.memref_slice %arg4[%add3A, %dma_wait3A, %dma_wait3A_302] : memref<32x80x128xi32, #tpu.memory_space<hbm>> -> memref<1x80x128xi32, #tpu.memory_space<hbm>>
      %dma_wait3A_304 = tpu.memref_squeeze %dma_wait3A_303 : memref<1x80x128xi32, #tpu.memory_space<hbm>> -> memref<80x128xi32, #tpu.memory_space<hbm>>
      %dma_wait3A_305 = arith.constant 0 : i32
      %dma_wait3A_306 = arith.constant 0 : i32
      %dma_wait3A_307 = tpu.memref_slice %arg4[%add3A, %dma_wait3A_305, %dma_wait3A_306] : memref<32x80x128xi32, #tpu.memory_space<hbm>> -> memref<1x80x128xi32, #tpu.memory_space<hbm>>
      %dma_wait3A_308 = tpu.memref_squeeze %dma_wait3A_307 : memref<1x80x128xi32, #tpu.memory_space<hbm>> -> memref<80x128xi32, #tpu.memory_space<hbm>>
      tpu.wait_dma2 semaphore(%run_scoped3A_294 : memref<!tpu.dma_semaphore, #tpu.memory_space<semaphore_mem>>) src(%dma_wait3A_308 : memref<80x128xi32, #tpu.memory_space<hbm>>) dst(%arg7 : memref<80x128xi32, #tpu.memory_space<vmem>>)
      tpu.yield
    }) : () -> ()
    %eq3A_100 = arith.constant 0 : i32
    %eq3A_101 = arith.cmpi eq, %arg0, %eq3A_100 : i32
    %convert_element_type3A_102 = arith.extui %eq3A_101 : i1 to i32
    %cond3A_103 = arith.constant 0 : i32
    %cond3A_104 = arith.cmpi ne, %convert_element_type3A_102, %cond3A_103 : i32
    scf.if %cond3A_104 {
      %add3A_294 = arith.constant 16 : i32
      %add3A_295 = arith.addi %add3A, %add3A_294 : i32
      "tpu.region"() ({
        %run_scoped3A_296 = tpu.sem_alloc : memref<!tpu.dma_semaphore, #tpu.memory_space<semaphore_mem>>
        %dma_start3A = arith.constant 0 : i32
        %dma_start3A_297 = arith.constant 0 : i32
        %dma_start3A_298 = tpu.memref_slice %arg4[%add3A_295, %dma_start3A, %dma_start3A_297] : memref<32x80x128xi32, #tpu.memory_space<hbm>> -> memref<1x80x128xi32, #tpu.memory_space<hbm>>
        %dma_start3A_299 = tpu.memref_squeeze %dma_start3A_298 : memref<1x80x128xi32, #tpu.memory_space<hbm>> -> memref<80x128xi32, #tpu.memory_space<hbm>>
        %dma_start3A_300 = arith.constant 56 : i32
        %dma_start3A_301 = arith.constant 0 : i32
        %dma_start3A_302 = tpu.memref_slice %dma_start3A_299[%dma_start3A_300, %dma_start3A_301] : memref<80x128xi32, #tpu.memory_space<hbm>> -> memref<24x128xi32, #tpu.memory_space<hbm>>
        %dma_start3A_303 = arith.constant 0 : i32
        %dma_start3A_304 = arith.constant 0 : i32
        %dma_start3A_305 = tpu.memref_slice %arg4[%add3A_295, %dma_start3A_303, %dma_start3A_304] : memref<32x80x128xi32, #tpu.memory_space<hbm>> -> memref<1x80x128xi32, #tpu.memory_space<hbm>>
        %dma_start3A_306 = tpu.memref_squeeze %dma_start3A_305 : memref<1x80x128xi32, #tpu.memory_space<hbm>> -> memref<80x128xi32, #tpu.memory_space<hbm>>
        %dma_start3A_307 = arith.constant 56 : i32
        %dma_start3A_308 = arith.constant 0 : i32
        %dma_start3A_309 = tpu.memref_slice %dma_start3A_306[%dma_start3A_307, %dma_start3A_308] : memref<80x128xi32, #tpu.memory_space<hbm>> -> memref<24x128xi32, #tpu.memory_space<hbm>>
        tpu.enqueue_dma source(%dma_start3A_309 : memref<24x128xi32, #tpu.memory_space<hbm>>) target(%arg8 : memref<24x128xi32, #tpu.memory_space<vmem>>) target_semaphore(%run_scoped3A_296 : memref<!tpu.dma_semaphore, #tpu.memory_space<semaphore_mem>>)
        %dma_wait3A = arith.constant 0 : i32
        %dma_wait3A_310 = arith.constant 0 : i32
        %dma_wait3A_311 = tpu.memref_slice %arg4[%add3A_295, %dma_wait3A, %dma_wait3A_310] : memref<32x80x128xi32, #tpu.memory_space<hbm>> -> memref<1x80x128xi32, #tpu.memory_space<hbm>>
        %dma_wait3A_312 = tpu.memref_squeeze %dma_wait3A_311 : memref<1x80x128xi32, #tpu.memory_space<hbm>> -> memref<80x128xi32, #tpu.memory_space<hbm>>
        %dma_wait3A_313 = arith.constant 56 : i32
        %dma_wait3A_314 = arith.constant 0 : i32
        %dma_wait3A_315 = tpu.memref_slice %dma_wait3A_312[%dma_wait3A_313, %dma_wait3A_314] : memref<80x128xi32, #tpu.memory_space<hbm>> -> memref<24x128xi32, #tpu.memory_space<hbm>>
        %dma_wait3A_316 = arith.constant 0 : i32
        %dma_wait3A_317 = arith.constant 0 : i32
        %dma_wait3A_318 = tpu.memref_slice %arg4[%add3A_295, %dma_wait3A_316, %dma_wait3A_317] : memref<32x80x128xi32, #tpu.memory_space<hbm>> -> memref<1x80x128xi32, #tpu.memory_space<hbm>>
        %dma_wait3A_319 = tpu.memref_squeeze %dma_wait3A_318 : memref<1x80x128xi32, #tpu.memory_space<hbm>> -> memref<80x128xi32, #tpu.memory_space<hbm>>
        %dma_wait3A_320 = arith.constant 56 : i32
        %dma_wait3A_321 = arith.constant 0 : i32
        %dma_wait3A_322 = tpu.memref_slice %dma_wait3A_319[%dma_wait3A_320, %dma_wait3A_321] : memref<80x128xi32, #tpu.memory_space<hbm>> -> memref<24x128xi32, #tpu.memory_space<hbm>>
        tpu.wait_dma2 semaphore(%run_scoped3A_296 : memref<!tpu.dma_semaphore, #tpu.memory_space<semaphore_mem>>) src(%dma_wait3A_322 : memref<24x128xi32, #tpu.memory_space<hbm>>) dst(%arg8 : memref<24x128xi32, #tpu.memory_space<vmem>>)
        tpu.yield
      }) : () -> ()
    } else {
    }
    %scan3A_105 = arith.constant 0 : i32
    %scan3A_106 = arith.constant 0 : i32
    %scan3A_107 = arith.constant 1024 : i32
    %scan3A_108 = arith.addi %scan3A_106, %scan3A_107 : i32
    %scan3A_109 = arith.constant 1 : i32
    %scan3A_110 = scf.for %scan3A_294 = %scan3A_106 to %scan3A_108 step %scan3A_109 iter_args(%scan3A_295 = %scan3A_105) -> (i32)  : i32 {
      %broadcast_in_dim3A = arith.constant 0.000000e+00 : f32
      %broadcast_in_dim3A_296 = vector.broadcast %broadcast_in_dim3A : f32 to vector<16xf32>
      %div3A_297 = arith.constant 8 : i32
      %div3A_298 = arith.divsi %scan3A_294, %div3A_297 : i32
      %rem3A = arith.constant 8 : i32
      %rem3A_299 = arith.remsi %scan3A_294, %rem3A : i32
      %mul3A_300 = arith.constant 16 : i32
      %mul3A_301 = arith.muli %rem3A_299, %mul3A_300 : i32
      %swap3A = arith.constant 0 : i32
      %swap3A_302 = arith.index_cast %swap3A : i32 to index
      %swap3A_303 = arith.index_cast %div3A_298 : i32 to index
      %swap3A_304 = arith.index_cast %mul3A_301 : i32 to index
      %swap3A_305 = tpu.vector_load %arg12[%swap3A_302, %swap3A_303, %swap3A_304] {strides = array<i32>} : memref<2x128x128xf32, #tpu.memory_space<vmem>>, vector<16xf32>,
      tpu.vector_store %arg12[%swap3A_302, %swap3A_303, %swap3A_304], %broadcast_in_dim3A_296 {strides = array<i32>} : memref<2x128x128xf32, #tpu.memory_space<vmem>>, vector<16xf32>,
      %scan3A_306 = arith.constant 0 : i32
      scf.yield %scan3A_306 : i32
    }
    %scan3A_111 = arith.constant 1024 : i32
    %add3A_112 = arith.constant 0 : i32
    %add3A_113 = arith.addi %mul3A_9, %add3A_112 : i32
    %run_scoped3A_114 = arith.constant 0 : i32
    "tpu.region"() ({
      %run_scoped3A_294 = tpu.sem_alloc : memref<!tpu.dma_semaphore, #tpu.memory_space<semaphore_mem>>
      %dma_start3A = arith.constant 0 : i32
      %dma_start3A_295 = arith.constant 0 : i32
      %dma_start3A_296 = tpu.memref_slice %arg12[%run_scoped3A_114, %dma_start3A, %dma_start3A_295] : memref<2x128x128xf32, #tpu.memory_space<vmem>> -> memref<1x128x128xf32, #tpu.memory_space<vmem>>
      %dma_start3A_297 = tpu.memref_squeeze %dma_start3A_296 : memref<1x128x128xf32, #tpu.memory_space<vmem>> -> memref<128x128xf32, #tpu.memory_space<vmem>>
      %dma_start3A_298 = arith.constant 0 : i32
      %dma_start3A_299 = arith.constant 0 : i32
      %dma_start3A_300 = tpu.memref_slice %dma_start3A_297[%dma_start3A_298, %dma_start3A_299] : memref<128x128xf32, #tpu.memory_space<vmem>> -> memref<128x128xf32, #tpu.memory_space<vmem>>
      %dma_start3A_301 = arith.constant 0 : i32
      %dma_start3A_302 = tpu.memref_slice %arg13[%add3A_113, %dma_start3A_301] : memref<3464x128xf32, #tpu.memory_space<vmem_shared>> -> memref<128x128xf32, #tpu.memory_space<vmem_shared>>
      %dma_start3A_303 = arith.constant 0 : i32
      %dma_start3A_304 = tpu.memref_slice %arg13[%add3A_113, %dma_start3A_303] : memref<3464x128xf32, #tpu.memory_space<vmem_shared>> -> memref<128x128xf32, #tpu.memory_space<vmem_shared>>
      %dma_start3A_305 = arith.constant 0 : i32
      %dma_start3A_306 = arith.constant 0 : i32
      %dma_start3A_307 = tpu.memref_slice %arg12[%run_scoped3A_114, %dma_start3A_305, %dma_start3A_306] : memref<2x128x128xf32, #tpu.memory_space<vmem>> -> memref<1x128x128xf32, #tpu.memory_space<vmem>>
      %dma_start3A_308 = tpu.memref_squeeze %dma_start3A_307 : memref<1x128x128xf32, #tpu.memory_space<vmem>> -> memref<128x128xf32, #tpu.memory_space<vmem>>
      %dma_start3A_309 = arith.constant 0 : i32
      %dma_start3A_310 = arith.constant 0 : i32
      %dma_start3A_311 = tpu.memref_slice %dma_start3A_308[%dma_start3A_309, %dma_start3A_310] : memref<128x128xf32, #tpu.memory_space<vmem>> -> memref<128x128xf32, #tpu.memory_space<vmem>>
      tpu.enqueue_dma source(%dma_start3A_311 : memref<128x128xf32, #tpu.memory_space<vmem>>) target(%dma_start3A_304 : memref<128x128xf32, #tpu.memory_space<vmem_shared>>) target_semaphore(%run_scoped3A_294 : memref<!tpu.dma_semaphore, #tpu.memory_space<semaphore_mem>>)
      %dma_wait3A = arith.constant 0 : i32
      %dma_wait3A_312 = arith.constant 0 : i32
      %dma_wait3A_313 = tpu.memref_slice %arg12[%run_scoped3A_114, %dma_wait3A, %dma_wait3A_312] : memref<2x128x128xf32, #tpu.memory_space<vmem>> -> memref<1x128x128xf32, #tpu.memory_space<vmem>>
      %dma_wait3A_314 = tpu.memref_squeeze %dma_wait3A_313 : memref<1x128x128xf32, #tpu.memory_space<vmem>> -> memref<128x128xf32, #tpu.memory_space<vmem>>
      %dma_wait3A_315 = arith.constant 0 : i32
      %dma_wait3A_316 = arith.constant 0 : i32
      %dma_wait3A_317 = tpu.memref_slice %dma_wait3A_314[%dma_wait3A_315, %dma_wait3A_316] : memref<128x128xf32, #tpu.memory_space<vmem>> -> memref<128x128xf32, #tpu.memory_space<vmem>>
      %dma_wait3A_318 = arith.constant 0 : i32
      %dma_wait3A_319 = tpu.memref_slice %arg13[%add3A_113, %dma_wait3A_318] : memref<3464x128xf32, #tpu.memory_space<vmem_shared>> -> memref<128x128xf32, #tpu.memory_space<vmem_shared>>
      %dma_wait3A_320 = arith.constant 0 : i32
      %dma_wait3A_321 = tpu.memref_slice %arg13[%add3A_113, %dma_wait3A_320] : memref<3464x128xf32, #tpu.memory_space<vmem_shared>> -> memref<128x128xf32, #tpu.memory_space<vmem_shared>>
      %dma_wait3A_322 = arith.constant 0 : i32
      %dma_wait3A_323 = arith.constant 0 : i32
      %dma_wait3A_324 = tpu.memref_slice %arg12[%run_scoped3A_114, %dma_wait3A_322, %dma_wait3A_323] : memref<2x128x128xf32, #tpu.memory_space<vmem>> -> memref<1x128x128xf32, #tpu.memory_space<vmem>>
      %dma_wait3A_325 = tpu.memref_squeeze %dma_wait3A_324 : memref<1x128x128xf32, #tpu.memory_space<vmem>> -> memref<128x128xf32, #tpu.memory_space<vmem>>
      %dma_wait3A_326 = arith.constant 0 : i32
      %dma_wait3A_327 = arith.constant 0 : i32
      %dma_wait3A_328 = tpu.memref_slice %dma_wait3A_325[%dma_wait3A_326, %dma_wait3A_327] : memref<128x128xf32, #tpu.memory_space<vmem>> -> memref<128x128xf32, #tpu.memory_space<vmem>>
      tpu.wait_dma2 semaphore(%run_scoped3A_294 : memref<!tpu.dma_semaphore, #tpu.memory_space<semaphore_mem>>) src(%dma_wait3A_328 : memref<128x128xf32, #tpu.memory_space<vmem>>) dst(%dma_wait3A_321 : memref<128x128xf32, #tpu.memory_space<vmem_shared>>)
      tpu.yield
    }) : () -> ()
    %add3A_115 = arith.constant 128 : i32
    %add3A_116 = arith.addi %mul3A_9, %add3A_115 : i32
    %run_scoped3A_117 = arith.constant 0 : i32
    "tpu.region"() ({
      %run_scoped3A_294 = tpu.sem_alloc : memref<!tpu.dma_semaphore, #tpu.memory_space<semaphore_mem>>
      %dma_start3A = arith.constant 0 : i32
      %dma_start3A_295 = arith.constant 0 : i32
      %dma_start3A_296 = tpu.memref_slice %arg12[%run_scoped3A_117, %dma_start3A, %dma_start3A_295] : memref<2x128x128xf32, #tpu.memory_space<vmem>> -> memref<1x128x128xf32, #tpu.memory_space<vmem>>
      %dma_start3A_297 = tpu.memref_squeeze %dma_start3A_296 : memref<1x128x128xf32, #tpu.memory_space<vmem>> -> memref<128x128xf32, #tpu.memory_space<vmem>>
      %dma_start3A_298 = arith.constant 0 : i32
      %dma_start3A_299 = arith.constant 0 : i32
      %dma_start3A_300 = tpu.memref_slice %dma_start3A_297[%dma_start3A_298, %dma_start3A_299] : memref<128x128xf32, #tpu.memory_space<vmem>> -> memref<88x128xf32, #tpu.memory_space<vmem>>
      %dma_start3A_301 = arith.constant 0 : i32
      %dma_start3A_302 = tpu.memref_slice %arg13[%add3A_116, %dma_start3A_301] : memref<3464x128xf32, #tpu.memory_space<vmem_shared>> -> memref<88x128xf32, #tpu.memory_space<vmem_shared>>
      %dma_start3A_303 = arith.constant 0 : i32
      %dma_start3A_304 = tpu.memref_slice %arg13[%add3A_116, %dma_start3A_303] : memref<3464x128xf32, #tpu.memory_space<vmem_shared>> -> memref<88x128xf32, #tpu.memory_space<vmem_shared>>
      %dma_start3A_305 = arith.constant 0 : i32
      %dma_start3A_306 = arith.constant 0 : i32
      %dma_start3A_307 = tpu.memref_slice %arg12[%run_scoped3A_117, %dma_start3A_305, %dma_start3A_306] : memref<2x128x128xf32, #tpu.memory_space<vmem>> -> memref<1x128x128xf32, #tpu.memory_space<vmem>>
      %dma_start3A_308 = tpu.memref_squeeze %dma_start3A_307 : memref<1x128x128xf32, #tpu.memory_space<vmem>> -> memref<128x128xf32, #tpu.memory_space<vmem>>
      %dma_start3A_309 = arith.constant 0 : i32
      %dma_start3A_310 = arith.constant 0 : i32
      %dma_start3A_311 = tpu.memref_slice %dma_start3A_308[%dma_start3A_309, %dma_start3A_310] : memref<128x128xf32, #tpu.memory_space<vmem>> -> memref<88x128xf32, #tpu.memory_space<vmem>>
      tpu.enqueue_dma source(%dma_start3A_311 : memref<88x128xf32, #tpu.memory_space<vmem>>) target(%dma_start3A_304 : memref<88x128xf32, #tpu.memory_space<vmem_shared>>) target_semaphore(%run_scoped3A_294 : memref<!tpu.dma_semaphore, #tpu.memory_space<semaphore_mem>>)
      %dma_wait3A = arith.constant 0 : i32
      %dma_wait3A_312 = arith.constant 0 : i32
      %dma_wait3A_313 = tpu.memref_slice %arg12[%run_scoped3A_117, %dma_wait3A, %dma_wait3A_312] : memref<2x128x128xf32, #tpu.memory_space<vmem>> -> memref<1x128x128xf32, #tpu.memory_space<vmem>>
      %dma_wait3A_314 = tpu.memref_squeeze %dma_wait3A_313 : memref<1x128x128xf32, #tpu.memory_space<vmem>> -> memref<128x128xf32, #tpu.memory_space<vmem>>
      %dma_wait3A_315 = arith.constant 0 : i32
      %dma_wait3A_316 = arith.constant 0 : i32
      %dma_wait3A_317 = tpu.memref_slice %dma_wait3A_314[%dma_wait3A_315, %dma_wait3A_316] : memref<128x128xf32, #tpu.memory_space<vmem>> -> memref<88x128xf32, #tpu.memory_space<vmem>>
      %dma_wait3A_318 = arith.constant 0 : i32
      %dma_wait3A_319 = tpu.memref_slice %arg13[%add3A_116, %dma_wait3A_318] : memref<3464x128xf32, #tpu.memory_space<vmem_shared>> -> memref<88x128xf32, #tpu.memory_space<vmem_shared>>
      %dma_wait3A_320 = arith.constant 0 : i32
      %dma_wait3A_321 = tpu.memref_slice %arg13[%add3A_116, %dma_wait3A_320] : memref<3464x128xf32, #tpu.memory_space<vmem_shared>> -> memref<88x128xf32, #tpu.memory_space<vmem_shared>>
      %dma_wait3A_322 = arith.constant 0 : i32
      %dma_wait3A_323 = arith.constant 0 : i32
      %dma_wait3A_324 = tpu.memref_slice %arg12[%run_scoped3A_117, %dma_wait3A_322, %dma_wait3A_323] : memref<2x128x128xf32, #tpu.memory_space<vmem>> -> memref<1x128x128xf32, #tpu.memory_space<vmem>>
      %dma_wait3A_325 = tpu.memref_squeeze %dma_wait3A_324 : memref<1x128x128xf32, #tpu.memory_space<vmem>> -> memref<128x128xf32, #tpu.memory_space<vmem>>
      %dma_wait3A_326 = arith.constant 0 : i32
      %dma_wait3A_327 = arith.constant 0 : i32
      %dma_wait3A_328 = tpu.memref_slice %dma_wait3A_325[%dma_wait3A_326, %dma_wait3A_327] : memref<128x128xf32, #tpu.memory_space<vmem>> -> memref<88x128xf32, #tpu.memory_space<vmem>>
      tpu.wait_dma2 semaphore(%run_scoped3A_294 : memref<!tpu.dma_semaphore, #tpu.memory_space<semaphore_mem>>) src(%dma_wait3A_328 : memref<88x128xf32, #tpu.memory_space<vmem>>) dst(%dma_wait3A_321 : memref<88x128xf32, #tpu.memory_space<vmem_shared>>)
      tpu.yield
    }) : () -> ()
    %scan3A_118 = arith.constant 0 : i32
    %scan3A_119 = arith.constant 0 : i32
    %scan3A_120 = arith.constant 864 : i32
    %scan3A_121 = arith.addi %scan3A_119, %scan3A_120 : i32
    %scan3A_122 = arith.constant 1 : i32
    %scan3A_123 = scf.for %scan3A_294 = %scan3A_119 to %scan3A_121 step %scan3A_122 iter_args(%scan3A_295 = %scan3A_118) -> (i32)  : i32 {
      %broadcast_in_dim3A = arith.constant 0 : i32
      %broadcast_in_dim3A_296 = vector.broadcast %broadcast_in_dim3A : i32 to vector<16xi32>
      %mul3A_297 = arith.constant 16 : i32
      %mul3A_298 = arith.muli %scan3A_294, %mul3A_297 : i32
      %swap3A = arith.index_cast %mul3A_298 : i32 to index
      %swap3A_299 = tpu.vector_load %arg9[%swap3A] {strides = array<i32>} : memref<13824xi32, #tpu.memory_space<vmem>>, vector<16xi32>,
      tpu.vector_store %arg9[%swap3A], %broadcast_in_dim3A_296 {strides = array<i32>} : memref<13824xi32, #tpu.memory_space<vmem>>, vector<16xi32>,
      %broadcast_in_dim3A_300 = arith.constant 3456 : i32
      %broadcast_in_dim3A_301 = vector.broadcast %broadcast_in_dim3A_300 : i32 to vector<16xi32>
      %mul3A_302 = arith.constant 16 : i32
      %mul3A_303 = arith.muli %scan3A_294, %mul3A_302 : i32
      %swap3A_304 = arith.index_cast %mul3A_303 : i32 to index
      %swap3A_305 = tpu.vector_load %arg10[%swap3A_304] {strides = array<i32>} : memref<13824xi32, #tpu.memory_space<vmem>>, vector<16xi32>,
      tpu.vector_store %arg10[%swap3A_304], %broadcast_in_dim3A_301 {strides = array<i32>} : memref<13824xi32, #tpu.memory_space<vmem>>, vector<16xi32>,
      %scan3A_306 = arith.constant 0 : i32
      scf.yield %scan3A_306 : i32
    }
    %scan3A_124 = arith.constant 864 : i32
    %while3A_125 = arith.constant 0 : i32
    %while3A_126 = arith.constant 0 : i32
    %while3A_127 = arith.subi %select_n3A, %while3A_125 : i32
    %while3A_128 = arith.addi %while3A_125, %while3A_127 : i32
    %while3A_129 = arith.constant 1 : i32
    %while3A_130 = arith.divsi %while3A_127, %while3A_129 : i32
    %while3A_131 = arith.muli %while3A_130, %while3A_129 : i32
    %while3A_132 = arith.addi %while3A_125, %while3A_131 : i32
    %while3A_133 = arith.constant 1 : i32
    %while3A_134 = scf.for %while3A_294 = %while3A_125 to %while3A_132 step %while3A_133 iter_args(%while3A_295 = %while3A_126) -> (i32)  : i32 {
      %div3A_296 = arith.constant 8 : i32
      %div3A_297 = arith.divsi %while3A_294, %div3A_296 : i32
      %rem3A = arith.constant 8 : i32
      %rem3A_298 = arith.remsi %while3A_294, %rem3A : i32
      %mul3A_299 = arith.constant 16 : i32
      %mul3A_300 = arith.muli %rem3A_298, %mul3A_299 : i32
      %get3A = arith.index_cast %div3A_297 : i32 to index
      %get3A_301 = arith.index_cast %mul3A_300 : i32 to index
      %get3A_302 = tpu.vector_load %arg7[%get3A, %get3A_301] {strides = array<i32>} : memref<80x128xi32, #tpu.memory_space<vmem>>, vector<16xi32>,
      %shift_right_logical3A = arith.constant 12 : i32
      %shift_right_logical3A_303 = vector.broadcast %shift_right_logical3A : i32 to vector<16xi32>
      %shift_right_logical3A_304 = arith.shrui %get3A_302, %shift_right_logical3A_303 : vector<16xi32>
      %and3A = arith.constant 4095 : i32
      %and3A_305 = vector.broadcast %and3A : i32 to vector<16xi32>
      %and3A_306 = arith.andi %get3A_302, %and3A_305 : vector<16xi32>
      %lt3A = arith.constant 3456 : i32
      %lt3A_307 = vector.broadcast %lt3A : i32 to vector<16xi32>
      %lt3A_308 = arith.cmpi slt, %and3A_306, %lt3A_307 : vector<16xi32>
      %swap3A = arith.index_cast %while3A_295 : i32 to index
      %swap3A_309 = tpu.vector_load %arg9[%swap3A] masked %lt3A_308 {strides = array<i32>} : memref<13824xi32, #tpu.memory_space<vmem>>, vector<16xi32>, vector<16xi1>
      tpu.vector_store %arg9[%swap3A], %shift_right_logical3A_304 masked %lt3A_308 {strides = array<i32>} : memref<13824xi32, #tpu.memory_space<vmem>>, vector<16xi32>, vector<16xi1>
      %swap3A_310 = arith.index_cast %while3A_295 : i32 to index
      %swap3A_311 = tpu.vector_load %arg10[%swap3A_310] masked %lt3A_308 {strides = array<i32>} : memref<13824xi32, #tpu.memory_space<vmem>>, vector<16xi32>, vector<16xi1>
      tpu.vector_store %arg10[%swap3A_310], %and3A_306 masked %lt3A_308 {strides = array<i32>} : memref<13824xi32, #tpu.memory_space<vmem>>, vector<16xi32>, vector<16xi1>
      %all_reduce_population_count3A = tpu.all_reduce %lt3A_308 {dim = 0 : i64, kind = #tpu.reduction_kind<sum>} : vector<16xi1> -> vector<16xi32>
      %reduce_max3A = arith.constant true
      %reduce_max3A_312 = vector.broadcast %reduce_max3A : i1 to vector<16xi1>
      %reduce_max3A_313 = arith.constant -2147483648 : i32
      %reduce_max3A_314 = vector.broadcast %reduce_max3A_313 : i32 to vector<16xi32>
      %reduce_max3A_315 = arith.xori %all_reduce_population_count3A, %reduce_max3A_314 : vector<16xi32>
      %reduce_max3A_316 = tpu.scan <max>, %reduce_max3A_315 masked %reduce_max3A_312 : vector<16xi32>, vector<16xi1> -> vector<16xi32>
      %reduce_max3A_317 = arith.xori %reduce_max3A_316, %reduce_max3A_314 : vector<16xi32>
      %reduce_max3A_318 = vector.extract %reduce_max3A_317[15] : i32 from vector<16xi32>
      %add3A_319 = arith.addi %while3A_295, %reduce_max3A_318 : i32
      scf.yield %add3A_319 : i32
    }
    %while3A_135 = arith.constant 1 : i32
    %while3A_136 = scf.for %while3A_294 = %while3A_132 to %while3A_128 step %while3A_135 iter_args(%while3A_295 = %while3A_134) -> (i32)  : i32 {
      %div3A_296 = arith.constant 8 : i32
      %div3A_297 = arith.divsi %while3A_294, %div3A_296 : i32
      %rem3A = arith.constant 8 : i32
      %rem3A_298 = arith.remsi %while3A_294, %rem3A : i32
      %mul3A_299 = arith.constant 16 : i32
      %mul3A_300 = arith.muli %rem3A_298, %mul3A_299 : i32
      %get3A = arith.index_cast %div3A_297 : i32 to index
      %get3A_301 = arith.index_cast %mul3A_300 : i32 to index
      %get3A_302 = tpu.vector_load %arg7[%get3A, %get3A_301] {strides = array<i32>} : memref<80x128xi32, #tpu.memory_space<vmem>>, vector<16xi32>,
      %shift_right_logical3A = arith.constant 12 : i32
      %shift_right_logical3A_303 = vector.broadcast %shift_right_logical3A : i32 to vector<16xi32>
      %shift_right_logical3A_304 = arith.shrui %get3A_302, %shift_right_logical3A_303 : vector<16xi32>
      %and3A = arith.constant 4095 : i32
      %and3A_305 = vector.broadcast %and3A : i32 to vector<16xi32>
      %and3A_306 = arith.andi %get3A_302, %and3A_305 : vector<16xi32>
      %lt3A = arith.constant 3456 : i32
      %lt3A_307 = vector.broadcast %lt3A : i32 to vector<16xi32>
      %lt3A_308 = arith.cmpi slt, %and3A_306, %lt3A_307 : vector<16xi32>
      %swap3A = arith.index_cast %while3A_295 : i32 to index
      %swap3A_309 = tpu.vector_load %arg9[%swap3A] masked %lt3A_308 {strides = array<i32>} : memref<13824xi32, #tpu.memory_space<vmem>>, vector<16xi32>, vector<16xi1>
      tpu.vector_store %arg9[%swap3A], %shift_right_logical3A_304 masked %lt3A_308 {strides = array<i32>} : memref<13824xi32, #tpu.memory_space<vmem>>, vector<16xi32>, vector<16xi1>
      %swap3A_310 = arith.index_cast %while3A_295 : i32 to index
      %swap3A_311 = tpu.vector_load %arg10[%swap3A_310] masked %lt3A_308 {strides = array<i32>} : memref<13824xi32, #tpu.memory_space<vmem>>, vector<16xi32>, vector<16xi1>
      tpu.vector_store %arg10[%swap3A_310], %and3A_306 masked %lt3A_308 {strides = array<i32>} : memref<13824xi32, #tpu.memory_space<vmem>>, vector<16xi32>, vector<16xi1>
      %all_reduce_population_count3A = tpu.all_reduce %lt3A_308 {dim = 0 : i64, kind = #tpu.reduction_kind<sum>} : vector<16xi1> -> vector<16xi32>
      %reduce_max3A = arith.constant true
      %reduce_max3A_312 = vector.broadcast %reduce_max3A : i1 to vector<16xi1>
      %reduce_max3A_313 = arith.constant -2147483648 : i32
      %reduce_max3A_314 = vector.broadcast %reduce_max3A_313 : i32 to vector<16xi32>
      %reduce_max3A_315 = arith.xori %all_reduce_population_count3A, %reduce_max3A_314 : vector<16xi32>
      %reduce_max3A_316 = tpu.scan <max>, %reduce_max3A_315 masked %reduce_max3A_312 : vector<16xi32>, vector<16xi1> -> vector<16xi32>
      %reduce_max3A_317 = arith.xori %reduce_max3A_316, %reduce_max3A_314 : vector<16xi32>
      %reduce_max3A_318 = vector.extract %reduce_max3A_317[15] : i32 from vector<16xi32>
      %add3A_319 = arith.addi %while3A_295, %reduce_max3A_318 : i32
      scf.yield %add3A_319 : i32
    }
    %while3A_137 = arith.constant 0 : i32
    %while3A_138 = arith.subi %select_n3A_7, %while3A_137 : i32
    %while3A_139 = arith.addi %while3A_137, %while3A_138 : i32
    %while3A_140 = arith.constant 1 : i32
    %while3A_141 = arith.divsi %while3A_138, %while3A_140 : i32
    %while3A_142 = arith.muli %while3A_141, %while3A_140 : i32
    %while3A_143 = arith.addi %while3A_137, %while3A_142 : i32
    %while3A_144 = arith.constant 1 : i32
    %while3A_145 = scf.for %while3A_294 = %while3A_137 to %while3A_143 step %while3A_144 iter_args(%while3A_295 = %while3A_136) -> (i32)  : i32 {
      %div3A_296 = arith.constant 8 : i32
      %div3A_297 = arith.divsi %while3A_294, %div3A_296 : i32
      %rem3A = arith.constant 8 : i32
      %rem3A_298 = arith.remsi %while3A_294, %rem3A : i32
      %mul3A_299 = arith.constant 16 : i32
      %mul3A_300 = arith.muli %rem3A_298, %mul3A_299 : i32
      %get3A = arith.index_cast %div3A_297 : i32 to index
      %get3A_301 = arith.index_cast %mul3A_300 : i32 to index
      %get3A_302 = tpu.vector_load %arg8[%get3A, %get3A_301] {strides = array<i32>} : memref<24x128xi32, #tpu.memory_space<vmem>>, vector<16xi32>,
      %shift_right_logical3A = arith.constant 12 : i32
      %shift_right_logical3A_303 = vector.broadcast %shift_right_logical3A : i32 to vector<16xi32>
      %shift_right_logical3A_304 = arith.shrui %get3A_302, %shift_right_logical3A_303 : vector<16xi32>
      %and3A = arith.constant 4095 : i32
      %and3A_305 = vector.broadcast %and3A : i32 to vector<16xi32>
      %and3A_306 = arith.andi %get3A_302, %and3A_305 : vector<16xi32>
      %lt3A = arith.constant 3456 : i32
      %lt3A_307 = vector.broadcast %lt3A : i32 to vector<16xi32>
      %lt3A_308 = arith.cmpi slt, %and3A_306, %lt3A_307 : vector<16xi32>
      %swap3A = arith.index_cast %while3A_295 : i32 to index
      %swap3A_309 = tpu.vector_load %arg9[%swap3A] masked %lt3A_308 {strides = array<i32>} : memref<13824xi32, #tpu.memory_space<vmem>>, vector<16xi32>, vector<16xi1>
      tpu.vector_store %arg9[%swap3A], %shift_right_logical3A_304 masked %lt3A_308 {strides = array<i32>} : memref<13824xi32, #tpu.memory_space<vmem>>, vector<16xi32>, vector<16xi1>
      %swap3A_310 = arith.index_cast %while3A_295 : i32 to index
      %swap3A_311 = tpu.vector_load %arg10[%swap3A_310] masked %lt3A_308 {strides = array<i32>} : memref<13824xi32, #tpu.memory_space<vmem>>, vector<16xi32>, vector<16xi1>
      tpu.vector_store %arg10[%swap3A_310], %and3A_306 masked %lt3A_308 {strides = array<i32>} : memref<13824xi32, #tpu.memory_space<vmem>>, vector<16xi32>, vector<16xi1>
      %all_reduce_population_count3A = tpu.all_reduce %lt3A_308 {dim = 0 : i64, kind = #tpu.reduction_kind<sum>} : vector<16xi1> -> vector<16xi32>
      %reduce_max3A = arith.constant true
      %reduce_max3A_312 = vector.broadcast %reduce_max3A : i1 to vector<16xi1>
      %reduce_max3A_313 = arith.constant -2147483648 : i32
      %reduce_max3A_314 = vector.broadcast %reduce_max3A_313 : i32 to vector<16xi32>
      %reduce_max3A_315 = arith.xori %all_reduce_population_count3A, %reduce_max3A_314 : vector<16xi32>
      %reduce_max3A_316 = tpu.scan <max>, %reduce_max3A_315 masked %reduce_max3A_312 : vector<16xi32>, vector<16xi1> -> vector<16xi32>
      %reduce_max3A_317 = arith.xori %reduce_max3A_316, %reduce_max3A_314 : vector<16xi32>
      %reduce_max3A_318 = vector.extract %reduce_max3A_317[15] : i32 from vector<16xi32>
      %add3A_319 = arith.addi %while3A_295, %reduce_max3A_318 : i32
      scf.yield %add3A_319 : i32
    }
    %while3A_146 = arith.constant 1 : i32
    %while3A_147 = scf.for %while3A_294 = %while3A_143 to %while3A_139 step %while3A_146 iter_args(%while3A_295 = %while3A_145) -> (i32)  : i32 {
      %div3A_296 = arith.constant 8 : i32
      %div3A_297 = arith.divsi %while3A_294, %div3A_296 : i32
      %rem3A = arith.constant 8 : i32
      %rem3A_298 = arith.remsi %while3A_294, %rem3A : i32
      %mul3A_299 = arith.constant 16 : i32
      %mul3A_300 = arith.muli %rem3A_298, %mul3A_299 : i32
      %get3A = arith.index_cast %div3A_297 : i32 to index
      %get3A_301 = arith.index_cast %mul3A_300 : i32 to index
      %get3A_302 = tpu.vector_load %arg8[%get3A, %get3A_301] {strides = array<i32>} : memref<24x128xi32, #tpu.memory_space<vmem>>, vector<16xi32>,
      %shift_right_logical3A = arith.constant 12 : i32
      %shift_right_logical3A_303 = vector.broadcast %shift_right_logical3A : i32 to vector<16xi32>
      %shift_right_logical3A_304 = arith.shrui %get3A_302, %shift_right_logical3A_303 : vector<16xi32>
      %and3A = arith.constant 4095 : i32
      %and3A_305 = vector.broadcast %and3A : i32 to vector<16xi32>
      %and3A_306 = arith.andi %get3A_302, %and3A_305 : vector<16xi32>
      %lt3A = arith.constant 3456 : i32
      %lt3A_307 = vector.broadcast %lt3A : i32 to vector<16xi32>
      %lt3A_308 = arith.cmpi slt, %and3A_306, %lt3A_307 : vector<16xi32>
      %swap3A = arith.index_cast %while3A_295 : i32 to index
      %swap3A_309 = tpu.vector_load %arg9[%swap3A] masked %lt3A_308 {strides = array<i32>} : memref<13824xi32, #tpu.memory_space<vmem>>, vector<16xi32>, vector<16xi1>
      tpu.vector_store %arg9[%swap3A], %shift_right_logical3A_304 masked %lt3A_308 {strides = array<i32>} : memref<13824xi32, #tpu.memory_space<vmem>>, vector<16xi32>, vector<16xi1>
      %swap3A_310 = arith.index_cast %while3A_295 : i32 to index
      %swap3A_311 = tpu.vector_load %arg10[%swap3A_310] masked %lt3A_308 {strides = array<i32>} : memref<13824xi32, #tpu.memory_space<vmem>>, vector<16xi32>, vector<16xi1>
      tpu.vector_store %arg10[%swap3A_310], %and3A_306 masked %lt3A_308 {strides = array<i32>} : memref<13824xi32, #tpu.memory_space<vmem>>, vector<16xi32>, vector<16xi1>
      %all_reduce_population_count3A = tpu.all_reduce %lt3A_308 {dim = 0 : i64, kind = #tpu.reduction_kind<sum>} : vector<16xi1> -> vector<16xi32>
      %reduce_max3A = arith.constant true
      %reduce_max3A_312 = vector.broadcast %reduce_max3A : i1 to vector<16xi1>
      %reduce_max3A_313 = arith.constant -2147483648 : i32
      %reduce_max3A_314 = vector.broadcast %reduce_max3A_313 : i32 to vector<16xi32>
      %reduce_max3A_315 = arith.xori %all_reduce_population_count3A, %reduce_max3A_314 : vector<16xi32>
      %reduce_max3A_316 = tpu.scan <max>, %reduce_max3A_315 masked %reduce_max3A_312 : vector<16xi32>, vector<16xi1> -> vector<16xi32>
      %reduce_max3A_317 = arith.xori %reduce_max3A_316, %reduce_max3A_314 : vector<16xi32>
      %reduce_max3A_318 = vector.extract %reduce_max3A_317[15] : i32 from vector<16xi32>
      %add3A_319 = arith.addi %while3A_295, %reduce_max3A_318 : i32
      scf.yield %add3A_319 : i32
    }
    %add3A_148 = arith.constant 255 : i32
    %add3A_149 = arith.addi %while3A_147, %add3A_148 : i32
    %div3A_150 = arith.constant 256 : i32
    %div3A_151 = arith.divsi %add3A_149, %div3A_150 : i32
    %mul3A_152 = arith.constant 2 : i32
    %mul3A_153 = arith.muli %div3A_151, %mul3A_152 : i32
    %while3A_154 = arith.constant 0 : i32
    %while3A_155 = arith.constant 0 : i32
    %while3A_156 = arith.subi %mul3A_153, %while3A_154 : i32
    %while3A_157 = arith.addi %while3A_154, %while3A_156 : i32
    %while3A_158 = arith.constant 1 : i32
    %while3A_159 = arith.divsi %while3A_156, %while3A_158 : i32
    %while3A_160 = arith.muli %while3A_159, %while3A_158 : i32
    %while3A_161 = arith.addi %while3A_154, %while3A_160 : i32
    %while3A_162 = arith.constant 1 : i32
    %while3A_163 = scf.for %while3A_294 = %while3A_154 to %while3A_161 step %while3A_162 iter_args(%while3A_295 = %while3A_155) -> (i32)  : i32 {
      %mul3A_296 = arith.constant 128 : i32
      %mul3A_297 = arith.muli %while3A_294, %mul3A_296 : i32
      %add3A_298 = arith.constant 0 : i32
      %add3A_299 = arith.addi %mul3A_297, %add3A_298 : i32
      %get3A = arith.index_cast %add3A_299 : i32 to index
      %get3A_300 = tpu.vector_load %arg10[%get3A] {strides = array<i32>} : memref<13824xi32, #tpu.memory_space<vmem>>, vector<16xi32>,
      %swap3A = arith.index_cast %while3A_294 : i32 to index
      %swap3A_301 = arith.constant 0 : index
      %swap3A_302 = tpu.vector_load %arg11[%swap3A, %swap3A_301] {strides = array<i32>} : memref<108x128xi32, #tpu.memory_space<vmem>>, vector<16xi32>,
      tpu.vector_store %arg11[%swap3A, %swap3A_301], %get3A_300 {strides = array<i32>} : memref<108x128xi32, #tpu.memory_space<vmem>>, vector<16xi32>,
      %mul3A_303 = arith.constant 128 : i32
      %mul3A_304 = arith.muli %while3A_294, %mul3A_303 : i32
      %add3A_305 = arith.constant 16 : i32
      %add3A_306 = arith.addi %mul3A_304, %add3A_305 : i32
      %get3A_307 = arith.index_cast %add3A_306 : i32 to index
      %get3A_308 = tpu.vector_load %arg10[%get3A_307] {strides = array<i32>} : memref<13824xi32, #tpu.memory_space<vmem>>, vector<16xi32>,
      %swap3A_309 = arith.index_cast %while3A_294 : i32 to index
      %swap3A_310 = arith.constant 16 : index
      %swap3A_311 = tpu.vector_load %arg11[%swap3A_309, %swap3A_310] {strides = array<i32>} : memref<108x128xi32, #tpu.memory_space<vmem>>, vector<16xi32>,
      tpu.vector_store %arg11[%swap3A_309, %swap3A_310], %get3A_308 {strides = array<i32>} : memref<108x128xi32, #tpu.memory_space<vmem>>, vector<16xi32>,
      %mul3A_312 = arith.constant 128 : i32
      %mul3A_313 = arith.muli %while3A_294, %mul3A_312 : i32
      %add3A_314 = arith.constant 32 : i32
      %add3A_315 = arith.addi %mul3A_313, %add3A_314 : i32
      %get3A_316 = arith.index_cast %add3A_315 : i32 to index
      %get3A_317 = tpu.vector_load %arg10[%get3A_316] {strides = array<i32>} : memref<13824xi32, #tpu.memory_space<vmem>>, vector<16xi32>,
      %swap3A_318 = arith.index_cast %while3A_294 : i32 to index
      %swap3A_319 = arith.constant 32 : index
      %swap3A_320 = tpu.vector_load %arg11[%swap3A_318, %swap3A_319] {strides = array<i32>} : memref<108x128xi32, #tpu.memory_space<vmem>>, vector<16xi32>,
      tpu.vector_store %arg11[%swap3A_318, %swap3A_319], %get3A_317 {strides = array<i32>} : memref<108x128xi32, #tpu.memory_space<vmem>>, vector<16xi32>,
      %mul3A_321 = arith.constant 128 : i32
      %mul3A_322 = arith.muli %while3A_294, %mul3A_321 : i32
      %add3A_323 = arith.constant 48 : i32
      %add3A_324 = arith.addi %mul3A_322, %add3A_323 : i32
      %get3A_325 = arith.index_cast %add3A_324 : i32 to index
      %get3A_326 = tpu.vector_load %arg10[%get3A_325] {strides = array<i32>} : memref<13824xi32, #tpu.memory_space<vmem>>, vector<16xi32>,
      %swap3A_327 = arith.index_cast %while3A_294 : i32 to index
      %swap3A_328 = arith.constant 48 : index
      %swap3A_329 = tpu.vector_load %arg11[%swap3A_327, %swap3A_328] {strides = array<i32>} : memref<108x128xi32, #tpu.memory_space<vmem>>, vector<16xi32>,
      tpu.vector_store %arg11[%swap3A_327, %swap3A_328], %get3A_326 {strides = array<i32>} : memref<108x128xi32, #tpu.memory_space<vmem>>, vector<16xi32>,
      %mul3A_330 = arith.constant 128 : i32
      %mul3A_331 = arith.muli %while3A_294, %mul3A_330 : i32
      %add3A_332 = arith.constant 64 : i32
      %add3A_333 = arith.addi %mul3A_331, %add3A_332 : i32
      %get3A_334 = arith.index_cast %add3A_333 : i32 to index
      %get3A_335 = tpu.vector_load %arg10[%get3A_334] {strides = array<i32>} : memref<13824xi32, #tpu.memory_space<vmem>>, vector<16xi32>,
      %swap3A_336 = arith.index_cast %while3A_294 : i32 to index
      %swap3A_337 = arith.constant 64 : index
      %swap3A_338 = tpu.vector_load %arg11[%swap3A_336, %swap3A_337] {strides = array<i32>} : memref<108x128xi32, #tpu.memory_space<vmem>>, vector<16xi32>,
      tpu.vector_store %arg11[%swap3A_336, %swap3A_337], %get3A_335 {strides = array<i32>} : memref<108x128xi32, #tpu.memory_space<vmem>>, vector<16xi32>,
      %mul3A_339 = arith.constant 128 : i32
      %mul3A_340 = arith.muli %while3A_294, %mul3A_339 : i32
      %add3A_341 = arith.constant 80 : i32
      %add3A_342 = arith.addi %mul3A_340, %add3A_341 : i32
      %get3A_343 = arith.index_cast %add3A_342 : i32 to index
      %get3A_344 = tpu.vector_load %arg10[%get3A_343] {strides = array<i32>} : memref<13824xi32, #tpu.memory_space<vmem>>, vector<16xi32>,
      %swap3A_345 = arith.index_cast %while3A_294 : i32 to index
      %swap3A_346 = arith.constant 80 : index
      %swap3A_347 = tpu.vector_load %arg11[%swap3A_345, %swap3A_346] {strides = array<i32>} : memref<108x128xi32, #tpu.memory_space<vmem>>, vector<16xi32>,
      tpu.vector_store %arg11[%swap3A_345, %swap3A_346], %get3A_344 {strides = array<i32>} : memref<108x128xi32, #tpu.memory_space<vmem>>, vector<16xi32>,
      %mul3A_348 = arith.constant 128 : i32
      %mul3A_349 = arith.muli %while3A_294, %mul3A_348 : i32
      %add3A_350 = arith.constant 96 : i32
      %add3A_351 = arith.addi %mul3A_349, %add3A_350 : i32
      %get3A_352 = arith.index_cast %add3A_351 : i32 to index
      %get3A_353 = tpu.vector_load %arg10[%get3A_352] {strides = array<i32>} : memref<13824xi32, #tpu.memory_space<vmem>>, vector<16xi32>,
      %swap3A_354 = arith.index_cast %while3A_294 : i32 to index
      %swap3A_355 = arith.constant 96 : index
      %swap3A_356 = tpu.vector_load %arg11[%swap3A_354, %swap3A_355] {strides = array<i32>} : memref<108x128xi32, #tpu.memory_space<vmem>>, vector<16xi32>,
      tpu.vector_store %arg11[%swap3A_354, %swap3A_355], %get3A_353 {strides = array<i32>} : memref<108x128xi32, #tpu.memory_space<vmem>>, vector<16xi32>,
      %mul3A_357 = arith.constant 128 : i32
      %mul3A_358 = arith.muli %while3A_294, %mul3A_357 : i32
      %add3A_359 = arith.constant 112 : i32
      %add3A_360 = arith.addi %mul3A_358, %add3A_359 : i32
      %get3A_361 = arith.index_cast %add3A_360 : i32 to index
      %get3A_362 = tpu.vector_load %arg10[%get3A_361] {strides = array<i32>} : memref<13824xi32, #tpu.memory_space<vmem>>, vector<16xi32>,
      %swap3A_363 = arith.index_cast %while3A_294 : i32 to index
      %swap3A_364 = arith.constant 112 : index
      %swap3A_365 = tpu.vector_load %arg11[%swap3A_363, %swap3A_364] {strides = array<i32>} : memref<108x128xi32, #tpu.memory_space<vmem>>, vector<16xi32>,
      tpu.vector_store %arg11[%swap3A_363, %swap3A_364], %get3A_362 {strides = array<i32>} : memref<108x128xi32, #tpu.memory_space<vmem>>, vector<16xi32>,
      %while3A_366 = arith.constant 0 : i32
      scf.yield %while3A_366 : i32
    }
    %while3A_164 = arith.constant 1 : i32
    %while3A_165 = scf.for %while3A_294 = %while3A_161 to %while3A_157 step %while3A_164 iter_args(%while3A_295 = %while3A_163) -> (i32)  : i32 {
      %mul3A_296 = arith.constant 128 : i32
      %mul3A_297 = arith.muli %while3A_294, %mul3A_296 : i32
      %add3A_298 = arith.constant 0 : i32
      %add3A_299 = arith.addi %mul3A_297, %add3A_298 : i32
      %get3A = arith.index_cast %add3A_299 : i32 to index
      %get3A_300 = tpu.vector_load %arg10[%get3A] {strides = array<i32>} : memref<13824xi32, #tpu.memory_space<vmem>>, vector<16xi32>,
      %swap3A = arith.index_cast %while3A_294 : i32 to index
      %swap3A_301 = arith.constant 0 : index
      %swap3A_302 = tpu.vector_load %arg11[%swap3A, %swap3A_301] {strides = array<i32>} : memref<108x128xi32, #tpu.memory_space<vmem>>, vector<16xi32>,
      tpu.vector_store %arg11[%swap3A, %swap3A_301], %get3A_300 {strides = array<i32>} : memref<108x128xi32, #tpu.memory_space<vmem>>, vector<16xi32>,
      %mul3A_303 = arith.constant 128 : i32
      %mul3A_304 = arith.muli %while3A_294, %mul3A_303 : i32
      %add3A_305 = arith.constant 16 : i32
      %add3A_306 = arith.addi %mul3A_304, %add3A_305 : i32
      %get3A_307 = arith.index_cast %add3A_306 : i32 to index
      %get3A_308 = tpu.vector_load %arg10[%get3A_307] {strides = array<i32>} : memref<13824xi32, #tpu.memory_space<vmem>>, vector<16xi32>,
      %swap3A_309 = arith.index_cast %while3A_294 : i32 to index
      %swap3A_310 = arith.constant 16 : index
      %swap3A_311 = tpu.vector_load %arg11[%swap3A_309, %swap3A_310] {strides = array<i32>} : memref<108x128xi32, #tpu.memory_space<vmem>>, vector<16xi32>,
      tpu.vector_store %arg11[%swap3A_309, %swap3A_310], %get3A_308 {strides = array<i32>} : memref<108x128xi32, #tpu.memory_space<vmem>>, vector<16xi32>,
      %mul3A_312 = arith.constant 128 : i32
      %mul3A_313 = arith.muli %while3A_294, %mul3A_312 : i32
      %add3A_314 = arith.constant 32 : i32
      %add3A_315 = arith.addi %mul3A_313, %add3A_314 : i32
      %get3A_316 = arith.index_cast %add3A_315 : i32 to index
      %get3A_317 = tpu.vector_load %arg10[%get3A_316] {strides = array<i32>} : memref<13824xi32, #tpu.memory_space<vmem>>, vector<16xi32>,
      %swap3A_318 = arith.index_cast %while3A_294 : i32 to index
      %swap3A_319 = arith.constant 32 : index
      %swap3A_320 = tpu.vector_load %arg11[%swap3A_318, %swap3A_319] {strides = array<i32>} : memref<108x128xi32, #tpu.memory_space<vmem>>, vector<16xi32>,
      tpu.vector_store %arg11[%swap3A_318, %swap3A_319], %get3A_317 {strides = array<i32>} : memref<108x128xi32, #tpu.memory_space<vmem>>, vector<16xi32>,
      %mul3A_321 = arith.constant 128 : i32
      %mul3A_322 = arith.muli %while3A_294, %mul3A_321 : i32
      %add3A_323 = arith.constant 48 : i32
      %add3A_324 = arith.addi %mul3A_322, %add3A_323 : i32
      %get3A_325 = arith.index_cast %add3A_324 : i32 to index
      %get3A_326 = tpu.vector_load %arg10[%get3A_325] {strides = array<i32>} : memref<13824xi32, #tpu.memory_space<vmem>>, vector<16xi32>,
      %swap3A_327 = arith.index_cast %while3A_294 : i32 to index
      %swap3A_328 = arith.constant 48 : index
      %swap3A_329 = tpu.vector_load %arg11[%swap3A_327, %swap3A_328] {strides = array<i32>} : memref<108x128xi32, #tpu.memory_space<vmem>>, vector<16xi32>,
      tpu.vector_store %arg11[%swap3A_327, %swap3A_328], %get3A_326 {strides = array<i32>} : memref<108x128xi32, #tpu.memory_space<vmem>>, vector<16xi32>,
      %mul3A_330 = arith.constant 128 : i32
      %mul3A_331 = arith.muli %while3A_294, %mul3A_330 : i32
      %add3A_332 = arith.constant 64 : i32
      %add3A_333 = arith.addi %mul3A_331, %add3A_332 : i32
      %get3A_334 = arith.index_cast %add3A_333 : i32 to index
      %get3A_335 = tpu.vector_load %arg10[%get3A_334] {strides = array<i32>} : memref<13824xi32, #tpu.memory_space<vmem>>, vector<16xi32>,
      %swap3A_336 = arith.index_cast %while3A_294 : i32 to index
      %swap3A_337 = arith.constant 64 : index
      %swap3A_338 = tpu.vector_load %arg11[%swap3A_336, %swap3A_337] {strides = array<i32>} : memref<108x128xi32, #tpu.memory_space<vmem>>, vector<16xi32>,
      tpu.vector_store %arg11[%swap3A_336, %swap3A_337], %get3A_335 {strides = array<i32>} : memref<108x128xi32, #tpu.memory_space<vmem>>, vector<16xi32>,
      %mul3A_339 = arith.constant 128 : i32
      %mul3A_340 = arith.muli %while3A_294, %mul3A_339 : i32
      %add3A_341 = arith.constant 80 : i32
      %add3A_342 = arith.addi %mul3A_340, %add3A_341 : i32
      %get3A_343 = arith.index_cast %add3A_342 : i32 to index
      %get3A_344 = tpu.vector_load %arg10[%get3A_343] {strides = array<i32>} : memref<13824xi32, #tpu.memory_space<vmem>>, vector<16xi32>,
      %swap3A_345 = arith.index_cast %while3A_294 : i32 to index
      %swap3A_346 = arith.constant 80 : index
      %swap3A_347 = tpu.vector_load %arg11[%swap3A_345, %swap3A_346] {strides = array<i32>} : memref<108x128xi32, #tpu.memory_space<vmem>>, vector<16xi32>,
      tpu.vector_store %arg11[%swap3A_345, %swap3A_346], %get3A_344 {strides = array<i32>} : memref<108x128xi32, #tpu.memory_space<vmem>>, vector<16xi32>,
      %mul3A_348 = arith.constant 128 : i32
      %mul3A_349 = arith.muli %while3A_294, %mul3A_348 : i32
      %add3A_350 = arith.constant 96 : i32
      %add3A_351 = arith.addi %mul3A_349, %add3A_350 : i32
      %get3A_352 = arith.index_cast %add3A_351 : i32 to index
      %get3A_353 = tpu.vector_load %arg10[%get3A_352] {strides = array<i32>} : memref<13824xi32, #tpu.memory_space<vmem>>, vector<16xi32>,
      %swap3A_354 = arith.index_cast %while3A_294 : i32 to index
      %swap3A_355 = arith.constant 96 : index
      %swap3A_356 = tpu.vector_load %arg11[%swap3A_354, %swap3A_355] {strides = array<i32>} : memref<108x128xi32, #tpu.memory_space<vmem>>, vector<16xi32>,
      tpu.vector_store %arg11[%swap3A_354, %swap3A_355], %get3A_353 {strides = array<i32>} : memref<108x128xi32, #tpu.memory_space<vmem>>, vector<16xi32>,
      %mul3A_357 = arith.constant 128 : i32
      %mul3A_358 = arith.muli %while3A_294, %mul3A_357 : i32
      %add3A_359 = arith.constant 112 : i32
      %add3A_360 = arith.addi %mul3A_358, %add3A_359 : i32
      %get3A_361 = arith.index_cast %add3A_360 : i32 to index
      %get3A_362 = tpu.vector_load %arg10[%get3A_361] {strides = array<i32>} : memref<13824xi32, #tpu.memory_space<vmem>>, vector<16xi32>,
      %swap3A_363 = arith.index_cast %while3A_294 : i32 to index
      %swap3A_364 = arith.constant 112 : index
      %swap3A_365 = tpu.vector_load %arg11[%swap3A_363, %swap3A_364] {strides = array<i32>} : memref<108x128xi32, #tpu.memory_space<vmem>>, vector<16xi32>,
      tpu.vector_store %arg11[%swap3A_363, %swap3A_364], %get3A_362 {strides = array<i32>} : memref<108x128xi32, #tpu.memory_space<vmem>>, vector<16xi32>,
      %while3A_366 = arith.constant 0 : i32
      scf.yield %while3A_366 : i32
    }
    %barrier3A_166 = arith.constant 0 : index
    tpu.barrier barrier_id(%barrier3A_166)
    %while3A_167 = arith.constant 0 : i32
    %while3A_168 = arith.constant 0 : i32
    %while3A_169 = arith.subi %div3A_151, %while3A_167 : i32
    %while3A_170 = arith.addi %while3A_167, %while3A_169 : i32
    %while3A_171 = arith.constant 1 : i32
    %while3A_172 = arith.divsi %while3A_169, %while3A_171 : i32
    %while3A_173 = arith.muli %while3A_172, %while3A_171 : i32
    %while3A_174 = arith.addi %while3A_167, %while3A_173 : i32
    %while3A_175 = arith.constant 1 : i32
    %while3A_176 = scf.for %while3A_294 = %while3A_167 to %while3A_174 step %while3A_175 iter_args(%while3A_295 = %while3A_168) -> (i32)  : i32 {
      %mul3A_296 = arith.constant 2 : i32
      %mul3A_297 = arith.muli %while3A_294, %mul3A_296 : i32
      %add3A_298 = arith.constant 0 : i32
      %add3A_299 = arith.addi %mul3A_297, %add3A_298 : i32
      %mul3A_300 = arith.constant 128 : i32
      %mul3A_301 = arith.muli %add3A_299, %mul3A_300 : i32
      %dma_start3A = arith.constant 0 : i32
      %dma_start3A_302 = arith.constant 0 : i32
      %dma_start3A_303 = arith.constant 0 : i32
      %dma_start3A_304 = tpu.memref_slice %arg12[%dma_start3A, %dma_start3A_302, %dma_start3A_303] : memref<2x128x128xf32, #tpu.memory_space<vmem>> -> memref<1x128x128xf32, #tpu.memory_space<vmem>>
      %dma_start3A_305 = tpu.memref_squeeze %dma_start3A_304 : memref<1x128x128xf32, #tpu.memory_space<vmem>> -> memref<128x128xf32, #tpu.memory_space<vmem>>
      %dma_start3A_306 = tpu.memref_slice %arg9[%mul3A_301] : memref<13824xi32, #tpu.memory_space<vmem>> -> memref<128xi32, #tpu.memory_space<vmem>>
      %dma_start3A_307 = arith.constant 0 : i32
      %dma_start3A_308 = arith.constant 0 : i32
      %dma_start3A_309 = tpu.memref_slice %arg2[%dma_start3A_307, %dma_start3A_308] : memref<10240x128xf32, #tpu.memory_space<hbm>> -> memref<10240x128xf32, #tpu.memory_space<hbm>>
      tpu.enqueue_indirect_dma source(%dma_start3A_309 : memref<10240x128xf32, #tpu.memory_space<hbm>>) target(%dma_start3A_305 : memref<128x128xf32, #tpu.memory_space<vmem>>) offsets(%dma_start3A_306 : memref<128xi32, #tpu.memory_space<vmem>>) semaphore(%arg14 : memref<!tpu.dma_semaphore, #tpu.memory_space<semaphore_mem>>)
      %add3A_310 = arith.constant 1 : i32
      %add3A_311 = arith.addi %mul3A_297, %add3A_310 : i32
      %mul3A_312 = arith.constant 128 : i32
      %mul3A_313 = arith.muli %add3A_311, %mul3A_312 : i32
      %dma_start3A_314 = arith.constant 1 : i32
      %dma_start3A_315 = arith.constant 0 : i32
      %dma_start3A_316 = arith.constant 0 : i32
      %dma_start3A_317 = tpu.memref_slice %arg12[%dma_start3A_314, %dma_start3A_315, %dma_start3A_316] : memref<2x128x128xf32, #tpu.memory_space<vmem>> -> memref<1x128x128xf32, #tpu.memory_space<vmem>>
      %dma_start3A_318 = tpu.memref_squeeze %dma_start3A_317 : memref<1x128x128xf32, #tpu.memory_space<vmem>> -> memref<128x128xf32, #tpu.memory_space<vmem>>
      %dma_start3A_319 = tpu.memref_slice %arg9[%mul3A_313] : memref<13824xi32, #tpu.memory_space<vmem>> -> memref<128xi32, #tpu.memory_space<vmem>>
      %dma_start3A_320 = arith.constant 0 : i32
      %dma_start3A_321 = arith.constant 0 : i32
      %dma_start3A_322 = tpu.memref_slice %arg2[%dma_start3A_320, %dma_start3A_321] : memref<10240x128xf32, #tpu.memory_space<hbm>> -> memref<10240x128xf32, #tpu.memory_space<hbm>>
      tpu.enqueue_indirect_dma source(%dma_start3A_322 : memref<10240x128xf32, #tpu.memory_space<hbm>>) target(%dma_start3A_318 : memref<128x128xf32, #tpu.memory_space<vmem>>) offsets(%dma_start3A_319 : memref<128xi32, #tpu.memory_space<vmem>>) semaphore(%arg14 : memref<!tpu.dma_semaphore, #tpu.memory_space<semaphore_mem>>)
      %dma_wait3A = arith.constant 0 : i32
      %dma_wait3A_323 = arith.constant 0 : i32
      %dma_wait3A_324 = arith.constant 0 : i32
      %dma_wait3A_325 = tpu.memref_slice %arg12[%dma_wait3A, %dma_wait3A_323, %dma_wait3A_324] : memref<2x128x128xf32, #tpu.memory_space<vmem>> -> memref<1x128x128xf32, #tpu.memory_space<vmem>>
      %dma_wait3A_326 = tpu.memref_squeeze %dma_wait3A_325 : memref<1x128x128xf32, #tpu.memory_space<vmem>> -> memref<128x128xf32, #tpu.memory_space<vmem>>
      %dma_wait3A_327 = tpu.memref_slice %arg9[%mul3A_301] : memref<13824xi32, #tpu.memory_space<vmem>> -> memref<128xi32, #tpu.memory_space<vmem>>
      %dma_wait3A_328 = arith.constant 0 : i32
      %dma_wait3A_329 = arith.constant 0 : i32
      %dma_wait3A_330 = tpu.memref_slice %arg2[%dma_wait3A_328, %dma_wait3A_329] : memref<10240x128xf32, #tpu.memory_space<hbm>> -> memref<10240x128xf32, #tpu.memory_space<hbm>>
      tpu.wait_indirect_dma semaphore(%arg14 : memref<!tpu.dma_semaphore, #tpu.memory_space<semaphore_mem>>) src(%dma_wait3A_330 : memref<10240x128xf32, #tpu.memory_space<hbm>>) dst(%dma_wait3A_326 : memref<128x128xf32, #tpu.memory_space<vmem>>)
      %add3A_331 = arith.constant 0 : i32
      %add3A_332 = arith.addi %mul3A_297, %add3A_331 : i32
      %dma_start3A_333 = arith.constant 0 : i32
      %dma_start3A_334 = arith.constant 0 : i32
      %dma_start3A_335 = arith.constant 0 : i32
      %dma_start3A_336 = tpu.memref_slice %arg12[%dma_start3A_333, %dma_start3A_334, %dma_start3A_335] : memref<2x128x128xf32, #tpu.memory_space<vmem>> -> memref<1x128x128xf32, #tpu.memory_space<vmem>>
      %dma_start3A_337 = tpu.memref_squeeze %dma_start3A_336 : memref<1x128x128xf32, #tpu.memory_space<vmem>> -> memref<128x128xf32, #tpu.memory_space<vmem>>
      %dma_start3A_338 = arith.constant 0 : i32
      %dma_start3A_339 = tpu.memref_slice %arg11[%add3A_332, %dma_start3A_338] : memref<108x128xi32, #tpu.memory_space<vmem>> -> memref<1x128xi32, #tpu.memory_space<vmem>>
      %dma_start3A_340 = tpu.memref_squeeze %dma_start3A_339 : memref<1x128xi32, #tpu.memory_space<vmem>> -> memref<128xi32, #tpu.memory_space<vmem>>
      %dma_start3A_341 = arith.constant 0 : i32
      %dma_start3A_342 = arith.constant 0 : i32
      %dma_start3A_343 = tpu.memref_slice %arg13[%dma_start3A_341, %dma_start3A_342] : memref<3464x128xf32, #tpu.memory_space<vmem_shared>> -> memref<3464x128xf32, #tpu.memory_space<vmem_shared>>
      tpu.enqueue_indirect_dma source(%dma_start3A_337 : memref<128x128xf32, #tpu.memory_space<vmem>>) target(%dma_start3A_343 : memref<3464x128xf32, #tpu.memory_space<vmem_shared>>) offsets(%dma_start3A_340 : memref<128xi32, #tpu.memory_space<vmem>>) semaphore(%arg15 : memref<!tpu.dma_semaphore, #tpu.memory_space<semaphore_mem>>) {add = true}
      %dma_wait3A_344 = arith.constant 1 : i32
      %dma_wait3A_345 = arith.constant 0 : i32
      %dma_wait3A_346 = arith.constant 0 : i32
      %dma_wait3A_347 = tpu.memref_slice %arg12[%dma_wait3A_344, %dma_wait3A_345, %dma_wait3A_346] : memref<2x128x128xf32, #tpu.memory_space<vmem>> -> memref<1x128x128xf32, #tpu.memory_space<vmem>>
      %dma_wait3A_348 = tpu.memref_squeeze %dma_wait3A_347 : memref<1x128x128xf32, #tpu.memory_space<vmem>> -> memref<128x128xf32, #tpu.memory_space<vmem>>
      %dma_wait3A_349 = tpu.memref_slice %arg9[%mul3A_313] : memref<13824xi32, #tpu.memory_space<vmem>> -> memref<128xi32, #tpu.memory_space<vmem>>
      %dma_wait3A_350 = arith.constant 0 : i32
      %dma_wait3A_351 = arith.constant 0 : i32
      %dma_wait3A_352 = tpu.memref_slice %arg2[%dma_wait3A_350, %dma_wait3A_351] : memref<10240x128xf32, #tpu.memory_space<hbm>> -> memref<10240x128xf32, #tpu.memory_space<hbm>>
      tpu.wait_indirect_dma semaphore(%arg14 : memref<!tpu.dma_semaphore, #tpu.memory_space<semaphore_mem>>) src(%dma_wait3A_352 : memref<10240x128xf32, #tpu.memory_space<hbm>>) dst(%dma_wait3A_348 : memref<128x128xf32, #tpu.memory_space<vmem>>)
      %add3A_353 = arith.constant 1 : i32
      %add3A_354 = arith.addi %mul3A_297, %add3A_353 : i32
      %dma_start3A_355 = arith.constant 1 : i32
      %dma_start3A_356 = arith.constant 0 : i32
      %dma_start3A_357 = arith.constant 0 : i32
      %dma_start3A_358 = tpu.memref_slice %arg12[%dma_start3A_355, %dma_start3A_356, %dma_start3A_357] : memref<2x128x128xf32, #tpu.memory_space<vmem>> -> memref<1x128x128xf32, #tpu.memory_space<vmem>>
      %dma_start3A_359 = tpu.memref_squeeze %dma_start3A_358 : memref<1x128x128xf32, #tpu.memory_space<vmem>> -> memref<128x128xf32, #tpu.memory_space<vmem>>
      %dma_start3A_360 = arith.constant 0 : i32
      %dma_start3A_361 = tpu.memref_slice %arg11[%add3A_354, %dma_start3A_360] : memref<108x128xi32, #tpu.memory_space<vmem>> -> memref<1x128xi32, #tpu.memory_space<vmem>>
      %dma_start3A_362 = tpu.memref_squeeze %dma_start3A_361 : memref<1x128xi32, #tpu.memory_space<vmem>> -> memref<128xi32, #tpu.memory_space<vmem>>
      %dma_start3A_363 = arith.constant 0 : i32
      %dma_start3A_364 = arith.constant 0 : i32
      %dma_start3A_365 = tpu.memref_slice %arg13[%dma_start3A_363, %dma_start3A_364] : memref<3464x128xf32, #tpu.memory_space<vmem_shared>> -> memref<3464x128xf32, #tpu.memory_space<vmem_shared>>
      tpu.enqueue_indirect_dma source(%dma_start3A_359 : memref<128x128xf32, #tpu.memory_space<vmem>>) target(%dma_start3A_365 : memref<3464x128xf32, #tpu.memory_space<vmem_shared>>) offsets(%dma_start3A_362 : memref<128xi32, #tpu.memory_space<vmem>>) semaphore(%arg15 : memref<!tpu.dma_semaphore, #tpu.memory_space<semaphore_mem>>) {add = true}
      %dma_wait3A_366 = arith.constant 0 : i32
      %dma_wait3A_367 = arith.constant 0 : i32
      %dma_wait3A_368 = arith.constant 0 : i32
      %dma_wait3A_369 = tpu.memref_slice %arg12[%dma_wait3A_366, %dma_wait3A_367, %dma_wait3A_368] : memref<2x128x128xf32, #tpu.memory_space<vmem>> -> memref<1x128x128xf32, #tpu.memory_space<vmem>>
      %dma_wait3A_370 = tpu.memref_squeeze %dma_wait3A_369 : memref<1x128x128xf32, #tpu.memory_space<vmem>> -> memref<128x128xf32, #tpu.memory_space<vmem>>
      %dma_wait3A_371 = arith.constant 0 : i32
      %dma_wait3A_372 = tpu.memref_slice %arg11[%add3A_332, %dma_wait3A_371] : memref<108x128xi32, #tpu.memory_space<vmem>> -> memref<1x128xi32, #tpu.memory_space<vmem>>
      %dma_wait3A_373 = tpu.memref_squeeze %dma_wait3A_372 : memref<1x128xi32, #tpu.memory_space<vmem>> -> memref<128xi32, #tpu.memory_space<vmem>>
      %dma_wait3A_374 = arith.constant 0 : i32
      %dma_wait3A_375 = arith.constant 0 : i32
      %dma_wait3A_376 = tpu.memref_slice %arg13[%dma_wait3A_374, %dma_wait3A_375] : memref<3464x128xf32, #tpu.memory_space<vmem_shared>> -> memref<3464x128xf32, #tpu.memory_space<vmem_shared>>
      tpu.wait_indirect_dma semaphore(%arg15 : memref<!tpu.dma_semaphore, #tpu.memory_space<semaphore_mem>>) src(%dma_wait3A_370 : memref<128x128xf32, #tpu.memory_space<vmem>>) dst(%dma_wait3A_376 : memref<3464x128xf32, #tpu.memory_space<vmem_shared>>)
      %dma_wait3A_377 = arith.constant 1 : i32
      %dma_wait3A_378 = arith.constant 0 : i32
      %dma_wait3A_379 = arith.constant 0 : i32
      %dma_wait3A_380 = tpu.memref_slice %arg12[%dma_wait3A_377, %dma_wait3A_378, %dma_wait3A_379] : memref<2x128x128xf32, #tpu.memory_space<vmem>> -> memref<1x128x128xf32, #tpu.memory_space<vmem>>
      %dma_wait3A_381 = tpu.memref_squeeze %dma_wait3A_380 : memref<1x128x128xf32, #tpu.memory_space<vmem>> -> memref<128x128xf32, #tpu.memory_space<vmem>>
      %dma_wait3A_382 = arith.constant 0 : i32
      %dma_wait3A_383 = tpu.memref_slice %arg11[%add3A_354, %dma_wait3A_382] : memref<108x128xi32, #tpu.memory_space<vmem>> -> memref<1x128xi32, #tpu.memory_space<vmem>>
      %dma_wait3A_384 = tpu.memref_squeeze %dma_wait3A_383 : memref<1x128xi32, #tpu.memory_space<vmem>> -> memref<128xi32, #tpu.memory_space<vmem>>
      %dma_wait3A_385 = arith.constant 0 : i32
      %dma_wait3A_386 = arith.constant 0 : i32
      %dma_wait3A_387 = tpu.memref_slice %arg13[%dma_wait3A_385, %dma_wait3A_386] : memref<3464x128xf32, #tpu.memory_space<vmem_shared>> -> memref<3464x128xf32, #tpu.memory_space<vmem_shared>>
      tpu.wait_indirect_dma semaphore(%arg15 : memref<!tpu.dma_semaphore, #tpu.memory_space<semaphore_mem>>) src(%dma_wait3A_381 : memref<128x128xf32, #tpu.memory_space<vmem>>) dst(%dma_wait3A_387 : memref<3464x128xf32, #tpu.memory_space<vmem_shared>>)
      %while3A_388 = arith.constant 0 : i32
      scf.yield %while3A_388 : i32
    }
    %while3A_177 = arith.constant 1 : i32
    %while3A_178 = scf.for %while3A_294 = %while3A_174 to %while3A_170 step %while3A_177 iter_args(%while3A_295 = %while3A_176) -> (i32)  : i32 {
      %mul3A_296 = arith.constant 2 : i32
      %mul3A_297 = arith.muli %while3A_294, %mul3A_296 : i32
      %add3A_298 = arith.constant 0 : i32
      %add3A_299 = arith.addi %mul3A_297, %add3A_298 : i32
      %mul3A_300 = arith.constant 128 : i32
      %mul3A_301 = arith.muli %add3A_299, %mul3A_300 : i32
      %dma_start3A = arith.constant 0 : i32
      %dma_start3A_302 = arith.constant 0 : i32
      %dma_start3A_303 = arith.constant 0 : i32
      %dma_start3A_304 = tpu.memref_slice %arg12[%dma_start3A, %dma_start3A_302, %dma_start3A_303] : memref<2x128x128xf32, #tpu.memory_space<vmem>> -> memref<1x128x128xf32, #tpu.memory_space<vmem>>
      %dma_start3A_305 = tpu.memref_squeeze %dma_start3A_304 : memref<1x128x128xf32, #tpu.memory_space<vmem>> -> memref<128x128xf32, #tpu.memory_space<vmem>>
      %dma_start3A_306 = tpu.memref_slice %arg9[%mul3A_301] : memref<13824xi32, #tpu.memory_space<vmem>> -> memref<128xi32, #tpu.memory_space<vmem>>
      %dma_start3A_307 = arith.constant 0 : i32
      %dma_start3A_308 = arith.constant 0 : i32
      %dma_start3A_309 = tpu.memref_slice %arg2[%dma_start3A_307, %dma_start3A_308] : memref<10240x128xf32, #tpu.memory_space<hbm>> -> memref<10240x128xf32, #tpu.memory_space<hbm>>
      tpu.enqueue_indirect_dma source(%dma_start3A_309 : memref<10240x128xf32, #tpu.memory_space<hbm>>) target(%dma_start3A_305 : memref<128x128xf32, #tpu.memory_space<vmem>>) offsets(%dma_start3A_306 : memref<128xi32, #tpu.memory_space<vmem>>) semaphore(%arg14 : memref<!tpu.dma_semaphore, #tpu.memory_space<semaphore_mem>>)
      %add3A_310 = arith.constant 1 : i32
      %add3A_311 = arith.addi %mul3A_297, %add3A_310 : i32
      %mul3A_312 = arith.constant 128 : i32
      %mul3A_313 = arith.muli %add3A_311, %mul3A_312 : i32
      %dma_start3A_314 = arith.constant 1 : i32
      %dma_start3A_315 = arith.constant 0 : i32
      %dma_start3A_316 = arith.constant 0 : i32
      %dma_start3A_317 = tpu.memref_slice %arg12[%dma_start3A_314, %dma_start3A_315, %dma_start3A_316] : memref<2x128x128xf32, #tpu.memory_space<vmem>> -> memref<1x128x128xf32, #tpu.memory_space<vmem>>
      %dma_start3A_318 = tpu.memref_squeeze %dma_start3A_317 : memref<1x128x128xf32, #tpu.memory_space<vmem>> -> memref<128x128xf32, #tpu.memory_space<vmem>>
      %dma_start3A_319 = tpu.memref_slice %arg9[%mul3A_313] : memref<13824xi32, #tpu.memory_space<vmem>> -> memref<128xi32, #tpu.memory_space<vmem>>
      %dma_start3A_320 = arith.constant 0 : i32
      %dma_start3A_321 = arith.constant 0 : i32
      %dma_start3A_322 = tpu.memref_slice %arg2[%dma_start3A_320, %dma_start3A_321] : memref<10240x128xf32, #tpu.memory_space<hbm>> -> memref<10240x128xf32, #tpu.memory_space<hbm>>
      tpu.enqueue_indirect_dma source(%dma_start3A_322 : memref<10240x128xf32, #tpu.memory_space<hbm>>) target(%dma_start3A_318 : memref<128x128xf32, #tpu.memory_space<vmem>>) offsets(%dma_start3A_319 : memref<128xi32, #tpu.memory_space<vmem>>) semaphore(%arg14 : memref<!tpu.dma_semaphore, #tpu.memory_space<semaphore_mem>>)
      %dma_wait3A = arith.constant 0 : i32
      %dma_wait3A_323 = arith.constant 0 : i32
      %dma_wait3A_324 = arith.constant 0 : i32
      %dma_wait3A_325 = tpu.memref_slice %arg12[%dma_wait3A, %dma_wait3A_323, %dma_wait3A_324] : memref<2x128x128xf32, #tpu.memory_space<vmem>> -> memref<1x128x128xf32, #tpu.memory_space<vmem>>
      %dma_wait3A_326 = tpu.memref_squeeze %dma_wait3A_325 : memref<1x128x128xf32, #tpu.memory_space<vmem>> -> memref<128x128xf32, #tpu.memory_space<vmem>>
      %dma_wait3A_327 = tpu.memref_slice %arg9[%mul3A_301] : memref<13824xi32, #tpu.memory_space<vmem>> -> memref<128xi32, #tpu.memory_space<vmem>>
      %dma_wait3A_328 = arith.constant 0 : i32
      %dma_wait3A_329 = arith.constant 0 : i32
      %dma_wait3A_330 = tpu.memref_slice %arg2[%dma_wait3A_328, %dma_wait3A_329] : memref<10240x128xf32, #tpu.memory_space<hbm>> -> memref<10240x128xf32, #tpu.memory_space<hbm>>
      tpu.wait_indirect_dma semaphore(%arg14 : memref<!tpu.dma_semaphore, #tpu.memory_space<semaphore_mem>>) src(%dma_wait3A_330 : memref<10240x128xf32, #tpu.memory_space<hbm>>) dst(%dma_wait3A_326 : memref<128x128xf32, #tpu.memory_space<vmem>>)
      %add3A_331 = arith.constant 0 : i32
      %add3A_332 = arith.addi %mul3A_297, %add3A_331 : i32
      %dma_start3A_333 = arith.constant 0 : i32
      %dma_start3A_334 = arith.constant 0 : i32
      %dma_start3A_335 = arith.constant 0 : i32
      %dma_start3A_336 = tpu.memref_slice %arg12[%dma_start3A_333, %dma_start3A_334, %dma_start3A_335] : memref<2x128x128xf32, #tpu.memory_space<vmem>> -> memref<1x128x128xf32, #tpu.memory_space<vmem>>
      %dma_start3A_337 = tpu.memref_squeeze %dma_start3A_336 : memref<1x128x128xf32, #tpu.memory_space<vmem>> -> memref<128x128xf32, #tpu.memory_space<vmem>>
      %dma_start3A_338 = arith.constant 0 : i32
      %dma_start3A_339 = tpu.memref_slice %arg11[%add3A_332, %dma_start3A_338] : memref<108x128xi32, #tpu.memory_space<vmem>> -> memref<1x128xi32, #tpu.memory_space<vmem>>
      %dma_start3A_340 = tpu.memref_squeeze %dma_start3A_339 : memref<1x128xi32, #tpu.memory_space<vmem>> -> memref<128xi32, #tpu.memory_space<vmem>>
      %dma_start3A_341 = arith.constant 0 : i32
      %dma_start3A_342 = arith.constant 0 : i32
      %dma_start3A_343 = tpu.memref_slice %arg13[%dma_start3A_341, %dma_start3A_342] : memref<3464x128xf32, #tpu.memory_space<vmem_shared>> -> memref<3464x128xf32, #tpu.memory_space<vmem_shared>>
      tpu.enqueue_indirect_dma source(%dma_start3A_337 : memref<128x128xf32, #tpu.memory_space<vmem>>) target(%dma_start3A_343 : memref<3464x128xf32, #tpu.memory_space<vmem_shared>>) offsets(%dma_start3A_340 : memref<128xi32, #tpu.memory_space<vmem>>) semaphore(%arg15 : memref<!tpu.dma_semaphore, #tpu.memory_space<semaphore_mem>>) {add = true}
      %dma_wait3A_344 = arith.constant 1 : i32
      %dma_wait3A_345 = arith.constant 0 : i32
      %dma_wait3A_346 = arith.constant 0 : i32
      %dma_wait3A_347 = tpu.memref_slice %arg12[%dma_wait3A_344, %dma_wait3A_345, %dma_wait3A_346] : memref<2x128x128xf32, #tpu.memory_space<vmem>> -> memref<1x128x128xf32, #tpu.memory_space<vmem>>
      %dma_wait3A_348 = tpu.memref_squeeze %dma_wait3A_347 : memref<1x128x128xf32, #tpu.memory_space<vmem>> -> memref<128x128xf32, #tpu.memory_space<vmem>>
      %dma_wait3A_349 = tpu.memref_slice %arg9[%mul3A_313] : memref<13824xi32, #tpu.memory_space<vmem>> -> memref<128xi32, #tpu.memory_space<vmem>>
      %dma_wait3A_350 = arith.constant 0 : i32
      %dma_wait3A_351 = arith.constant 0 : i32
      %dma_wait3A_352 = tpu.memref_slice %arg2[%dma_wait3A_350, %dma_wait3A_351] : memref<10240x128xf32, #tpu.memory_space<hbm>> -> memref<10240x128xf32, #tpu.memory_space<hbm>>
      tpu.wait_indirect_dma semaphore(%arg14 : memref<!tpu.dma_semaphore, #tpu.memory_space<semaphore_mem>>) src(%dma_wait3A_352 : memref<10240x128xf32, #tpu.memory_space<hbm>>) dst(%dma_wait3A_348 : memref<128x128xf32, #tpu.memory_space<vmem>>)
      %add3A_353 = arith.constant 1 : i32
      %add3A_354 = arith.addi %mul3A_297, %add3A_353 : i32
      %dma_start3A_355 = arith.constant 1 : i32
      %dma_start3A_356 = arith.constant 0 : i32
      %dma_start3A_357 = arith.constant 0 : i32
      %dma_start3A_358 = tpu.memref_slice %arg12[%dma_start3A_355, %dma_start3A_356, %dma_start3A_357] : memref<2x128x128xf32, #tpu.memory_space<vmem>> -> memref<1x128x128xf32, #tpu.memory_space<vmem>>
      %dma_start3A_359 = tpu.memref_squeeze %dma_start3A_358 : memref<1x128x128xf32, #tpu.memory_space<vmem>> -> memref<128x128xf32, #tpu.memory_space<vmem>>
      %dma_start3A_360 = arith.constant 0 : i32
      %dma_start3A_361 = tpu.memref_slice %arg11[%add3A_354, %dma_start3A_360] : memref<108x128xi32, #tpu.memory_space<vmem>> -> memref<1x128xi32, #tpu.memory_space<vmem>>
      %dma_start3A_362 = tpu.memref_squeeze %dma_start3A_361 : memref<1x128xi32, #tpu.memory_space<vmem>> -> memref<128xi32, #tpu.memory_space<vmem>>
      %dma_start3A_363 = arith.constant 0 : i32
      %dma_start3A_364 = arith.constant 0 : i32
      %dma_start3A_365 = tpu.memref_slice %arg13[%dma_start3A_363, %dma_start3A_364] : memref<3464x128xf32, #tpu.memory_space<vmem_shared>> -> memref<3464x128xf32, #tpu.memory_space<vmem_shared>>
      tpu.enqueue_indirect_dma source(%dma_start3A_359 : memref<128x128xf32, #tpu.memory_space<vmem>>) target(%dma_start3A_365 : memref<3464x128xf32, #tpu.memory_space<vmem_shared>>) offsets(%dma_start3A_362 : memref<128xi32, #tpu.memory_space<vmem>>) semaphore(%arg15 : memref<!tpu.dma_semaphore, #tpu.memory_space<semaphore_mem>>) {add = true}
      %dma_wait3A_366 = arith.constant 0 : i32
      %dma_wait3A_367 = arith.constant 0 : i32
      %dma_wait3A_368 = arith.constant 0 : i32
      %dma_wait3A_369 = tpu.memref_slice %arg12[%dma_wait3A_366, %dma_wait3A_367, %dma_wait3A_368] : memref<2x128x128xf32, #tpu.memory_space<vmem>> -> memref<1x128x128xf32, #tpu.memory_space<vmem>>
      %dma_wait3A_370 = tpu.memref_squeeze %dma_wait3A_369 : memref<1x128x128xf32, #tpu.memory_space<vmem>> -> memref<128x128xf32, #tpu.memory_space<vmem>>
      %dma_wait3A_371 = arith.constant 0 : i32
      %dma_wait3A_372 = tpu.memref_slice %arg11[%add3A_332, %dma_wait3A_371] : memref<108x128xi32, #tpu.memory_space<vmem>> -> memref<1x128xi32, #tpu.memory_space<vmem>>
      %dma_wait3A_373 = tpu.memref_squeeze %dma_wait3A_372 : memref<1x128xi32, #tpu.memory_space<vmem>> -> memref<128xi32, #tpu.memory_space<vmem>>
      %dma_wait3A_374 = arith.constant 0 : i32
      %dma_wait3A_375 = arith.constant 0 : i32
      %dma_wait3A_376 = tpu.memref_slice %arg13[%dma_wait3A_374, %dma_wait3A_375] : memref<3464x128xf32, #tpu.memory_space<vmem_shared>> -> memref<3464x128xf32, #tpu.memory_space<vmem_shared>>
      tpu.wait_indirect_dma semaphore(%arg15 : memref<!tpu.dma_semaphore, #tpu.memory_space<semaphore_mem>>) src(%dma_wait3A_370 : memref<128x128xf32, #tpu.memory_space<vmem>>) dst(%dma_wait3A_376 : memref<3464x128xf32, #tpu.memory_space<vmem_shared>>)
      %dma_wait3A_377 = arith.constant 1 : i32
      %dma_wait3A_378 = arith.constant 0 : i32
      %dma_wait3A_379 = arith.constant 0 : i32
      %dma_wait3A_380 = tpu.memref_slice %arg12[%dma_wait3A_377, %dma_wait3A_378, %dma_wait3A_379] : memref<2x128x128xf32, #tpu.memory_space<vmem>> -> memref<1x128x128xf32, #tpu.memory_space<vmem>>
      %dma_wait3A_381 = tpu.memref_squeeze %dma_wait3A_380 : memref<1x128x128xf32, #tpu.memory_space<vmem>> -> memref<128x128xf32, #tpu.memory_space<vmem>>
      %dma_wait3A_382 = arith.constant 0 : i32
      %dma_wait3A_383 = tpu.memref_slice %arg11[%add3A_354, %dma_wait3A_382] : memref<108x128xi32, #tpu.memory_space<vmem>> -> memref<1x128xi32, #tpu.memory_space<vmem>>
      %dma_wait3A_384 = tpu.memref_squeeze %dma_wait3A_383 : memref<1x128xi32, #tpu.memory_space<vmem>> -> memref<128xi32, #tpu.memory_space<vmem>>
      %dma_wait3A_385 = arith.constant 0 : i32
      %dma_wait3A_386 = arith.constant 0 : i32
      %dma_wait3A_387 = tpu.memref_slice %arg13[%dma_wait3A_385, %dma_wait3A_386] : memref<3464x128xf32, #tpu.memory_space<vmem_shared>> -> memref<3464x128xf32, #tpu.memory_space<vmem_shared>>
      tpu.wait_indirect_dma semaphore(%arg15 : memref<!tpu.dma_semaphore, #tpu.memory_space<semaphore_mem>>) src(%dma_wait3A_381 : memref<128x128xf32, #tpu.memory_space<vmem>>) dst(%dma_wait3A_387 : memref<3464x128xf32, #tpu.memory_space<vmem_shared>>)
      %while3A_388 = arith.constant 0 : i32
      scf.yield %while3A_388 : i32
    }
    %barrier3A_179 = arith.constant 0 : index
    tpu.barrier barrier_id(%barrier3A_179)
    %add3A_180 = arith.constant 0 : i32
    %add3A_181 = arith.addi %mul3A_9, %add3A_180 : i32
    %run_scoped3A_182 = arith.constant 0 : i32
    "tpu.region"() ({
      %run_scoped3A_294 = tpu.sem_alloc : memref<!tpu.dma_semaphore, #tpu.memory_space<semaphore_mem>>
      %dma_start3A = arith.constant 0 : i32
      %dma_start3A_295 = arith.constant 0 : i32
      %dma_start3A_296 = tpu.memref_slice %arg12[%run_scoped3A_182, %dma_start3A, %dma_start3A_295] : memref<2x128x128xf32, #tpu.memory_space<vmem>> -> memref<1x128x128xf32, #tpu.memory_space<vmem>>
      %dma_start3A_297 = tpu.memref_squeeze %dma_start3A_296 : memref<1x128x128xf32, #tpu.memory_space<vmem>> -> memref<128x128xf32, #tpu.memory_space<vmem>>
      %dma_start3A_298 = arith.constant 0 : i32
      %dma_start3A_299 = arith.constant 0 : i32
      %dma_start3A_300 = tpu.memref_slice %dma_start3A_297[%dma_start3A_298, %dma_start3A_299] : memref<128x128xf32, #tpu.memory_space<vmem>> -> memref<128x128xf32, #tpu.memory_space<vmem>>
      %dma_start3A_301 = arith.constant 0 : i32
      %dma_start3A_302 = tpu.memref_slice %arg13[%add3A_181, %dma_start3A_301] : memref<3464x128xf32, #tpu.memory_space<vmem_shared>> -> memref<128x128xf32, #tpu.memory_space<vmem_shared>>
      %dma_start3A_303 = arith.constant 0 : i32
      %dma_start3A_304 = arith.constant 0 : i32
      %dma_start3A_305 = tpu.memref_slice %arg12[%run_scoped3A_182, %dma_start3A_303, %dma_start3A_304] : memref<2x128x128xf32, #tpu.memory_space<vmem>> -> memref<1x128x128xf32, #tpu.memory_space<vmem>>
      %dma_start3A_306 = tpu.memref_squeeze %dma_start3A_305 : memref<1x128x128xf32, #tpu.memory_space<vmem>> -> memref<128x128xf32, #tpu.memory_space<vmem>>
      %dma_start3A_307 = arith.constant 0 : i32
      %dma_start3A_308 = arith.constant 0 : i32
      %dma_start3A_309 = tpu.memref_slice %dma_start3A_306[%dma_start3A_307, %dma_start3A_308] : memref<128x128xf32, #tpu.memory_space<vmem>> -> memref<128x128xf32, #tpu.memory_space<vmem>>
      %dma_start3A_310 = arith.constant 0 : i32
      %dma_start3A_311 = tpu.memref_slice %arg13[%add3A_181, %dma_start3A_310] : memref<3464x128xf32, #tpu.memory_space<vmem_shared>> -> memref<128x128xf32, #tpu.memory_space<vmem_shared>>
      tpu.enqueue_dma source(%dma_start3A_311 : memref<128x128xf32, #tpu.memory_space<vmem_shared>>) target(%dma_start3A_309 : memref<128x128xf32, #tpu.memory_space<vmem>>) target_semaphore(%run_scoped3A_294 : memref<!tpu.dma_semaphore, #tpu.memory_space<semaphore_mem>>)
      %dma_wait3A = arith.constant 0 : i32
      %dma_wait3A_312 = arith.constant 0 : i32
      %dma_wait3A_313 = tpu.memref_slice %arg12[%run_scoped3A_182, %dma_wait3A, %dma_wait3A_312] : memref<2x128x128xf32, #tpu.memory_space<vmem>> -> memref<1x128x128xf32, #tpu.memory_space<vmem>>
      %dma_wait3A_314 = tpu.memref_squeeze %dma_wait3A_313 : memref<1x128x128xf32, #tpu.memory_space<vmem>> -> memref<128x128xf32, #tpu.memory_space<vmem>>
      %dma_wait3A_315 = arith.constant 0 : i32
      %dma_wait3A_316 = arith.constant 0 : i32
      %dma_wait3A_317 = tpu.memref_slice %dma_wait3A_314[%dma_wait3A_315, %dma_wait3A_316] : memref<128x128xf32, #tpu.memory_space<vmem>> -> memref<128x128xf32, #tpu.memory_space<vmem>>
      %dma_wait3A_318 = arith.constant 0 : i32
      %dma_wait3A_319 = tpu.memref_slice %arg13[%add3A_181, %dma_wait3A_318] : memref<3464x128xf32, #tpu.memory_space<vmem_shared>> -> memref<128x128xf32, #tpu.memory_space<vmem_shared>>
      %dma_wait3A_320 = arith.constant 0 : i32
      %dma_wait3A_321 = arith.constant 0 : i32
      %dma_wait3A_322 = tpu.memref_slice %arg12[%run_scoped3A_182, %dma_wait3A_320, %dma_wait3A_321] : memref<2x128x128xf32, #tpu.memory_space<vmem>> -> memref<1x128x128xf32, #tpu.memory_space<vmem>>
      %dma_wait3A_323 = tpu.memref_squeeze %dma_wait3A_322 : memref<1x128x128xf32, #tpu.memory_space<vmem>> -> memref<128x128xf32, #tpu.memory_space<vmem>>
      %dma_wait3A_324 = arith.constant 0 : i32
      %dma_wait3A_325 = arith.constant 0 : i32
      %dma_wait3A_326 = tpu.memref_slice %dma_wait3A_323[%dma_wait3A_324, %dma_wait3A_325] : memref<128x128xf32, #tpu.memory_space<vmem>> -> memref<128x128xf32, #tpu.memory_space<vmem>>
      %dma_wait3A_327 = arith.constant 0 : i32
      %dma_wait3A_328 = tpu.memref_slice %arg13[%add3A_181, %dma_wait3A_327] : memref<3464x128xf32, #tpu.memory_space<vmem_shared>> -> memref<128x128xf32, #tpu.memory_space<vmem_shared>>
      tpu.wait_dma2 semaphore(%run_scoped3A_294 : memref<!tpu.dma_semaphore, #tpu.memory_space<semaphore_mem>>) src(%dma_wait3A_328 : memref<128x128xf32, #tpu.memory_space<vmem_shared>>) dst(%dma_wait3A_326 : memref<128x128xf32, #tpu.memory_space<vmem>>)
      tpu.yield
    }) : () -> ()
    %add3A_183 = arith.constant 3456 : i32
    %add3A_184 = arith.addi %add3A_183, %mul3A_9 : i32
    %add3A_185 = arith.constant 0 : i32
    %add3A_186 = arith.addi %add3A_184, %add3A_185 : i32
    %run_scoped3A_187 = arith.constant 0 : i32
    "tpu.region"() ({
      %run_scoped3A_294 = tpu.sem_alloc : memref<!tpu.dma_semaphore, #tpu.memory_space<semaphore_mem>>
      %dma_start3A = arith.constant 0 : i32
      %dma_start3A_295 = arith.constant 0 : i32
      %dma_start3A_296 = tpu.memref_slice %arg12[%run_scoped3A_187, %dma_start3A, %dma_start3A_295] : memref<2x128x128xf32, #tpu.memory_space<vmem>> -> memref<1x128x128xf32, #tpu.memory_space<vmem>>
      %dma_start3A_297 = tpu.memref_squeeze %dma_start3A_296 : memref<1x128x128xf32, #tpu.memory_space<vmem>> -> memref<128x128xf32, #tpu.memory_space<vmem>>
      %dma_start3A_298 = arith.constant 0 : i32
      %dma_start3A_299 = arith.constant 0 : i32
      %dma_start3A_300 = tpu.memref_slice %dma_start3A_297[%dma_start3A_298, %dma_start3A_299] : memref<128x128xf32, #tpu.memory_space<vmem>> -> memref<128x128xf32, #tpu.memory_space<vmem>>
      %dma_start3A_301 = arith.constant 0 : i32
      %dma_start3A_302 = tpu.memref_slice %arg6[%arg0, %add3A_186, %dma_start3A_301] : memref<2x10368x128xf32, #tpu.memory_space<hbm>> -> memref<1x128x128xf32, #tpu.memory_space<hbm>>
      %dma_start3A_303 = tpu.memref_squeeze %dma_start3A_302 : memref<1x128x128xf32, #tpu.memory_space<hbm>> -> memref<128x128xf32, #tpu.memory_space<hbm>>
      %dma_start3A_304 = arith.constant 0 : i32
      %dma_start3A_305 = tpu.memref_slice %arg6[%arg0, %add3A_186, %dma_start3A_304] : memref<2x10368x128xf32, #tpu.memory_space<hbm>> -> memref<1x128x128xf32, #tpu.memory_space<hbm>>
      %dma_start3A_306 = tpu.memref_squeeze %dma_start3A_305 : memref<1x128x128xf32, #tpu.memory_space<hbm>> -> memref<128x128xf32, #tpu.memory_space<hbm>>
      %dma_start3A_307 = arith.constant 0 : i32
      %dma_start3A_308 = arith.constant 0 : i32
      %dma_start3A_309 = tpu.memref_slice %arg12[%run_scoped3A_187, %dma_start3A_307, %dma_start3A_308] : memref<2x128x128xf32, #tpu.memory_space<vmem>> -> memref<1x128x128xf32, #tpu.memory_space<vmem>>
      %dma_start3A_310 = tpu.memref_squeeze %dma_start3A_309 : memref<1x128x128xf32, #tpu.memory_space<vmem>> -> memref<128x128xf32, #tpu.memory_space<vmem>>
      %dma_start3A_311 = arith.constant 0 : i32
      %dma_start3A_312 = arith.constant 0 : i32
      %dma_start3A_313 = tpu.memref_slice %dma_start3A_310[%dma_start3A_311, %dma_start3A_312] : memref<128x128xf32, #tpu.memory_space<vmem>> -> memref<128x128xf32, #tpu.memory_space<vmem>>
      tpu.enqueue_dma source(%dma_start3A_313 : memref<128x128xf32, #tpu.memory_space<vmem>>) target(%dma_start3A_306 : memref<128x128xf32, #tpu.memory_space<hbm>>) target_semaphore(%run_scoped3A_294 : memref<!tpu.dma_semaphore, #tpu.memory_space<semaphore_mem>>)
      %dma_wait3A = arith.constant 0 : i32
      %dma_wait3A_314 = arith.constant 0 : i32
      %dma_wait3A_315 = tpu.memref_slice %arg12[%run_scoped3A_187, %dma_wait3A, %dma_wait3A_314] : memref<2x128x128xf32, #tpu.memory_space<vmem>> -> memref<1x128x128xf32, #tpu.memory_space<vmem>>
      %dma_wait3A_316 = tpu.memref_squeeze %dma_wait3A_315 : memref<1x128x128xf32, #tpu.memory_space<vmem>> -> memref<128x128xf32, #tpu.memory_space<vmem>>
      %dma_wait3A_317 = arith.constant 0 : i32
      %dma_wait3A_318 = arith.constant 0 : i32
      %dma_wait3A_319 = tpu.memref_slice %dma_wait3A_316[%dma_wait3A_317, %dma_wait3A_318] : memref<128x128xf32, #tpu.memory_space<vmem>> -> memref<128x128xf32, #tpu.memory_space<vmem>>
      %dma_wait3A_320 = arith.constant 0 : i32
      %dma_wait3A_321 = tpu.memref_slice %arg6[%arg0, %add3A_186, %dma_wait3A_320] : memref<2x10368x128xf32, #tpu.memory_space<hbm>> -> memref<1x128x128xf32, #tpu.memory_space<hbm>>
      %dma_wait3A_322 = tpu.memref_squeeze %dma_wait3A_321 : memref<1x128x128xf32, #tpu.memory_space<hbm>> -> memref<128x128xf32, #tpu.memory_space<hbm>>
      %dma_wait3A_323 = arith.constant 0 : i32
      %dma_wait3A_324 = tpu.memref_slice %arg6[%arg0, %add3A_186, %dma_wait3A_323] : memref<2x10368x128xf32, #tpu.memory_space<hbm>> -> memref<1x128x128xf32, #tpu.memory_space<hbm>>
      %dma_wait3A_325 = tpu.memref_squeeze %dma_wait3A_324 : memref<1x128x128xf32, #tpu.memory_space<hbm>> -> memref<128x128xf32, #tpu.memory_space<hbm>>
      %dma_wait3A_326 = arith.constant 0 : i32
      %dma_wait3A_327 = arith.constant 0 : i32
      %dma_wait3A_328 = tpu.memref_slice %arg12[%run_scoped3A_187, %dma_wait3A_326, %dma_wait3A_327] : memref<2x128x128xf32, #tpu.memory_space<vmem>> -> memref<1x128x128xf32, #tpu.memory_space<vmem>>
      %dma_wait3A_329 = tpu.memref_squeeze %dma_wait3A_328 : memref<1x128x128xf32, #tpu.memory_space<vmem>> -> memref<128x128xf32, #tpu.memory_space<vmem>>
      %dma_wait3A_330 = arith.constant 0 : i32
      %dma_wait3A_331 = arith.constant 0 : i32
      %dma_wait3A_332 = tpu.memref_slice %dma_wait3A_329[%dma_wait3A_330, %dma_wait3A_331] : memref<128x128xf32, #tpu.memory_space<vmem>> -> memref<128x128xf32, #tpu.memory_space<vmem>>
      tpu.wait_dma2 semaphore(%run_scoped3A_294 : memref<!tpu.dma_semaphore, #tpu.memory_space<semaphore_mem>>) src(%dma_wait3A_332 : memref<128x128xf32, #tpu.memory_space<vmem>>) dst(%dma_wait3A_325 : memref<128x128xf32, #tpu.memory_space<hbm>>)
      tpu.yield
    }) : () -> ()
    %add3A_188 = arith.constant 128 : i32
    %add3A_189 = arith.addi %mul3A_9, %add3A_188 : i32
    %run_scoped3A_190 = arith.constant 0 : i32
    "tpu.region"() ({
      %run_scoped3A_294 = tpu.sem_alloc : memref<!tpu.dma_semaphore, #tpu.memory_space<semaphore_mem>>
      %dma_start3A = arith.constant 0 : i32
      %dma_start3A_295 = arith.constant 0 : i32
      %dma_start3A_296 = tpu.memref_slice %arg12[%run_scoped3A_190, %dma_start3A, %dma_start3A_295] : memref<2x128x128xf32, #tpu.memory_space<vmem>> -> memref<1x128x128xf32, #tpu.memory_space<vmem>>
      %dma_start3A_297 = tpu.memref_squeeze %dma_start3A_296 : memref<1x128x128xf32, #tpu.memory_space<vmem>> -> memref<128x128xf32, #tpu.memory_space<vmem>>
      %dma_start3A_298 = arith.constant 0 : i32
      %dma_start3A_299 = arith.constant 0 : i32
      %dma_start3A_300 = tpu.memref_slice %dma_start3A_297[%dma_start3A_298, %dma_start3A_299] : memref<128x128xf32, #tpu.memory_space<vmem>> -> memref<88x128xf32, #tpu.memory_space<vmem>>
      %dma_start3A_301 = arith.constant 0 : i32
      %dma_start3A_302 = tpu.memref_slice %arg13[%add3A_189, %dma_start3A_301] : memref<3464x128xf32, #tpu.memory_space<vmem_shared>> -> memref<88x128xf32, #tpu.memory_space<vmem_shared>>
      %dma_start3A_303 = arith.constant 0 : i32
      %dma_start3A_304 = arith.constant 0 : i32
      %dma_start3A_305 = tpu.memref_slice %arg12[%run_scoped3A_190, %dma_start3A_303, %dma_start3A_304] : memref<2x128x128xf32, #tpu.memory_space<vmem>> -> memref<1x128x128xf32, #tpu.memory_space<vmem>>
      %dma_start3A_306 = tpu.memref_squeeze %dma_start3A_305 : memref<1x128x128xf32, #tpu.memory_space<vmem>> -> memref<128x128xf32, #tpu.memory_space<vmem>>
      %dma_start3A_307 = arith.constant 0 : i32
      %dma_start3A_308 = arith.constant 0 : i32
      %dma_start3A_309 = tpu.memref_slice %dma_start3A_306[%dma_start3A_307, %dma_start3A_308] : memref<128x128xf32, #tpu.memory_space<vmem>> -> memref<88x128xf32, #tpu.memory_space<vmem>>
      %dma_start3A_310 = arith.constant 0 : i32
      %dma_start3A_311 = tpu.memref_slice %arg13[%add3A_189, %dma_start3A_310] : memref<3464x128xf32, #tpu.memory_space<vmem_shared>> -> memref<88x128xf32, #tpu.memory_space<vmem_shared>>
      tpu.enqueue_dma source(%dma_start3A_311 : memref<88x128xf32, #tpu.memory_space<vmem_shared>>) target(%dma_start3A_309 : memref<88x128xf32, #tpu.memory_space<vmem>>) target_semaphore(%run_scoped3A_294 : memref<!tpu.dma_semaphore, #tpu.memory_space<semaphore_mem>>)
      %dma_wait3A = arith.constant 0 : i32
      %dma_wait3A_312 = arith.constant 0 : i32
      %dma_wait3A_313 = tpu.memref_slice %arg12[%run_scoped3A_190, %dma_wait3A, %dma_wait3A_312] : memref<2x128x128xf32, #tpu.memory_space<vmem>> -> memref<1x128x128xf32, #tpu.memory_space<vmem>>
      %dma_wait3A_314 = tpu.memref_squeeze %dma_wait3A_313 : memref<1x128x128xf32, #tpu.memory_space<vmem>> -> memref<128x128xf32, #tpu.memory_space<vmem>>
      %dma_wait3A_315 = arith.constant 0 : i32
      %dma_wait3A_316 = arith.constant 0 : i32
      %dma_wait3A_317 = tpu.memref_slice %dma_wait3A_314[%dma_wait3A_315, %dma_wait3A_316] : memref<128x128xf32, #tpu.memory_space<vmem>> -> memref<88x128xf32, #tpu.memory_space<vmem>>
      %dma_wait3A_318 = arith.constant 0 : i32
      %dma_wait3A_319 = tpu.memref_slice %arg13[%add3A_189, %dma_wait3A_318] : memref<3464x128xf32, #tpu.memory_space<vmem_shared>> -> memref<88x128xf32, #tpu.memory_space<vmem_shared>>
      %dma_wait3A_320 = arith.constant 0 : i32
      %dma_wait3A_321 = arith.constant 0 : i32
      %dma_wait3A_322 = tpu.memref_slice %arg12[%run_scoped3A_190, %dma_wait3A_320, %dma_wait3A_321] : memref<2x128x128xf32, #tpu.memory_space<vmem>> -> memref<1x128x128xf32, #tpu.memory_space<vmem>>
      %dma_wait3A_323 = tpu.memref_squeeze %dma_wait3A_322 : memref<1x128x128xf32, #tpu.memory_space<vmem>> -> memref<128x128xf32, #tpu.memory_space<vmem>>
      %dma_wait3A_324 = arith.constant 0 : i32
      %dma_wait3A_325 = arith.constant 0 : i32
      %dma_wait3A_326 = tpu.memref_slice %dma_wait3A_323[%dma_wait3A_324, %dma_wait3A_325] : memref<128x128xf32, #tpu.memory_space<vmem>> -> memref<88x128xf32, #tpu.memory_space<vmem>>
      %dma_wait3A_327 = arith.constant 0 : i32
      %dma_wait3A_328 = tpu.memref_slice %arg13[%add3A_189, %dma_wait3A_327] : memref<3464x128xf32, #tpu.memory_space<vmem_shared>> -> memref<88x128xf32, #tpu.memory_space<vmem_shared>>
      tpu.wait_dma2 semaphore(%run_scoped3A_294 : memref<!tpu.dma_semaphore, #tpu.memory_space<semaphore_mem>>) src(%dma_wait3A_328 : memref<88x128xf32, #tpu.memory_space<vmem_shared>>) dst(%dma_wait3A_326 : memref<88x128xf32, #tpu.memory_space<vmem>>)
      tpu.yield
    }) : () -> ()
    %add3A_191 = arith.constant 3456 : i32
    %add3A_192 = arith.addi %add3A_191, %mul3A_9 : i32
    %add3A_193 = arith.constant 128 : i32
    %add3A_194 = arith.addi %add3A_192, %add3A_193 : i32
    %run_scoped3A_195 = arith.constant 0 : i32
    "tpu.region"() ({
      %run_scoped3A_294 = tpu.sem_alloc : memref<!tpu.dma_semaphore, #tpu.memory_space<semaphore_mem>>
      %dma_start3A = arith.constant 0 : i32
      %dma_start3A_295 = arith.constant 0 : i32
      %dma_start3A_296 = tpu.memref_slice %arg12[%run_scoped3A_195, %dma_start3A, %dma_start3A_295] : memref<2x128x128xf32, #tpu.memory_space<vmem>> -> memref<1x128x128xf32, #tpu.memory_space<vmem>>
      %dma_start3A_297 = tpu.memref_squeeze %dma_start3A_296 : memref<1x128x128xf32, #tpu.memory_space<vmem>> -> memref<128x128xf32, #tpu.memory_space<vmem>>
      %dma_start3A_298 = arith.constant 0 : i32
      %dma_start3A_299 = arith.constant 0 : i32
      %dma_start3A_300 = tpu.memref_slice %dma_start3A_297[%dma_start3A_298, %dma_start3A_299] : memref<128x128xf32, #tpu.memory_space<vmem>> -> memref<88x128xf32, #tpu.memory_space<vmem>>
      %dma_start3A_301 = arith.constant 0 : i32
      %dma_start3A_302 = tpu.memref_slice %arg6[%arg0, %add3A_194, %dma_start3A_301] : memref<2x10368x128xf32, #tpu.memory_space<hbm>> -> memref<1x88x128xf32, #tpu.memory_space<hbm>>
      %dma_start3A_303 = tpu.memref_squeeze %dma_start3A_302 : memref<1x88x128xf32, #tpu.memory_space<hbm>> -> memref<88x128xf32, #tpu.memory_space<hbm>>
      %dma_start3A_304 = arith.constant 0 : i32
      %dma_start3A_305 = tpu.memref_slice %arg6[%arg0, %add3A_194, %dma_start3A_304] : memref<2x10368x128xf32, #tpu.memory_space<hbm>> -> memref<1x88x128xf32, #tpu.memory_space<hbm>>
      %dma_start3A_306 = tpu.memref_squeeze %dma_start3A_305 : memref<1x88x128xf32, #tpu.memory_space<hbm>> -> memref<88x128xf32, #tpu.memory_space<hbm>>
      %dma_start3A_307 = arith.constant 0 : i32
      %dma_start3A_308 = arith.constant 0 : i32
      %dma_start3A_309 = tpu.memref_slice %arg12[%run_scoped3A_195, %dma_start3A_307, %dma_start3A_308] : memref<2x128x128xf32, #tpu.memory_space<vmem>> -> memref<1x128x128xf32, #tpu.memory_space<vmem>>
      %dma_start3A_310 = tpu.memref_squeeze %dma_start3A_309 : memref<1x128x128xf32, #tpu.memory_space<vmem>> -> memref<128x128xf32, #tpu.memory_space<vmem>>
      %dma_start3A_311 = arith.constant 0 : i32
      %dma_start3A_312 = arith.constant 0 : i32
      %dma_start3A_313 = tpu.memref_slice %dma_start3A_310[%dma_start3A_311, %dma_start3A_312] : memref<128x128xf32, #tpu.memory_space<vmem>> -> memref<88x128xf32, #tpu.memory_space<vmem>>
      tpu.enqueue_dma source(%dma_start3A_313 : memref<88x128xf32, #tpu.memory_space<vmem>>) target(%dma_start3A_306 : memref<88x128xf32, #tpu.memory_space<hbm>>) target_semaphore(%run_scoped3A_294 : memref<!tpu.dma_semaphore, #tpu.memory_space<semaphore_mem>>)
      %dma_wait3A = arith.constant 0 : i32
      %dma_wait3A_314 = arith.constant 0 : i32
      %dma_wait3A_315 = tpu.memref_slice %arg12[%run_scoped3A_195, %dma_wait3A, %dma_wait3A_314] : memref<2x128x128xf32, #tpu.memory_space<vmem>> -> memref<1x128x128xf32, #tpu.memory_space<vmem>>
      %dma_wait3A_316 = tpu.memref_squeeze %dma_wait3A_315 : memref<1x128x128xf32, #tpu.memory_space<vmem>> -> memref<128x128xf32, #tpu.memory_space<vmem>>
      %dma_wait3A_317 = arith.constant 0 : i32
      %dma_wait3A_318 = arith.constant 0 : i32
      %dma_wait3A_319 = tpu.memref_slice %dma_wait3A_316[%dma_wait3A_317, %dma_wait3A_318] : memref<128x128xf32, #tpu.memory_space<vmem>> -> memref<88x128xf32, #tpu.memory_space<vmem>>
      %dma_wait3A_320 = arith.constant 0 : i32
      %dma_wait3A_321 = tpu.memref_slice %arg6[%arg0, %add3A_194, %dma_wait3A_320] : memref<2x10368x128xf32, #tpu.memory_space<hbm>> -> memref<1x88x128xf32, #tpu.memory_space<hbm>>
      %dma_wait3A_322 = tpu.memref_squeeze %dma_wait3A_321 : memref<1x88x128xf32, #tpu.memory_space<hbm>> -> memref<88x128xf32, #tpu.memory_space<hbm>>
      %dma_wait3A_323 = arith.constant 0 : i32
      %dma_wait3A_324 = tpu.memref_slice %arg6[%arg0, %add3A_194, %dma_wait3A_323] : memref<2x10368x128xf32, #tpu.memory_space<hbm>> -> memref<1x88x128xf32, #tpu.memory_space<hbm>>
      %dma_wait3A_325 = tpu.memref_squeeze %dma_wait3A_324 : memref<1x88x128xf32, #tpu.memory_space<hbm>> -> memref<88x128xf32, #tpu.memory_space<hbm>>
      %dma_wait3A_326 = arith.constant 0 : i32
      %dma_wait3A_327 = arith.constant 0 : i32
      %dma_wait3A_328 = tpu.memref_slice %arg12[%run_scoped3A_195, %dma_wait3A_326, %dma_wait3A_327] : memref<2x128x128xf32, #tpu.memory_space<vmem>> -> memref<1x128x128xf32, #tpu.memory_space<vmem>>
      %dma_wait3A_329 = tpu.memref_squeeze %dma_wait3A_328 : memref<1x128x128xf32, #tpu.memory_space<vmem>> -> memref<128x128xf32, #tpu.memory_space<vmem>>
      %dma_wait3A_330 = arith.constant 0 : i32
      %dma_wait3A_331 = arith.constant 0 : i32
      %dma_wait3A_332 = tpu.memref_slice %dma_wait3A_329[%dma_wait3A_330, %dma_wait3A_331] : memref<128x128xf32, #tpu.memory_space<vmem>> -> memref<88x128xf32, #tpu.memory_space<vmem>>
      tpu.wait_dma2 semaphore(%run_scoped3A_294 : memref<!tpu.dma_semaphore, #tpu.memory_space<semaphore_mem>>) src(%dma_wait3A_332 : memref<88x128xf32, #tpu.memory_space<vmem>>) dst(%dma_wait3A_325 : memref<88x128xf32, #tpu.memory_space<hbm>>)
      tpu.yield
    }) : () -> ()
    %barrier3A_196 = arith.constant 0 : index
    tpu.barrier barrier_id(%barrier3A_196)
    "tpu.region"() ({
      %run_scoped3A_294 = tpu.sem_alloc : memref<!tpu.dma_semaphore, #tpu.memory_space<semaphore_mem>>
      %dma_start3A = arith.constant 0 : i32
      %dma_start3A_295 = arith.constant 0 : i32
      %dma_start3A_296 = tpu.memref_slice %arg5[%add3A, %dma_start3A, %dma_start3A_295] : memref<32x80x128xi32, #tpu.memory_space<hbm>> -> memref<1x80x128xi32, #tpu.memory_space<hbm>>
      %dma_start3A_297 = tpu.memref_squeeze %dma_start3A_296 : memref<1x80x128xi32, #tpu.memory_space<hbm>> -> memref<80x128xi32, #tpu.memory_space<hbm>>
      %dma_start3A_298 = arith.constant 0 : i32
      %dma_start3A_299 = arith.constant 0 : i32
      %dma_start3A_300 = tpu.memref_slice %arg5[%add3A, %dma_start3A_298, %dma_start3A_299] : memref<32x80x128xi32, #tpu.memory_space<hbm>> -> memref<1x80x128xi32, #tpu.memory_space<hbm>>
      %dma_start3A_301 = tpu.memref_squeeze %dma_start3A_300 : memref<1x80x128xi32, #tpu.memory_space<hbm>> -> memref<80x128xi32, #tpu.memory_space<hbm>>
      tpu.enqueue_dma source(%dma_start3A_301 : memref<80x128xi32, #tpu.memory_space<hbm>>) target(%arg7 : memref<80x128xi32, #tpu.memory_space<vmem>>) target_semaphore(%run_scoped3A_294 : memref<!tpu.dma_semaphore, #tpu.memory_space<semaphore_mem>>)
      %dma_wait3A = arith.constant 0 : i32
      %dma_wait3A_302 = arith.constant 0 : i32
      %dma_wait3A_303 = tpu.memref_slice %arg5[%add3A, %dma_wait3A, %dma_wait3A_302] : memref<32x80x128xi32, #tpu.memory_space<hbm>> -> memref<1x80x128xi32, #tpu.memory_space<hbm>>
      %dma_wait3A_304 = tpu.memref_squeeze %dma_wait3A_303 : memref<1x80x128xi32, #tpu.memory_space<hbm>> -> memref<80x128xi32, #tpu.memory_space<hbm>>
      %dma_wait3A_305 = arith.constant 0 : i32
      %dma_wait3A_306 = arith.constant 0 : i32
      %dma_wait3A_307 = tpu.memref_slice %arg5[%add3A, %dma_wait3A_305, %dma_wait3A_306] : memref<32x80x128xi32, #tpu.memory_space<hbm>> -> memref<1x80x128xi32, #tpu.memory_space<hbm>>
      %dma_wait3A_308 = tpu.memref_squeeze %dma_wait3A_307 : memref<1x80x128xi32, #tpu.memory_space<hbm>> -> memref<80x128xi32, #tpu.memory_space<hbm>>
      tpu.wait_dma2 semaphore(%run_scoped3A_294 : memref<!tpu.dma_semaphore, #tpu.memory_space<semaphore_mem>>) src(%dma_wait3A_308 : memref<80x128xi32, #tpu.memory_space<hbm>>) dst(%arg7 : memref<80x128xi32, #tpu.memory_space<vmem>>)
      tpu.yield
    }) : () -> ()
    %eq3A_197 = arith.constant 0 : i32
    %eq3A_198 = arith.cmpi eq, %arg0, %eq3A_197 : i32
    %convert_element_type3A_199 = arith.extui %eq3A_198 : i1 to i32
    %cond3A_200 = arith.constant 0 : i32
    %cond3A_201 = arith.cmpi ne, %convert_element_type3A_199, %cond3A_200 : i32
    scf.if %cond3A_201 {
      %add3A_294 = arith.constant 16 : i32
      %add3A_295 = arith.addi %add3A, %add3A_294 : i32
      "tpu.region"() ({
        %run_scoped3A_296 = tpu.sem_alloc : memref<!tpu.dma_semaphore, #tpu.memory_space<semaphore_mem>>
        %dma_start3A = arith.constant 0 : i32
        %dma_start3A_297 = arith.constant 0 : i32
        %dma_start3A_298 = tpu.memref_slice %arg5[%add3A_295, %dma_start3A, %dma_start3A_297] : memref<32x80x128xi32, #tpu.memory_space<hbm>> -> memref<1x80x128xi32, #tpu.memory_space<hbm>>
        %dma_start3A_299 = tpu.memref_squeeze %dma_start3A_298 : memref<1x80x128xi32, #tpu.memory_space<hbm>> -> memref<80x128xi32, #tpu.memory_space<hbm>>
        %dma_start3A_300 = arith.constant 56 : i32
        %dma_start3A_301 = arith.constant 0 : i32
        %dma_start3A_302 = tpu.memref_slice %dma_start3A_299[%dma_start3A_300, %dma_start3A_301] : memref<80x128xi32, #tpu.memory_space<hbm>> -> memref<24x128xi32, #tpu.memory_space<hbm>>
        %dma_start3A_303 = arith.constant 0 : i32
        %dma_start3A_304 = arith.constant 0 : i32
        %dma_start3A_305 = tpu.memref_slice %arg5[%add3A_295, %dma_start3A_303, %dma_start3A_304] : memref<32x80x128xi32, #tpu.memory_space<hbm>> -> memref<1x80x128xi32, #tpu.memory_space<hbm>>
        %dma_start3A_306 = tpu.memref_squeeze %dma_start3A_305 : memref<1x80x128xi32, #tpu.memory_space<hbm>> -> memref<80x128xi32, #tpu.memory_space<hbm>>
        %dma_start3A_307 = arith.constant 56 : i32
        %dma_start3A_308 = arith.constant 0 : i32
        %dma_start3A_309 = tpu.memref_slice %dma_start3A_306[%dma_start3A_307, %dma_start3A_308] : memref<80x128xi32, #tpu.memory_space<hbm>> -> memref<24x128xi32, #tpu.memory_space<hbm>>
        tpu.enqueue_dma source(%dma_start3A_309 : memref<24x128xi32, #tpu.memory_space<hbm>>) target(%arg8 : memref<24x128xi32, #tpu.memory_space<vmem>>) target_semaphore(%run_scoped3A_296 : memref<!tpu.dma_semaphore, #tpu.memory_space<semaphore_mem>>)
        %dma_wait3A = arith.constant 0 : i32
        %dma_wait3A_310 = arith.constant 0 : i32
        %dma_wait3A_311 = tpu.memref_slice %arg5[%add3A_295, %dma_wait3A, %dma_wait3A_310] : memref<32x80x128xi32, #tpu.memory_space<hbm>> -> memref<1x80x128xi32, #tpu.memory_space<hbm>>
        %dma_wait3A_312 = tpu.memref_squeeze %dma_wait3A_311 : memref<1x80x128xi32, #tpu.memory_space<hbm>> -> memref<80x128xi32, #tpu.memory_space<hbm>>
        %dma_wait3A_313 = arith.constant 56 : i32
        %dma_wait3A_314 = arith.constant 0 : i32
        %dma_wait3A_315 = tpu.memref_slice %dma_wait3A_312[%dma_wait3A_313, %dma_wait3A_314] : memref<80x128xi32, #tpu.memory_space<hbm>> -> memref<24x128xi32, #tpu.memory_space<hbm>>
        %dma_wait3A_316 = arith.constant 0 : i32
        %dma_wait3A_317 = arith.constant 0 : i32
        %dma_wait3A_318 = tpu.memref_slice %arg5[%add3A_295, %dma_wait3A_316, %dma_wait3A_317] : memref<32x80x128xi32, #tpu.memory_space<hbm>> -> memref<1x80x128xi32, #tpu.memory_space<hbm>>
        %dma_wait3A_319 = tpu.memref_squeeze %dma_wait3A_318 : memref<1x80x128xi32, #tpu.memory_space<hbm>> -> memref<80x128xi32, #tpu.memory_space<hbm>>
        %dma_wait3A_320 = arith.constant 56 : i32
        %dma_wait3A_321 = arith.constant 0 : i32
        %dma_wait3A_322 = tpu.memref_slice %dma_wait3A_319[%dma_wait3A_320, %dma_wait3A_321] : memref<80x128xi32, #tpu.memory_space<hbm>> -> memref<24x128xi32, #tpu.memory_space<hbm>>
        tpu.wait_dma2 semaphore(%run_scoped3A_296 : memref<!tpu.dma_semaphore, #tpu.memory_space<semaphore_mem>>) src(%dma_wait3A_322 : memref<24x128xi32, #tpu.memory_space<hbm>>) dst(%arg8 : memref<24x128xi32, #tpu.memory_space<vmem>>)
        tpu.yield
      }) : () -> ()
    } else {
    }
    %scan3A_202 = arith.constant 0 : i32
    %scan3A_203 = arith.constant 0 : i32
    %scan3A_204 = arith.constant 1024 : i32
    %scan3A_205 = arith.addi %scan3A_203, %scan3A_204 : i32
    %scan3A_206 = arith.constant 1 : i32
    %scan3A_207 = scf.for %scan3A_294 = %scan3A_203 to %scan3A_205 step %scan3A_206 iter_args(%scan3A_295 = %scan3A_202) -> (i32)  : i32 {
      %broadcast_in_dim3A = arith.constant 0.000000e+00 : f32
      %broadcast_in_dim3A_296 = vector.broadcast %broadcast_in_dim3A : f32 to vector<16xf32>
      %div3A_297 = arith.constant 8 : i32
      %div3A_298 = arith.divsi %scan3A_294, %div3A_297 : i32
      %rem3A = arith.constant 8 : i32
      %rem3A_299 = arith.remsi %scan3A_294, %rem3A : i32
      %mul3A_300 = arith.constant 16 : i32
      %mul3A_301 = arith.muli %rem3A_299, %mul3A_300 : i32
      %swap3A = arith.constant 0 : i32
      %swap3A_302 = arith.index_cast %swap3A : i32 to index
      %swap3A_303 = arith.index_cast %div3A_298 : i32 to index
      %swap3A_304 = arith.index_cast %mul3A_301 : i32 to index
      %swap3A_305 = tpu.vector_load %arg12[%swap3A_302, %swap3A_303, %swap3A_304] {strides = array<i32>} : memref<2x128x128xf32, #tpu.memory_space<vmem>>, vector<16xf32>,
      tpu.vector_store %arg12[%swap3A_302, %swap3A_303, %swap3A_304], %broadcast_in_dim3A_296 {strides = array<i32>} : memref<2x128x128xf32, #tpu.memory_space<vmem>>, vector<16xf32>,
      %scan3A_306 = arith.constant 0 : i32
      scf.yield %scan3A_306 : i32
    }
    %scan3A_208 = arith.constant 1024 : i32
    %add3A_209 = arith.constant 0 : i32
    %add3A_210 = arith.addi %mul3A_9, %add3A_209 : i32
    %run_scoped3A_211 = arith.constant 0 : i32
    "tpu.region"() ({
      %run_scoped3A_294 = tpu.sem_alloc : memref<!tpu.dma_semaphore, #tpu.memory_space<semaphore_mem>>
      %dma_start3A = arith.constant 0 : i32
      %dma_start3A_295 = arith.constant 0 : i32
      %dma_start3A_296 = tpu.memref_slice %arg12[%run_scoped3A_211, %dma_start3A, %dma_start3A_295] : memref<2x128x128xf32, #tpu.memory_space<vmem>> -> memref<1x128x128xf32, #tpu.memory_space<vmem>>
      %dma_start3A_297 = tpu.memref_squeeze %dma_start3A_296 : memref<1x128x128xf32, #tpu.memory_space<vmem>> -> memref<128x128xf32, #tpu.memory_space<vmem>>
      %dma_start3A_298 = arith.constant 0 : i32
      %dma_start3A_299 = arith.constant 0 : i32
      %dma_start3A_300 = tpu.memref_slice %dma_start3A_297[%dma_start3A_298, %dma_start3A_299] : memref<128x128xf32, #tpu.memory_space<vmem>> -> memref<128x128xf32, #tpu.memory_space<vmem>>
      %dma_start3A_301 = arith.constant 0 : i32
      %dma_start3A_302 = tpu.memref_slice %arg13[%add3A_210, %dma_start3A_301] : memref<3464x128xf32, #tpu.memory_space<vmem_shared>> -> memref<128x128xf32, #tpu.memory_space<vmem_shared>>
      %dma_start3A_303 = arith.constant 0 : i32
      %dma_start3A_304 = tpu.memref_slice %arg13[%add3A_210, %dma_start3A_303] : memref<3464x128xf32, #tpu.memory_space<vmem_shared>> -> memref<128x128xf32, #tpu.memory_space<vmem_shared>>
      %dma_start3A_305 = arith.constant 0 : i32
      %dma_start3A_306 = arith.constant 0 : i32
      %dma_start3A_307 = tpu.memref_slice %arg12[%run_scoped3A_211, %dma_start3A_305, %dma_start3A_306] : memref<2x128x128xf32, #tpu.memory_space<vmem>> -> memref<1x128x128xf32, #tpu.memory_space<vmem>>
      %dma_start3A_308 = tpu.memref_squeeze %dma_start3A_307 : memref<1x128x128xf32, #tpu.memory_space<vmem>> -> memref<128x128xf32, #tpu.memory_space<vmem>>
      %dma_start3A_309 = arith.constant 0 : i32
      %dma_start3A_310 = arith.constant 0 : i32
      %dma_start3A_311 = tpu.memref_slice %dma_start3A_308[%dma_start3A_309, %dma_start3A_310] : memref<128x128xf32, #tpu.memory_space<vmem>> -> memref<128x128xf32, #tpu.memory_space<vmem>>
      tpu.enqueue_dma source(%dma_start3A_311 : memref<128x128xf32, #tpu.memory_space<vmem>>) target(%dma_start3A_304 : memref<128x128xf32, #tpu.memory_space<vmem_shared>>) target_semaphore(%run_scoped3A_294 : memref<!tpu.dma_semaphore, #tpu.memory_space<semaphore_mem>>)
      %dma_wait3A = arith.constant 0 : i32
      %dma_wait3A_312 = arith.constant 0 : i32
      %dma_wait3A_313 = tpu.memref_slice %arg12[%run_scoped3A_211, %dma_wait3A, %dma_wait3A_312] : memref<2x128x128xf32, #tpu.memory_space<vmem>> -> memref<1x128x128xf32, #tpu.memory_space<vmem>>
      %dma_wait3A_314 = tpu.memref_squeeze %dma_wait3A_313 : memref<1x128x128xf32, #tpu.memory_space<vmem>> -> memref<128x128xf32, #tpu.memory_space<vmem>>
      %dma_wait3A_315 = arith.constant 0 : i32
      %dma_wait3A_316 = arith.constant 0 : i32
      %dma_wait3A_317 = tpu.memref_slice %dma_wait3A_314[%dma_wait3A_315, %dma_wait3A_316] : memref<128x128xf32, #tpu.memory_space<vmem>> -> memref<128x128xf32, #tpu.memory_space<vmem>>
      %dma_wait3A_318 = arith.constant 0 : i32
      %dma_wait3A_319 = tpu.memref_slice %arg13[%add3A_210, %dma_wait3A_318] : memref<3464x128xf32, #tpu.memory_space<vmem_shared>> -> memref<128x128xf32, #tpu.memory_space<vmem_shared>>
      %dma_wait3A_320 = arith.constant 0 : i32
      %dma_wait3A_321 = tpu.memref_slice %arg13[%add3A_210, %dma_wait3A_320] : memref<3464x128xf32, #tpu.memory_space<vmem_shared>> -> memref<128x128xf32, #tpu.memory_space<vmem_shared>>
      %dma_wait3A_322 = arith.constant 0 : i32
      %dma_wait3A_323 = arith.constant 0 : i32
      %dma_wait3A_324 = tpu.memref_slice %arg12[%run_scoped3A_211, %dma_wait3A_322, %dma_wait3A_323] : memref<2x128x128xf32, #tpu.memory_space<vmem>> -> memref<1x128x128xf32, #tpu.memory_space<vmem>>
      %dma_wait3A_325 = tpu.memref_squeeze %dma_wait3A_324 : memref<1x128x128xf32, #tpu.memory_space<vmem>> -> memref<128x128xf32, #tpu.memory_space<vmem>>
      %dma_wait3A_326 = arith.constant 0 : i32
      %dma_wait3A_327 = arith.constant 0 : i32
      %dma_wait3A_328 = tpu.memref_slice %dma_wait3A_325[%dma_wait3A_326, %dma_wait3A_327] : memref<128x128xf32, #tpu.memory_space<vmem>> -> memref<128x128xf32, #tpu.memory_space<vmem>>
      tpu.wait_dma2 semaphore(%run_scoped3A_294 : memref<!tpu.dma_semaphore, #tpu.memory_space<semaphore_mem>>) src(%dma_wait3A_328 : memref<128x128xf32, #tpu.memory_space<vmem>>) dst(%dma_wait3A_321 : memref<128x128xf32, #tpu.memory_space<vmem_shared>>)
      tpu.yield
    }) : () -> ()
    %add3A_212 = arith.constant 128 : i32
    %add3A_213 = arith.addi %mul3A_9, %add3A_212 : i32
    %run_scoped3A_214 = arith.constant 0 : i32
    "tpu.region"() ({
      %run_scoped3A_294 = tpu.sem_alloc : memref<!tpu.dma_semaphore, #tpu.memory_space<semaphore_mem>>
      %dma_start3A = arith.constant 0 : i32
      %dma_start3A_295 = arith.constant 0 : i32
      %dma_start3A_296 = tpu.memref_slice %arg12[%run_scoped3A_214, %dma_start3A, %dma_start3A_295] : memref<2x128x128xf32, #tpu.memory_space<vmem>> -> memref<1x128x128xf32, #tpu.memory_space<vmem>>
      %dma_start3A_297 = tpu.memref_squeeze %dma_start3A_296 : memref<1x128x128xf32, #tpu.memory_space<vmem>> -> memref<128x128xf32, #tpu.memory_space<vmem>>
      %dma_start3A_298 = arith.constant 0 : i32
      %dma_start3A_299 = arith.constant 0 : i32
      %dma_start3A_300 = tpu.memref_slice %dma_start3A_297[%dma_start3A_298, %dma_start3A_299] : memref<128x128xf32, #tpu.memory_space<vmem>> -> memref<88x128xf32, #tpu.memory_space<vmem>>
      %dma_start3A_301 = arith.constant 0 : i32
      %dma_start3A_302 = tpu.memref_slice %arg13[%add3A_213, %dma_start3A_301] : memref<3464x128xf32, #tpu.memory_space<vmem_shared>> -> memref<88x128xf32, #tpu.memory_space<vmem_shared>>
      %dma_start3A_303 = arith.constant 0 : i32
      %dma_start3A_304 = tpu.memref_slice %arg13[%add3A_213, %dma_start3A_303] : memref<3464x128xf32, #tpu.memory_space<vmem_shared>> -> memref<88x128xf32, #tpu.memory_space<vmem_shared>>
      %dma_start3A_305 = arith.constant 0 : i32
      %dma_start3A_306 = arith.constant 0 : i32
      %dma_start3A_307 = tpu.memref_slice %arg12[%run_scoped3A_214, %dma_start3A_305, %dma_start3A_306] : memref<2x128x128xf32, #tpu.memory_space<vmem>> -> memref<1x128x128xf32, #tpu.memory_space<vmem>>
      %dma_start3A_308 = tpu.memref_squeeze %dma_start3A_307 : memref<1x128x128xf32, #tpu.memory_space<vmem>> -> memref<128x128xf32, #tpu.memory_space<vmem>>
      %dma_start3A_309 = arith.constant 0 : i32
      %dma_start3A_310 = arith.constant 0 : i32
      %dma_start3A_311 = tpu.memref_slice %dma_start3A_308[%dma_start3A_309, %dma_start3A_310] : memref<128x128xf32, #tpu.memory_space<vmem>> -> memref<88x128xf32, #tpu.memory_space<vmem>>
      tpu.enqueue_dma source(%dma_start3A_311 : memref<88x128xf32, #tpu.memory_space<vmem>>) target(%dma_start3A_304 : memref<88x128xf32, #tpu.memory_space<vmem_shared>>) target_semaphore(%run_scoped3A_294 : memref<!tpu.dma_semaphore, #tpu.memory_space<semaphore_mem>>)
      %dma_wait3A = arith.constant 0 : i32
      %dma_wait3A_312 = arith.constant 0 : i32
      %dma_wait3A_313 = tpu.memref_slice %arg12[%run_scoped3A_214, %dma_wait3A, %dma_wait3A_312] : memref<2x128x128xf32, #tpu.memory_space<vmem>> -> memref<1x128x128xf32, #tpu.memory_space<vmem>>
      %dma_wait3A_314 = tpu.memref_squeeze %dma_wait3A_313 : memref<1x128x128xf32, #tpu.memory_space<vmem>> -> memref<128x128xf32, #tpu.memory_space<vmem>>
      %dma_wait3A_315 = arith.constant 0 : i32
      %dma_wait3A_316 = arith.constant 0 : i32
      %dma_wait3A_317 = tpu.memref_slice %dma_wait3A_314[%dma_wait3A_315, %dma_wait3A_316] : memref<128x128xf32, #tpu.memory_space<vmem>> -> memref<88x128xf32, #tpu.memory_space<vmem>>
      %dma_wait3A_318 = arith.constant 0 : i32
      %dma_wait3A_319 = tpu.memref_slice %arg13[%add3A_213, %dma_wait3A_318] : memref<3464x128xf32, #tpu.memory_space<vmem_shared>> -> memref<88x128xf32, #tpu.memory_space<vmem_shared>>
      %dma_wait3A_320 = arith.constant 0 : i32
      %dma_wait3A_321 = tpu.memref_slice %arg13[%add3A_213, %dma_wait3A_320] : memref<3464x128xf32, #tpu.memory_space<vmem_shared>> -> memref<88x128xf32, #tpu.memory_space<vmem_shared>>
      %dma_wait3A_322 = arith.constant 0 : i32
      %dma_wait3A_323 = arith.constant 0 : i32
      %dma_wait3A_324 = tpu.memref_slice %arg12[%run_scoped3A_214, %dma_wait3A_322, %dma_wait3A_323] : memref<2x128x128xf32, #tpu.memory_space<vmem>> -> memref<1x128x128xf32, #tpu.memory_space<vmem>>
      %dma_wait3A_325 = tpu.memref_squeeze %dma_wait3A_324 : memref<1x128x128xf32, #tpu.memory_space<vmem>> -> memref<128x128xf32, #tpu.memory_space<vmem>>
      %dma_wait3A_326 = arith.constant 0 : i32
      %dma_wait3A_327 = arith.constant 0 : i32
      %dma_wait3A_328 = tpu.memref_slice %dma_wait3A_325[%dma_wait3A_326, %dma_wait3A_327] : memref<128x128xf32, #tpu.memory_space<vmem>> -> memref<88x128xf32, #tpu.memory_space<vmem>>
      tpu.wait_dma2 semaphore(%run_scoped3A_294 : memref<!tpu.dma_semaphore, #tpu.memory_space<semaphore_mem>>) src(%dma_wait3A_328 : memref<88x128xf32, #tpu.memory_space<vmem>>) dst(%dma_wait3A_321 : memref<88x128xf32, #tpu.memory_space<vmem_shared>>)
      tpu.yield
    }) : () -> ()
    %scan3A_215 = arith.constant 0 : i32
    %scan3A_216 = arith.constant 0 : i32
    %scan3A_217 = arith.constant 864 : i32
    %scan3A_218 = arith.addi %scan3A_216, %scan3A_217 : i32
    %scan3A_219 = arith.constant 1 : i32
    %scan3A_220 = scf.for %scan3A_294 = %scan3A_216 to %scan3A_218 step %scan3A_219 iter_args(%scan3A_295 = %scan3A_215) -> (i32)  : i32 {
      %broadcast_in_dim3A = arith.constant 0 : i32
      %broadcast_in_dim3A_296 = vector.broadcast %broadcast_in_dim3A : i32 to vector<16xi32>
      %mul3A_297 = arith.constant 16 : i32
      %mul3A_298 = arith.muli %scan3A_294, %mul3A_297 : i32
      %swap3A = arith.index_cast %mul3A_298 : i32 to index
      %swap3A_299 = tpu.vector_load %arg9[%swap3A] {strides = array<i32>} : memref<13824xi32, #tpu.memory_space<vmem>>, vector<16xi32>,
      tpu.vector_store %arg9[%swap3A], %broadcast_in_dim3A_296 {strides = array<i32>} : memref<13824xi32, #tpu.memory_space<vmem>>, vector<16xi32>,
      %broadcast_in_dim3A_300 = arith.constant 3456 : i32
      %broadcast_in_dim3A_301 = vector.broadcast %broadcast_in_dim3A_300 : i32 to vector<16xi32>
      %mul3A_302 = arith.constant 16 : i32
      %mul3A_303 = arith.muli %scan3A_294, %mul3A_302 : i32
      %swap3A_304 = arith.index_cast %mul3A_303 : i32 to index
      %swap3A_305 = tpu.vector_load %arg10[%swap3A_304] {strides = array<i32>} : memref<13824xi32, #tpu.memory_space<vmem>>, vector<16xi32>,
      tpu.vector_store %arg10[%swap3A_304], %broadcast_in_dim3A_301 {strides = array<i32>} : memref<13824xi32, #tpu.memory_space<vmem>>, vector<16xi32>,
      %scan3A_306 = arith.constant 0 : i32
      scf.yield %scan3A_306 : i32
    }
    %scan3A_221 = arith.constant 864 : i32
    %while3A_222 = arith.constant 0 : i32
    %while3A_223 = arith.constant 0 : i32
    %while3A_224 = arith.subi %select_n3A, %while3A_222 : i32
    %while3A_225 = arith.addi %while3A_222, %while3A_224 : i32
    %while3A_226 = arith.constant 1 : i32
    %while3A_227 = arith.divsi %while3A_224, %while3A_226 : i32
    %while3A_228 = arith.muli %while3A_227, %while3A_226 : i32
    %while3A_229 = arith.addi %while3A_222, %while3A_228 : i32
    %while3A_230 = arith.constant 1 : i32
    %while3A_231 = scf.for %while3A_294 = %while3A_222 to %while3A_229 step %while3A_230 iter_args(%while3A_295 = %while3A_223) -> (i32)  : i32 {
      %div3A_296 = arith.constant 8 : i32
      %div3A_297 = arith.divsi %while3A_294, %div3A_296 : i32
      %rem3A = arith.constant 8 : i32
      %rem3A_298 = arith.remsi %while3A_294, %rem3A : i32
      %mul3A_299 = arith.constant 16 : i32
      %mul3A_300 = arith.muli %rem3A_298, %mul3A_299 : i32
      %get3A = arith.index_cast %div3A_297 : i32 to index
      %get3A_301 = arith.index_cast %mul3A_300 : i32 to index
      %get3A_302 = tpu.vector_load %arg7[%get3A, %get3A_301] {strides = array<i32>} : memref<80x128xi32, #tpu.memory_space<vmem>>, vector<16xi32>,
      %shift_right_logical3A = arith.constant 12 : i32
      %shift_right_logical3A_303 = vector.broadcast %shift_right_logical3A : i32 to vector<16xi32>
      %shift_right_logical3A_304 = arith.shrui %get3A_302, %shift_right_logical3A_303 : vector<16xi32>
      %and3A = arith.constant 4095 : i32
      %and3A_305 = vector.broadcast %and3A : i32 to vector<16xi32>
      %and3A_306 = arith.andi %get3A_302, %and3A_305 : vector<16xi32>
      %lt3A = arith.constant 3456 : i32
      %lt3A_307 = vector.broadcast %lt3A : i32 to vector<16xi32>
      %lt3A_308 = arith.cmpi slt, %and3A_306, %lt3A_307 : vector<16xi32>
      %swap3A = arith.index_cast %while3A_295 : i32 to index
      %swap3A_309 = tpu.vector_load %arg9[%swap3A] masked %lt3A_308 {strides = array<i32>} : memref<13824xi32, #tpu.memory_space<vmem>>, vector<16xi32>, vector<16xi1>
      tpu.vector_store %arg9[%swap3A], %shift_right_logical3A_304 masked %lt3A_308 {strides = array<i32>} : memref<13824xi32, #tpu.memory_space<vmem>>, vector<16xi32>, vector<16xi1>
      %swap3A_310 = arith.index_cast %while3A_295 : i32 to index
      %swap3A_311 = tpu.vector_load %arg10[%swap3A_310] masked %lt3A_308 {strides = array<i32>} : memref<13824xi32, #tpu.memory_space<vmem>>, vector<16xi32>, vector<16xi1>
      tpu.vector_store %arg10[%swap3A_310], %and3A_306 masked %lt3A_308 {strides = array<i32>} : memref<13824xi32, #tpu.memory_space<vmem>>, vector<16xi32>, vector<16xi1>
      %all_reduce_population_count3A = tpu.all_reduce %lt3A_308 {dim = 0 : i64, kind = #tpu.reduction_kind<sum>} : vector<16xi1> -> vector<16xi32>
      %reduce_max3A = arith.constant true
      %reduce_max3A_312 = vector.broadcast %reduce_max3A : i1 to vector<16xi1>
      %reduce_max3A_313 = arith.constant -2147483648 : i32
      %reduce_max3A_314 = vector.broadcast %reduce_max3A_313 : i32 to vector<16xi32>
      %reduce_max3A_315 = arith.xori %all_reduce_population_count3A, %reduce_max3A_314 : vector<16xi32>
      %reduce_max3A_316 = tpu.scan <max>, %reduce_max3A_315 masked %reduce_max3A_312 : vector<16xi32>, vector<16xi1> -> vector<16xi32>
      %reduce_max3A_317 = arith.xori %reduce_max3A_316, %reduce_max3A_314 : vector<16xi32>
      %reduce_max3A_318 = vector.extract %reduce_max3A_317[15] : i32 from vector<16xi32>
      %add3A_319 = arith.addi %while3A_295, %reduce_max3A_318 : i32
      scf.yield %add3A_319 : i32
    }
    %while3A_232 = arith.constant 1 : i32
    %while3A_233 = scf.for %while3A_294 = %while3A_229 to %while3A_225 step %while3A_232 iter_args(%while3A_295 = %while3A_231) -> (i32)  : i32 {
      %div3A_296 = arith.constant 8 : i32
      %div3A_297 = arith.divsi %while3A_294, %div3A_296 : i32
      %rem3A = arith.constant 8 : i32
      %rem3A_298 = arith.remsi %while3A_294, %rem3A : i32
      %mul3A_299 = arith.constant 16 : i32
      %mul3A_300 = arith.muli %rem3A_298, %mul3A_299 : i32
      %get3A = arith.index_cast %div3A_297 : i32 to index
      %get3A_301 = arith.index_cast %mul3A_300 : i32 to index
      %get3A_302 = tpu.vector_load %arg7[%get3A, %get3A_301] {strides = array<i32>} : memref<80x128xi32, #tpu.memory_space<vmem>>, vector<16xi32>,
      %shift_right_logical3A = arith.constant 12 : i32
      %shift_right_logical3A_303 = vector.broadcast %shift_right_logical3A : i32 to vector<16xi32>
      %shift_right_logical3A_304 = arith.shrui %get3A_302, %shift_right_logical3A_303 : vector<16xi32>
      %and3A = arith.constant 4095 : i32
      %and3A_305 = vector.broadcast %and3A : i32 to vector<16xi32>
      %and3A_306 = arith.andi %get3A_302, %and3A_305 : vector<16xi32>
      %lt3A = arith.constant 3456 : i32
      %lt3A_307 = vector.broadcast %lt3A : i32 to vector<16xi32>
      %lt3A_308 = arith.cmpi slt, %and3A_306, %lt3A_307 : vector<16xi32>
      %swap3A = arith.index_cast %while3A_295 : i32 to index
      %swap3A_309 = tpu.vector_load %arg9[%swap3A] masked %lt3A_308 {strides = array<i32>} : memref<13824xi32, #tpu.memory_space<vmem>>, vector<16xi32>, vector<16xi1>
      tpu.vector_store %arg9[%swap3A], %shift_right_logical3A_304 masked %lt3A_308 {strides = array<i32>} : memref<13824xi32, #tpu.memory_space<vmem>>, vector<16xi32>, vector<16xi1>
      %swap3A_310 = arith.index_cast %while3A_295 : i32 to index
      %swap3A_311 = tpu.vector_load %arg10[%swap3A_310] masked %lt3A_308 {strides = array<i32>} : memref<13824xi32, #tpu.memory_space<vmem>>, vector<16xi32>, vector<16xi1>
      tpu.vector_store %arg10[%swap3A_310], %and3A_306 masked %lt3A_308 {strides = array<i32>} : memref<13824xi32, #tpu.memory_space<vmem>>, vector<16xi32>, vector<16xi1>
      %all_reduce_population_count3A = tpu.all_reduce %lt3A_308 {dim = 0 : i64, kind = #tpu.reduction_kind<sum>} : vector<16xi1> -> vector<16xi32>
      %reduce_max3A = arith.constant true
      %reduce_max3A_312 = vector.broadcast %reduce_max3A : i1 to vector<16xi1>
      %reduce_max3A_313 = arith.constant -2147483648 : i32
      %reduce_max3A_314 = vector.broadcast %reduce_max3A_313 : i32 to vector<16xi32>
      %reduce_max3A_315 = arith.xori %all_reduce_population_count3A, %reduce_max3A_314 : vector<16xi32>
      %reduce_max3A_316 = tpu.scan <max>, %reduce_max3A_315 masked %reduce_max3A_312 : vector<16xi32>, vector<16xi1> -> vector<16xi32>
      %reduce_max3A_317 = arith.xori %reduce_max3A_316, %reduce_max3A_314 : vector<16xi32>
      %reduce_max3A_318 = vector.extract %reduce_max3A_317[15] : i32 from vector<16xi32>
      %add3A_319 = arith.addi %while3A_295, %reduce_max3A_318 : i32
      scf.yield %add3A_319 : i32
    }
    %while3A_234 = arith.constant 0 : i32
    %while3A_235 = arith.subi %select_n3A_7, %while3A_234 : i32
    %while3A_236 = arith.addi %while3A_234, %while3A_235 : i32
    %while3A_237 = arith.constant 1 : i32
    %while3A_238 = arith.divsi %while3A_235, %while3A_237 : i32
    %while3A_239 = arith.muli %while3A_238, %while3A_237 : i32
    %while3A_240 = arith.addi %while3A_234, %while3A_239 : i32
    %while3A_241 = arith.constant 1 : i32
    %while3A_242 = scf.for %while3A_294 = %while3A_234 to %while3A_240 step %while3A_241 iter_args(%while3A_295 = %while3A_233) -> (i32)  : i32 {
      %div3A_296 = arith.constant 8 : i32
      %div3A_297 = arith.divsi %while3A_294, %div3A_296 : i32
      %rem3A = arith.constant 8 : i32
      %rem3A_298 = arith.remsi %while3A_294, %rem3A : i32
      %mul3A_299 = arith.constant 16 : i32
      %mul3A_300 = arith.muli %rem3A_298, %mul3A_299 : i32
      %get3A = arith.index_cast %div3A_297 : i32 to index
      %get3A_301 = arith.index_cast %mul3A_300 : i32 to index
      %get3A_302 = tpu.vector_load %arg8[%get3A, %get3A_301] {strides = array<i32>} : memref<24x128xi32, #tpu.memory_space<vmem>>, vector<16xi32>,
      %shift_right_logical3A = arith.constant 12 : i32
      %shift_right_logical3A_303 = vector.broadcast %shift_right_logical3A : i32 to vector<16xi32>
      %shift_right_logical3A_304 = arith.shrui %get3A_302, %shift_right_logical3A_303 : vector<16xi32>
      %and3A = arith.constant 4095 : i32
      %and3A_305 = vector.broadcast %and3A : i32 to vector<16xi32>
      %and3A_306 = arith.andi %get3A_302, %and3A_305 : vector<16xi32>
      %lt3A = arith.constant 3456 : i32
      %lt3A_307 = vector.broadcast %lt3A : i32 to vector<16xi32>
      %lt3A_308 = arith.cmpi slt, %and3A_306, %lt3A_307 : vector<16xi32>
      %swap3A = arith.index_cast %while3A_295 : i32 to index
      %swap3A_309 = tpu.vector_load %arg9[%swap3A] masked %lt3A_308 {strides = array<i32>} : memref<13824xi32, #tpu.memory_space<vmem>>, vector<16xi32>, vector<16xi1>
      tpu.vector_store %arg9[%swap3A], %shift_right_logical3A_304 masked %lt3A_308 {strides = array<i32>} : memref<13824xi32, #tpu.memory_space<vmem>>, vector<16xi32>, vector<16xi1>
      %swap3A_310 = arith.index_cast %while3A_295 : i32 to index
      %swap3A_311 = tpu.vector_load %arg10[%swap3A_310] masked %lt3A_308 {strides = array<i32>} : memref<13824xi32, #tpu.memory_space<vmem>>, vector<16xi32>, vector<16xi1>
      tpu.vector_store %arg10[%swap3A_310], %and3A_306 masked %lt3A_308 {strides = array<i32>} : memref<13824xi32, #tpu.memory_space<vmem>>, vector<16xi32>, vector<16xi1>
      %all_reduce_population_count3A = tpu.all_reduce %lt3A_308 {dim = 0 : i64, kind = #tpu.reduction_kind<sum>} : vector<16xi1> -> vector<16xi32>
      %reduce_max3A = arith.constant true
      %reduce_max3A_312 = vector.broadcast %reduce_max3A : i1 to vector<16xi1>
      %reduce_max3A_313 = arith.constant -2147483648 : i32
      %reduce_max3A_314 = vector.broadcast %reduce_max3A_313 : i32 to vector<16xi32>
      %reduce_max3A_315 = arith.xori %all_reduce_population_count3A, %reduce_max3A_314 : vector<16xi32>
      %reduce_max3A_316 = tpu.scan <max>, %reduce_max3A_315 masked %reduce_max3A_312 : vector<16xi32>, vector<16xi1> -> vector<16xi32>
      %reduce_max3A_317 = arith.xori %reduce_max3A_316, %reduce_max3A_314 : vector<16xi32>
      %reduce_max3A_318 = vector.extract %reduce_max3A_317[15] : i32 from vector<16xi32>
      %add3A_319 = arith.addi %while3A_295, %reduce_max3A_318 : i32
      scf.yield %add3A_319 : i32
    }
    %while3A_243 = arith.constant 1 : i32
    %while3A_244 = scf.for %while3A_294 = %while3A_240 to %while3A_236 step %while3A_243 iter_args(%while3A_295 = %while3A_242) -> (i32)  : i32 {
      %div3A_296 = arith.constant 8 : i32
      %div3A_297 = arith.divsi %while3A_294, %div3A_296 : i32
      %rem3A = arith.constant 8 : i32
      %rem3A_298 = arith.remsi %while3A_294, %rem3A : i32
      %mul3A_299 = arith.constant 16 : i32
      %mul3A_300 = arith.muli %rem3A_298, %mul3A_299 : i32
      %get3A = arith.index_cast %div3A_297 : i32 to index
      %get3A_301 = arith.index_cast %mul3A_300 : i32 to index
      %get3A_302 = tpu.vector_load %arg8[%get3A, %get3A_301] {strides = array<i32>} : memref<24x128xi32, #tpu.memory_space<vmem>>, vector<16xi32>,
      %shift_right_logical3A = arith.constant 12 : i32
      %shift_right_logical3A_303 = vector.broadcast %shift_right_logical3A : i32 to vector<16xi32>
      %shift_right_logical3A_304 = arith.shrui %get3A_302, %shift_right_logical3A_303 : vector<16xi32>
      %and3A = arith.constant 4095 : i32
      %and3A_305 = vector.broadcast %and3A : i32 to vector<16xi32>
      %and3A_306 = arith.andi %get3A_302, %and3A_305 : vector<16xi32>
      %lt3A = arith.constant 3456 : i32
      %lt3A_307 = vector.broadcast %lt3A : i32 to vector<16xi32>
      %lt3A_308 = arith.cmpi slt, %and3A_306, %lt3A_307 : vector<16xi32>
      %swap3A = arith.index_cast %while3A_295 : i32 to index
      %swap3A_309 = tpu.vector_load %arg9[%swap3A] masked %lt3A_308 {strides = array<i32>} : memref<13824xi32, #tpu.memory_space<vmem>>, vector<16xi32>, vector<16xi1>
      tpu.vector_store %arg9[%swap3A], %shift_right_logical3A_304 masked %lt3A_308 {strides = array<i32>} : memref<13824xi32, #tpu.memory_space<vmem>>, vector<16xi32>, vector<16xi1>
      %swap3A_310 = arith.index_cast %while3A_295 : i32 to index
      %swap3A_311 = tpu.vector_load %arg10[%swap3A_310] masked %lt3A_308 {strides = array<i32>} : memref<13824xi32, #tpu.memory_space<vmem>>, vector<16xi32>, vector<16xi1>
      tpu.vector_store %arg10[%swap3A_310], %and3A_306 masked %lt3A_308 {strides = array<i32>} : memref<13824xi32, #tpu.memory_space<vmem>>, vector<16xi32>, vector<16xi1>
      %all_reduce_population_count3A = tpu.all_reduce %lt3A_308 {dim = 0 : i64, kind = #tpu.reduction_kind<sum>} : vector<16xi1> -> vector<16xi32>
      %reduce_max3A = arith.constant true
      %reduce_max3A_312 = vector.broadcast %reduce_max3A : i1 to vector<16xi1>
      %reduce_max3A_313 = arith.constant -2147483648 : i32
      %reduce_max3A_314 = vector.broadcast %reduce_max3A_313 : i32 to vector<16xi32>
      %reduce_max3A_315 = arith.xori %all_reduce_population_count3A, %reduce_max3A_314 : vector<16xi32>
      %reduce_max3A_316 = tpu.scan <max>, %reduce_max3A_315 masked %reduce_max3A_312 : vector<16xi32>, vector<16xi1> -> vector<16xi32>
      %reduce_max3A_317 = arith.xori %reduce_max3A_316, %reduce_max3A_314 : vector<16xi32>
      %reduce_max3A_318 = vector.extract %reduce_max3A_317[15] : i32 from vector<16xi32>
      %add3A_319 = arith.addi %while3A_295, %reduce_max3A_318 : i32
      scf.yield %add3A_319 : i32
    }
    %add3A_245 = arith.constant 255 : i32
    %add3A_246 = arith.addi %while3A_244, %add3A_245 : i32
    %div3A_247 = arith.constant 256 : i32
    %div3A_248 = arith.divsi %add3A_246, %div3A_247 : i32
    %mul3A_249 = arith.constant 2 : i32
    %mul3A_250 = arith.muli %div3A_248, %mul3A_249 : i32
    %while3A_251 = arith.constant 0 : i32
    %while3A_252 = arith.constant 0 : i32
    %while3A_253 = arith.subi %mul3A_250, %while3A_251 : i32
    %while3A_254 = arith.addi %while3A_251, %while3A_253 : i32
    %while3A_255 = arith.constant 1 : i32
    %while3A_256 = arith.divsi %while3A_253, %while3A_255 : i32
    %while3A_257 = arith.muli %while3A_256, %while3A_255 : i32
    %while3A_258 = arith.addi %while3A_251, %while3A_257 : i32
    %while3A_259 = arith.constant 1 : i32
    %while3A_260 = scf.for %while3A_294 = %while3A_251 to %while3A_258 step %while3A_259 iter_args(%while3A_295 = %while3A_252) -> (i32)  : i32 {
      %mul3A_296 = arith.constant 128 : i32
      %mul3A_297 = arith.muli %while3A_294, %mul3A_296 : i32
      %add3A_298 = arith.constant 0 : i32
      %add3A_299 = arith.addi %mul3A_297, %add3A_298 : i32
      %get3A = arith.index_cast %add3A_299 : i32 to index
      %get3A_300 = tpu.vector_load %arg10[%get3A] {strides = array<i32>} : memref<13824xi32, #tpu.memory_space<vmem>>, vector<16xi32>,
      %swap3A = arith.index_cast %while3A_294 : i32 to index
      %swap3A_301 = arith.constant 0 : index
      %swap3A_302 = tpu.vector_load %arg11[%swap3A, %swap3A_301] {strides = array<i32>} : memref<108x128xi32, #tpu.memory_space<vmem>>, vector<16xi32>,
      tpu.vector_store %arg11[%swap3A, %swap3A_301], %get3A_300 {strides = array<i32>} : memref<108x128xi32, #tpu.memory_space<vmem>>, vector<16xi32>,
      %mul3A_303 = arith.constant 128 : i32
      %mul3A_304 = arith.muli %while3A_294, %mul3A_303 : i32
      %add3A_305 = arith.constant 16 : i32
      %add3A_306 = arith.addi %mul3A_304, %add3A_305 : i32
      %get3A_307 = arith.index_cast %add3A_306 : i32 to index
      %get3A_308 = tpu.vector_load %arg10[%get3A_307] {strides = array<i32>} : memref<13824xi32, #tpu.memory_space<vmem>>, vector<16xi32>,
      %swap3A_309 = arith.index_cast %while3A_294 : i32 to index
      %swap3A_310 = arith.constant 16 : index
      %swap3A_311 = tpu.vector_load %arg11[%swap3A_309, %swap3A_310] {strides = array<i32>} : memref<108x128xi32, #tpu.memory_space<vmem>>, vector<16xi32>,
      tpu.vector_store %arg11[%swap3A_309, %swap3A_310], %get3A_308 {strides = array<i32>} : memref<108x128xi32, #tpu.memory_space<vmem>>, vector<16xi32>,
      %mul3A_312 = arith.constant 128 : i32
      %mul3A_313 = arith.muli %while3A_294, %mul3A_312 : i32
      %add3A_314 = arith.constant 32 : i32
      %add3A_315 = arith.addi %mul3A_313, %add3A_314 : i32
      %get3A_316 = arith.index_cast %add3A_315 : i32 to index
      %get3A_317 = tpu.vector_load %arg10[%get3A_316] {strides = array<i32>} : memref<13824xi32, #tpu.memory_space<vmem>>, vector<16xi32>,
      %swap3A_318 = arith.index_cast %while3A_294 : i32 to index
      %swap3A_319 = arith.constant 32 : index
      %swap3A_320 = tpu.vector_load %arg11[%swap3A_318, %swap3A_319] {strides = array<i32>} : memref<108x128xi32, #tpu.memory_space<vmem>>, vector<16xi32>,
      tpu.vector_store %arg11[%swap3A_318, %swap3A_319], %get3A_317 {strides = array<i32>} : memref<108x128xi32, #tpu.memory_space<vmem>>, vector<16xi32>,
      %mul3A_321 = arith.constant 128 : i32
      %mul3A_322 = arith.muli %while3A_294, %mul3A_321 : i32
      %add3A_323 = arith.constant 48 : i32
      %add3A_324 = arith.addi %mul3A_322, %add3A_323 : i32
      %get3A_325 = arith.index_cast %add3A_324 : i32 to index
      %get3A_326 = tpu.vector_load %arg10[%get3A_325] {strides = array<i32>} : memref<13824xi32, #tpu.memory_space<vmem>>, vector<16xi32>,
      %swap3A_327 = arith.index_cast %while3A_294 : i32 to index
      %swap3A_328 = arith.constant 48 : index
      %swap3A_329 = tpu.vector_load %arg11[%swap3A_327, %swap3A_328] {strides = array<i32>} : memref<108x128xi32, #tpu.memory_space<vmem>>, vector<16xi32>,
      tpu.vector_store %arg11[%swap3A_327, %swap3A_328], %get3A_326 {strides = array<i32>} : memref<108x128xi32, #tpu.memory_space<vmem>>, vector<16xi32>,
      %mul3A_330 = arith.constant 128 : i32
      %mul3A_331 = arith.muli %while3A_294, %mul3A_330 : i32
      %add3A_332 = arith.constant 64 : i32
      %add3A_333 = arith.addi %mul3A_331, %add3A_332 : i32
      %get3A_334 = arith.index_cast %add3A_333 : i32 to index
      %get3A_335 = tpu.vector_load %arg10[%get3A_334] {strides = array<i32>} : memref<13824xi32, #tpu.memory_space<vmem>>, vector<16xi32>,
      %swap3A_336 = arith.index_cast %while3A_294 : i32 to index
      %swap3A_337 = arith.constant 64 : index
      %swap3A_338 = tpu.vector_load %arg11[%swap3A_336, %swap3A_337] {strides = array<i32>} : memref<108x128xi32, #tpu.memory_space<vmem>>, vector<16xi32>,
      tpu.vector_store %arg11[%swap3A_336, %swap3A_337], %get3A_335 {strides = array<i32>} : memref<108x128xi32, #tpu.memory_space<vmem>>, vector<16xi32>,
      %mul3A_339 = arith.constant 128 : i32
      %mul3A_340 = arith.muli %while3A_294, %mul3A_339 : i32
      %add3A_341 = arith.constant 80 : i32
      %add3A_342 = arith.addi %mul3A_340, %add3A_341 : i32
      %get3A_343 = arith.index_cast %add3A_342 : i32 to index
      %get3A_344 = tpu.vector_load %arg10[%get3A_343] {strides = array<i32>} : memref<13824xi32, #tpu.memory_space<vmem>>, vector<16xi32>,
      %swap3A_345 = arith.index_cast %while3A_294 : i32 to index
      %swap3A_346 = arith.constant 80 : index
      %swap3A_347 = tpu.vector_load %arg11[%swap3A_345, %swap3A_346] {strides = array<i32>} : memref<108x128xi32, #tpu.memory_space<vmem>>, vector<16xi32>,
      tpu.vector_store %arg11[%swap3A_345, %swap3A_346], %get3A_344 {strides = array<i32>} : memref<108x128xi32, #tpu.memory_space<vmem>>, vector<16xi32>,
      %mul3A_348 = arith.constant 128 : i32
      %mul3A_349 = arith.muli %while3A_294, %mul3A_348 : i32
      %add3A_350 = arith.constant 96 : i32
      %add3A_351 = arith.addi %mul3A_349, %add3A_350 : i32
      %get3A_352 = arith.index_cast %add3A_351 : i32 to index
      %get3A_353 = tpu.vector_load %arg10[%get3A_352] {strides = array<i32>} : memref<13824xi32, #tpu.memory_space<vmem>>, vector<16xi32>,
      %swap3A_354 = arith.index_cast %while3A_294 : i32 to index
      %swap3A_355 = arith.constant 96 : index
      %swap3A_356 = tpu.vector_load %arg11[%swap3A_354, %swap3A_355] {strides = array<i32>} : memref<108x128xi32, #tpu.memory_space<vmem>>, vector<16xi32>,
      tpu.vector_store %arg11[%swap3A_354, %swap3A_355], %get3A_353 {strides = array<i32>} : memref<108x128xi32, #tpu.memory_space<vmem>>, vector<16xi32>,
      %mul3A_357 = arith.constant 128 : i32
      %mul3A_358 = arith.muli %while3A_294, %mul3A_357 : i32
      %add3A_359 = arith.constant 112 : i32
      %add3A_360 = arith.addi %mul3A_358, %add3A_359 : i32
      %get3A_361 = arith.index_cast %add3A_360 : i32 to index
      %get3A_362 = tpu.vector_load %arg10[%get3A_361] {strides = array<i32>} : memref<13824xi32, #tpu.memory_space<vmem>>, vector<16xi32>,
      %swap3A_363 = arith.index_cast %while3A_294 : i32 to index
      %swap3A_364 = arith.constant 112 : index
      %swap3A_365 = tpu.vector_load %arg11[%swap3A_363, %swap3A_364] {strides = array<i32>} : memref<108x128xi32, #tpu.memory_space<vmem>>, vector<16xi32>,
      tpu.vector_store %arg11[%swap3A_363, %swap3A_364], %get3A_362 {strides = array<i32>} : memref<108x128xi32, #tpu.memory_space<vmem>>, vector<16xi32>,
      %while3A_366 = arith.constant 0 : i32
      scf.yield %while3A_366 : i32
    }
    %while3A_261 = arith.constant 1 : i32
    %while3A_262 = scf.for %while3A_294 = %while3A_258 to %while3A_254 step %while3A_261 iter_args(%while3A_295 = %while3A_260) -> (i32)  : i32 {
      %mul3A_296 = arith.constant 128 : i32
      %mul3A_297 = arith.muli %while3A_294, %mul3A_296 : i32
      %add3A_298 = arith.constant 0 : i32
      %add3A_299 = arith.addi %mul3A_297, %add3A_298 : i32
      %get3A = arith.index_cast %add3A_299 : i32 to index
      %get3A_300 = tpu.vector_load %arg10[%get3A] {strides = array<i32>} : memref<13824xi32, #tpu.memory_space<vmem>>, vector<16xi32>,
      %swap3A = arith.index_cast %while3A_294 : i32 to index
      %swap3A_301 = arith.constant 0 : index
      %swap3A_302 = tpu.vector_load %arg11[%swap3A, %swap3A_301] {strides = array<i32>} : memref<108x128xi32, #tpu.memory_space<vmem>>, vector<16xi32>,
      tpu.vector_store %arg11[%swap3A, %swap3A_301], %get3A_300 {strides = array<i32>} : memref<108x128xi32, #tpu.memory_space<vmem>>, vector<16xi32>,
      %mul3A_303 = arith.constant 128 : i32
      %mul3A_304 = arith.muli %while3A_294, %mul3A_303 : i32
      %add3A_305 = arith.constant 16 : i32
      %add3A_306 = arith.addi %mul3A_304, %add3A_305 : i32
      %get3A_307 = arith.index_cast %add3A_306 : i32 to index
      %get3A_308 = tpu.vector_load %arg10[%get3A_307] {strides = array<i32>} : memref<13824xi32, #tpu.memory_space<vmem>>, vector<16xi32>,
      %swap3A_309 = arith.index_cast %while3A_294 : i32 to index
      %swap3A_310 = arith.constant 16 : index
      %swap3A_311 = tpu.vector_load %arg11[%swap3A_309, %swap3A_310] {strides = array<i32>} : memref<108x128xi32, #tpu.memory_space<vmem>>, vector<16xi32>,
      tpu.vector_store %arg11[%swap3A_309, %swap3A_310], %get3A_308 {strides = array<i32>} : memref<108x128xi32, #tpu.memory_space<vmem>>, vector<16xi32>,
      %mul3A_312 = arith.constant 128 : i32
      %mul3A_313 = arith.muli %while3A_294, %mul3A_312 : i32
      %add3A_314 = arith.constant 32 : i32
      %add3A_315 = arith.addi %mul3A_313, %add3A_314 : i32
      %get3A_316 = arith.index_cast %add3A_315 : i32 to index
      %get3A_317 = tpu.vector_load %arg10[%get3A_316] {strides = array<i32>} : memref<13824xi32, #tpu.memory_space<vmem>>, vector<16xi32>,
      %swap3A_318 = arith.index_cast %while3A_294 : i32 to index
      %swap3A_319 = arith.constant 32 : index
      %swap3A_320 = tpu.vector_load %arg11[%swap3A_318, %swap3A_319] {strides = array<i32>} : memref<108x128xi32, #tpu.memory_space<vmem>>, vector<16xi32>,
      tpu.vector_store %arg11[%swap3A_318, %swap3A_319], %get3A_317 {strides = array<i32>} : memref<108x128xi32, #tpu.memory_space<vmem>>, vector<16xi32>,
      %mul3A_321 = arith.constant 128 : i32
      %mul3A_322 = arith.muli %while3A_294, %mul3A_321 : i32
      %add3A_323 = arith.constant 48 : i32
      %add3A_324 = arith.addi %mul3A_322, %add3A_323 : i32
      %get3A_325 = arith.index_cast %add3A_324 : i32 to index
      %get3A_326 = tpu.vector_load %arg10[%get3A_325] {strides = array<i32>} : memref<13824xi32, #tpu.memory_space<vmem>>, vector<16xi32>,
      %swap3A_327 = arith.index_cast %while3A_294 : i32 to index
      %swap3A_328 = arith.constant 48 : index
      %swap3A_329 = tpu.vector_load %arg11[%swap3A_327, %swap3A_328] {strides = array<i32>} : memref<108x128xi32, #tpu.memory_space<vmem>>, vector<16xi32>,
      tpu.vector_store %arg11[%swap3A_327, %swap3A_328], %get3A_326 {strides = array<i32>} : memref<108x128xi32, #tpu.memory_space<vmem>>, vector<16xi32>,
      %mul3A_330 = arith.constant 128 : i32
      %mul3A_331 = arith.muli %while3A_294, %mul3A_330 : i32
      %add3A_332 = arith.constant 64 : i32
      %add3A_333 = arith.addi %mul3A_331, %add3A_332 : i32
      %get3A_334 = arith.index_cast %add3A_333 : i32 to index
      %get3A_335 = tpu.vector_load %arg10[%get3A_334] {strides = array<i32>} : memref<13824xi32, #tpu.memory_space<vmem>>, vector<16xi32>,
      %swap3A_336 = arith.index_cast %while3A_294 : i32 to index
      %swap3A_337 = arith.constant 64 : index
      %swap3A_338 = tpu.vector_load %arg11[%swap3A_336, %swap3A_337] {strides = array<i32>} : memref<108x128xi32, #tpu.memory_space<vmem>>, vector<16xi32>,
      tpu.vector_store %arg11[%swap3A_336, %swap3A_337], %get3A_335 {strides = array<i32>} : memref<108x128xi32, #tpu.memory_space<vmem>>, vector<16xi32>,
      %mul3A_339 = arith.constant 128 : i32
      %mul3A_340 = arith.muli %while3A_294, %mul3A_339 : i32
      %add3A_341 = arith.constant 80 : i32
      %add3A_342 = arith.addi %mul3A_340, %add3A_341 : i32
      %get3A_343 = arith.index_cast %add3A_342 : i32 to index
      %get3A_344 = tpu.vector_load %arg10[%get3A_343] {strides = array<i32>} : memref<13824xi32, #tpu.memory_space<vmem>>, vector<16xi32>,
      %swap3A_345 = arith.index_cast %while3A_294 : i32 to index
      %swap3A_346 = arith.constant 80 : index
      %swap3A_347 = tpu.vector_load %arg11[%swap3A_345, %swap3A_346] {strides = array<i32>} : memref<108x128xi32, #tpu.memory_space<vmem>>, vector<16xi32>,
      tpu.vector_store %arg11[%swap3A_345, %swap3A_346], %get3A_344 {strides = array<i32>} : memref<108x128xi32, #tpu.memory_space<vmem>>, vector<16xi32>,
      %mul3A_348 = arith.constant 128 : i32
      %mul3A_349 = arith.muli %while3A_294, %mul3A_348 : i32
      %add3A_350 = arith.constant 96 : i32
      %add3A_351 = arith.addi %mul3A_349, %add3A_350 : i32
      %get3A_352 = arith.index_cast %add3A_351 : i32 to index
      %get3A_353 = tpu.vector_load %arg10[%get3A_352] {strides = array<i32>} : memref<13824xi32, #tpu.memory_space<vmem>>, vector<16xi32>,
      %swap3A_354 = arith.index_cast %while3A_294 : i32 to index
      %swap3A_355 = arith.constant 96 : index
      %swap3A_356 = tpu.vector_load %arg11[%swap3A_354, %swap3A_355] {strides = array<i32>} : memref<108x128xi32, #tpu.memory_space<vmem>>, vector<16xi32>,
      tpu.vector_store %arg11[%swap3A_354, %swap3A_355], %get3A_353 {strides = array<i32>} : memref<108x128xi32, #tpu.memory_space<vmem>>, vector<16xi32>,
      %mul3A_357 = arith.constant 128 : i32
      %mul3A_358 = arith.muli %while3A_294, %mul3A_357 : i32
      %add3A_359 = arith.constant 112 : i32
      %add3A_360 = arith.addi %mul3A_358, %add3A_359 : i32
      %get3A_361 = arith.index_cast %add3A_360 : i32 to index
      %get3A_362 = tpu.vector_load %arg10[%get3A_361] {strides = array<i32>} : memref<13824xi32, #tpu.memory_space<vmem>>, vector<16xi32>,
      %swap3A_363 = arith.index_cast %while3A_294 : i32 to index
      %swap3A_364 = arith.constant 112 : index
      %swap3A_365 = tpu.vector_load %arg11[%swap3A_363, %swap3A_364] {strides = array<i32>} : memref<108x128xi32, #tpu.memory_space<vmem>>, vector<16xi32>,
      tpu.vector_store %arg11[%swap3A_363, %swap3A_364], %get3A_362 {strides = array<i32>} : memref<108x128xi32, #tpu.memory_space<vmem>>, vector<16xi32>,
      %while3A_366 = arith.constant 0 : i32
      scf.yield %while3A_366 : i32
    }
    %barrier3A_263 = arith.constant 0 : index
    tpu.barrier barrier_id(%barrier3A_263)
    %while3A_264 = arith.constant 0 : i32
    %while3A_265 = arith.constant 0 : i32
    %while3A_266 = arith.subi %div3A_248, %while3A_264 : i32
    %while3A_267 = arith.addi %while3A_264, %while3A_266 : i32
    %while3A_268 = arith.constant 1 : i32
    %while3A_269 = arith.divsi %while3A_266, %while3A_268 : i32
    %while3A_270 = arith.muli %while3A_269, %while3A_268 : i32
    %while3A_271 = arith.addi %while3A_264, %while3A_270 : i32
    %while3A_272 = arith.constant 1 : i32
    %while3A_273 = scf.for %while3A_294 = %while3A_264 to %while3A_271 step %while3A_272 iter_args(%while3A_295 = %while3A_265) -> (i32)  : i32 {
      %mul3A_296 = arith.constant 2 : i32
      %mul3A_297 = arith.muli %while3A_294, %mul3A_296 : i32
      %add3A_298 = arith.constant 0 : i32
      %add3A_299 = arith.addi %mul3A_297, %add3A_298 : i32
      %mul3A_300 = arith.constant 128 : i32
      %mul3A_301 = arith.muli %add3A_299, %mul3A_300 : i32
      %dma_start3A = arith.constant 0 : i32
      %dma_start3A_302 = arith.constant 0 : i32
      %dma_start3A_303 = arith.constant 0 : i32
      %dma_start3A_304 = tpu.memref_slice %arg12[%dma_start3A, %dma_start3A_302, %dma_start3A_303] : memref<2x128x128xf32, #tpu.memory_space<vmem>> -> memref<1x128x128xf32, #tpu.memory_space<vmem>>
      %dma_start3A_305 = tpu.memref_squeeze %dma_start3A_304 : memref<1x128x128xf32, #tpu.memory_space<vmem>> -> memref<128x128xf32, #tpu.memory_space<vmem>>
      %dma_start3A_306 = tpu.memref_slice %arg9[%mul3A_301] : memref<13824xi32, #tpu.memory_space<vmem>> -> memref<128xi32, #tpu.memory_space<vmem>>
      %dma_start3A_307 = arith.constant 0 : i32
      %dma_start3A_308 = arith.constant 0 : i32
      %dma_start3A_309 = tpu.memref_slice %arg2[%dma_start3A_307, %dma_start3A_308] : memref<10240x128xf32, #tpu.memory_space<hbm>> -> memref<10240x128xf32, #tpu.memory_space<hbm>>
      tpu.enqueue_indirect_dma source(%dma_start3A_309 : memref<10240x128xf32, #tpu.memory_space<hbm>>) target(%dma_start3A_305 : memref<128x128xf32, #tpu.memory_space<vmem>>) offsets(%dma_start3A_306 : memref<128xi32, #tpu.memory_space<vmem>>) semaphore(%arg14 : memref<!tpu.dma_semaphore, #tpu.memory_space<semaphore_mem>>)
      %add3A_310 = arith.constant 1 : i32
      %add3A_311 = arith.addi %mul3A_297, %add3A_310 : i32
      %mul3A_312 = arith.constant 128 : i32
      %mul3A_313 = arith.muli %add3A_311, %mul3A_312 : i32
      %dma_start3A_314 = arith.constant 1 : i32
      %dma_start3A_315 = arith.constant 0 : i32
      %dma_start3A_316 = arith.constant 0 : i32
      %dma_start3A_317 = tpu.memref_slice %arg12[%dma_start3A_314, %dma_start3A_315, %dma_start3A_316] : memref<2x128x128xf32, #tpu.memory_space<vmem>> -> memref<1x128x128xf32, #tpu.memory_space<vmem>>
      %dma_start3A_318 = tpu.memref_squeeze %dma_start3A_317 : memref<1x128x128xf32, #tpu.memory_space<vmem>> -> memref<128x128xf32, #tpu.memory_space<vmem>>
      %dma_start3A_319 = tpu.memref_slice %arg9[%mul3A_313] : memref<13824xi32, #tpu.memory_space<vmem>> -> memref<128xi32, #tpu.memory_space<vmem>>
      %dma_start3A_320 = arith.constant 0 : i32
      %dma_start3A_321 = arith.constant 0 : i32
      %dma_start3A_322 = tpu.memref_slice %arg2[%dma_start3A_320, %dma_start3A_321] : memref<10240x128xf32, #tpu.memory_space<hbm>> -> memref<10240x128xf32, #tpu.memory_space<hbm>>
      tpu.enqueue_indirect_dma source(%dma_start3A_322 : memref<10240x128xf32, #tpu.memory_space<hbm>>) target(%dma_start3A_318 : memref<128x128xf32, #tpu.memory_space<vmem>>) offsets(%dma_start3A_319 : memref<128xi32, #tpu.memory_space<vmem>>) semaphore(%arg14 : memref<!tpu.dma_semaphore, #tpu.memory_space<semaphore_mem>>)
      %dma_wait3A = arith.constant 0 : i32
      %dma_wait3A_323 = arith.constant 0 : i32
      %dma_wait3A_324 = arith.constant 0 : i32
      %dma_wait3A_325 = tpu.memref_slice %arg12[%dma_wait3A, %dma_wait3A_323, %dma_wait3A_324] : memref<2x128x128xf32, #tpu.memory_space<vmem>> -> memref<1x128x128xf32, #tpu.memory_space<vmem>>
      %dma_wait3A_326 = tpu.memref_squeeze %dma_wait3A_325 : memref<1x128x128xf32, #tpu.memory_space<vmem>> -> memref<128x128xf32, #tpu.memory_space<vmem>>
      %dma_wait3A_327 = tpu.memref_slice %arg9[%mul3A_301] : memref<13824xi32, #tpu.memory_space<vmem>> -> memref<128xi32, #tpu.memory_space<vmem>>
      %dma_wait3A_328 = arith.constant 0 : i32
      %dma_wait3A_329 = arith.constant 0 : i32
      %dma_wait3A_330 = tpu.memref_slice %arg2[%dma_wait3A_328, %dma_wait3A_329] : memref<10240x128xf32, #tpu.memory_space<hbm>> -> memref<10240x128xf32, #tpu.memory_space<hbm>>
      tpu.wait_indirect_dma semaphore(%arg14 : memref<!tpu.dma_semaphore, #tpu.memory_space<semaphore_mem>>) src(%dma_wait3A_330 : memref<10240x128xf32, #tpu.memory_space<hbm>>) dst(%dma_wait3A_326 : memref<128x128xf32, #tpu.memory_space<vmem>>)
      %add3A_331 = arith.constant 0 : i32
      %add3A_332 = arith.addi %mul3A_297, %add3A_331 : i32
      %dma_start3A_333 = arith.constant 0 : i32
      %dma_start3A_334 = arith.constant 0 : i32
      %dma_start3A_335 = arith.constant 0 : i32
      %dma_start3A_336 = tpu.memref_slice %arg12[%dma_start3A_333, %dma_start3A_334, %dma_start3A_335] : memref<2x128x128xf32, #tpu.memory_space<vmem>> -> memref<1x128x128xf32, #tpu.memory_space<vmem>>
      %dma_start3A_337 = tpu.memref_squeeze %dma_start3A_336 : memref<1x128x128xf32, #tpu.memory_space<vmem>> -> memref<128x128xf32, #tpu.memory_space<vmem>>
      %dma_start3A_338 = arith.constant 0 : i32
      %dma_start3A_339 = tpu.memref_slice %arg11[%add3A_332, %dma_start3A_338] : memref<108x128xi32, #tpu.memory_space<vmem>> -> memref<1x128xi32, #tpu.memory_space<vmem>>
      %dma_start3A_340 = tpu.memref_squeeze %dma_start3A_339 : memref<1x128xi32, #tpu.memory_space<vmem>> -> memref<128xi32, #tpu.memory_space<vmem>>
      %dma_start3A_341 = arith.constant 0 : i32
      %dma_start3A_342 = arith.constant 0 : i32
      %dma_start3A_343 = tpu.memref_slice %arg13[%dma_start3A_341, %dma_start3A_342] : memref<3464x128xf32, #tpu.memory_space<vmem_shared>> -> memref<3464x128xf32, #tpu.memory_space<vmem_shared>>
      tpu.enqueue_indirect_dma source(%dma_start3A_337 : memref<128x128xf32, #tpu.memory_space<vmem>>) target(%dma_start3A_343 : memref<3464x128xf32, #tpu.memory_space<vmem_shared>>) offsets(%dma_start3A_340 : memref<128xi32, #tpu.memory_space<vmem>>) semaphore(%arg15 : memref<!tpu.dma_semaphore, #tpu.memory_space<semaphore_mem>>) {add = true}
      %dma_wait3A_344 = arith.constant 1 : i32
      %dma_wait3A_345 = arith.constant 0 : i32
      %dma_wait3A_346 = arith.constant 0 : i32
      %dma_wait3A_347 = tpu.memref_slice %arg12[%dma_wait3A_344, %dma_wait3A_345, %dma_wait3A_346] : memref<2x128x128xf32, #tpu.memory_space<vmem>> -> memref<1x128x128xf32, #tpu.memory_space<vmem>>
      %dma_wait3A_348 = tpu.memref_squeeze %dma_wait3A_347 : memref<1x128x128xf32, #tpu.memory_space<vmem>> -> memref<128x128xf32, #tpu.memory_space<vmem>>
      %dma_wait3A_349 = tpu.memref_slice %arg9[%mul3A_313] : memref<13824xi32, #tpu.memory_space<vmem>> -> memref<128xi32, #tpu.memory_space<vmem>>
      %dma_wait3A_350 = arith.constant 0 : i32
      %dma_wait3A_351 = arith.constant 0 : i32
      %dma_wait3A_352 = tpu.memref_slice %arg2[%dma_wait3A_350, %dma_wait3A_351] : memref<10240x128xf32, #tpu.memory_space<hbm>> -> memref<10240x128xf32, #tpu.memory_space<hbm>>
      tpu.wait_indirect_dma semaphore(%arg14 : memref<!tpu.dma_semaphore, #tpu.memory_space<semaphore_mem>>) src(%dma_wait3A_352 : memref<10240x128xf32, #tpu.memory_space<hbm>>) dst(%dma_wait3A_348 : memref<128x128xf32, #tpu.memory_space<vmem>>)
      %add3A_353 = arith.constant 1 : i32
      %add3A_354 = arith.addi %mul3A_297, %add3A_353 : i32
      %dma_start3A_355 = arith.constant 1 : i32
      %dma_start3A_356 = arith.constant 0 : i32
      %dma_start3A_357 = arith.constant 0 : i32
      %dma_start3A_358 = tpu.memref_slice %arg12[%dma_start3A_355, %dma_start3A_356, %dma_start3A_357] : memref<2x128x128xf32, #tpu.memory_space<vmem>> -> memref<1x128x128xf32, #tpu.memory_space<vmem>>
      %dma_start3A_359 = tpu.memref_squeeze %dma_start3A_358 : memref<1x128x128xf32, #tpu.memory_space<vmem>> -> memref<128x128xf32, #tpu.memory_space<vmem>>
      %dma_start3A_360 = arith.constant 0 : i32
      %dma_start3A_361 = tpu.memref_slice %arg11[%add3A_354, %dma_start3A_360] : memref<108x128xi32, #tpu.memory_space<vmem>> -> memref<1x128xi32, #tpu.memory_space<vmem>>
      %dma_start3A_362 = tpu.memref_squeeze %dma_start3A_361 : memref<1x128xi32, #tpu.memory_space<vmem>> -> memref<128xi32, #tpu.memory_space<vmem>>
      %dma_start3A_363 = arith.constant 0 : i32
      %dma_start3A_364 = arith.constant 0 : i32
      %dma_start3A_365 = tpu.memref_slice %arg13[%dma_start3A_363, %dma_start3A_364] : memref<3464x128xf32, #tpu.memory_space<vmem_shared>> -> memref<3464x128xf32, #tpu.memory_space<vmem_shared>>
      tpu.enqueue_indirect_dma source(%dma_start3A_359 : memref<128x128xf32, #tpu.memory_space<vmem>>) target(%dma_start3A_365 : memref<3464x128xf32, #tpu.memory_space<vmem_shared>>) offsets(%dma_start3A_362 : memref<128xi32, #tpu.memory_space<vmem>>) semaphore(%arg15 : memref<!tpu.dma_semaphore, #tpu.memory_space<semaphore_mem>>) {add = true}
      %dma_wait3A_366 = arith.constant 0 : i32
      %dma_wait3A_367 = arith.constant 0 : i32
      %dma_wait3A_368 = arith.constant 0 : i32
      %dma_wait3A_369 = tpu.memref_slice %arg12[%dma_wait3A_366, %dma_wait3A_367, %dma_wait3A_368] : memref<2x128x128xf32, #tpu.memory_space<vmem>> -> memref<1x128x128xf32, #tpu.memory_space<vmem>>
      %dma_wait3A_370 = tpu.memref_squeeze %dma_wait3A_369 : memref<1x128x128xf32, #tpu.memory_space<vmem>> -> memref<128x128xf32, #tpu.memory_space<vmem>>
      %dma_wait3A_371 = arith.constant 0 : i32
      %dma_wait3A_372 = tpu.memref_slice %arg11[%add3A_332, %dma_wait3A_371] : memref<108x128xi32, #tpu.memory_space<vmem>> -> memref<1x128xi32, #tpu.memory_space<vmem>>
      %dma_wait3A_373 = tpu.memref_squeeze %dma_wait3A_372 : memref<1x128xi32, #tpu.memory_space<vmem>> -> memref<128xi32, #tpu.memory_space<vmem>>
      %dma_wait3A_374 = arith.constant 0 : i32
      %dma_wait3A_375 = arith.constant 0 : i32
      %dma_wait3A_376 = tpu.memref_slice %arg13[%dma_wait3A_374, %dma_wait3A_375] : memref<3464x128xf32, #tpu.memory_space<vmem_shared>> -> memref<3464x128xf32, #tpu.memory_space<vmem_shared>>
      tpu.wait_indirect_dma semaphore(%arg15 : memref<!tpu.dma_semaphore, #tpu.memory_space<semaphore_mem>>) src(%dma_wait3A_370 : memref<128x128xf32, #tpu.memory_space<vmem>>) dst(%dma_wait3A_376 : memref<3464x128xf32, #tpu.memory_space<vmem_shared>>)
      %dma_wait3A_377 = arith.constant 1 : i32
      %dma_wait3A_378 = arith.constant 0 : i32
      %dma_wait3A_379 = arith.constant 0 : i32
      %dma_wait3A_380 = tpu.memref_slice %arg12[%dma_wait3A_377, %dma_wait3A_378, %dma_wait3A_379] : memref<2x128x128xf32, #tpu.memory_space<vmem>> -> memref<1x128x128xf32, #tpu.memory_space<vmem>>
      %dma_wait3A_381 = tpu.memref_squeeze %dma_wait3A_380 : memref<1x128x128xf32, #tpu.memory_space<vmem>> -> memref<128x128xf32, #tpu.memory_space<vmem>>
      %dma_wait3A_382 = arith.constant 0 : i32
      %dma_wait3A_383 = tpu.memref_slice %arg11[%add3A_354, %dma_wait3A_382] : memref<108x128xi32, #tpu.memory_space<vmem>> -> memref<1x128xi32, #tpu.memory_space<vmem>>
      %dma_wait3A_384 = tpu.memref_squeeze %dma_wait3A_383 : memref<1x128xi32, #tpu.memory_space<vmem>> -> memref<128xi32, #tpu.memory_space<vmem>>
      %dma_wait3A_385 = arith.constant 0 : i32
      %dma_wait3A_386 = arith.constant 0 : i32
      %dma_wait3A_387 = tpu.memref_slice %arg13[%dma_wait3A_385, %dma_wait3A_386] : memref<3464x128xf32, #tpu.memory_space<vmem_shared>> -> memref<3464x128xf32, #tpu.memory_space<vmem_shared>>
      tpu.wait_indirect_dma semaphore(%arg15 : memref<!tpu.dma_semaphore, #tpu.memory_space<semaphore_mem>>) src(%dma_wait3A_381 : memref<128x128xf32, #tpu.memory_space<vmem>>) dst(%dma_wait3A_387 : memref<3464x128xf32, #tpu.memory_space<vmem_shared>>)
      %while3A_388 = arith.constant 0 : i32
      scf.yield %while3A_388 : i32
    }
    %while3A_274 = arith.constant 1 : i32
    %while3A_275 = scf.for %while3A_294 = %while3A_271 to %while3A_267 step %while3A_274 iter_args(%while3A_295 = %while3A_273) -> (i32)  : i32 {
      %mul3A_296 = arith.constant 2 : i32
      %mul3A_297 = arith.muli %while3A_294, %mul3A_296 : i32
      %add3A_298 = arith.constant 0 : i32
      %add3A_299 = arith.addi %mul3A_297, %add3A_298 : i32
      %mul3A_300 = arith.constant 128 : i32
      %mul3A_301 = arith.muli %add3A_299, %mul3A_300 : i32
      %dma_start3A = arith.constant 0 : i32
      %dma_start3A_302 = arith.constant 0 : i32
      %dma_start3A_303 = arith.constant 0 : i32
      %dma_start3A_304 = tpu.memref_slice %arg12[%dma_start3A, %dma_start3A_302, %dma_start3A_303] : memref<2x128x128xf32, #tpu.memory_space<vmem>> -> memref<1x128x128xf32, #tpu.memory_space<vmem>>
      %dma_start3A_305 = tpu.memref_squeeze %dma_start3A_304 : memref<1x128x128xf32, #tpu.memory_space<vmem>> -> memref<128x128xf32, #tpu.memory_space<vmem>>
      %dma_start3A_306 = tpu.memref_slice %arg9[%mul3A_301] : memref<13824xi32, #tpu.memory_space<vmem>> -> memref<128xi32, #tpu.memory_space<vmem>>
      %dma_start3A_307 = arith.constant 0 : i32
      %dma_start3A_308 = arith.constant 0 : i32
      %dma_start3A_309 = tpu.memref_slice %arg2[%dma_start3A_307, %dma_start3A_308] : memref<10240x128xf32, #tpu.memory_space<hbm>> -> memref<10240x128xf32, #tpu.memory_space<hbm>>
      tpu.enqueue_indirect_dma source(%dma_start3A_309 : memref<10240x128xf32, #tpu.memory_space<hbm>>) target(%dma_start3A_305 : memref<128x128xf32, #tpu.memory_space<vmem>>) offsets(%dma_start3A_306 : memref<128xi32, #tpu.memory_space<vmem>>) semaphore(%arg14 : memref<!tpu.dma_semaphore, #tpu.memory_space<semaphore_mem>>)
      %add3A_310 = arith.constant 1 : i32
      %add3A_311 = arith.addi %mul3A_297, %add3A_310 : i32
      %mul3A_312 = arith.constant 128 : i32
      %mul3A_313 = arith.muli %add3A_311, %mul3A_312 : i32
      %dma_start3A_314 = arith.constant 1 : i32
      %dma_start3A_315 = arith.constant 0 : i32
      %dma_start3A_316 = arith.constant 0 : i32
      %dma_start3A_317 = tpu.memref_slice %arg12[%dma_start3A_314, %dma_start3A_315, %dma_start3A_316] : memref<2x128x128xf32, #tpu.memory_space<vmem>> -> memref<1x128x128xf32, #tpu.memory_space<vmem>>
      %dma_start3A_318 = tpu.memref_squeeze %dma_start3A_317 : memref<1x128x128xf32, #tpu.memory_space<vmem>> -> memref<128x128xf32, #tpu.memory_space<vmem>>
      %dma_start3A_319 = tpu.memref_slice %arg9[%mul3A_313] : memref<13824xi32, #tpu.memory_space<vmem>> -> memref<128xi32, #tpu.memory_space<vmem>>
      %dma_start3A_320 = arith.constant 0 : i32
      %dma_start3A_321 = arith.constant 0 : i32
      %dma_start3A_322 = tpu.memref_slice %arg2[%dma_start3A_320, %dma_start3A_321] : memref<10240x128xf32, #tpu.memory_space<hbm>> -> memref<10240x128xf32, #tpu.memory_space<hbm>>
      tpu.enqueue_indirect_dma source(%dma_start3A_322 : memref<10240x128xf32, #tpu.memory_space<hbm>>) target(%dma_start3A_318 : memref<128x128xf32, #tpu.memory_space<vmem>>) offsets(%dma_start3A_319 : memref<128xi32, #tpu.memory_space<vmem>>) semaphore(%arg14 : memref<!tpu.dma_semaphore, #tpu.memory_space<semaphore_mem>>)
      %dma_wait3A = arith.constant 0 : i32
      %dma_wait3A_323 = arith.constant 0 : i32
      %dma_wait3A_324 = arith.constant 0 : i32
      %dma_wait3A_325 = tpu.memref_slice %arg12[%dma_wait3A, %dma_wait3A_323, %dma_wait3A_324] : memref<2x128x128xf32, #tpu.memory_space<vmem>> -> memref<1x128x128xf32, #tpu.memory_space<vmem>>
      %dma_wait3A_326 = tpu.memref_squeeze %dma_wait3A_325 : memref<1x128x128xf32, #tpu.memory_space<vmem>> -> memref<128x128xf32, #tpu.memory_space<vmem>>
      %dma_wait3A_327 = tpu.memref_slice %arg9[%mul3A_301] : memref<13824xi32, #tpu.memory_space<vmem>> -> memref<128xi32, #tpu.memory_space<vmem>>
      %dma_wait3A_328 = arith.constant 0 : i32
      %dma_wait3A_329 = arith.constant 0 : i32
      %dma_wait3A_330 = tpu.memref_slice %arg2[%dma_wait3A_328, %dma_wait3A_329] : memref<10240x128xf32, #tpu.memory_space<hbm>> -> memref<10240x128xf32, #tpu.memory_space<hbm>>
      tpu.wait_indirect_dma semaphore(%arg14 : memref<!tpu.dma_semaphore, #tpu.memory_space<semaphore_mem>>) src(%dma_wait3A_330 : memref<10240x128xf32, #tpu.memory_space<hbm>>) dst(%dma_wait3A_326 : memref<128x128xf32, #tpu.memory_space<vmem>>)
      %add3A_331 = arith.constant 0 : i32
      %add3A_332 = arith.addi %mul3A_297, %add3A_331 : i32
      %dma_start3A_333 = arith.constant 0 : i32
      %dma_start3A_334 = arith.constant 0 : i32
      %dma_start3A_335 = arith.constant 0 : i32
      %dma_start3A_336 = tpu.memref_slice %arg12[%dma_start3A_333, %dma_start3A_334, %dma_start3A_335] : memref<2x128x128xf32, #tpu.memory_space<vmem>> -> memref<1x128x128xf32, #tpu.memory_space<vmem>>
      %dma_start3A_337 = tpu.memref_squeeze %dma_start3A_336 : memref<1x128x128xf32, #tpu.memory_space<vmem>> -> memref<128x128xf32, #tpu.memory_space<vmem>>
      %dma_start3A_338 = arith.constant 0 : i32
      %dma_start3A_339 = tpu.memref_slice %arg11[%add3A_332, %dma_start3A_338] : memref<108x128xi32, #tpu.memory_space<vmem>> -> memref<1x128xi32, #tpu.memory_space<vmem>>
      %dma_start3A_340 = tpu.memref_squeeze %dma_start3A_339 : memref<1x128xi32, #tpu.memory_space<vmem>> -> memref<128xi32, #tpu.memory_space<vmem>>
      %dma_start3A_341 = arith.constant 0 : i32
      %dma_start3A_342 = arith.constant 0 : i32
      %dma_start3A_343 = tpu.memref_slice %arg13[%dma_start3A_341, %dma_start3A_342] : memref<3464x128xf32, #tpu.memory_space<vmem_shared>> -> memref<3464x128xf32, #tpu.memory_space<vmem_shared>>
      tpu.enqueue_indirect_dma source(%dma_start3A_337 : memref<128x128xf32, #tpu.memory_space<vmem>>) target(%dma_start3A_343 : memref<3464x128xf32, #tpu.memory_space<vmem_shared>>) offsets(%dma_start3A_340 : memref<128xi32, #tpu.memory_space<vmem>>) semaphore(%arg15 : memref<!tpu.dma_semaphore, #tpu.memory_space<semaphore_mem>>) {add = true}
      %dma_wait3A_344 = arith.constant 1 : i32
      %dma_wait3A_345 = arith.constant 0 : i32
      %dma_wait3A_346 = arith.constant 0 : i32
      %dma_wait3A_347 = tpu.memref_slice %arg12[%dma_wait3A_344, %dma_wait3A_345, %dma_wait3A_346] : memref<2x128x128xf32, #tpu.memory_space<vmem>> -> memref<1x128x128xf32, #tpu.memory_space<vmem>>
      %dma_wait3A_348 = tpu.memref_squeeze %dma_wait3A_347 : memref<1x128x128xf32, #tpu.memory_space<vmem>> -> memref<128x128xf32, #tpu.memory_space<vmem>>
      %dma_wait3A_349 = tpu.memref_slice %arg9[%mul3A_313] : memref<13824xi32, #tpu.memory_space<vmem>> -> memref<128xi32, #tpu.memory_space<vmem>>
      %dma_wait3A_350 = arith.constant 0 : i32
      %dma_wait3A_351 = arith.constant 0 : i32
      %dma_wait3A_352 = tpu.memref_slice %arg2[%dma_wait3A_350, %dma_wait3A_351] : memref<10240x128xf32, #tpu.memory_space<hbm>> -> memref<10240x128xf32, #tpu.memory_space<hbm>>
      tpu.wait_indirect_dma semaphore(%arg14 : memref<!tpu.dma_semaphore, #tpu.memory_space<semaphore_mem>>) src(%dma_wait3A_352 : memref<10240x128xf32, #tpu.memory_space<hbm>>) dst(%dma_wait3A_348 : memref<128x128xf32, #tpu.memory_space<vmem>>)
      %add3A_353 = arith.constant 1 : i32
      %add3A_354 = arith.addi %mul3A_297, %add3A_353 : i32
      %dma_start3A_355 = arith.constant 1 : i32
      %dma_start3A_356 = arith.constant 0 : i32
      %dma_start3A_357 = arith.constant 0 : i32
      %dma_start3A_358 = tpu.memref_slice %arg12[%dma_start3A_355, %dma_start3A_356, %dma_start3A_357] : memref<2x128x128xf32, #tpu.memory_space<vmem>> -> memref<1x128x128xf32, #tpu.memory_space<vmem>>
      %dma_start3A_359 = tpu.memref_squeeze %dma_start3A_358 : memref<1x128x128xf32, #tpu.memory_space<vmem>> -> memref<128x128xf32, #tpu.memory_space<vmem>>
      %dma_start3A_360 = arith.constant 0 : i32
      %dma_start3A_361 = tpu.memref_slice %arg11[%add3A_354, %dma_start3A_360] : memref<108x128xi32, #tpu.memory_space<vmem>> -> memref<1x128xi32, #tpu.memory_space<vmem>>
      %dma_start3A_362 = tpu.memref_squeeze %dma_start3A_361 : memref<1x128xi32, #tpu.memory_space<vmem>> -> memref<128xi32, #tpu.memory_space<vmem>>
      %dma_start3A_363 = arith.constant 0 : i32
      %dma_start3A_364 = arith.constant 0 : i32
      %dma_start3A_365 = tpu.memref_slice %arg13[%dma_start3A_363, %dma_start3A_364] : memref<3464x128xf32, #tpu.memory_space<vmem_shared>> -> memref<3464x128xf32, #tpu.memory_space<vmem_shared>>
      tpu.enqueue_indirect_dma source(%dma_start3A_359 : memref<128x128xf32, #tpu.memory_space<vmem>>) target(%dma_start3A_365 : memref<3464x128xf32, #tpu.memory_space<vmem_shared>>) offsets(%dma_start3A_362 : memref<128xi32, #tpu.memory_space<vmem>>) semaphore(%arg15 : memref<!tpu.dma_semaphore, #tpu.memory_space<semaphore_mem>>) {add = true}
      %dma_wait3A_366 = arith.constant 0 : i32
      %dma_wait3A_367 = arith.constant 0 : i32
      %dma_wait3A_368 = arith.constant 0 : i32
      %dma_wait3A_369 = tpu.memref_slice %arg12[%dma_wait3A_366, %dma_wait3A_367, %dma_wait3A_368] : memref<2x128x128xf32, #tpu.memory_space<vmem>> -> memref<1x128x128xf32, #tpu.memory_space<vmem>>
      %dma_wait3A_370 = tpu.memref_squeeze %dma_wait3A_369 : memref<1x128x128xf32, #tpu.memory_space<vmem>> -> memref<128x128xf32, #tpu.memory_space<vmem>>
      %dma_wait3A_371 = arith.constant 0 : i32
      %dma_wait3A_372 = tpu.memref_slice %arg11[%add3A_332, %dma_wait3A_371] : memref<108x128xi32, #tpu.memory_space<vmem>> -> memref<1x128xi32, #tpu.memory_space<vmem>>
      %dma_wait3A_373 = tpu.memref_squeeze %dma_wait3A_372 : memref<1x128xi32, #tpu.memory_space<vmem>> -> memref<128xi32, #tpu.memory_space<vmem>>
      %dma_wait3A_374 = arith.constant 0 : i32
      %dma_wait3A_375 = arith.constant 0 : i32
      %dma_wait3A_376 = tpu.memref_slice %arg13[%dma_wait3A_374, %dma_wait3A_375] : memref<3464x128xf32, #tpu.memory_space<vmem_shared>> -> memref<3464x128xf32, #tpu.memory_space<vmem_shared>>
      tpu.wait_indirect_dma semaphore(%arg15 : memref<!tpu.dma_semaphore, #tpu.memory_space<semaphore_mem>>) src(%dma_wait3A_370 : memref<128x128xf32, #tpu.memory_space<vmem>>) dst(%dma_wait3A_376 : memref<3464x128xf32, #tpu.memory_space<vmem_shared>>)
      %dma_wait3A_377 = arith.constant 1 : i32
      %dma_wait3A_378 = arith.constant 0 : i32
      %dma_wait3A_379 = arith.constant 0 : i32
      %dma_wait3A_380 = tpu.memref_slice %arg12[%dma_wait3A_377, %dma_wait3A_378, %dma_wait3A_379] : memref<2x128x128xf32, #tpu.memory_space<vmem>> -> memref<1x128x128xf32, #tpu.memory_space<vmem>>
      %dma_wait3A_381 = tpu.memref_squeeze %dma_wait3A_380 : memref<1x128x128xf32, #tpu.memory_space<vmem>> -> memref<128x128xf32, #tpu.memory_space<vmem>>
      %dma_wait3A_382 = arith.constant 0 : i32
      %dma_wait3A_383 = tpu.memref_slice %arg11[%add3A_354, %dma_wait3A_382] : memref<108x128xi32, #tpu.memory_space<vmem>> -> memref<1x128xi32, #tpu.memory_space<vmem>>
      %dma_wait3A_384 = tpu.memref_squeeze %dma_wait3A_383 : memref<1x128xi32, #tpu.memory_space<vmem>> -> memref<128xi32, #tpu.memory_space<vmem>>
      %dma_wait3A_385 = arith.constant 0 : i32
      %dma_wait3A_386 = arith.constant 0 : i32
      %dma_wait3A_387 = tpu.memref_slice %arg13[%dma_wait3A_385, %dma_wait3A_386] : memref<3464x128xf32, #tpu.memory_space<vmem_shared>> -> memref<3464x128xf32, #tpu.memory_space<vmem_shared>>
      tpu.wait_indirect_dma semaphore(%arg15 : memref<!tpu.dma_semaphore, #tpu.memory_space<semaphore_mem>>) src(%dma_wait3A_381 : memref<128x128xf32, #tpu.memory_space<vmem>>) dst(%dma_wait3A_387 : memref<3464x128xf32, #tpu.memory_space<vmem_shared>>)
      %while3A_388 = arith.constant 0 : i32
      scf.yield %while3A_388 : i32
    }
    %barrier3A_276 = arith.constant 0 : index
    tpu.barrier barrier_id(%barrier3A_276)
    %add3A_277 = arith.constant 0 : i32
    %add3A_278 = arith.addi %mul3A_9, %add3A_277 : i32
    %run_scoped3A_279 = arith.constant 0 : i32
    "tpu.region"() ({
      %run_scoped3A_294 = tpu.sem_alloc : memref<!tpu.dma_semaphore, #tpu.memory_space<semaphore_mem>>
      %dma_start3A = arith.constant 0 : i32
      %dma_start3A_295 = arith.constant 0 : i32
      %dma_start3A_296 = tpu.memref_slice %arg12[%run_scoped3A_279, %dma_start3A, %dma_start3A_295] : memref<2x128x128xf32, #tpu.memory_space<vmem>> -> memref<1x128x128xf32, #tpu.memory_space<vmem>>
      %dma_start3A_297 = tpu.memref_squeeze %dma_start3A_296 : memref<1x128x128xf32, #tpu.memory_space<vmem>> -> memref<128x128xf32, #tpu.memory_space<vmem>>
      %dma_start3A_298 = arith.constant 0 : i32
      %dma_start3A_299 = arith.constant 0 : i32
      %dma_start3A_300 = tpu.memref_slice %dma_start3A_297[%dma_start3A_298, %dma_start3A_299] : memref<128x128xf32, #tpu.memory_space<vmem>> -> memref<128x128xf32, #tpu.memory_space<vmem>>
      %dma_start3A_301 = arith.constant 0 : i32
      %dma_start3A_302 = tpu.memref_slice %arg13[%add3A_278, %dma_start3A_301] : memref<3464x128xf32, #tpu.memory_space<vmem_shared>> -> memref<128x128xf32, #tpu.memory_space<vmem_shared>>
      %dma_start3A_303 = arith.constant 0 : i32
      %dma_start3A_304 = arith.constant 0 : i32
      %dma_start3A_305 = tpu.memref_slice %arg12[%run_scoped3A_279, %dma_start3A_303, %dma_start3A_304] : memref<2x128x128xf32, #tpu.memory_space<vmem>> -> memref<1x128x128xf32, #tpu.memory_space<vmem>>
      %dma_start3A_306 = tpu.memref_squeeze %dma_start3A_305 : memref<1x128x128xf32, #tpu.memory_space<vmem>> -> memref<128x128xf32, #tpu.memory_space<vmem>>
      %dma_start3A_307 = arith.constant 0 : i32
      %dma_start3A_308 = arith.constant 0 : i32
      %dma_start3A_309 = tpu.memref_slice %dma_start3A_306[%dma_start3A_307, %dma_start3A_308] : memref<128x128xf32, #tpu.memory_space<vmem>> -> memref<128x128xf32, #tpu.memory_space<vmem>>
      %dma_start3A_310 = arith.constant 0 : i32
      %dma_start3A_311 = tpu.memref_slice %arg13[%add3A_278, %dma_start3A_310] : memref<3464x128xf32, #tpu.memory_space<vmem_shared>> -> memref<128x128xf32, #tpu.memory_space<vmem_shared>>
      tpu.enqueue_dma source(%dma_start3A_311 : memref<128x128xf32, #tpu.memory_space<vmem_shared>>) target(%dma_start3A_309 : memref<128x128xf32, #tpu.memory_space<vmem>>) target_semaphore(%run_scoped3A_294 : memref<!tpu.dma_semaphore, #tpu.memory_space<semaphore_mem>>)
      %dma_wait3A = arith.constant 0 : i32
      %dma_wait3A_312 = arith.constant 0 : i32
      %dma_wait3A_313 = tpu.memref_slice %arg12[%run_scoped3A_279, %dma_wait3A, %dma_wait3A_312] : memref<2x128x128xf32, #tpu.memory_space<vmem>> -> memref<1x128x128xf32, #tpu.memory_space<vmem>>
      %dma_wait3A_314 = tpu.memref_squeeze %dma_wait3A_313 : memref<1x128x128xf32, #tpu.memory_space<vmem>> -> memref<128x128xf32, #tpu.memory_space<vmem>>
      %dma_wait3A_315 = arith.constant 0 : i32
      %dma_wait3A_316 = arith.constant 0 : i32
      %dma_wait3A_317 = tpu.memref_slice %dma_wait3A_314[%dma_wait3A_315, %dma_wait3A_316] : memref<128x128xf32, #tpu.memory_space<vmem>> -> memref<128x128xf32, #tpu.memory_space<vmem>>
      %dma_wait3A_318 = arith.constant 0 : i32
      %dma_wait3A_319 = tpu.memref_slice %arg13[%add3A_278, %dma_wait3A_318] : memref<3464x128xf32, #tpu.memory_space<vmem_shared>> -> memref<128x128xf32, #tpu.memory_space<vmem_shared>>
      %dma_wait3A_320 = arith.constant 0 : i32
      %dma_wait3A_321 = arith.constant 0 : i32
      %dma_wait3A_322 = tpu.memref_slice %arg12[%run_scoped3A_279, %dma_wait3A_320, %dma_wait3A_321] : memref<2x128x128xf32, #tpu.memory_space<vmem>> -> memref<1x128x128xf32, #tpu.memory_space<vmem>>
      %dma_wait3A_323 = tpu.memref_squeeze %dma_wait3A_322 : memref<1x128x128xf32, #tpu.memory_space<vmem>> -> memref<128x128xf32, #tpu.memory_space<vmem>>
      %dma_wait3A_324 = arith.constant 0 : i32
      %dma_wait3A_325 = arith.constant 0 : i32
      %dma_wait3A_326 = tpu.memref_slice %dma_wait3A_323[%dma_wait3A_324, %dma_wait3A_325] : memref<128x128xf32, #tpu.memory_space<vmem>> -> memref<128x128xf32, #tpu.memory_space<vmem>>
      %dma_wait3A_327 = arith.constant 0 : i32
      %dma_wait3A_328 = tpu.memref_slice %arg13[%add3A_278, %dma_wait3A_327] : memref<3464x128xf32, #tpu.memory_space<vmem_shared>> -> memref<128x128xf32, #tpu.memory_space<vmem_shared>>
      tpu.wait_dma2 semaphore(%run_scoped3A_294 : memref<!tpu.dma_semaphore, #tpu.memory_space<semaphore_mem>>) src(%dma_wait3A_328 : memref<128x128xf32, #tpu.memory_space<vmem_shared>>) dst(%dma_wait3A_326 : memref<128x128xf32, #tpu.memory_space<vmem>>)
      tpu.yield
    }) : () -> ()
    %add3A_280 = arith.constant 6912 : i32
    %add3A_281 = arith.addi %add3A_280, %mul3A_9 : i32
    %add3A_282 = arith.constant 0 : i32
    %add3A_283 = arith.addi %add3A_281, %add3A_282 : i32
    %run_scoped3A_284 = arith.constant 0 : i32
    "tpu.region"() ({
      %run_scoped3A_294 = tpu.sem_alloc : memref<!tpu.dma_semaphore, #tpu.memory_space<semaphore_mem>>
      %dma_start3A = arith.constant 0 : i32
      %dma_start3A_295 = arith.constant 0 : i32
      %dma_start3A_296 = tpu.memref_slice %arg12[%run_scoped3A_284, %dma_start3A, %dma_start3A_295] : memref<2x128x128xf32, #tpu.memory_space<vmem>> -> memref<1x128x128xf32, #tpu.memory_space<vmem>>
      %dma_start3A_297 = tpu.memref_squeeze %dma_start3A_296 : memref<1x128x128xf32, #tpu.memory_space<vmem>> -> memref<128x128xf32, #tpu.memory_space<vmem>>
      %dma_start3A_298 = arith.constant 0 : i32
      %dma_start3A_299 = arith.constant 0 : i32
      %dma_start3A_300 = tpu.memref_slice %dma_start3A_297[%dma_start3A_298, %dma_start3A_299] : memref<128x128xf32, #tpu.memory_space<vmem>> -> memref<128x128xf32, #tpu.memory_space<vmem>>
      %dma_start3A_301 = arith.constant 0 : i32
      %dma_start3A_302 = tpu.memref_slice %arg6[%arg0, %add3A_283, %dma_start3A_301] : memref<2x10368x128xf32, #tpu.memory_space<hbm>> -> memref<1x128x128xf32, #tpu.memory_space<hbm>>
      %dma_start3A_303 = tpu.memref_squeeze %dma_start3A_302 : memref<1x128x128xf32, #tpu.memory_space<hbm>> -> memref<128x128xf32, #tpu.memory_space<hbm>>
      %dma_start3A_304 = arith.constant 0 : i32
      %dma_start3A_305 = tpu.memref_slice %arg6[%arg0, %add3A_283, %dma_start3A_304] : memref<2x10368x128xf32, #tpu.memory_space<hbm>> -> memref<1x128x128xf32, #tpu.memory_space<hbm>>
      %dma_start3A_306 = tpu.memref_squeeze %dma_start3A_305 : memref<1x128x128xf32, #tpu.memory_space<hbm>> -> memref<128x128xf32, #tpu.memory_space<hbm>>
      %dma_start3A_307 = arith.constant 0 : i32
      %dma_start3A_308 = arith.constant 0 : i32
      %dma_start3A_309 = tpu.memref_slice %arg12[%run_scoped3A_284, %dma_start3A_307, %dma_start3A_308] : memref<2x128x128xf32, #tpu.memory_space<vmem>> -> memref<1x128x128xf32, #tpu.memory_space<vmem>>
      %dma_start3A_310 = tpu.memref_squeeze %dma_start3A_309 : memref<1x128x128xf32, #tpu.memory_space<vmem>> -> memref<128x128xf32, #tpu.memory_space<vmem>>
      %dma_start3A_311 = arith.constant 0 : i32
      %dma_start3A_312 = arith.constant 0 : i32
      %dma_start3A_313 = tpu.memref_slice %dma_start3A_310[%dma_start3A_311, %dma_start3A_312] : memref<128x128xf32, #tpu.memory_space<vmem>> -> memref<128x128xf32, #tpu.memory_space<vmem>>
      tpu.enqueue_dma source(%dma_start3A_313 : memref<128x128xf32, #tpu.memory_space<vmem>>) target(%dma_start3A_306 : memref<128x128xf32, #tpu.memory_space<hbm>>) target_semaphore(%run_scoped3A_294 : memref<!tpu.dma_semaphore, #tpu.memory_space<semaphore_mem>>)
      %dma_wait3A = arith.constant 0 : i32
      %dma_wait3A_314 = arith.constant 0 : i32
      %dma_wait3A_315 = tpu.memref_slice %arg12[%run_scoped3A_284, %dma_wait3A, %dma_wait3A_314] : memref<2x128x128xf32, #tpu.memory_space<vmem>> -> memref<1x128x128xf32, #tpu.memory_space<vmem>>
      %dma_wait3A_316 = tpu.memref_squeeze %dma_wait3A_315 : memref<1x128x128xf32, #tpu.memory_space<vmem>> -> memref<128x128xf32, #tpu.memory_space<vmem>>
      %dma_wait3A_317 = arith.constant 0 : i32
      %dma_wait3A_318 = arith.constant 0 : i32
      %dma_wait3A_319 = tpu.memref_slice %dma_wait3A_316[%dma_wait3A_317, %dma_wait3A_318] : memref<128x128xf32, #tpu.memory_space<vmem>> -> memref<128x128xf32, #tpu.memory_space<vmem>>
      %dma_wait3A_320 = arith.constant 0 : i32
      %dma_wait3A_321 = tpu.memref_slice %arg6[%arg0, %add3A_283, %dma_wait3A_320] : memref<2x10368x128xf32, #tpu.memory_space<hbm>> -> memref<1x128x128xf32, #tpu.memory_space<hbm>>
      %dma_wait3A_322 = tpu.memref_squeeze %dma_wait3A_321 : memref<1x128x128xf32, #tpu.memory_space<hbm>> -> memref<128x128xf32, #tpu.memory_space<hbm>>
      %dma_wait3A_323 = arith.constant 0 : i32
      %dma_wait3A_324 = tpu.memref_slice %arg6[%arg0, %add3A_283, %dma_wait3A_323] : memref<2x10368x128xf32, #tpu.memory_space<hbm>> -> memref<1x128x128xf32, #tpu.memory_space<hbm>>
      %dma_wait3A_325 = tpu.memref_squeeze %dma_wait3A_324 : memref<1x128x128xf32, #tpu.memory_space<hbm>> -> memref<128x128xf32, #tpu.memory_space<hbm>>
      %dma_wait3A_326 = arith.constant 0 : i32
      %dma_wait3A_327 = arith.constant 0 : i32
      %dma_wait3A_328 = tpu.memref_slice %arg12[%run_scoped3A_284, %dma_wait3A_326, %dma_wait3A_327] : memref<2x128x128xf32, #tpu.memory_space<vmem>> -> memref<1x128x128xf32, #tpu.memory_space<vmem>>
      %dma_wait3A_329 = tpu.memref_squeeze %dma_wait3A_328 : memref<1x128x128xf32, #tpu.memory_space<vmem>> -> memref<128x128xf32, #tpu.memory_space<vmem>>
      %dma_wait3A_330 = arith.constant 0 : i32
      %dma_wait3A_331 = arith.constant 0 : i32
      %dma_wait3A_332 = tpu.memref_slice %dma_wait3A_329[%dma_wait3A_330, %dma_wait3A_331] : memref<128x128xf32, #tpu.memory_space<vmem>> -> memref<128x128xf32, #tpu.memory_space<vmem>>
      tpu.wait_dma2 semaphore(%run_scoped3A_294 : memref<!tpu.dma_semaphore, #tpu.memory_space<semaphore_mem>>) src(%dma_wait3A_332 : memref<128x128xf32, #tpu.memory_space<vmem>>) dst(%dma_wait3A_325 : memref<128x128xf32, #tpu.memory_space<hbm>>)
      tpu.yield
    }) : () -> ()
    %add3A_285 = arith.constant 128 : i32
    %add3A_286 = arith.addi %mul3A_9, %add3A_285 : i32
    %run_scoped3A_287 = arith.constant 0 : i32
    "tpu.region"() ({
      %run_scoped3A_294 = tpu.sem_alloc : memref<!tpu.dma_semaphore, #tpu.memory_space<semaphore_mem>>
      %dma_start3A = arith.constant 0 : i32
      %dma_start3A_295 = arith.constant 0 : i32
      %dma_start3A_296 = tpu.memref_slice %arg12[%run_scoped3A_287, %dma_start3A, %dma_start3A_295] : memref<2x128x128xf32, #tpu.memory_space<vmem>> -> memref<1x128x128xf32, #tpu.memory_space<vmem>>
      %dma_start3A_297 = tpu.memref_squeeze %dma_start3A_296 : memref<1x128x128xf32, #tpu.memory_space<vmem>> -> memref<128x128xf32, #tpu.memory_space<vmem>>
      %dma_start3A_298 = arith.constant 0 : i32
      %dma_start3A_299 = arith.constant 0 : i32
      %dma_start3A_300 = tpu.memref_slice %dma_start3A_297[%dma_start3A_298, %dma_start3A_299] : memref<128x128xf32, #tpu.memory_space<vmem>> -> memref<88x128xf32, #tpu.memory_space<vmem>>
      %dma_start3A_301 = arith.constant 0 : i32
      %dma_start3A_302 = tpu.memref_slice %arg13[%add3A_286, %dma_start3A_301] : memref<3464x128xf32, #tpu.memory_space<vmem_shared>> -> memref<88x128xf32, #tpu.memory_space<vmem_shared>>
      %dma_start3A_303 = arith.constant 0 : i32
      %dma_start3A_304 = arith.constant 0 : i32
      %dma_start3A_305 = tpu.memref_slice %arg12[%run_scoped3A_287, %dma_start3A_303, %dma_start3A_304] : memref<2x128x128xf32, #tpu.memory_space<vmem>> -> memref<1x128x128xf32, #tpu.memory_space<vmem>>
      %dma_start3A_306 = tpu.memref_squeeze %dma_start3A_305 : memref<1x128x128xf32, #tpu.memory_space<vmem>> -> memref<128x128xf32, #tpu.memory_space<vmem>>
      %dma_start3A_307 = arith.constant 0 : i32
      %dma_start3A_308 = arith.constant 0 : i32
      %dma_start3A_309 = tpu.memref_slice %dma_start3A_306[%dma_start3A_307, %dma_start3A_308] : memref<128x128xf32, #tpu.memory_space<vmem>> -> memref<88x128xf32, #tpu.memory_space<vmem>>
      %dma_start3A_310 = arith.constant 0 : i32
      %dma_start3A_311 = tpu.memref_slice %arg13[%add3A_286, %dma_start3A_310] : memref<3464x128xf32, #tpu.memory_space<vmem_shared>> -> memref<88x128xf32, #tpu.memory_space<vmem_shared>>
      tpu.enqueue_dma source(%dma_start3A_311 : memref<88x128xf32, #tpu.memory_space<vmem_shared>>) target(%dma_start3A_309 : memref<88x128xf32, #tpu.memory_space<vmem>>) target_semaphore(%run_scoped3A_294 : memref<!tpu.dma_semaphore, #tpu.memory_space<semaphore_mem>>)
      %dma_wait3A = arith.constant 0 : i32
      %dma_wait3A_312 = arith.constant 0 : i32
      %dma_wait3A_313 = tpu.memref_slice %arg12[%run_scoped3A_287, %dma_wait3A, %dma_wait3A_312] : memref<2x128x128xf32, #tpu.memory_space<vmem>> -> memref<1x128x128xf32, #tpu.memory_space<vmem>>
      %dma_wait3A_314 = tpu.memref_squeeze %dma_wait3A_313 : memref<1x128x128xf32, #tpu.memory_space<vmem>> -> memref<128x128xf32, #tpu.memory_space<vmem>>
      %dma_wait3A_315 = arith.constant 0 : i32
      %dma_wait3A_316 = arith.constant 0 : i32
      %dma_wait3A_317 = tpu.memref_slice %dma_wait3A_314[%dma_wait3A_315, %dma_wait3A_316] : memref<128x128xf32, #tpu.memory_space<vmem>> -> memref<88x128xf32, #tpu.memory_space<vmem>>
      %dma_wait3A_318 = arith.constant 0 : i32
      %dma_wait3A_319 = tpu.memref_slice %arg13[%add3A_286, %dma_wait3A_318] : memref<3464x128xf32, #tpu.memory_space<vmem_shared>> -> memref<88x128xf32, #tpu.memory_space<vmem_shared>>
      %dma_wait3A_320 = arith.constant 0 : i32
      %dma_wait3A_321 = arith.constant 0 : i32
      %dma_wait3A_322 = tpu.memref_slice %arg12[%run_scoped3A_287, %dma_wait3A_320, %dma_wait3A_321] : memref<2x128x128xf32, #tpu.memory_space<vmem>> -> memref<1x128x128xf32, #tpu.memory_space<vmem>>
      %dma_wait3A_323 = tpu.memref_squeeze %dma_wait3A_322 : memref<1x128x128xf32, #tpu.memory_space<vmem>> -> memref<128x128xf32, #tpu.memory_space<vmem>>
      %dma_wait3A_324 = arith.constant 0 : i32
      %dma_wait3A_325 = arith.constant 0 : i32
      %dma_wait3A_326 = tpu.memref_slice %dma_wait3A_323[%dma_wait3A_324, %dma_wait3A_325] : memref<128x128xf32, #tpu.memory_space<vmem>> -> memref<88x128xf32, #tpu.memory_space<vmem>>
      %dma_wait3A_327 = arith.constant 0 : i32
      %dma_wait3A_328 = tpu.memref_slice %arg13[%add3A_286, %dma_wait3A_327] : memref<3464x128xf32, #tpu.memory_space<vmem_shared>> -> memref<88x128xf32, #tpu.memory_space<vmem_shared>>
      tpu.wait_dma2 semaphore(%run_scoped3A_294 : memref<!tpu.dma_semaphore, #tpu.memory_space<semaphore_mem>>) src(%dma_wait3A_328 : memref<88x128xf32, #tpu.memory_space<vmem_shared>>) dst(%dma_wait3A_326 : memref<88x128xf32, #tpu.memory_space<vmem>>)
      tpu.yield
    }) : () -> ()
    %add3A_288 = arith.constant 6912 : i32
    %add3A_289 = arith.addi %add3A_288, %mul3A_9 : i32
    %add3A_290 = arith.constant 128 : i32
    %add3A_291 = arith.addi %add3A_289, %add3A_290 : i32
    %run_scoped3A_292 = arith.constant 0 : i32
    "tpu.region"() ({
      %run_scoped3A_294 = tpu.sem_alloc : memref<!tpu.dma_semaphore, #tpu.memory_space<semaphore_mem>>
      %dma_start3A = arith.constant 0 : i32
      %dma_start3A_295 = arith.constant 0 : i32
      %dma_start3A_296 = tpu.memref_slice %arg12[%run_scoped3A_292, %dma_start3A, %dma_start3A_295] : memref<2x128x128xf32, #tpu.memory_space<vmem>> -> memref<1x128x128xf32, #tpu.memory_space<vmem>>
      %dma_start3A_297 = tpu.memref_squeeze %dma_start3A_296 : memref<1x128x128xf32, #tpu.memory_space<vmem>> -> memref<128x128xf32, #tpu.memory_space<vmem>>
      %dma_start3A_298 = arith.constant 0 : i32
      %dma_start3A_299 = arith.constant 0 : i32
      %dma_start3A_300 = tpu.memref_slice %dma_start3A_297[%dma_start3A_298, %dma_start3A_299] : memref<128x128xf32, #tpu.memory_space<vmem>> -> memref<88x128xf32, #tpu.memory_space<vmem>>
      %dma_start3A_301 = arith.constant 0 : i32
      %dma_start3A_302 = tpu.memref_slice %arg6[%arg0, %add3A_291, %dma_start3A_301] : memref<2x10368x128xf32, #tpu.memory_space<hbm>> -> memref<1x88x128xf32, #tpu.memory_space<hbm>>
      %dma_start3A_303 = tpu.memref_squeeze %dma_start3A_302 : memref<1x88x128xf32, #tpu.memory_space<hbm>> -> memref<88x128xf32, #tpu.memory_space<hbm>>
      %dma_start3A_304 = arith.constant 0 : i32
      %dma_start3A_305 = tpu.memref_slice %arg6[%arg0, %add3A_291, %dma_start3A_304] : memref<2x10368x128xf32, #tpu.memory_space<hbm>> -> memref<1x88x128xf32, #tpu.memory_space<hbm>>
      %dma_start3A_306 = tpu.memref_squeeze %dma_start3A_305 : memref<1x88x128xf32, #tpu.memory_space<hbm>> -> memref<88x128xf32, #tpu.memory_space<hbm>>
      %dma_start3A_307 = arith.constant 0 : i32
      %dma_start3A_308 = arith.constant 0 : i32
      %dma_start3A_309 = tpu.memref_slice %arg12[%run_scoped3A_292, %dma_start3A_307, %dma_start3A_308] : memref<2x128x128xf32, #tpu.memory_space<vmem>> -> memref<1x128x128xf32, #tpu.memory_space<vmem>>
      %dma_start3A_310 = tpu.memref_squeeze %dma_start3A_309 : memref<1x128x128xf32, #tpu.memory_space<vmem>> -> memref<128x128xf32, #tpu.memory_space<vmem>>
      %dma_start3A_311 = arith.constant 0 : i32
      %dma_start3A_312 = arith.constant 0 : i32
      %dma_start3A_313 = tpu.memref_slice %dma_start3A_310[%dma_start3A_311, %dma_start3A_312] : memref<128x128xf32, #tpu.memory_space<vmem>> -> memref<88x128xf32, #tpu.memory_space<vmem>>
      tpu.enqueue_dma source(%dma_start3A_313 : memref<88x128xf32, #tpu.memory_space<vmem>>) target(%dma_start3A_306 : memref<88x128xf32, #tpu.memory_space<hbm>>) target_semaphore(%run_scoped3A_294 : memref<!tpu.dma_semaphore, #tpu.memory_space<semaphore_mem>>)
      %dma_wait3A = arith.constant 0 : i32
      %dma_wait3A_314 = arith.constant 0 : i32
      %dma_wait3A_315 = tpu.memref_slice %arg12[%run_scoped3A_292, %dma_wait3A, %dma_wait3A_314] : memref<2x128x128xf32, #tpu.memory_space<vmem>> -> memref<1x128x128xf32, #tpu.memory_space<vmem>>
      %dma_wait3A_316 = tpu.memref_squeeze %dma_wait3A_315 : memref<1x128x128xf32, #tpu.memory_space<vmem>> -> memref<128x128xf32, #tpu.memory_space<vmem>>
      %dma_wait3A_317 = arith.constant 0 : i32
      %dma_wait3A_318 = arith.constant 0 : i32
      %dma_wait3A_319 = tpu.memref_slice %dma_wait3A_316[%dma_wait3A_317, %dma_wait3A_318] : memref<128x128xf32, #tpu.memory_space<vmem>> -> memref<88x128xf32, #tpu.memory_space<vmem>>
      %dma_wait3A_320 = arith.constant 0 : i32
      %dma_wait3A_321 = tpu.memref_slice %arg6[%arg0, %add3A_291, %dma_wait3A_320] : memref<2x10368x128xf32, #tpu.memory_space<hbm>> -> memref<1x88x128xf32, #tpu.memory_space<hbm>>
      %dma_wait3A_322 = tpu.memref_squeeze %dma_wait3A_321 : memref<1x88x128xf32, #tpu.memory_space<hbm>> -> memref<88x128xf32, #tpu.memory_space<hbm>>
      %dma_wait3A_323 = arith.constant 0 : i32
      %dma_wait3A_324 = tpu.memref_slice %arg6[%arg0, %add3A_291, %dma_wait3A_323] : memref<2x10368x128xf32, #tpu.memory_space<hbm>> -> memref<1x88x128xf32, #tpu.memory_space<hbm>>
      %dma_wait3A_325 = tpu.memref_squeeze %dma_wait3A_324 : memref<1x88x128xf32, #tpu.memory_space<hbm>> -> memref<88x128xf32, #tpu.memory_space<hbm>>
      %dma_wait3A_326 = arith.constant 0 : i32
      %dma_wait3A_327 = arith.constant 0 : i32
      %dma_wait3A_328 = tpu.memref_slice %arg12[%run_scoped3A_292, %dma_wait3A_326, %dma_wait3A_327] : memref<2x128x128xf32, #tpu.memory_space<vmem>> -> memref<1x128x128xf32, #tpu.memory_space<vmem>>
      %dma_wait3A_329 = tpu.memref_squeeze %dma_wait3A_328 : memref<1x128x128xf32, #tpu.memory_space<vmem>> -> memref<128x128xf32, #tpu.memory_space<vmem>>
      %dma_wait3A_330 = arith.constant 0 : i32
      %dma_wait3A_331 = arith.constant 0 : i32
      %dma_wait3A_332 = tpu.memref_slice %dma_wait3A_329[%dma_wait3A_330, %dma_wait3A_331] : memref<128x128xf32, #tpu.memory_space<vmem>> -> memref<88x128xf32, #tpu.memory_space<vmem>>
      tpu.wait_dma2 semaphore(%run_scoped3A_294 : memref<!tpu.dma_semaphore, #tpu.memory_space<semaphore_mem>>) src(%dma_wait3A_332 : memref<88x128xf32, #tpu.memory_space<vmem>>) dst(%dma_wait3A_325 : memref<88x128xf32, #tpu.memory_space<hbm>>)
      tpu.yield
    }) : () -> ()
    %barrier3A_293 = arith.constant 0 : index
    tpu.barrier barrier_id(%barrier3A_293)
    return
  }
}

module attributes {stable_mosaic.version = 14 : i64} {
  func.func @_tc_a_body(%arg0: i32, %arg1: memref<1024x128xf32, #tpu.memory_space<vmem>>, %arg2: memref<128x128xf32, #tpu.memory_space<vmem>>, %arg3: memref<1x32x1024xf32, #tpu.memory_space<vmem>>, %arg4: memref<1024x128xf32, #tpu.memory_space<vmem>>) attributes {dimension_semantics = [#tpu.dimension_semantics<arbitrary>], iteration_bounds = array<i64: 10>, scalar_prefetch = 0 : i64, scratch_operands = 0 : i64, tpu.core_type = #tpu.core_type<tc>, window_params = [{transform_indices = @transform_0, window_bounds = array<i64: 1024, 128>}, {pipeline_mode = #tpu.pipeline_mode<synchronous>, transform_indices = @transform_1, window_bounds = array<i64: 128, 128>}, {transform_indices = @transform_2, window_bounds = array<i64: 1, 32, 1024>}, {transform_indices = @transform_3, window_bounds = array<i64: 1024, 128>}]} {
    %get3A = arith.constant 0 : index
    %get3A_0 = arith.constant 0 : index
    %get3A_1 = arith.constant 0 : index
    %get3A_2 = vector.load %arg3[%get3A, %get3A_0, %get3A_1] : memref<1x32x1024xf32, #tpu.memory_space<vmem>>, vector<1x32x1024xf32>
    %get3A_3 = vector.shape_cast %get3A_2 : vector<1x32x1024xf32> to vector<32x1024xf32>
    %reduce_sum3A = arith.constant dense<0.000000e+00> : vector<1024xf32>
    %reduce_sum3A_4 = vector.multi_reduction <add>, %get3A_3, %reduce_sum3A [0] : vector<32x1024xf32> to vector<1024xf32>
    %add3A = arith.constant 1.000000e+00 : f32
    %add3A_5 = vector.broadcast %add3A : f32 to vector<1024xf32>
    %add3A_6 = arith.addf %reduce_sum3A_4, %add3A_5 : vector<1024xf32>
    %rsqrt3A = math.rsqrt %add3A_6 : vector<1024xf32>
    %get3A_7 = arith.constant 0 : index
    %get3A_8 = arith.constant 0 : index
    %get3A_9 = vector.load %arg1[%get3A_7, %get3A_8] : memref<1024x128xf32, #tpu.memory_space<vmem>>, vector<1024x128xf32>
    %get3A_10 = arith.constant 0 : index
    %get3A_11 = arith.constant 0 : index
    %get3A_12 = vector.load %arg2[%get3A_10, %get3A_11] : memref<128x128xf32, #tpu.memory_space<vmem>>, vector<128x128xf32>
    %dot_general3A = arith.constant dense<0.000000e+00> : vector<1024x128xf32>
    %dot_general3A_13 = tpu.matmul %get3A_9, %get3A_12, %dot_general3A {dimension_numbers = #tpu.dot_dimension_numbers<[1], [0], [0], [1], [0, 0, 1, 1], [], []>, transpose_lhs_hint = false} : vector<1024x128xf32>, vector<128x128xf32>, vector<1024x128xf32> -> vector<1024x128xf32>
    %broadcast_in_dim3A = vector.shape_cast %rsqrt3A : vector<1024xf32> to vector<1024x1xf32>
    %mul3A = vector.broadcast %broadcast_in_dim3A : vector<1024x1xf32> to vector<1024x128xf32>
    %mul3A_14 = arith.mulf %dot_general3A_13, %mul3A : vector<1024x128xf32>
    %swap3A = arith.constant 0 : index
    %swap3A_15 = arith.constant 0 : index
    %swap3A_16 = vector.load %arg4[%swap3A, %swap3A_15] : memref<1024x128xf32, #tpu.memory_space<vmem>>, vector<1024x128xf32>
    tpu.vector_store %arg4[%swap3A, %swap3A_15], %mul3A_14 {strides = array<i32>} : memref<1024x128xf32, #tpu.memory_space<vmem>>, vector<1024x128xf32>,
    return
  }
  func.func @transform_0(%arg0: i32) -> (i32, i32) {
    %c0_i32 = arith.constant 0 : i32
    %c0_i32_0 = arith.constant 0 : i32
    return %arg0, %c0_i32 : i32, i32
  }
  func.func @transform_1(%arg0: i32) -> (i32, i32) {
    %c0_i32 = arith.constant 0 : i32
    %c0_i32_0 = arith.constant 0 : i32
    %c0_i32_1 = arith.constant 0 : i32
    return %c0_i32, %c0_i32_0 : i32, i32
  }
  func.func @transform_2(%arg0: i32) -> (i32, i32, i32) {
    %c0_i32 = arith.constant 0 : i32
    %c0_i32_0 = arith.constant 0 : i32
    %c0_i32_1 = arith.constant 0 : i32
    return %arg0, %c0_i32, %c0_i32_0 : i32, i32, i32
  }
  func.func @transform_3(%arg0: i32) -> (i32, i32) {
    %c0_i32 = arith.constant 0 : i32
    %c0_i32_0 = arith.constant 0 : i32
    return %arg0, %c0_i32 : i32, i32
  }
}

module attributes {stable_mosaic.version = 14 : i64} {
  func.func @_tc_b_body(%arg0: i32, %arg1: memref<2x1024x128xf32, #tpu.memory_space<vmem>>, %arg2: memref<1024x128xf32, #tpu.memory_space<vmem>>, %arg3: memref<1x32x1024xf32, #tpu.memory_space<vmem>>, %arg4: memref<1x128xf32, #tpu.memory_space<vmem>>, %arg5: memref<128x2xf32, #tpu.memory_space<vmem>>, %arg6: memref<2x1024xf32, #tpu.memory_space<vmem>>) attributes {dimension_semantics = [#tpu.dimension_semantics<arbitrary>], iteration_bounds = array<i64: 10>, scalar_prefetch = 0 : i64, scratch_operands = 0 : i64, tpu.core_type = #tpu.core_type<tc>, window_params = [{transform_indices = @transform_0, window_bounds = array<i64: 2, 1024, 128>}, {transform_indices = @transform_1, window_bounds = array<i64: 1024, 128>}, {transform_indices = @transform_2, window_bounds = array<i64: 1, 32, 1024>}, {pipeline_mode = #tpu.pipeline_mode<synchronous>, transform_indices = @transform_3, window_bounds = array<i64: 1, 128>}, {pipeline_mode = #tpu.pipeline_mode<synchronous>, transform_indices = @transform_4, window_bounds = array<i64: 128, 2>}, {transform_indices = @transform_5, window_bounds = array<i64: 2, 1024>}]} {
    %get3A = arith.constant 0 : index
    %get3A_0 = arith.constant 0 : index
    %get3A_1 = arith.constant 0 : index
    %get3A_2 = vector.load %arg3[%get3A, %get3A_0, %get3A_1] : memref<1x32x1024xf32, #tpu.memory_space<vmem>>, vector<1x32x1024xf32>
    %get3A_3 = vector.shape_cast %get3A_2 : vector<1x32x1024xf32> to vector<32x1024xf32>
    %reduce_sum3A = arith.constant dense<0.000000e+00> : vector<1024xf32>
    %reduce_sum3A_4 = vector.multi_reduction <add>, %get3A_3, %reduce_sum3A [0] : vector<32x1024xf32> to vector<1024xf32>
    %add3A = arith.constant 1.000000e+00 : f32
    %add3A_5 = vector.broadcast %add3A : f32 to vector<1024xf32>
    %add3A_6 = arith.addf %reduce_sum3A_4, %add3A_5 : vector<1024xf32>
    %rsqrt3A = math.rsqrt %add3A_6 : vector<1024xf32>
    %get3A_7 = arith.constant 0 : index
    %get3A_8 = arith.constant 0 : index
    %get3A_9 = arith.constant 0 : index
    %get3A_10 = vector.load %arg1[%get3A_7, %get3A_8, %get3A_9] : memref<2x1024x128xf32, #tpu.memory_space<vmem>>, vector<1x1024x128xf32>
    %get3A_11 = vector.shape_cast %get3A_10 : vector<1x1024x128xf32> to vector<1024x128xf32>
    %get3A_12 = arith.constant 1 : index
    %get3A_13 = arith.constant 0 : index
    %get3A_14 = arith.constant 0 : index
    %get3A_15 = vector.load %arg1[%get3A_12, %get3A_13, %get3A_14] : memref<2x1024x128xf32, #tpu.memory_space<vmem>>, vector<1x1024x128xf32>
    %get3A_16 = vector.shape_cast %get3A_15 : vector<1x1024x128xf32> to vector<1024x128xf32>
    %add3A_17 = arith.addf %get3A_11, %get3A_16 : vector<1024x128xf32>
    %broadcast_in_dim3A = vector.shape_cast %rsqrt3A : vector<1024xf32> to vector<1024x1xf32>
    %get3A_18 = arith.constant 0 : index
    %get3A_19 = arith.constant 0 : index
    %get3A_20 = vector.load %arg2[%get3A_18, %get3A_19] : memref<1024x128xf32, #tpu.memory_space<vmem>>, vector<1024x128xf32>
    %add3A_21 = arith.addf %add3A_17, %get3A_20 : vector<1024x128xf32>
    %mul3A = vector.broadcast %broadcast_in_dim3A : vector<1024x1xf32> to vector<1024x128xf32>
    %mul3A_22 = arith.mulf %mul3A, %add3A_21 : vector<1024x128xf32>
    %get3A_23 = arith.constant 0 : index
    %get3A_24 = arith.constant 0 : index
    %get3A_25 = vector.load %arg4[%get3A_23, %get3A_24] : memref<1x128xf32, #tpu.memory_space<vmem>>, vector<1x128xf32>
    %add3A_26 = vector.broadcast %get3A_25 : vector<1x128xf32> to vector<1024x128xf32>
    %add3A_27 = arith.addf %mul3A_22, %add3A_26 : vector<1024x128xf32>
    %max3A = arith.constant 0.000000e+00 : f32
    %max3A_28 = vector.broadcast %max3A : f32 to vector<1024x128xf32>
    %max3A_29 = arith.maximumf %add3A_27, %max3A_28 : vector<1024x128xf32>
    %get3A_30 = arith.constant 0 : index
    %get3A_31 = arith.constant 0 : index
    %get3A_32 = vector.load %arg5[%get3A_30, %get3A_31] : memref<128x2xf32, #tpu.memory_space<vmem>>, vector<128x2xf32>
    %dot_general3A = arith.constant dense<0.000000e+00> : vector<1024x2xf32>
    %dot_general3A_33 = tpu.matmul %max3A_29, %get3A_32, %dot_general3A {dimension_numbers = #tpu.dot_dimension_numbers<[1], [0], [0], [1], [0, 0, 1, 1], [], []>, transpose_lhs_hint = false} : vector<1024x128xf32>, vector<128x2xf32>, vector<1024x2xf32> -> vector<1024x2xf32>
    %broadcast_in_dim3A_34 = vector.shape_cast %rsqrt3A : vector<1024xf32> to vector<1024x1xf32>
    %mul3A_35 = vector.broadcast %broadcast_in_dim3A_34 : vector<1024x1xf32> to vector<1024x2xf32>
    %mul3A_36 = arith.mulf %dot_general3A_33, %mul3A_35 : vector<1024x2xf32>
    %transpose3A = tpu.transpose %mul3A_36, [1, 0] : vector<1024x2xf32> -> vector<2x1024xf32>
    %swap3A = arith.constant 0 : index
    %swap3A_37 = arith.constant 0 : index
    %swap3A_38 = vector.load %arg6[%swap3A, %swap3A_37] : memref<2x1024xf32, #tpu.memory_space<vmem>>, vector<2x1024xf32>
    tpu.vector_store %arg6[%swap3A, %swap3A_37], %transpose3A {strides = array<i32>} : memref<2x1024xf32, #tpu.memory_space<vmem>>, vector<2x1024xf32>,
    return
  }
  func.func @transform_0(%arg0: i32) -> (i32, i32, i32) {
    %c0_i32 = arith.constant 0 : i32
    %c0_i32_0 = arith.constant 0 : i32
    %c0_i32_1 = arith.constant 0 : i32
    return %c0_i32, %arg0, %c0_i32_0 : i32, i32, i32
  }
  func.func @transform_1(%arg0: i32) -> (i32, i32) {
    %c0_i32 = arith.constant 0 : i32
    %c0_i32_0 = arith.constant 0 : i32
    return %arg0, %c0_i32 : i32, i32
  }
  func.func @transform_2(%arg0: i32) -> (i32, i32, i32) {
    %c0_i32 = arith.constant 0 : i32
    %c0_i32_0 = arith.constant 0 : i32
    %c0_i32_1 = arith.constant 0 : i32
    return %arg0, %c0_i32, %c0_i32_0 : i32, i32, i32
  }
  func.func @transform_3(%arg0: i32) -> (i32, i32) {
    %c0_i32 = arith.constant 0 : i32
    %c0_i32_0 = arith.constant 0 : i32
    %c0_i32_1 = arith.constant 0 : i32
    return %c0_i32, %c0_i32_0 : i32, i32
  }
  func.func @transform_4(%arg0: i32) -> (i32, i32) {
    %c0_i32 = arith.constant 0 : i32
    %c0_i32_0 = arith.constant 0 : i32
    %c0_i32_1 = arith.constant 0 : i32
    return %c0_i32, %c0_i32_0 : i32, i32
  }
  func.func @transform_5(%arg0: i32) -> (i32, i32) {
    %c0_i32 = arith.constant 0 : i32
    %c0_i32_0 = arith.constant 0 : i32
    return %c0_i32, %arg0 : i32, i32
  }
}

module attributes {stable_mosaic.version = 14 : i64} {
  func.func @_tc_d_body(%arg0: memref<32x2x10240xf32, #tpu.memory_space<vmem>>, %arg1: memref<2x10240xf32, #tpu.memory_space<vmem>>, %arg2: memref<32x10240xf32, #tpu.memory_space<vmem>>, %arg3: memref<2x1xf32, #tpu.memory_space<vmem>>, %arg4: memref<2x10240xf32, #tpu.memory_space<vmem>>) attributes {dimension_semantics = [], scalar_prefetch = 0 : i64, scratch_operands = 0 : i64, tpu.core_type = #tpu.core_type<tc>} {
    %get3A = arith.constant 0 : index
    %get3A_0 = arith.constant 0 : index
    %get3A_1 = vector.load %arg2[%get3A, %get3A_0] : memref<32x10240xf32, #tpu.memory_space<vmem>>, vector<32x10240xf32>
    %reduce_sum3A = arith.constant dense<0.000000e+00> : vector<10240xf32>
    %reduce_sum3A_2 = vector.multi_reduction <add>, %get3A_1, %reduce_sum3A [0] : vector<32x10240xf32> to vector<10240xf32>
    %add3A = arith.constant 1.000000e+00 : f32
    %add3A_3 = vector.broadcast %add3A : f32 to vector<10240xf32>
    %add3A_4 = arith.addf %reduce_sum3A_2, %add3A_3 : vector<10240xf32>
    %rsqrt3A = math.rsqrt %add3A_4 : vector<10240xf32>
    %get3A_5 = arith.constant 0 : index
    %get3A_6 = arith.constant 0 : index
    %get3A_7 = arith.constant 0 : index
    %get3A_8 = vector.load %arg0[%get3A_5, %get3A_6, %get3A_7] : memref<32x2x10240xf32, #tpu.memory_space<vmem>>, vector<32x2x10240xf32>
    %reduce_sum3A_9 = arith.constant dense<0.000000e+00> : vector<2x10240xf32>
    %reduce_sum3A_10 = vector.multi_reduction <add>, %get3A_8, %reduce_sum3A_9 [0] : vector<32x2x10240xf32> to vector<2x10240xf32>
    %broadcast_in_dim3A = vector.shape_cast %rsqrt3A : vector<10240xf32> to vector<1x10240xf32>
    %get3A_11 = arith.constant 0 : index
    %get3A_12 = arith.constant 0 : index
    %get3A_13 = vector.load %arg1[%get3A_11, %get3A_12] : memref<2x10240xf32, #tpu.memory_space<vmem>>, vector<2x10240xf32>
    %add3A_14 = arith.addf %reduce_sum3A_10, %get3A_13 : vector<2x10240xf32>
    %mul3A = vector.broadcast %broadcast_in_dim3A : vector<1x10240xf32> to vector<2x10240xf32>
    %mul3A_15 = arith.mulf %mul3A, %add3A_14 : vector<2x10240xf32>
    %get3A_16 = arith.constant 0 : index
    %get3A_17 = arith.constant 0 : index
    %get3A_18 = vector.load %arg3[%get3A_16, %get3A_17] : memref<2x1xf32, #tpu.memory_space<vmem>>, vector<2x1xf32>
    %add3A_19 = vector.broadcast %get3A_18 : vector<2x1xf32> to vector<2x10240xf32>
    %add3A_20 = arith.addf %mul3A_15, %add3A_19 : vector<2x10240xf32>
    %swap3A = arith.constant 0 : index
    %swap3A_21 = arith.constant 0 : index
    %swap3A_22 = vector.load %arg4[%swap3A, %swap3A_21] : memref<2x10240xf32, #tpu.memory_space<vmem>>, vector<2x10240xf32>
    tpu.vector_store %arg4[%swap3A, %swap3A_21], %add3A_20 {strides = array<i32>} : memref<2x10240xf32, #tpu.memory_space<vmem>>, vector<2x10240xf32>,
    return
  }
}

</mosaic_0001>

<sc_bundles>
// kernel: kernel.11.cloned.1.call-start
scs
__scs_entry_jumppad:
0x0: {  	(pc) =	sbr.rel $0x88, $3  }
0x1: {  	(tag) =	ssettag $0x0;
	lr =	simm.s32 $0x1  }
0x2: {  	[smem:$0x3F9B] =	sst lr;
	_ =	strace $0xD0000000  }
0x3: {  	_ = 	snop  }
0x4: {  	_ = 	snop  }
0x5: {  	_ = 	snop  }
0x6: {  	_ = 	snop  }
0x7: {  	_ = 	snop  }
__scs_overlays_trampoline_lowered:
0x8: {  	[smem:$0x3FAA] =	sst s0  }
0x9: {  	[smem:$0x3FAB] =	sst s1  }
0xa: {  	[smem:$0x3FAC] =	sst s2  }
0xb: {  	[smem:$0x3FAD] =	sst s3  }
0xc: {  	[smem:$0x3FAE] =	sst s4  }
0xd: {  	[smem:$0x3FAF] =	sst s5  }
0xe: {  	[smem:$0x3FB0] =	sst s6  }
0xf: {  	[smem:$0x3FB1] =	sst s7  }
0x10: {  	[smem:$0x3FB2] =	sst s8  }
0x11: {  	[smem:$0x3FB3] =	sst s9;
	s0 =	simm.s32 @!p0 $0x0  }
0x12: {  	s1 =	sld [smem:$0x3F99];
	s0 =	simm.s32 @p0 $0x1  }
0x13: {  	[smem:$0x3FB4] =	sst s0;
	s0 =	simm.s32 @!p1 $0x0  }
0x14: {  	s2 =	sld [smem:$0x3F98];
	s0 =	simm.s32 @p1 $0x1  }
0x15: {  	[smem:$0x3FB5] =	sst s0;
	s0 =	simm.s32 @!p2 $0x0  }
0x16: {  	s3 =	sld [smem:$0x3FDB];
	s0 =	simm.s32 @p2 $0x1  }
0x17: {  	s4 =	simm.s32 $0x1BF5;
	[smem:$0x3FB7] =	sst s0  }
0x18: {  	s0 =	sld [smem:$0x3F9A];
	_ =	swait.ge [sflag:s4], $0x0  }
0x19: {  	s7 =	sld [smem:$0x3F9B]  }
0x1a: {  	s8 =	sadd.s32 $0xFFFFE003, lr  }
0x1b: {  	s9 =	sadd.s32 $0xFFFFFEF7, lr;
	s5 =	simm.s32 $0xFFFFFFFF;
	p2 =	slt.u32 s8, $0xFFFFF086  }
0x1c: {  	p1 =	slt.u32 s9, $0xF7A;
	s5 =	simm.s32 @!p2 $0x0  }
0x1d: {  	s5 =	simm.s32 @p1 $0x1;
	p0 =	seq.s32 s7, s2  }
0x1e: {  	s7 =	smul.u32 @!p0 $0xF7A, s2;
	p2 =	seq.s32 @!p0 s5, $0x0  }
0x1f: {  	s9 =	smul.u32 $0xF7A, s1;
	s8 =	simm.s32 @!p0 $0x1BF5;
	p2 =	por !p2, p0  }
0x20: {  	[sflag:s8] =	ssyncset.s32 @!p0 $0xFFFFF086;
	s6 =	sadd.s32 @!p0 s3, s7;
	s7 =	simm.s32 @!p0 $0x108  }
0x21: {  	s3 =	sadd.s32 s3, s9;
	s6 =	sadd.s32 @!p0 $0x88, s6;
	s7 =	simm.s32 @p2 $0x1082  }
0x22: {  	[simem:s7], [sflag:s8] =	dma.local @!p0 [hbm:s6], $0xF7A  }
0x23: {  	s9 =	sor.u32 $0xD0000000, s2;
	s6 =	simm.s32 $0x108;
	_ =	swait.ge @!p0 [sflag:s8], $0x0  }
0x24: {  	s3 =	sadd.s32 $0x88, s3;
	s6 =	simm.s32 @!p1 $0x1082;
	[sflag:s4] =	ssyncset.s32 $0xFFFFF086  }
0x25: {  	[simem:s6], [sflag:s4] =	dma.local [hbm:s3], $0xF7A  }
0x26: {  	[smem:$0x3F9B] =	sst s1;
	(tag) =	ssettag s2;
	_ =	strace s9  }
0x27: {  	s1 =	sld [smem:$0x3FAB]  }
0x28: {  	s2 =	sld [smem:$0x3FAC]  }
0x29: {  	s4 =	sld [smem:$0x3FAE]  }
0x2a: {  	p0 =	seq.s32 s5, $0x0;
	s5 =	sld [smem:$0x3FAF]  }
0x2b: {  	s6 =	sld [smem:$0x3FB0]  }
0x2c: {  	s7 =	sld [smem:$0x3FB1]  }
0x2d: {  	s3 =	simm.s32 $0x108;
	s8 =	sld [smem:$0x3FB2]  }
0x2e: {  	s3 =	simm.s32 @!p0 $0x1082;
	s9 =	sld [smem:$0x3FB3]  }
0x2f: {  	lr =	sadd.s32 s0, s3;
	s0 =	sld [smem:$0x3FAA]  }
0x30: {  	s3 =	sld [smem:$0x3FAD]  }
0x31: {  	[smem:$0x3FB6] =	sst s10  }
0x32: {  	s10 =	sld [smem:$0x3FB4];
	_ =	sdelay $0x3  }
0x33: {  	p0 =	seq.s32 s10, $0x1;
	s10 =	sld [smem:$0x3FB6];
	_ =	sdelay $0x3  }
0x34: {  	[smem:$0x3FB6] =	sst s10  }
0x35: {  	s10 =	sld [smem:$0x3FB5];
	_ =	sdelay $0x3  }
0x36: {  	p1 =	seq.s32 s10, $0x1;
	s10 =	sld [smem:$0x3FB6];
	_ =	sdelay $0x3  }
0x37: {  	[smem:$0x3FB6] =	sst s10  }
0x38: {  	s10 =	sld [smem:$0x3FB7]  }
0x39: {  	_ = 	snop;
	(pc) =	sbr.ind lr, $3  }
0x3a: {  	_ = 	snop  }
0x3b: {  	_ = 	snop  }
0x3c: {  	p2 =	seq.s32 s10, $0x1;
	s10 =	sld [smem:$0x3FB6]  }
0x3d: {  	_ =	shalt  }
0x3e: {  	_ =	shalt  }
0x3f: {  	_ =	shalt  }
0x40: {  	_ =	shalt  }
0x41: {  	_ =	shalt  }
0x42: {  	_ =	shalt  }
0x43: {  	_ =	shalt  }
0x44: {  	_ =	shalt  }
0x45: {  	_ =	shalt  }
0x46: {  	_ =	shalt  }
0x47: {  	_ =	shalt  }
0x48: {  	_ =	shalt  }
0x49: {  	_ =	shalt  }
0x4a: {  	_ =	shalt  }
0x4b: {  	_ =	shalt  }
0x4c: {  	_ =	shalt  }
0x4d: {  	_ =	shalt  }
0x4e: {  	_ =	shalt  }
0x4f: {  	_ =	shalt  }
0x50: {  	_ =	shalt  }
0x51: {  	_ =	shalt  }
0x52: {  	_ =	shalt  }
0x53: {  	_ =	shalt  }
0x54: {  	_ =	shalt  }
0x55: {  	_ =	shalt  }
0x56: {  	_ =	shalt  }
0x57: {  	_ =	shalt  }
0x58: {  	_ =	shalt  }
0x59: {  	_ =	shalt  }
0x5a: {  	_ =	shalt  }
0x5b: {  	_ =	shalt  }
0x5c: {  	_ =	shalt  }
0x5d: {  	_ =	shalt  }
0x5e: {  	_ =	shalt  }
0x5f: {  	_ =	shalt  }
0x60: {  	_ =	shalt  }
0x61: {  	_ =	shalt  }
0x62: {  	_ =	shalt  }
0x63: {  	_ =	shalt  }
0x64: {  	_ =	shalt  }
0x65: {  	_ =	shalt  }
0x66: {  	_ =	shalt  }
0x67: {  	_ =	shalt  }
0x68: {  	_ =	shalt  }
0x69: {  	_ =	shalt  }
0x6a: {  	_ =	shalt  }
0x6b: {  	_ =	shalt  }
0x6c: {  	_ =	shalt  }
0x6d: {  	_ =	shalt  }
0x6e: {  	_ =	shalt  }
0x6f: {  	_ =	shalt  }
0x70: {  	_ =	shalt  }
0x71: {  	_ =	shalt  }
0x72: {  	_ =	shalt  }
0x73: {  	_ =	shalt  }
0x74: {  	_ =	shalt  }
0x75: {  	_ =	shalt  }
0x76: {  	_ =	shalt  }
0x77: {  	_ =	shalt  }
0x78: {  	_ =	shalt  }
0x79: {  	_ =	shalt  }
0x7a: {  	_ =	shalt  }
0x7b: {  	_ =	shalt  }
0x7c: {  	_ =	shalt  }
0x7d: {  	_ =	shalt  }
0x7e: {  	_ =	shalt  }
0x7f: {  	_ =	shalt  }
0x80: {  	_ =	shalt  }
0x81: {  	_ =	shalt  }
0x82: {  	_ =	shalt  }
0x83: {  	_ =	shalt  }
0x84: {  	_ =	shalt  }
0x85: {  	_ =	shalt  }
0x86: {  	_ =	shalt  }
0x87: {  	_ =	shalt  }
.Lfunc_end0:
.L_simem_size_0:
called_computation.1_lowered:
.L_overlay_start_0:
0x88: {  	s2 =	sld [smem:$0x3FD9]  }
0x89: {  	s3 =	sld [smem:$0x3FFE];
	_ =	sdelay $0x1  }
0x8a: {  	s1 =	srdreg.scid  }
0x8b: {  	s0 =	sand.u32 $0x1, s1  }
0x8c: {  	s16 =	sshll.u32 s0, $0xA;
	s2 =	sadd.s32 s3, s2  }
0x8d: {  	s2 =	sadd.s32 s2, s16  }
0x8e: {  	[smem:$0x3FC2] =	sst s2  }
0x8f: {  	_ = 	snop  }
0x90: {  	(tm) =	ssettm $0x1  }
0x91: {  	s17 =	sld [smem:$0x3FFB];
	_ =	sdelay $0x3  }
0x92: {  	_ =	strace s17  }
0x93: {  	s2 =	sld [smem:$0x3FFC];
	_ =	sdelay $0x3  }
0x94: {  	_ =	strace s2  }
0x95: {  	s2 =	sld [smem:$0x3FFD];
	_ =	sdelay $0x3  }
0x96: {  	_ =	strace s2  }
0x97: {  	_ =	strace $0x8FFFFFFF  }
0x98: {  	s18 =	sld [smem:$0x3FDB];
	_ =	sdelay $0x1  }
0x99: {  	s19 =	simm.s32 $_scs_section_size  }
0x9a: {  	s4 =	simm.s32 $_size__tile_overlayer_lowered;
	s5 =	simm.s32 $_tile_overlayer_lowered  }
0x9b: {  	s22 =	simm.s32 $0x1BFF;
	s21 =	sshll.u32 s5, $0x1;
	s2 =	sadd.s32 s19, s18  }
0x9c: {  	s6 =	simm.s32 $0x0;
	s20 =	sshll.u32 s4, $0x1;
	s4 =	sadd.s32 s21, s2  }
0x9d: {  	[timem:s6], [sflag:s22] =	dma.local [hbm:s4], s20  }
0x9e: {  	_ =	swait.ge [sflag:s22], s20  }
0x9f: {  	s3 =	ssub.s32 $0x0, s20;
	[sflag:s22] =	ssyncset.done $0x0  }
0xa0: {  	[sflag:s22] =	ssyncadd.s32 s3;
	_ =	sdelay $0x1  }
0xa1: {  	s23 =	simm.s32 $0x1B8B  }
0xa2: {  	_ =	swait.ge [sflag:s23], $0x1  }
0xa3: {  	[sflag:s23] =	ssyncset.done $0x0  }
0xa4: {  	s25 =	simm.s32 $0x1B8E;
	s24 =	sld [smem:$0x3FFE];
	[sflag:s23] =	ssyncadd.s32 $0xFFFFFFFF  }
0xa5: {  	s26 =	simm.s32 $execute0_lowered;
	[smem:$0x3FD2] =	sst s25  }
0xa6: {  	s4 =	sshll.u32 s26, $0x1;
	_ =	strace $0x80000049;
	[dreg:$0x1] =	wrdreg $0xFFFFFFFF  }
0xa7: {  	s28 =	simm.s32 $_size_execute0_lowered;
	s2 =	sadd.s32 s2, s4;
	[dreg:$0x0] =	wrdreg $0x0  }
0xa8: {  	s4 =	sshll.u32 s28, $0x1;
	[dreg:$0x2] =	wrdreg s2  }
0xa9: {  	[dreg:$0x3] =	wrdreg s4  }
0xaa: {  	[dreg:$0x4] =	wrdreg $0xC0  }
0xab: {  	_ =	task [dreg:s6], $0x5FFFF  }
0xac: {  	[dreg:$0x1] =	wrdreg $0xFFFFFFFF  }
0xad: {  	[dreg:$0x0] =	wrdreg $0x60  }
0xae: {  	[dreg:$0x2] =	wrdreg s24  }
0xaf: {  	[dreg:$0x3] =	wrdreg $0x158000  }
0xb0: {  	[dreg:$0x4] =	wrdreg $0x9  }
0xb1: {  	_ =	task.clear_ibuf [dreg:s6], $0x5FFFF;
	_ =	strace $0x90000049  }
0xb2: {  	s29 =	simm.s32 $0x9;
	_ =	strace $0x8000004B  }
0xb3: {  	_ =	swait.ge [sflag:s29], $0x1  }
0xb4: {  	[sflag:s29] =	ssyncadd.s32 $0xFFFFFFFF  }
0xb5: {  	_ =	strace $0x9000004B  }
0xb6: {  	_ =	sfence  }
0xb7: {  	s30 =	sld [smem:$0x0];
	_ =	sdelay $0x2  }
0xb8: {  	s31 =	sshll.u32 s1, $0xD;
	s1 =	sshrl.u32 s1, $0x2  }
0xb9: {  	s3 =	sand.u32 $0x4000, s31;
	s1 =	sadd.s32 s1, s30  }
0xba: {  	s0 =	sor.u32 s3, s0;
	s1 =	sshll.u32 s1, $0x11  }
0xbb: {  	s0 =	sor.u32 s1, s0  }
0xbc: {  	s0 =	sadd.s32 $0x8F2B, s0  }
0xbd: {  	[sflag:s0] =	ssyncadd.remote.s32 $0x1  }
0xbe: {  	_ =	sfence.sel $0xFFFF  }
0xbf: {  	[dreg:$0x0] =	wrdreg $0xFFFFFFFF;
	(pc) =	sbr.abs _section_cstart, $3  }
0xc0: {  	[dreg:$0x1] =	wrdreg $0xFFFFFFFF  }
0xc1: {  	_ =	task.clear_ibuf [dreg:s6], $0x2FFFF;
	_ =	strace $0x9FFFFFFF  }
0xc2: {  	(tm) =	ssettm $0x7FFFFFFF  }
0xc3: {  	_ =	shalt  }
tec
execute0_lowered:
.L_overlay_start_1:
0x0: {  	(tag) =	ssettag $0x1  }
0x1: {  	s0 =	rddreg [dreg:$0x0]  }
0x2: {  	s1 =	rddreg [dreg:$0x1];
	s2 =	simm.s32 $0x0;
	s3 =	srdreg.scid  }
0x3: {  	s10 =	stileid.u32;
	s18 =	simm.s32 $0x3;
	s20 =	simm.s32 $0xD800  }
0x4: {  	s21 =	simm.s32 $0x80;
	s22 =	simm.s32 $0x11800;
	s23 =	simm.s32 $0x1  }
0x5: {  	s28 =	simm.s32 $0x0;
	[smem:$0x7FF] =	sst s2;
	s3 =	sand.u32 $0x1, s3  }
0x6: {  	s4 =	sadd.s32 $0x3E600, s0;
	s7 =	sadd.s32 $0xC600, s0;
	s8 =	smul.u32 $0x2800, s10  }
0x7: {  	s12 =	sadd.s32 $0x16600, s0;
	s15 =	sadd.s32 $0x2600, s0;
	s9 =	smul.u32 $0x1B000, s10  }
0x8: {  	s0 =	sadd.s32 $0x66600, s0;
	s26 =	smul.u32 $0x6C00, s10;
	_ =	strace $0x8000004A  }
0x9: {  	s5 =	sshll.u32 s3, $0x4;
	s6 =	ssub.s32 $0x2, s3;
	p0 =	seq.s32 s3, $0x0  }
0xa: {  	s29 =	smul.u32 $0x144000, s3;
	p1 =	sne.s32 s3, $0x0;
	s5 =	sor.u32 s10, s5  }
0xb: {  	s24 =	sshrl.u32 s6, $0x1;
	s25 =	sshrl.u32 s8, $0x3;
	s30 =	sshrl.u32 s9, $0x2  }
0xc: {  	s31 =	sadd.s32 $0x4000, s26;
	s14 =	smul.u32 $0x500, s5;
	s17 =	ssub.s32 s6, s24  }
0xd: {  	s5 =	simm.s32 $0xA000;
	s16 =	sadd.s32 $0x5000, s25;
	s8 =	sadd.s32 s26, s29  }
0xe: {  	s10 =	sadd.s32 s29, s31;
	s26 =	simm.s32 $0x2;
	s5 =	simm.s32 @!p0 $0x7000  }
0xf: {  	s19 =	sadd.s32 s7, s16;
	s11 =	sshrl.u32 s8, $0x3;
	s8 =	sadd.s32 s31, s1  }
0x10: {  	s10 =	sshrl.u32 s10, $0x3;
	s25 =	sadd.s32 s15, s16;
	s17 =	smax.u32 s17, $0x1  }
.Ltmp0:
0x11: {  	s6 =	sadd.s32 s7, s14;
	s7 =	sadd.s32 s30, s1;
	(pc) =	sbr.rel .LBB2_1-.Ltmp0, $4  }
0x12: {  	s9 =	sadd.s32 s0, s11;
	s10 =	sadd.s32 s0, s10;
	s11 =	sadd.s32 s12, s14  }
0x13: {  	s0 =	sadd.s32 s12, s16;
	s14 =	sadd.s32 s15, s14;
	s19 =	sadd.s32 @!p1 $0x380, s19  }
0x14: {  	s25 =	sadd.s32 @!p1 $0x380, s25;
	s12 =	sadd.s32 $0xD800, s9;
	s13 =	sadd.s32 $0xE000, s9  }
0x15: {  	v0 =	vimm.f32 $0.0e+00;
	v1 =	vimm.s32 $0x0;
	v2 =	vimm.s32 $0xD80;
	s15 =	sadd.s32 $0x1B000, s9;
	s16 =	sadd.s32 $0x1B800, s9;
	s24 =	sadd.s32 @!p1 $0x380, s0  }
.LBB2_71:
0x16: {  	[bflag:$0x0] =	sbarrier.arrive $0xFFFF  }
.LBB2_67:
0x17: {  	[bflag:$0x0] =	sbarrier.arrive $0xFFFF  }
0x18: {  	[tilespmem:s20], [sflag:$0x3] =	stream.linear.gather [spmem:s7], $0x4000, $0x38;
	[tilespmem:$0x1C440] =	vst v63  }
0x19: {  	_ =	swait.ge [sflag:s18], $0x4000  }
0x1a: {  	[sflag:s18] =	ssyncset.done $0x0  }
0x1b: {  	[sflag:s18] =	ssyncadd.s32 $0xFFFFC000  }
0x1c: {  	[hbm4b:s15+s2] =	stream.linear.scatter [tilespmem:s20], [sflag:$0x3], $0x4000, $0x38;
	[tilespmem:$0x1C440] =	vst v63  }
0x1d: {  	_ =	swait.ge [sflag:s18], $0x4000  }
0x1e: {  	[sflag:s18] =	ssyncset.done $0x0  }
0x1f: {  	[sflag:s18] =	ssyncadd.s32 $0xFFFFC000  }
0x20: {  	[tilespmem:s20], [sflag:$0x3] =	stream.linear.gather [spmem:s8], $0x2C00, $0x38;
	[tilespmem:$0x1C440] =	vst v63  }
0x21: {  	_ =	swait.ge [sflag:s18], $0x2C00  }
0x22: {  	s28 =	sadd.s32 $0x1, s28;
	[sflag:s18] =	ssyncset.done $0x0  }
0x23: {  	p2 =	sne.s32 s28, s17;
	[sflag:s18] =	ssyncadd.s32 $0xFFFFD400  }
0x24: {  	[hbm4b:s16+s2] =	stream.linear.scatter [tilespmem:s20], [sflag:$0x3], $0x2C00, $0x38;
	[tilespmem:$0x1C440] =	vst v63  }
.Ltmp1:
0x25: {  	_ =	swait.ge [sflag:s18], $0x2C00;
	(pc) =	sbr.rel @!p2 .LBB2_68-.Ltmp1, $3  }
0x26: {  	[sflag:s18] =	ssyncset.done $0x0  }
0x27: {  	[sflag:s18] =	ssyncadd.s32 $0xFFFFD400  }
0x28: {  	[bflag:$0x0] =	sbarrier.arrive $0xFFFF;
	_ =	sdelay $0x1  }
.LBB2_1:
0x29: {  	[tilespmem:s2], [sflag:$0x3] =	stream.linear.gather [hbm4b:s6+s2], $0x2800, $0x38;
	[tilespmem:$0x1C440] =	vst v63  }
0x2a: {  	_ =	swait.ge [sflag:s18], $0x2800  }
0x2b: {  	[sflag:s18] =	ssyncset.done $0x0  }
0x2c: {  	s0 =	simm.s32 @!p1 $0x0;
	s3 =	simm.s32 @!p1 $0x2800;
	[sflag:s18] =	ssyncadd.s32 $0xFFFFD800  }
0x2d: {  	[tilespmem:s3], [sflag:$0x3] =	stream.linear.gather @!p1 [hbm4b:s19+s0], $0xC00, $0x38;
	[tilespmem:$0x1C440] =	vst v63  }
0x2e: {  	s31 =	sand.u32 $0xFE00, s2;
	s0 =	simm.s32 @!p1 $0x3  }
0x2f: {  	s29 =	sand.u32 $0x70, s2;
	s3 =	sshrl.u32 s31, $0x2;
	_ =	swait.ge @!p1 [sflag:s0], $0xC00  }
0x30: {  	s29 =	sor.u32 s29, s3;
	[sflag:s0] =	ssyncset.done @!p1 $0x0  }
0x31: {  	s3 =	simm.s32 $0x0;
	[sflag:s0] =	ssyncadd.s32 @!p1 $0xFFFFF400;
	s0 =	simm.s32 $0x40  }
.LBB2_2:
0x32: {  	p2 =	sne.s32 s0, $0xFFC0  }
0x33: {  	[tilespmem:s29+$0xD800] =	vst v0;
	s3 =	sadd.s32 $0x10, s3;
	s29 =	smov.u32 s0;
	s0 =	sadd.s32 $0x40, s0  }
.Ltmp2:
0x34: {  	(pc) =	sbr.rel @p2 .LBB2_2-.Ltmp2, $4  }
0x35: {  	_ = 	snop  }
0x36: {  	s29 =	sand.u32 $0xFE00, s29  }
0x37: {  	s30 =	sand.u32 $0x70, s3;
	s29 =	sshrl.u32 s29, $0x2  }
0x38: {  	s29 =	sor.u32 s30, s29  }
0x39: {  	[tilespmem:s29+$0xD800] =	vst v0  }
0x3a: {  	[spmem:s7] =	stream.linear.scatter [tilespmem:s20], [sflag:$0x3], $0x4000, $0x38;
	[tilespmem:$0x1C440] =	vst v63  }
0x3b: {  	_ =	swait.ge [sflag:s18], $0x4000  }
0x3c: {  	[sflag:s18] =	ssyncset.done $0x0  }
0x3d: {  	[sflag:s18] =	ssyncadd.s32 $0xFFFFC000  }
0x3e: {  	[spmem:s8] =	stream.linear.scatter [tilespmem:s20], [sflag:$0x3], $0x2C00, $0x38;
	[tilespmem:$0x1C440] =	vst v63  }
0x3f: {  	_ =	swait.ge [sflag:s18], $0x2C00  }
0x40: {  	s29 =	simm.s32 $0x0;
	[sflag:s18] =	ssyncset.done $0x0  }
0x41: {  	s0 =	simm.s32 $0x40;
	s3 =	simm.s32 $0x0;
	[sflag:s18] =	ssyncadd.s32 $0xFFFFD400  }
.LBB2_4:
0x42: {  	p2 =	seq.s32 s0, $0xD7C0;
	[tilespmem:s3+$0x3400] =	vst v1;
	s30 =	smov.u32 s0;
	s0 =	sadd.s32 $0x40, s0  }
.Ltmp3:
0x43: {  	[tilespmem:s3+$0x6A00] =	vst v2;
	(pc) =	sbr.rel @!p2 .LBB2_4-.Ltmp3, $2  }
0x44: {  	_ =	sdelay $0x2  }
0x45: {  	s3 =	sshra.s32 s30, $0x2  }
0x46: {  	s0 =	sand.u32 $0xFFFFFE00, s29  }
0x47: {  	[tilespmem:s3+$0x3400] =	vst v1;
	s31 =	sand.u32 $0x70, s29;
	s0 =	sshra.s32 s0, $0x2  }
0x48: {  	[tilespmem:s3+$0x6A00] =	vst v2;
	s0 =	sor.u32 s31, s0  }
0x49: {  	v4 =	vld [tilespmem:s0+$0x0];
	_ =	sdelay $0x4  }
0x4a: {  	v3 =	vand.u32 $0xFFF, v4  }
0x4b: {  	vm0 =	vlt.u32 v3, $0xD80  }
0x4c: {  	v5 =	vmpcnt.ones.xlane vm0;
	_ =	sdelay $0x1  }
0x4d: {  	v5 =	vxor.u32 $0x80000000, v5  }
0x4e: {  	p2 =	seq.s32 s5, $0x40;
	(xrf0) =	vmax.scan.msk.u32 $0xffff, v5  }
.Ltmp4:
0x4f: {  	_ = 	snop;
	(pc) =	sbr.rel @p2 .LBB2_7-.Ltmp4, $2  }
0x50: {  	_ =	sdelay $0x2  }
0x51: {  	s3 =	simm.s32 $0x0;
	s0 =	simm.s32 $0x40;
	v4 =	vshrl.u32 v4, $0xC  }
.LBB2_6:
0x52: {  	s30 =	sand.u32 $0xFFFFFE00, s0;
	s0 =	sadd.s32 $0x40, s0;
	[tilespmem:s29+$0x3400] =	vst.msk vm0, v4;
	s3 =	sadd.s32 $0x10, s3;
	v4, _, _ =	vpop (xrf0)  }
0x53: {  	s31 =	sand.u32 $0x70, s3;
	s30 =	sshra.s32 s30, $0x2;
	p2 =	seq.s32 s5, s0;
	[tilespmem:s29+$0x6A00] =	vst.msk vm0, v3;
	(v2sf) =	vpush v4, $0xF  }
0x54: {  	s30 =	sor.u32 s31, s30  }
0x55: {  	v3 =	vld [tilespmem:s30+$0x0];
	_ =	sdelay $0x4  }
0x56: {  	v4 =	vshrl.u32 v3, $0xC;
	v3 =	vand.u32 $0xFFF, v3  }
0x57: {  	vm0 =	vlt.u32 v3, $0xD80  }
0x58: {  	v5 =	vmpcnt.ones.xlane vm0;
	_ =	sdelay $0x1  }
0x59: {  	v5 =	vxor.u32 $0x80000000, v5  }
0x5a: {  	(xrf0) =	vmax.scan.msk.u32 $0xffff, v5  }
.Ltmp5:
0x5b: {  	(pc) =	sbr.rel @!p2 .LBB2_6-.Ltmp5, $4  }
0x5c: {  	_ = 	snop  }
0x5d: {  	s30 =	spop (v2sf)  }
0x5e: {  	s29 =	sadd.s32 s30, s29  }
0x5f: {  	s29 =	sadd.s32 $0x80000000, s29  }
.LBB2_7:
0x60: {  	v5, _, _ =	vpop (xrf0)  }
0x61: {  	(v2sf) =	vpush v5, $0xF;
	_ =	sdelay $0xc  }
.Ltmp6:
0x62: {  	_ = 	snop;
	(pc) =	sbr.rel @!p0 .LBB2_11-.Ltmp6, $4  }
0x63: {  	_ = 	snop  }
0x64: {  	s0 =	spop (v2sf)  }
0x65: {  	[tilespmem:s29+$0x3400] =	vst.msk vm0, v4;
	s0 =	sadd.s32 s0, s29  }
0x66: {  	s3 =	simm.s32 $0x0;
	[tilespmem:s29+$0x6A00] =	vst.msk vm0, v3;
	s29 =	sadd.s32 $0x80000000, s0  }
0x67: {  	s0 =	sand.u32 $0xFFFFFE00, s3  }
0x68: {  	s30 =	sand.u32 $0x70, s3;
	s0 =	sshra.s32 s0, $0x2  }
0x69: {  	s0 =	sor.u32 s30, s0  }
0x6a: {  	v4 =	vld [tilespmem:s0+$0x2800];
	_ =	sdelay $0x4  }
0x6b: {  	v3 =	vand.u32 $0xFFF, v4  }
0x6c: {  	vm0 =	vlt.u32 v3, $0xD80  }
0x6d: {  	v5 =	vmpcnt.ones.xlane vm0;
	_ =	sdelay $0x1  }
0x6e: {  	v5 =	vxor.u32 $0x80000000, v5  }
0x6f: {  	(xrf0) =	vmax.scan.msk.u32 $0xffff, v5;
	_ =	sdelay $0x2  }
0x70: {  	v4 =	vshrl.u32 v4, $0xC;
	_ =	sdelay $0x1  }
0x71: {  	s31 =	sadd.s32 $0x40, s3  }
0x72: {  	s3 =	sadd.s32 $0x10, s3;
	s30 =	sand.u32 $0xFFFFFE00, s31;
	s0 =	sadd.s32 $0x40, s31;
	[tilespmem:s29+$0x3400] =	vst.msk vm0, v4;
	v4, _, _ =	vpop (xrf0)  }
.LBB2_9:
0x73: {  	p2 =	sne.s32 s0, $0x2FC0;
	s31 =	sand.u32 $0x70, s3;
	s30 =	sshra.s32 s30, $0x2;
	[tilespmem:s29+$0x6A00] =	vst.msk vm0, v3;
	(v2sf) =	vpush v4, $0xF  }
0x74: {  	s30 =	sor.u32 s31, s30  }
0x75: {  	v3 =	vld [tilespmem:s30+$0x2800];
	_ =	sdelay $0x4  }
0x76: {  	v4 =	vshrl.u32 v3, $0xC;
	v3 =	vand.u32 $0xFFF, v3  }
0x77: {  	vm0 =	vlt.u32 v3, $0xD80  }
0x78: {  	v5 =	vmpcnt.ones.xlane vm0;
	_ =	sdelay $0x1  }
0x79: {  	v5 =	vxor.u32 $0x80000000, v5  }
0x7a: {  	(xrf0) =	vmax.scan.msk.u32 $0xffff, v5;
	_ =	sdelay $0x1  }
.Ltmp7:
0x7b: {  	(pc) =	sbr.rel @p2 .LBB2_9-.Ltmp7, $4  }
0x7c: {  	s30 =	spop (v2sf)  }
0x7d: {  	s29 =	sadd.s32 s30, s29  }
0x7e: {  	s29 =	sadd.s32 $0x80000000, s29  }
0x7f: {  	s3 =	sadd.s32 $0x10, s3;
	s30 =	sand.u32 $0xFFFFFE00, s0;
	s0 =	sadd.s32 $0x40, s0;
	[tilespmem:s29+$0x3400] =	vst.msk vm0, v4;
	v4, _, _ =	vpop (xrf0)  }
0x80: {  	s0 =	sand.u32 $0x70, s3;
	s31 =	sshra.s32 s30, $0x2  }
0x81: {  	[tilespmem:s29+$0x6A00] =	vst.msk vm0, v3;
	s0 =	sor.u32 s0, s31  }
0x82: {  	v3 =	vld [tilespmem:s0+$0x2800];
	_ =	sdelay $0x4  }
0x83: {  	v5 =	vand.u32 $0xFFF, v3  }
0x84: {  	vm15 =	vlt.u32 v5, $0xD80  }
0x85: {  	v6 =	vmpcnt.ones.xlane vm15;
	_ =	sdelay $0x1  }
0x86: {  	v6 =	vxor.u32 $0x80000000, v6  }
0x87: {  	(xrf0) =	vmax.scan.msk.u32 $0xffff, v6;
	_ =	sdelay $0x4  }
0x88: {  	(v2sf) =	vpush v4, $0xF  }
0x89: {  	v63, _, _ =	vpop (xrf0)  }
0x8a: {  	(v2sf) =	vpush v63, $0xF;
	_ =	sdelay $0xc  }
0x8b: {  	s30 =	spop (v2sf)  }
0x8c: {  	s0 =	sadd.s32 s30, s29  }
0x8d: {  	v3 =	vshrl.u32 v3, $0xC;
	s0 =	sadd.s32 $0x80000000, s0;
	s31 =	spop (v2sf)  }
0x8e: {  	[tilespmem:s0+$0x3400] =	vst.msk vm15, v3;
	s3 =	sadd.s32 s31, s0  }
0x8f: {  	[tilespmem:s0+$0x6A00] =	vst.msk vm15, v5;
	s29 =	sadd.s32 $0x80000000, s3  }
.LBB2_11:
0x90: {  	s0 =	sadd.s32 $0xFF, s29  }
0x91: {  	p2 =	slt.s32 s0, $0x100  }
.Ltmp8:
0x92: {  	_ = 	snop;
	(pc) =	sbr.rel @p2 .LBB2_69-.Ltmp8, $1  }
0x93: {  	_ =	sdelay $0x3  }
0x94: {  	s3 =	sshra.s32 s0, $0x1F  }
0x95: {  	s3 =	sshrl.u32 s3, $0x18  }
0x96: {  	s3 =	sadd.s32 s3, s0  }
0x97: {  	s29 =	sshra.s32 s3, $0x8  }
0x98: {  	s0 =	sshll.u32 s29, $0x1  }
0x99: {  	p2 =	sgt.s32 s0, $0x1  }
0x9a: {  	s0 =	simm.s32 @!p2 $0x1  }
0x9b: {  	p3 =	seq.s32 s0, $0x1  }
.Ltmp9:
0x9c: {  	_ = 	snop;
	(pc) =	sbr.rel @p3 .LBB2_13-.Ltmp9, $3  }
0x9d: {  	_ =	sdelay $0x1  }
0x9e: {  	s31 =	simm.s32 $0x6A40  }
0x9f: {  	s30 =	simm.s32 $0xA040;
	v3 =	vld [tilespmem:s31+$0xFFFFFFC0];
	p2 =	por $0x0, $0x0;
	s0 =	sadd.s32 $0xFFFFFFFF, s0  }
0xa0: {  	_ =	sdelay $0x3  }
0xa1: {  	[tilespmem:s30+$0xFFFFFFC0] =	vst v3  }
0xa2: {  	v3 =	vld [tilespmem:s31+$0xFFFFFFD0];
	_ =	sdelay $0x4  }
0xa3: {  	[tilespmem:s30+$0xFFFFFFD0] =	vst v3  }
0xa4: {  	v3 =	vld [tilespmem:s31+$0xFFFFFFE0];
	_ =	sdelay $0x4  }
0xa5: {  	[tilespmem:s30+$0xFFFFFFE0] =	vst v3  }
0xa6: {  	v3 =	vld [tilespmem:s31+$0xFFFFFFF0];
	_ =	sdelay $0x4  }
0xa7: {  	[tilespmem:s30+$0xFFFFFFF0] =	vst v3  }
0xa8: {  	v3 =	vld [tilespmem:s31+$0x0];
	_ =	sdelay $0x4  }
0xa9: {  	[tilespmem:s30+$0x0] =	vst v3  }
0xaa: {  	v3 =	vld [tilespmem:s31+$0x10];
	_ =	sdelay $0x4  }
0xab: {  	[tilespmem:s30+$0x10] =	vst v3  }
0xac: {  	v3 =	vld [tilespmem:s31+$0x20];
	_ =	sdelay $0x4  }
0xad: {  	[tilespmem:s30+$0x20] =	vst v3  }
0xae: {  	v3 =	vld [tilespmem:s31+$0x30]  }
0xaf: {  	p3 =	seq.s32 s0, $0x1  }
.Ltmp10:
0xb0: {  	_ = 	snop;
	(pc) =	sbr.rel @p3 .LBB2_15-.Ltmp10, $3  }
0xb1: {  	_ =	sdelay $0x1  }
0xb2: {  	s31 =	simm.s32 $0x6AC0;
	[tilespmem:s30+$0x30] =	vst v3  }
0xb3: {  	s3 =	sadd.s32 $0xFFFFFFFF, s0;
	p2 =	por $0x1, $0x1;
	s0 =	simm.s32 $0xA040;
	v3 =	vld [tilespmem:s31+$0xFFFFFFC0]  }
.LBB2_16:
0xb4: {  	p3 =	seq.s32 s3, $0x1;
	_ =	sdelay $0x2  }
0xb5: {  	s0 =	sadd.s32 $0x80, s0  }
0xb6: {  	[tilespmem:s0+$0xFFFFFFC0] =	vst v3  }
0xb7: {  	v3 =	vld [tilespmem:s31+$0xFFFFFFD0];
	_ =	sdelay $0x4  }
0xb8: {  	[tilespmem:s0+$0xFFFFFFD0] =	vst v3  }
0xb9: {  	v3 =	vld [tilespmem:s31+$0xFFFFFFE0];
	_ =	sdelay $0x4  }
0xba: {  	[tilespmem:s0+$0xFFFFFFE0] =	vst v3  }
0xbb: {  	v3 =	vld [tilespmem:s31+$0xFFFFFFF0];
	_ =	sdelay $0x4  }
0xbc: {  	[tilespmem:s0+$0xFFFFFFF0] =	vst v3  }
0xbd: {  	v3 =	vld [tilespmem:s31+$0x0];
	_ =	sdelay $0x4  }
0xbe: {  	[tilespmem:s0+$0x0] =	vst v3  }
0xbf: {  	v3 =	vld [tilespmem:s31+$0x10];
	_ =	sdelay $0x4  }
0xc0: {  	[tilespmem:s0+$0x10] =	vst v3  }
0xc1: {  	v3 =	vld [tilespmem:s31+$0x20];
	_ =	sdelay $0x4  }
0xc2: {  	[tilespmem:s0+$0x20] =	vst v3  }
0xc3: {  	v3 =	vld [tilespmem:s31+$0x30];
	_ =	sdelay $0x1  }
.Ltmp11:
0xc4: {  	(pc) =	sbr.rel @!p3 .LBB2_16-.Ltmp11, $3  }
0xc5: {  	_ =	sdelay $0x1  }
0xc6: {  	s31 =	sadd.s32 $0x80, s31;
	[tilespmem:s0+$0x30] =	vst v3  }
0xc7: {  	s3 =	sadd.s32 $0xFFFFFFFF, s3;
	v3 =	vld [tilespmem:s31+$0xFFFFFFC0]  }
.LBB2_17:
0xc8: {  	_ =	sdelay $0x1  }
0xc9: {  	s0 =	sadd.s32 @p2 $0x80, s0  }
0xca: {  	s30 =	smov.u32 @p2 s0  }
0xcb: {  	[tilespmem:s30+$0xFFFFFFC0] =	vst v3  }
0xcc: {  	v3 =	vld [tilespmem:s31+$0xFFFFFFD0];
	_ =	sdelay $0x4  }
0xcd: {  	[tilespmem:s30+$0xFFFFFFD0] =	vst v3  }
0xce: {  	v3 =	vld [tilespmem:s31+$0xFFFFFFE0];
	_ =	sdelay $0x4  }
0xcf: {  	[tilespmem:s30+$0xFFFFFFE0] =	vst v3  }
0xd0: {  	v3 =	vld [tilespmem:s31+$0xFFFFFFF0];
	_ =	sdelay $0x4  }
0xd1: {  	[tilespmem:s30+$0xFFFFFFF0] =	vst v3  }
0xd2: {  	v3 =	vld [tilespmem:s31+$0x0];
	_ =	sdelay $0x4  }
0xd3: {  	[tilespmem:s30+$0x0] =	vst v3  }
0xd4: {  	v3 =	vld [tilespmem:s31+$0x10];
	_ =	sdelay $0x4  }
0xd5: {  	[tilespmem:s30+$0x10] =	vst v3  }
0xd6: {  	v3 =	vld [tilespmem:s31+$0x20];
	_ =	sdelay $0x4  }
0xd7: {  	[tilespmem:s30+$0x20] =	vst v3  }
0xd8: {  	v3 =	vld [tilespmem:s31+$0x30];
	_ =	sdelay $0x1  }
0xd9: {  	p3 =	sne.s32 s29, $0x1  }
.Ltmp12:
0xda: {  	_ = 	snop;
	(pc) =	sbr.rel @!p3 .LBB2_18-.Ltmp12, $4  }
0xdb: {  	_ = 	snop  }
0xdc: {  	[tilespmem:s30+$0x30] =	vst v3  }
0xdd: {  	s3 =	sadd.s32 $0xFFFFFFFF, s29;
	[bflag:$0x0] =	sbarrier.arrive $0xFFFF  }
0xde: {  	s0 =	simm.s32 $0x3480;
	p2 =	por $0x0, $0x0;
	s30 =	simm.s32 $0xA080  }
0xdf: {  	s29 =	simm.s32 $0x3400  }
0xe0: {  	[tilespmem:s20], [sflag:$0x1] =	stream.indirect.gather [hbm4b:s4+s21], $0x80, s29, s21, $0xb8;
	[tilespmem:$0x1C440] =	vst v63  }
0xe1: {  	_ = 	snop  }
0xe2: {  	[tilespmem:s22], [sflag:$0x1] =	stream.indirect.gather [hbm4b:s4+s21], $0x80, s0, s21, $0xb8;
	[tilespmem:$0x1C440] =	vst v63  }
0xe3: {  	_ =	swait.ge [sflag:s23], $0x4000  }
0xe4: {  	[sflag:s23] =	ssyncset.done $0x0  }
0xe5: {  	s31 =	simm.s32 $0xA000;
	[sflag:s23] =	ssyncadd.s32 $0xFFFFC000  }
0xe6: {  	[spmem:s1] =	stream.indirect.scatter.add.f32 [tilespmem:s20], [sflag:$0x2], $0x80, s31, s21, $0xb8;
	[tilespmem:$0x1C440] =	vst v63  }
0xe7: {  	_ =	swait.ge [sflag:s23], $0x4000  }
0xe8: {  	[sflag:s23] =	ssyncset.done $0x0  }
0xe9: {  	p3 =	sne.s32 s3, $0x1;
	[sflag:s23] =	ssyncadd.s32 $0xFFFFC000  }
0xea: {  	[spmem:s1] =	stream.indirect.scatter.add.f32 [tilespmem:s22], [sflag:$0x2], $0x80, s30, s21, $0xb8;
	[tilespmem:$0x1C440] =	vst v63  }
.Ltmp13:
0xeb: {  	_ =	swait.ge [sflag:s26], $0x4000;
	(pc) =	sbr.rel @!p3 .LBB2_20-.Ltmp13, $4  }
0xec: {  	[sflag:s26] =	ssyncset.done $0x0  }
0xed: {  	[sflag:s26] =	ssyncadd.s32 $0xFFFFC000  }
0xee: {  	p2 =	por $0x1, $0x1;
	s29 =	sadd.s32 $0xFFFFFFFF, s3;
	_ =	swait.ge [sflag:s26], $0x4000  }
0xef: {  	s3 =	simm.s32 $0xA080;
	s0 =	simm.s32 $0x3580;
	[sflag:s26] =	ssyncset.done $0x0  }
.LBB2_21:
0xf0: {  	s31 =	sadd.s32 $0xFFFFFF80, s0;
	[sflag:s26] =	ssyncadd.s32 $0xFFFFC000;
	s3 =	sadd.s32 $0x100, s3  }
0xf1: {  	[tilespmem:s20], [sflag:$0x1] =	stream.indirect.gather [hbm4b:s4+s21], $0x80, s31, s21, $0xb8;
	[tilespmem:$0x1C440] =	vst v63  }
0xf2: {  	p3 =	sne.s32 s29, $0x1;
	s29 =	sadd.s32 $0xFFFFFFFF, s29  }
0xf3: {  	[tilespmem:s22], [sflag:$0x1] =	stream.indirect.gather [hbm4b:s4+s21], $0x80, s0, s21, $0xb8;
	[tilespmem:$0x1C440] =	vst v63  }
0xf4: {  	_ =	swait.ge [sflag:s23], $0x4000  }
0xf5: {  	[sflag:s23] =	ssyncset.done $0x0  }
0xf6: {  	s31 =	sadd.s32 $0xFFFFFF80, s3;
	[sflag:s23] =	ssyncadd.s32 $0xFFFFC000  }
0xf7: {  	[spmem:s1] =	stream.indirect.scatter.add.f32 [tilespmem:s20], [sflag:$0x2], $0x80, s31, s21, $0xb8;
	[tilespmem:$0x1C440] =	vst v63  }
0xf8: {  	_ =	swait.ge [sflag:s23], $0x4000  }
0xf9: {  	[sflag:s23] =	ssyncset.done $0x0  }
0xfa: {  	[sflag:s23] =	ssyncadd.s32 $0xFFFFC000  }
0xfb: {  	[spmem:s1] =	stream.indirect.scatter.add.f32 [tilespmem:s22], [sflag:$0x2], $0x80, s3, s21, $0xb8;
	[tilespmem:$0x1C440] =	vst v63  }
.Ltmp14:
0xfc: {  	_ =	swait.ge [sflag:s26], $0x4000;
	(pc) =	sbr.rel @p3 .LBB2_21-.Ltmp14, $4  }
0xfd: {  	[sflag:s26] =	ssyncset.done $0x0  }
0xfe: {  	[sflag:s26] =	ssyncadd.s32 $0xFFFFC000  }
0xff: {  	_ =	swait.ge [sflag:s26], $0x4000  }
0x100: {  	s0 =	sadd.s32 $0x100, s0;
	[sflag:s26] =	ssyncset.done $0x0  }
.LBB2_22:
0x101: {  	s29 =	sadd.s32 $0xFFFFFF80, s0;
	[sflag:s26] =	ssyncadd.s32 @p2 $0xFFFFC000  }
0x102: {  	[tilespmem:s20], [sflag:$0x1] =	stream.indirect.gather [hbm4b:s4+s21], $0x80, s29, s21, $0xb8;
	[tilespmem:$0x1C440] =	vst v63  }
0x103: {  	_ = 	snop  }
0x104: {  	[tilespmem:s22], [sflag:$0x1] =	stream.indirect.gather [hbm4b:s4+s21], $0x80, s0, s21, $0xb8;
	[tilespmem:$0x1C440] =	vst v63  }
0x105: {  	s0 =	sadd.s32 @p2 $0x100, s3;
	_ =	swait.ge [sflag:s23], $0x4000  }
0x106: {  	s30 =	smov.u32 @p2 s0;
	[sflag:s23] =	ssyncset.done $0x0  }
0x107: {  	s0 =	sadd.s32 $0xFFFFFF80, s30;
	[sflag:s23] =	ssyncadd.s32 $0xFFFFC000  }
0x108: {  	[spmem:s1] =	stream.indirect.scatter.add.f32 [tilespmem:s20], [sflag:$0x2], $0x80, s0, s21, $0xb8;
	[tilespmem:$0x1C440] =	vst v63  }
0x109: {  	_ =	swait.ge [sflag:s23], $0x4000  }
0x10a: {  	[sflag:s23] =	ssyncset.done $0x0  }
0x10b: {  	[sflag:s23] =	ssyncadd.s32 $0xFFFFC000  }
0x10c: {  	[spmem:s1] =	stream.indirect.scatter.add.f32 [tilespmem:s22], [sflag:$0x2], $0x80, s30, s21, $0xb8;
	[tilespmem:$0x1C440] =	vst v63  }
0x10d: {  	_ =	swait.ge [sflag:s26], $0x4000  }
.Ltmp15:
0x10e: {  	[sflag:s26] =	ssyncset.done $0x0;
	(pc) =	sbr.rel .LBB2_23-.Ltmp15, $4  }
0x10f: {  	[sflag:s26] =	ssyncadd.s32 $0xFFFFC000  }
0x110: {  	_ =	swait.ge [sflag:s26], $0x4000  }
0x111: {  	[sflag:s26] =	ssyncset.done $0x0  }
0x112: {  	[sflag:s26] =	ssyncadd.s32 $0xFFFFC000  }
.LBB2_69:
0x113: {  	[bflag:$0x0] =	sbarrier.arrive $0xFFFF  }
.LBB2_23:
0x114: {  	[bflag:$0x0] =	sbarrier.arrive $0xFFFF  }
0x115: {  	[tilespmem:s20], [sflag:$0x3] =	stream.linear.gather [spmem:s7], $0x4000, $0x38;
	[tilespmem:$0x1C440] =	vst v63  }
0x116: {  	_ =	swait.ge [sflag:s18], $0x4000  }
0x117: {  	[sflag:s18] =	ssyncset.done $0x0  }
0x118: {  	[sflag:s18] =	ssyncadd.s32 $0xFFFFC000  }
0x119: {  	[hbm4b:s9+s2] =	stream.linear.scatter [tilespmem:s20], [sflag:$0x3], $0x4000, $0x38;
	[tilespmem:$0x1C440] =	vst v63  }
0x11a: {  	_ =	swait.ge [sflag:s18], $0x4000  }
0x11b: {  	[sflag:s18] =	ssyncset.done $0x0  }
0x11c: {  	[sflag:s18] =	ssyncadd.s32 $0xFFFFC000  }
0x11d: {  	[tilespmem:s20], [sflag:$0x3] =	stream.linear.gather [spmem:s8], $0x2C00, $0x38;
	[tilespmem:$0x1C440] =	vst v63  }
0x11e: {  	_ =	swait.ge [sflag:s18], $0x2C00  }
0x11f: {  	[sflag:s18] =	ssyncset.done $0x0  }
0x120: {  	[sflag:s18] =	ssyncadd.s32 $0xFFFFD400  }
0x121: {  	[hbm4b:s10+s2] =	stream.linear.scatter [tilespmem:s20], [sflag:$0x3], $0x2C00, $0x38;
	[tilespmem:$0x1C440] =	vst v63  }
0x122: {  	_ =	swait.ge [sflag:s18], $0x2C00  }
0x123: {  	[sflag:s18] =	ssyncset.done $0x0  }
0x124: {  	[sflag:s18] =	ssyncadd.s32 $0xFFFFD400  }
0x125: {  	[bflag:$0x0] =	sbarrier.arrive $0xFFFF  }
0x126: {  	[tilespmem:s2], [sflag:$0x3] =	stream.linear.gather [hbm4b:s11+s2], $0x2800, $0x38;
	[tilespmem:$0x1C440] =	vst v63  }
0x127: {  	_ =	swait.ge [sflag:s18], $0x2800  }
0x128: {  	[sflag:s18] =	ssyncset.done $0x0  }
0x129: {  	s0 =	simm.s32 @!p1 $0x0;
	s3 =	simm.s32 @!p1 $0x2800;
	[sflag:s18] =	ssyncadd.s32 $0xFFFFD800  }
0x12a: {  	[tilespmem:s3], [sflag:$0x3] =	stream.linear.gather @!p1 [hbm4b:s24+s0], $0xC00, $0x38;
	[tilespmem:$0x1C440] =	vst v63  }
0x12b: {  	s3 =	simm.s32 @!p1 $0x3;
	s0 =	simm.s32 $0x0  }
0x12c: {  	_ =	swait.ge @!p1 [sflag:s3], $0xC00;
	s29 =	sand.u32 $0xFE00, s0  }
0x12d: {  	s30 =	sand.u32 $0x70, s0;
	[sflag:s3] =	ssyncset.done @!p1 $0x0;
	s29 =	sshrl.u32 s29, $0x2  }
0x12e: {  	[sflag:s3] =	ssyncadd.s32 @!p1 $0xFFFFF400;
	s3 =	simm.s32 $0x40;
	s29 =	sor.u32 s30, s29  }
.LBB2_24:
0x12f: {  	p2 =	sne.s32 s3, $0xFFC0  }
0x130: {  	[tilespmem:s29+$0xD800] =	vst v0;
	s0 =	sadd.s32 $0x10, s0;
	s29 =	smov.u32 s3;
	s3 =	sadd.s32 $0x40, s3  }
.Ltmp16:
0x131: {  	(pc) =	sbr.rel @p2 .LBB2_24-.Ltmp16, $4  }
0x132: {  	_ = 	snop  }
0x133: {  	s29 =	sand.u32 $0xFE00, s29  }
0x134: {  	s30 =	sand.u32 $0x70, s0;
	s29 =	sshrl.u32 s29, $0x2  }
0x135: {  	s29 =	sor.u32 s30, s29  }
0x136: {  	[tilespmem:s29+$0xD800] =	vst v0  }
0x137: {  	[spmem:s7] =	stream.linear.scatter [tilespmem:s20], [sflag:$0x3], $0x4000, $0x38;
	[tilespmem:$0x1C440] =	vst v63  }
0x138: {  	_ =	swait.ge [sflag:s18], $0x4000  }
0x139: {  	[sflag:s18] =	ssyncset.done $0x0  }
0x13a: {  	[sflag:s18] =	ssyncadd.s32 $0xFFFFC000  }
0x13b: {  	[spmem:s8] =	stream.linear.scatter [tilespmem:s20], [sflag:$0x3], $0x2C00, $0x38;
	[tilespmem:$0x1C440] =	vst v63  }
0x13c: {  	_ =	swait.ge [sflag:s18], $0x2C00  }
0x13d: {  	s29 =	simm.s32 $0x0;
	[sflag:s18] =	ssyncset.done $0x0  }
0x13e: {  	s0 =	simm.s32 $0x40;
	s3 =	simm.s32 $0x0;
	[sflag:s18] =	ssyncadd.s32 $0xFFFFD400  }
.LBB2_26:
0x13f: {  	p2 =	seq.s32 s0, $0xD7C0;
	[tilespmem:s3+$0x3400] =	vst v1;
	s30 =	smov.u32 s0;
	s0 =	sadd.s32 $0x40, s0  }
.Ltmp17:
0x140: {  	[tilespmem:s3+$0x6A00] =	vst v2;
	(pc) =	sbr.rel @!p2 .LBB2_26-.Ltmp17, $2  }
0x141: {  	_ =	sdelay $0x2  }
0x142: {  	s3 =	sshra.s32 s30, $0x2  }
0x143: {  	s0 =	sand.u32 $0xFFFFFE00, s29  }
0x144: {  	[tilespmem:s3+$0x3400] =	vst v1;
	s31 =	sand.u32 $0x70, s29;
	s0 =	sshra.s32 s0, $0x2  }
0x145: {  	[tilespmem:s3+$0x6A00] =	vst v2;
	s0 =	sor.u32 s31, s0  }
0x146: {  	v4 =	vld [tilespmem:s0+$0x0];
	_ =	sdelay $0x4  }
0x147: {  	v3 =	vand.u32 $0xFFF, v4  }
0x148: {  	vm0 =	vlt.u32 v3, $0xD80  }
0x149: {  	v5 =	vmpcnt.ones.xlane vm0;
	_ =	sdelay $0x1  }
0x14a: {  	v5 =	vxor.u32 $0x80000000, v5  }
0x14b: {  	p2 =	seq.s32 s5, $0x40;
	(xrf0) =	vmax.scan.msk.u32 $0xffff, v5  }
.Ltmp18:
0x14c: {  	_ = 	snop;
	(pc) =	sbr.rel @p2 .LBB2_29-.Ltmp18, $2  }
0x14d: {  	_ =	sdelay $0x2  }
0x14e: {  	s3 =	simm.s32 $0x0;
	s0 =	simm.s32 $0x40;
	v4 =	vshrl.u32 v4, $0xC  }
.LBB2_28:
0x14f: {  	s30 =	sand.u32 $0xFFFFFE00, s0;
	s0 =	sadd.s32 $0x40, s0;
	[tilespmem:s29+$0x3400] =	vst.msk vm0, v4;
	s3 =	sadd.s32 $0x10, s3;
	v4, _, _ =	vpop (xrf0)  }
0x150: {  	s31 =	sand.u32 $0x70, s3;
	s30 =	sshra.s32 s30, $0x2;
	p2 =	seq.s32 s5, s0;
	[tilespmem:s29+$0x6A00] =	vst.msk vm0, v3;
	(v2sf) =	vpush v4, $0xF  }
0x151: {  	s30 =	sor.u32 s31, s30  }
0x152: {  	v3 =	vld [tilespmem:s30+$0x0];
	_ =	sdelay $0x4  }
0x153: {  	v4 =	vshrl.u32 v3, $0xC;
	v3 =	vand.u32 $0xFFF, v3  }
0x154: {  	vm0 =	vlt.u32 v3, $0xD80  }
0x155: {  	v5 =	vmpcnt.ones.xlane vm0;
	_ =	sdelay $0x1  }
0x156: {  	v5 =	vxor.u32 $0x80000000, v5  }
0x157: {  	(xrf0) =	vmax.scan.msk.u32 $0xffff, v5  }
.Ltmp19:
0x158: {  	(pc) =	sbr.rel @!p2 .LBB2_28-.Ltmp19, $4  }
0x159: {  	_ = 	snop  }
0x15a: {  	s30 =	spop (v2sf)  }
0x15b: {  	s29 =	sadd.s32 s30, s29  }
0x15c: {  	s29 =	sadd.s32 $0x80000000, s29  }
.LBB2_29:
0x15d: {  	v5, _, _ =	vpop (xrf0)  }
0x15e: {  	(v2sf) =	vpush v5, $0xF;
	_ =	sdelay $0xc  }
.Ltmp20:
0x15f: {  	_ = 	snop;
	(pc) =	sbr.rel @!p0 .LBB2_33-.Ltmp20, $4  }
0x160: {  	_ = 	snop  }
0x161: {  	s0 =	spop (v2sf)  }
0x162: {  	[tilespmem:s29+$0x3400] =	vst.msk vm0, v4;
	s0 =	sadd.s32 s0, s29  }
0x163: {  	s3 =	simm.s32 $0x0;
	[tilespmem:s29+$0x6A00] =	vst.msk vm0, v3;
	s29 =	sadd.s32 $0x80000000, s0  }
0x164: {  	s0 =	sand.u32 $0xFFFFFE00, s3  }
0x165: {  	s30 =	sand.u32 $0x70, s3;
	s0 =	sshra.s32 s0, $0x2  }
0x166: {  	s0 =	sor.u32 s30, s0  }
0x167: {  	v4 =	vld [tilespmem:s0+$0x2800];
	_ =	sdelay $0x4  }
0x168: {  	v3 =	vand.u32 $0xFFF, v4  }
0x169: {  	vm0 =	vlt.u32 v3, $0xD80  }
0x16a: {  	v5 =	vmpcnt.ones.xlane vm0;
	_ =	sdelay $0x1  }
0x16b: {  	v5 =	vxor.u32 $0x80000000, v5  }
0x16c: {  	(xrf0) =	vmax.scan.msk.u32 $0xffff, v5;
	_ =	sdelay $0x2  }
0x16d: {  	v4 =	vshrl.u32 v4, $0xC;
	_ =	sdelay $0x1  }
0x16e: {  	s31 =	sadd.s32 $0x40, s3  }
0x16f: {  	s3 =	sadd.s32 $0x10, s3;
	s30 =	sand.u32 $0xFFFFFE00, s31;
	s0 =	sadd.s32 $0x40, s31;
	[tilespmem:s29+$0x3400] =	vst.msk vm0, v4;
	v4, _, _ =	vpop (xrf0)  }
.LBB2_31:
0x170: {  	p2 =	sne.s32 s0, $0x2FC0;
	s31 =	sand.u32 $0x70, s3;
	s30 =	sshra.s32 s30, $0x2;
	[tilespmem:s29+$0x6A00] =	vst.msk vm0, v3;
	(v2sf) =	vpush v4, $0xF  }
0x171: {  	s30 =	sor.u32 s31, s30  }
0x172: {  	v3 =	vld [tilespmem:s30+$0x2800];
	_ =	sdelay $0x4  }
0x173: {  	v4 =	vshrl.u32 v3, $0xC;
	v3 =	vand.u32 $0xFFF, v3  }
0x174: {  	vm0 =	vlt.u32 v3, $0xD80  }
0x175: {  	v5 =	vmpcnt.ones.xlane vm0;
	_ =	sdelay $0x1  }
0x176: {  	v5 =	vxor.u32 $0x80000000, v5  }
0x177: {  	(xrf0) =	vmax.scan.msk.u32 $0xffff, v5;
	_ =	sdelay $0x1  }
.Ltmp21:
0x178: {  	(pc) =	sbr.rel @p2 .LBB2_31-.Ltmp21, $4  }
0x179: {  	s30 =	spop (v2sf)  }
0x17a: {  	s29 =	sadd.s32 s30, s29  }
0x17b: {  	s29 =	sadd.s32 $0x80000000, s29  }
0x17c: {  	s3 =	sadd.s32 $0x10, s3;
	s30 =	sand.u32 $0xFFFFFE00, s0;
	s0 =	sadd.s32 $0x40, s0;
	[tilespmem:s29+$0x3400] =	vst.msk vm0, v4;
	v4, _, _ =	vpop (xrf0)  }
0x17d: {  	s0 =	sand.u32 $0x70, s3;
	s31 =	sshra.s32 s30, $0x2  }
0x17e: {  	[tilespmem:s29+$0x6A00] =	vst.msk vm0, v3;
	s0 =	sor.u32 s0, s31  }
0x17f: {  	v3 =	vld [tilespmem:s0+$0x2800];
	_ =	sdelay $0x4  }
0x180: {  	v5 =	vand.u32 $0xFFF, v3  }
0x181: {  	vm15 =	vlt.u32 v5, $0xD80  }
0x182: {  	v6 =	vmpcnt.ones.xlane vm15;
	_ =	sdelay $0x1  }
0x183: {  	v6 =	vxor.u32 $0x80000000, v6  }
0x184: {  	(xrf0) =	vmax.scan.msk.u32 $0xffff, v6;
	_ =	sdelay $0x4  }
0x185: {  	(v2sf) =	vpush v4, $0xF  }
0x186: {  	v63, _, _ =	vpop (xrf0)  }
0x187: {  	(v2sf) =	vpush v63, $0xF;
	_ =	sdelay $0xc  }
0x188: {  	s30 =	spop (v2sf)  }
0x189: {  	s0 =	sadd.s32 s30, s29  }
0x18a: {  	v3 =	vshrl.u32 v3, $0xC;
	s0 =	sadd.s32 $0x80000000, s0;
	s31 =	spop (v2sf)  }
0x18b: {  	[tilespmem:s0+$0x3400] =	vst.msk vm15, v3;
	s3 =	sadd.s32 s31, s0  }
0x18c: {  	[tilespmem:s0+$0x6A00] =	vst.msk vm15, v5;
	s29 =	sadd.s32 $0x80000000, s3  }
.LBB2_33:
0x18d: {  	s0 =	sadd.s32 $0xFF, s29  }
0x18e: {  	p2 =	slt.s32 s0, $0x100  }
.Ltmp22:
0x18f: {  	_ = 	snop;
	(pc) =	sbr.rel @p2 .LBB2_70-.Ltmp22, $1  }
0x190: {  	_ =	sdelay $0x3  }
0x191: {  	s3 =	sshra.s32 s0, $0x1F  }
0x192: {  	s3 =	sshrl.u32 s3, $0x18  }
0x193: {  	s3 =	sadd.s32 s3, s0  }
0x194: {  	s29 =	sshra.s32 s3, $0x8  }
0x195: {  	s0 =	sshll.u32 s29, $0x1  }
0x196: {  	p2 =	sgt.s32 s0, $0x1  }
0x197: {  	s0 =	simm.s32 @!p2 $0x1  }
0x198: {  	p3 =	seq.s32 s0, $0x1  }
.Ltmp23:
0x199: {  	_ = 	snop;
	(pc) =	sbr.rel @p3 .LBB2_35-.Ltmp23, $3  }
0x19a: {  	_ =	sdelay $0x1  }
0x19b: {  	s31 =	simm.s32 $0x6A40  }
0x19c: {  	s30 =	simm.s32 $0xA040;
	v3 =	vld [tilespmem:s31+$0xFFFFFFC0];
	p2 =	por $0x0, $0x0;
	s0 =	sadd.s32 $0xFFFFFFFF, s0  }
0x19d: {  	_ =	sdelay $0x3  }
0x19e: {  	[tilespmem:s30+$0xFFFFFFC0] =	vst v3  }
0x19f: {  	v3 =	vld [tilespmem:s31+$0xFFFFFFD0];
	_ =	sdelay $0x4  }
0x1a0: {  	[tilespmem:s30+$0xFFFFFFD0] =	vst v3  }
0x1a1: {  	v3 =	vld [tilespmem:s31+$0xFFFFFFE0];
	_ =	sdelay $0x4  }
0x1a2: {  	[tilespmem:s30+$0xFFFFFFE0] =	vst v3  }
0x1a3: {  	v3 =	vld [tilespmem:s31+$0xFFFFFFF0];
	_ =	sdelay $0x4  }
0x1a4: {  	[tilespmem:s30+$0xFFFFFFF0] =	vst v3  }
0x1a5: {  	v3 =	vld [tilespmem:s31+$0x0];
	_ =	sdelay $0x4  }
0x1a6: {  	[tilespmem:s30+$0x0] =	vst v3  }
0x1a7: {  	v3 =	vld [tilespmem:s31+$0x10];
	_ =	sdelay $0x4  }
0x1a8: {  	[tilespmem:s30+$0x10] =	vst v3  }
0x1a9: {  	v3 =	vld [tilespmem:s31+$0x20];
	_ =	sdelay $0x4  }
0x1aa: {  	[tilespmem:s30+$0x20] =	vst v3  }
0x1ab: {  	v3 =	vld [tilespmem:s31+$0x30]  }
0x1ac: {  	p3 =	seq.s32 s0, $0x1  }
.Ltmp24:
0x1ad: {  	_ = 	snop;
	(pc) =	sbr.rel @p3 .LBB2_37-.Ltmp24, $3  }
0x1ae: {  	_ =	sdelay $0x1  }
0x1af: {  	s31 =	simm.s32 $0x6AC0;
	[tilespmem:s30+$0x30] =	vst v3  }
0x1b0: {  	s3 =	sadd.s32 $0xFFFFFFFF, s0;
	p2 =	por $0x1, $0x1;
	s0 =	simm.s32 $0xA040;
	v3 =	vld [tilespmem:s31+$0xFFFFFFC0]  }
.LBB2_38:
0x1b1: {  	p3 =	seq.s32 s3, $0x1;
	_ =	sdelay $0x2  }
0x1b2: {  	s0 =	sadd.s32 $0x80, s0  }
0x1b3: {  	[tilespmem:s0+$0xFFFFFFC0] =	vst v3  }
0x1b4: {  	v3 =	vld [tilespmem:s31+$0xFFFFFFD0];
	_ =	sdelay $0x4  }
0x1b5: {  	[tilespmem:s0+$0xFFFFFFD0] =	vst v3  }
0x1b6: {  	v3 =	vld [tilespmem:s31+$0xFFFFFFE0];
	_ =	sdelay $0x4  }
0x1b7: {  	[tilespmem:s0+$0xFFFFFFE0] =	vst v3  }
0x1b8: {  	v3 =	vld [tilespmem:s31+$0xFFFFFFF0];
	_ =	sdelay $0x4  }
0x1b9: {  	[tilespmem:s0+$0xFFFFFFF0] =	vst v3  }
0x1ba: {  	v3 =	vld [tilespmem:s31+$0x0];
	_ =	sdelay $0x4  }
0x1bb: {  	[tilespmem:s0+$0x0] =	vst v3  }
0x1bc: {  	v3 =	vld [tilespmem:s31+$0x10];
	_ =	sdelay $0x4  }
0x1bd: {  	[tilespmem:s0+$0x10] =	vst v3  }
0x1be: {  	v3 =	vld [tilespmem:s31+$0x20];
	_ =	sdelay $0x4  }
0x1bf: {  	[tilespmem:s0+$0x20] =	vst v3  }
0x1c0: {  	v3 =	vld [tilespmem:s31+$0x30];
	_ =	sdelay $0x1  }
.Ltmp25:
0x1c1: {  	(pc) =	sbr.rel @!p3 .LBB2_38-.Ltmp25, $3  }
0x1c2: {  	_ =	sdelay $0x1  }
0x1c3: {  	s31 =	sadd.s32 $0x80, s31;
	[tilespmem:s0+$0x30] =	vst v3  }
0x1c4: {  	s3 =	sadd.s32 $0xFFFFFFFF, s3;
	v3 =	vld [tilespmem:s31+$0xFFFFFFC0]  }
.LBB2_39:
0x1c5: {  	_ =	sdelay $0x1  }
0x1c6: {  	s0 =	sadd.s32 @p2 $0x80, s0  }
0x1c7: {  	s30 =	smov.u32 @p2 s0  }
0x1c8: {  	[tilespmem:s30+$0xFFFFFFC0] =	vst v3  }
0x1c9: {  	v3 =	vld [tilespmem:s31+$0xFFFFFFD0];
	_ =	sdelay $0x4  }
0x1ca: {  	[tilespmem:s30+$0xFFFFFFD0] =	vst v3  }
0x1cb: {  	v3 =	vld [tilespmem:s31+$0xFFFFFFE0];
	_ =	sdelay $0x4  }
0x1cc: {  	[tilespmem:s30+$0xFFFFFFE0] =	vst v3  }
0x1cd: {  	v3 =	vld [tilespmem:s31+$0xFFFFFFF0];
	_ =	sdelay $0x4  }
0x1ce: {  	[tilespmem:s30+$0xFFFFFFF0] =	vst v3  }
0x1cf: {  	v3 =	vld [tilespmem:s31+$0x0];
	_ =	sdelay $0x4  }
0x1d0: {  	[tilespmem:s30+$0x0] =	vst v3  }
0x1d1: {  	v3 =	vld [tilespmem:s31+$0x10];
	_ =	sdelay $0x4  }
0x1d2: {  	[tilespmem:s30+$0x10] =	vst v3  }
0x1d3: {  	v3 =	vld [tilespmem:s31+$0x20];
	_ =	sdelay $0x4  }
0x1d4: {  	[tilespmem:s30+$0x20] =	vst v3  }
0x1d5: {  	v3 =	vld [tilespmem:s31+$0x30];
	_ =	sdelay $0x1  }
0x1d6: {  	p3 =	sne.s32 s29, $0x1  }
.Ltmp26:
0x1d7: {  	_ = 	snop;
	(pc) =	sbr.rel @!p3 .LBB2_40-.Ltmp26, $4  }
0x1d8: {  	_ = 	snop  }
0x1d9: {  	[tilespmem:s30+$0x30] =	vst v3  }
0x1da: {  	s3 =	sadd.s32 $0xFFFFFFFF, s29;
	[bflag:$0x0] =	sbarrier.arrive $0xFFFF  }
0x1db: {  	s0 =	simm.s32 $0x3480;
	p2 =	por $0x0, $0x0;
	s30 =	simm.s32 $0xA080  }
0x1dc: {  	s29 =	simm.s32 $0x3400  }
0x1dd: {  	[tilespmem:s20], [sflag:$0x1] =	stream.indirect.gather [hbm4b:s4+s21], $0x80, s29, s21, $0xb8;
	[tilespmem:$0x1C440] =	vst v63  }
0x1de: {  	_ = 	snop  }
0x1df: {  	[tilespmem:s22], [sflag:$0x1] =	stream.indirect.gather [hbm4b:s4+s21], $0x80, s0, s21, $0xb8;
	[tilespmem:$0x1C440] =	vst v63  }
0x1e0: {  	_ =	swait.ge [sflag:s23], $0x4000  }
0x1e1: {  	[sflag:s23] =	ssyncset.done $0x0  }
0x1e2: {  	s31 =	simm.s32 $0xA000;
	[sflag:s23] =	ssyncadd.s32 $0xFFFFC000  }
0x1e3: {  	[spmem:s1] =	stream.indirect.scatter.add.f32 [tilespmem:s20], [sflag:$0x2], $0x80, s31, s21, $0xb8;
	[tilespmem:$0x1C440] =	vst v63  }
0x1e4: {  	_ =	swait.ge [sflag:s23], $0x4000  }
0x1e5: {  	[sflag:s23] =	ssyncset.done $0x0  }
0x1e6: {  	p3 =	sne.s32 s3, $0x1;
	[sflag:s23] =	ssyncadd.s32 $0xFFFFC000  }
0x1e7: {  	[spmem:s1] =	stream.indirect.scatter.add.f32 [tilespmem:s22], [sflag:$0x2], $0x80, s30, s21, $0xb8;
	[tilespmem:$0x1C440] =	vst v63  }
.Ltmp27:
0x1e8: {  	_ =	swait.ge [sflag:s26], $0x4000;
	(pc) =	sbr.rel @!p3 .LBB2_42-.Ltmp27, $4  }
0x1e9: {  	[sflag:s26] =	ssyncset.done $0x0  }
0x1ea: {  	[sflag:s26] =	ssyncadd.s32 $0xFFFFC000  }
0x1eb: {  	p2 =	por $0x1, $0x1;
	s29 =	sadd.s32 $0xFFFFFFFF, s3;
	_ =	swait.ge [sflag:s26], $0x4000  }
0x1ec: {  	s3 =	simm.s32 $0xA080;
	s0 =	simm.s32 $0x3580;
	[sflag:s26] =	ssyncset.done $0x0  }
.LBB2_43:
0x1ed: {  	s31 =	sadd.s32 $0xFFFFFF80, s0;
	[sflag:s26] =	ssyncadd.s32 $0xFFFFC000;
	s3 =	sadd.s32 $0x100, s3  }
0x1ee: {  	[tilespmem:s20], [sflag:$0x1] =	stream.indirect.gather [hbm4b:s4+s21], $0x80, s31, s21, $0xb8;
	[tilespmem:$0x1C440] =	vst v63  }
0x1ef: {  	p3 =	sne.s32 s29, $0x1;
	s29 =	sadd.s32 $0xFFFFFFFF, s29  }
0x1f0: {  	[tilespmem:s22], [sflag:$0x1] =	stream.indirect.gather [hbm4b:s4+s21], $0x80, s0, s21, $0xb8;
	[tilespmem:$0x1C440] =	vst v63  }
0x1f1: {  	_ =	swait.ge [sflag:s23], $0x4000  }
0x1f2: {  	[sflag:s23] =	ssyncset.done $0x0  }
0x1f3: {  	s31 =	sadd.s32 $0xFFFFFF80, s3;
	[sflag:s23] =	ssyncadd.s32 $0xFFFFC000  }
0x1f4: {  	[spmem:s1] =	stream.indirect.scatter.add.f32 [tilespmem:s20], [sflag:$0x2], $0x80, s31, s21, $0xb8;
	[tilespmem:$0x1C440] =	vst v63  }
0x1f5: {  	_ =	swait.ge [sflag:s23], $0x4000  }
0x1f6: {  	[sflag:s23] =	ssyncset.done $0x0  }
0x1f7: {  	[sflag:s23] =	ssyncadd.s32 $0xFFFFC000  }
0x1f8: {  	[spmem:s1] =	stream.indirect.scatter.add.f32 [tilespmem:s22], [sflag:$0x2], $0x80, s3, s21, $0xb8;
	[tilespmem:$0x1C440] =	vst v63  }
.Ltmp28:
0x1f9: {  	_ =	swait.ge [sflag:s26], $0x4000;
	(pc) =	sbr.rel @p3 .LBB2_43-.Ltmp28, $4  }
0x1fa: {  	[sflag:s26] =	ssyncset.done $0x0  }
0x1fb: {  	[sflag:s26] =	ssyncadd.s32 $0xFFFFC000  }
0x1fc: {  	_ =	swait.ge [sflag:s26], $0x4000  }
0x1fd: {  	s0 =	sadd.s32 $0x100, s0;
	[sflag:s26] =	ssyncset.done $0x0  }
.LBB2_44:
0x1fe: {  	s29 =	sadd.s32 $0xFFFFFF80, s0;
	[sflag:s26] =	ssyncadd.s32 @p2 $0xFFFFC000  }
0x1ff: {  	[tilespmem:s20], [sflag:$0x1] =	stream.indirect.gather [hbm4b:s4+s21], $0x80, s29, s21, $0xb8;
	[tilespmem:$0x1C440] =	vst v63  }
0x200: {  	_ = 	snop  }
0x201: {  	[tilespmem:s22], [sflag:$0x1] =	stream.indirect.gather [hbm4b:s4+s21], $0x80, s0, s21, $0xb8;
	[tilespmem:$0x1C440] =	vst v63  }
0x202: {  	s0 =	sadd.s32 @p2 $0x100, s3;
	_ =	swait.ge [sflag:s23], $0x4000  }
0x203: {  	s30 =	smov.u32 @p2 s0;
	[sflag:s23] =	ssyncset.done $0x0  }
0x204: {  	s0 =	sadd.s32 $0xFFFFFF80, s30;
	[sflag:s23] =	ssyncadd.s32 $0xFFFFC000  }
0x205: {  	[spmem:s1] =	stream.indirect.scatter.add.f32 [tilespmem:s20], [sflag:$0x2], $0x80, s0, s21, $0xb8;
	[tilespmem:$0x1C440] =	vst v63  }
0x206: {  	_ =	swait.ge [sflag:s23], $0x4000  }
0x207: {  	[sflag:s23] =	ssyncset.done $0x0  }
0x208: {  	[sflag:s23] =	ssyncadd.s32 $0xFFFFC000  }
0x209: {  	[spmem:s1] =	stream.indirect.scatter.add.f32 [tilespmem:s22], [sflag:$0x2], $0x80, s30, s21, $0xb8;
	[tilespmem:$0x1C440] =	vst v63  }
0x20a: {  	_ =	swait.ge [sflag:s26], $0x4000  }
.Ltmp29:
0x20b: {  	[sflag:s26] =	ssyncset.done $0x0;
	(pc) =	sbr.rel .LBB2_45-.Ltmp29, $4  }
0x20c: {  	[sflag:s26] =	ssyncadd.s32 $0xFFFFC000  }
0x20d: {  	_ =	swait.ge [sflag:s26], $0x4000  }
0x20e: {  	[sflag:s26] =	ssyncset.done $0x0  }
0x20f: {  	[sflag:s26] =	ssyncadd.s32 $0xFFFFC000  }
.LBB2_70:
0x210: {  	[bflag:$0x0] =	sbarrier.arrive $0xFFFF  }
.LBB2_45:
0x211: {  	[bflag:$0x0] =	sbarrier.arrive $0xFFFF  }
0x212: {  	[tilespmem:s20], [sflag:$0x3] =	stream.linear.gather [spmem:s7], $0x4000, $0x38;
	[tilespmem:$0x1C440] =	vst v63  }
0x213: {  	_ =	swait.ge [sflag:s18], $0x4000  }
0x214: {  	[sflag:s18] =	ssyncset.done $0x0  }
0x215: {  	[sflag:s18] =	ssyncadd.s32 $0xFFFFC000  }
0x216: {  	[hbm4b:s12+s2] =	stream.linear.scatter [tilespmem:s20], [sflag:$0x3], $0x4000, $0x38;
	[tilespmem:$0x1C440] =	vst v63  }
0x217: {  	_ =	swait.ge [sflag:s18], $0x4000  }
0x218: {  	[sflag:s18] =	ssyncset.done $0x0  }
0x219: {  	[sflag:s18] =	ssyncadd.s32 $0xFFFFC000  }
0x21a: {  	[tilespmem:s20], [sflag:$0x3] =	stream.linear.gather [spmem:s8], $0x2C00, $0x38;
	[tilespmem:$0x1C440] =	vst v63  }
0x21b: {  	_ =	swait.ge [sflag:s18], $0x2C00  }
0x21c: {  	[sflag:s18] =	ssyncset.done $0x0  }
0x21d: {  	[sflag:s18] =	ssyncadd.s32 $0xFFFFD400  }
0x21e: {  	[hbm4b:s13+s2] =	stream.linear.scatter [tilespmem:s20], [sflag:$0x3], $0x2C00, $0x38;
	[tilespmem:$0x1C440] =	vst v63  }
0x21f: {  	_ =	swait.ge [sflag:s18], $0x2C00  }
0x220: {  	[sflag:s18] =	ssyncset.done $0x0  }
0x221: {  	[sflag:s18] =	ssyncadd.s32 $0xFFFFD400  }
0x222: {  	[bflag:$0x0] =	sbarrier.arrive $0xFFFF  }
0x223: {  	[tilespmem:s2], [sflag:$0x3] =	stream.linear.gather [hbm4b:s14+s2], $0x2800, $0x38;
	[tilespmem:$0x1C440] =	vst v63  }
0x224: {  	_ =	swait.ge [sflag:s18], $0x2800  }
0x225: {  	[sflag:s18] =	ssyncset.done $0x0  }
0x226: {  	s0 =	simm.s32 @!p1 $0x0;
	s3 =	simm.s32 @!p1 $0x2800;
	[sflag:s18] =	ssyncadd.s32 $0xFFFFD800  }
0x227: {  	[tilespmem:s3], [sflag:$0x3] =	stream.linear.gather @!p1 [hbm4b:s25+s0], $0xC00, $0x38;
	[tilespmem:$0x1C440] =	vst v63  }
0x228: {  	s3 =	simm.s32 @!p1 $0x3;
	s0 =	simm.s32 $0x0  }
0x229: {  	_ =	swait.ge @!p1 [sflag:s3], $0xC00;
	s29 =	sand.u32 $0xFE00, s0  }
0x22a: {  	s30 =	sand.u32 $0x70, s0;
	[sflag:s3] =	ssyncset.done @!p1 $0x0;
	s29 =	sshrl.u32 s29, $0x2  }
0x22b: {  	[sflag:s3] =	ssyncadd.s32 @!p1 $0xFFFFF400;
	s3 =	simm.s32 $0x40;
	s29 =	sor.u32 s30, s29  }
.LBB2_46:
0x22c: {  	p2 =	sne.s32 s3, $0xFFC0  }
0x22d: {  	[tilespmem:s29+$0xD800] =	vst v0;
	s0 =	sadd.s32 $0x10, s0;
	s29 =	smov.u32 s3;
	s3 =	sadd.s32 $0x40, s3  }
.Ltmp30:
0x22e: {  	(pc) =	sbr.rel @p2 .LBB2_46-.Ltmp30, $4  }
0x22f: {  	_ = 	snop  }
0x230: {  	s29 =	sand.u32 $0xFE00, s29  }
0x231: {  	s30 =	sand.u32 $0x70, s0;
	s29 =	sshrl.u32 s29, $0x2  }
0x232: {  	s29 =	sor.u32 s30, s29  }
0x233: {  	[tilespmem:s29+$0xD800] =	vst v0  }
0x234: {  	[spmem:s7] =	stream.linear.scatter [tilespmem:s20], [sflag:$0x3], $0x4000, $0x38;
	[tilespmem:$0x1C440] =	vst v63  }
0x235: {  	_ =	swait.ge [sflag:s18], $0x4000  }
0x236: {  	[sflag:s18] =	ssyncset.done $0x0  }
0x237: {  	[sflag:s18] =	ssyncadd.s32 $0xFFFFC000  }
0x238: {  	[spmem:s8] =	stream.linear.scatter [tilespmem:s20], [sflag:$0x3], $0x2C00, $0x38;
	[tilespmem:$0x1C440] =	vst v63  }
0x239: {  	_ =	swait.ge [sflag:s18], $0x2C00  }
0x23a: {  	s29 =	simm.s32 $0x0;
	[sflag:s18] =	ssyncset.done $0x0  }
0x23b: {  	s0 =	simm.s32 $0x40;
	s3 =	simm.s32 $0x0;
	[sflag:s18] =	ssyncadd.s32 $0xFFFFD400  }
.LBB2_48:
0x23c: {  	p2 =	seq.s32 s0, $0xD7C0;
	[tilespmem:s3+$0x3400] =	vst v1;
	s30 =	smov.u32 s0;
	s0 =	sadd.s32 $0x40, s0  }
.Ltmp31:
0x23d: {  	[tilespmem:s3+$0x6A00] =	vst v2;
	(pc) =	sbr.rel @!p2 .LBB2_48-.Ltmp31, $2  }
0x23e: {  	_ =	sdelay $0x2  }
0x23f: {  	s3 =	sshra.s32 s30, $0x2  }
0x240: {  	s0 =	sand.u32 $0xFFFFFE00, s29  }
0x241: {  	[tilespmem:s3+$0x3400] =	vst v1;
	s31 =	sand.u32 $0x70, s29;
	s0 =	sshra.s32 s0, $0x2  }
0x242: {  	[tilespmem:s3+$0x6A00] =	vst v2;
	s0 =	sor.u32 s31, s0  }
0x243: {  	v4 =	vld [tilespmem:s0+$0x0];
	_ =	sdelay $0x4  }
0x244: {  	v3 =	vand.u32 $0xFFF, v4  }
0x245: {  	vm0 =	vlt.u32 v3, $0xD80  }
0x246: {  	v5 =	vmpcnt.ones.xlane vm0;
	_ =	sdelay $0x1  }
0x247: {  	v5 =	vxor.u32 $0x80000000, v5  }
0x248: {  	p2 =	seq.s32 s5, $0x40;
	(xrf0) =	vmax.scan.msk.u32 $0xffff, v5  }
.Ltmp32:
0x249: {  	_ = 	snop;
	(pc) =	sbr.rel @p2 .LBB2_51-.Ltmp32, $2  }
0x24a: {  	_ =	sdelay $0x2  }
0x24b: {  	s3 =	simm.s32 $0x0;
	s0 =	simm.s32 $0x40;
	v4 =	vshrl.u32 v4, $0xC  }
.LBB2_50:
0x24c: {  	s30 =	sand.u32 $0xFFFFFE00, s0;
	s0 =	sadd.s32 $0x40, s0;
	[tilespmem:s29+$0x3400] =	vst.msk vm0, v4;
	s3 =	sadd.s32 $0x10, s3;
	v4, _, _ =	vpop (xrf0)  }
0x24d: {  	s31 =	sand.u32 $0x70, s3;
	s30 =	sshra.s32 s30, $0x2;
	p2 =	seq.s32 s5, s0;
	[tilespmem:s29+$0x6A00] =	vst.msk vm0, v3;
	(v2sf) =	vpush v4, $0xF  }
0x24e: {  	s30 =	sor.u32 s31, s30  }
0x24f: {  	v3 =	vld [tilespmem:s30+$0x0];
	_ =	sdelay $0x4  }
0x250: {  	v4 =	vshrl.u32 v3, $0xC;
	v3 =	vand.u32 $0xFFF, v3  }
0x251: {  	vm0 =	vlt.u32 v3, $0xD80  }
0x252: {  	v5 =	vmpcnt.ones.xlane vm0;
	_ =	sdelay $0x1  }
0x253: {  	v5 =	vxor.u32 $0x80000000, v5  }
0x254: {  	(xrf0) =	vmax.scan.msk.u32 $0xffff, v5  }
.Ltmp33:
0x255: {  	(pc) =	sbr.rel @!p2 .LBB2_50-.Ltmp33, $4  }
0x256: {  	_ = 	snop  }
0x257: {  	s30 =	spop (v2sf)  }
0x258: {  	s29 =	sadd.s32 s30, s29  }
0x259: {  	s29 =	sadd.s32 $0x80000000, s29  }
.LBB2_51:
0x25a: {  	v5, _, _ =	vpop (xrf0)  }
0x25b: {  	(v2sf) =	vpush v5, $0xF;
	_ =	sdelay $0xc  }
.Ltmp34:
0x25c: {  	_ = 	snop;
	(pc) =	sbr.rel @!p0 .LBB2_55-.Ltmp34, $4  }
0x25d: {  	_ = 	snop  }
0x25e: {  	s0 =	spop (v2sf)  }
0x25f: {  	[tilespmem:s29+$0x3400] =	vst.msk vm0, v4;
	s0 =	sadd.s32 s0, s29  }
0x260: {  	s3 =	simm.s32 $0x0;
	[tilespmem:s29+$0x6A00] =	vst.msk vm0, v3;
	s29 =	sadd.s32 $0x80000000, s0  }
0x261: {  	s0 =	sand.u32 $0xFFFFFE00, s3  }
0x262: {  	s30 =	sand.u32 $0x70, s3;
	s0 =	sshra.s32 s0, $0x2  }
0x263: {  	s0 =	sor.u32 s30, s0  }
0x264: {  	v4 =	vld [tilespmem:s0+$0x2800];
	_ =	sdelay $0x4  }
0x265: {  	v3 =	vand.u32 $0xFFF, v4  }
0x266: {  	vm0 =	vlt.u32 v3, $0xD80  }
0x267: {  	v5 =	vmpcnt.ones.xlane vm0;
	_ =	sdelay $0x1  }
0x268: {  	v5 =	vxor.u32 $0x80000000, v5  }
0x269: {  	(xrf0) =	vmax.scan.msk.u32 $0xffff, v5;
	_ =	sdelay $0x2  }
0x26a: {  	v4 =	vshrl.u32 v4, $0xC;
	_ =	sdelay $0x1  }
0x26b: {  	s31 =	sadd.s32 $0x40, s3  }
0x26c: {  	s3 =	sadd.s32 $0x10, s3;
	s30 =	sand.u32 $0xFFFFFE00, s31;
	s0 =	sadd.s32 $0x40, s31;
	[tilespmem:s29+$0x3400] =	vst.msk vm0, v4;
	v4, _, _ =	vpop (xrf0)  }
.LBB2_53:
0x26d: {  	p2 =	sne.s32 s0, $0x2FC0;
	s31 =	sand.u32 $0x70, s3;
	s30 =	sshra.s32 s30, $0x2;
	[tilespmem:s29+$0x6A00] =	vst.msk vm0, v3;
	(v2sf) =	vpush v4, $0xF  }
0x26e: {  	s30 =	sor.u32 s31, s30  }
0x26f: {  	v3 =	vld [tilespmem:s30+$0x2800];
	_ =	sdelay $0x4  }
0x270: {  	v4 =	vshrl.u32 v3, $0xC;
	v3 =	vand.u32 $0xFFF, v3  }
0x271: {  	vm0 =	vlt.u32 v3, $0xD80  }
0x272: {  	v5 =	vmpcnt.ones.xlane vm0;
	_ =	sdelay $0x1  }
0x273: {  	v5 =	vxor.u32 $0x80000000, v5  }
0x274: {  	(xrf0) =	vmax.scan.msk.u32 $0xffff, v5;
	_ =	sdelay $0x1  }
.Ltmp35:
0x275: {  	(pc) =	sbr.rel @p2 .LBB2_53-.Ltmp35, $4  }
0x276: {  	s30 =	spop (v2sf)  }
0x277: {  	s29 =	sadd.s32 s30, s29  }
0x278: {  	s29 =	sadd.s32 $0x80000000, s29  }
0x279: {  	s3 =	sadd.s32 $0x10, s3;
	s30 =	sand.u32 $0xFFFFFE00, s0;
	s0 =	sadd.s32 $0x40, s0;
	[tilespmem:s29+$0x3400] =	vst.msk vm0, v4;
	v4, _, _ =	vpop (xrf0)  }
0x27a: {  	s0 =	sand.u32 $0x70, s3;
	s31 =	sshra.s32 s30, $0x2  }
0x27b: {  	[tilespmem:s29+$0x6A00] =	vst.msk vm0, v3;
	s0 =	sor.u32 s0, s31  }
0x27c: {  	v3 =	vld [tilespmem:s0+$0x2800];
	_ =	sdelay $0x4  }
0x27d: {  	v5 =	vand.u32 $0xFFF, v3  }
0x27e: {  	vm15 =	vlt.u32 v5, $0xD80  }
0x27f: {  	v6 =	vmpcnt.ones.xlane vm15;
	_ =	sdelay $0x1  }
0x280: {  	v6 =	vxor.u32 $0x80000000, v6  }
0x281: {  	(xrf0) =	vmax.scan.msk.u32 $0xffff, v6;
	_ =	sdelay $0x4  }
0x282: {  	(v2sf) =	vpush v4, $0xF  }
0x283: {  	v63, _, _ =	vpop (xrf0)  }
0x284: {  	(v2sf) =	vpush v63, $0xF;
	_ =	sdelay $0xc  }
0x285: {  	s30 =	spop (v2sf)  }
0x286: {  	s0 =	sadd.s32 s30, s29  }
0x287: {  	v3 =	vshrl.u32 v3, $0xC;
	s0 =	sadd.s32 $0x80000000, s0;
	s31 =	spop (v2sf)  }
0x288: {  	[tilespmem:s0+$0x3400] =	vst.msk vm15, v3;
	s3 =	sadd.s32 s31, s0  }
0x289: {  	[tilespmem:s0+$0x6A00] =	vst.msk vm15, v5;
	s29 =	sadd.s32 $0x80000000, s3  }
.LBB2_55:
0x28a: {  	s0 =	sadd.s32 $0xFF, s29  }
0x28b: {  	p2 =	slt.s32 s0, $0x100  }
.Ltmp36:
0x28c: {  	_ = 	snop;
	(pc) =	sbr.rel @p2 .LBB2_71-.Ltmp36, $1  }
0x28d: {  	_ =	sdelay $0x3  }
0x28e: {  	s3 =	sshra.s32 s0, $0x1F  }
0x28f: {  	s3 =	sshrl.u32 s3, $0x18  }
0x290: {  	s3 =	sadd.s32 s3, s0  }
0x291: {  	s29 =	sshra.s32 s3, $0x8  }
0x292: {  	s0 =	sshll.u32 s29, $0x1  }
0x293: {  	p2 =	sgt.s32 s0, $0x1  }
0x294: {  	s0 =	simm.s32 @!p2 $0x1  }
0x295: {  	p3 =	seq.s32 s0, $0x1  }
.Ltmp37:
0x296: {  	_ = 	snop;
	(pc) =	sbr.rel @p3 .LBB2_57-.Ltmp37, $3  }
0x297: {  	_ =	sdelay $0x1  }
0x298: {  	s31 =	simm.s32 $0x6A40  }
0x299: {  	s30 =	simm.s32 $0xA040;
	v3 =	vld [tilespmem:s31+$0xFFFFFFC0];
	p2 =	por $0x0, $0x0;
	s0 =	sadd.s32 $0xFFFFFFFF, s0  }
0x29a: {  	_ =	sdelay $0x3  }
0x29b: {  	[tilespmem:s30+$0xFFFFFFC0] =	vst v3  }
0x29c: {  	v3 =	vld [tilespmem:s31+$0xFFFFFFD0];
	_ =	sdelay $0x4  }
0x29d: {  	[tilespmem:s30+$0xFFFFFFD0] =	vst v3  }
0x29e: {  	v3 =	vld [tilespmem:s31+$0xFFFFFFE0];
	_ =	sdelay $0x4  }
0x29f: {  	[tilespmem:s30+$0xFFFFFFE0] =	vst v3  }
0x2a0: {  	v3 =	vld [tilespmem:s31+$0xFFFFFFF0];
	_ =	sdelay $0x4  }
0x2a1: {  	[tilespmem:s30+$0xFFFFFFF0] =	vst v3  }
0x2a2: {  	v3 =	vld [tilespmem:s31+$0x0];
	_ =	sdelay $0x4  }
0x2a3: {  	[tilespmem:s30+$0x0] =	vst v3  }
0x2a4: {  	v3 =	vld [tilespmem:s31+$0x10];
	_ =	sdelay $0x4  }
0x2a5: {  	[tilespmem:s30+$0x10] =	vst v3  }
0x2a6: {  	v3 =	vld [tilespmem:s31+$0x20];
	_ =	sdelay $0x4  }
0x2a7: {  	[tilespmem:s30+$0x20] =	vst v3  }
0x2a8: {  	v3 =	vld [tilespmem:s31+$0x30]  }
0x2a9: {  	p3 =	seq.s32 s0, $0x1  }
.Ltmp38:
0x2aa: {  	_ = 	snop;
	(pc) =	sbr.rel @p3 .LBB2_59-.Ltmp38, $3  }
0x2ab: {  	_ =	sdelay $0x1  }
0x2ac: {  	s31 =	simm.s32 $0x6AC0;
	[tilespmem:s30+$0x30] =	vst v3  }
0x2ad: {  	s3 =	sadd.s32 $0xFFFFFFFF, s0;
	p2 =	por $0x1, $0x1;
	s0 =	simm.s32 $0xA040;
	v3 =	vld [tilespmem:s31+$0xFFFFFFC0]  }
.LBB2_60:
0x2ae: {  	p3 =	seq.s32 s3, $0x1;
	_ =	sdelay $0x2  }
0x2af: {  	s0 =	sadd.s32 $0x80, s0  }
0x2b0: {  	[tilespmem:s0+$0xFFFFFFC0] =	vst v3  }
0x2b1: {  	v3 =	vld [tilespmem:s31+$0xFFFFFFD0];
	_ =	sdelay $0x4  }
0x2b2: {  	[tilespmem:s0+$0xFFFFFFD0] =	vst v3  }
0x2b3: {  	v3 =	vld [tilespmem:s31+$0xFFFFFFE0];
	_ =	sdelay $0x4  }
0x2b4: {  	[tilespmem:s0+$0xFFFFFFE0] =	vst v3  }
0x2b5: {  	v3 =	vld [tilespmem:s31+$0xFFFFFFF0];
	_ =	sdelay $0x4  }
0x2b6: {  	[tilespmem:s0+$0xFFFFFFF0] =	vst v3  }
0x2b7: {  	v3 =	vld [tilespmem:s31+$0x0];
	_ =	sdelay $0x4  }
0x2b8: {  	[tilespmem:s0+$0x0] =	vst v3  }
0x2b9: {  	v3 =	vld [tilespmem:s31+$0x10];
	_ =	sdelay $0x4  }
0x2ba: {  	[tilespmem:s0+$0x10] =	vst v3  }
0x2bb: {  	v3 =	vld [tilespmem:s31+$0x20];
	_ =	sdelay $0x4  }
0x2bc: {  	[tilespmem:s0+$0x20] =	vst v3  }
0x2bd: {  	v3 =	vld [tilespmem:s31+$0x30];
	_ =	sdelay $0x1  }
.Ltmp39:
0x2be: {  	(pc) =	sbr.rel @!p3 .LBB2_60-.Ltmp39, $3  }
0x2bf: {  	_ =	sdelay $0x1  }
0x2c0: {  	s31 =	sadd.s32 $0x80, s31;
	[tilespmem:s0+$0x30] =	vst v3  }
0x2c1: {  	s3 =	sadd.s32 $0xFFFFFFFF, s3;
	v3 =	vld [tilespmem:s31+$0xFFFFFFC0]  }
.LBB2_61:
0x2c2: {  	_ =	sdelay $0x1  }
0x2c3: {  	s0 =	sadd.s32 @p2 $0x80, s0  }
0x2c4: {  	s30 =	smov.u32 @p2 s0  }
0x2c5: {  	[tilespmem:s30+$0xFFFFFFC0] =	vst v3  }
0x2c6: {  	v3 =	vld [tilespmem:s31+$0xFFFFFFD0];
	_ =	sdelay $0x4  }
0x2c7: {  	[tilespmem:s30+$0xFFFFFFD0] =	vst v3  }
0x2c8: {  	v3 =	vld [tilespmem:s31+$0xFFFFFFE0];
	_ =	sdelay $0x4  }
0x2c9: {  	[tilespmem:s30+$0xFFFFFFE0] =	vst v3  }
0x2ca: {  	v3 =	vld [tilespmem:s31+$0xFFFFFFF0];
	_ =	sdelay $0x4  }
0x2cb: {  	[tilespmem:s30+$0xFFFFFFF0] =	vst v3  }
0x2cc: {  	v3 =	vld [tilespmem:s31+$0x0];
	_ =	sdelay $0x4  }
0x2cd: {  	[tilespmem:s30+$0x0] =	vst v3  }
0x2ce: {  	v3 =	vld [tilespmem:s31+$0x10];
	_ =	sdelay $0x4  }
0x2cf: {  	[tilespmem:s30+$0x10] =	vst v3  }
0x2d0: {  	v3 =	vld [tilespmem:s31+$0x20];
	_ =	sdelay $0x4  }
0x2d1: {  	[tilespmem:s30+$0x20] =	vst v3  }
0x2d2: {  	v3 =	vld [tilespmem:s31+$0x30];
	_ =	sdelay $0x1  }
0x2d3: {  	p3 =	sne.s32 s29, $0x1  }
.Ltmp40:
0x2d4: {  	_ = 	snop;
	(pc) =	sbr.rel @!p3 .LBB2_62-.Ltmp40, $4  }
0x2d5: {  	_ = 	snop  }
0x2d6: {  	[tilespmem:s30+$0x30] =	vst v3  }
0x2d7: {  	s3 =	sadd.s32 $0xFFFFFFFF, s29;
	[bflag:$0x0] =	sbarrier.arrive $0xFFFF  }
0x2d8: {  	s0 =	simm.s32 $0x3480;
	p2 =	por $0x0, $0x0;
	s30 =	simm.s32 $0xA080  }
0x2d9: {  	s29 =	simm.s32 $0x3400  }
0x2da: {  	[tilespmem:s20], [sflag:$0x1] =	stream.indirect.gather [hbm4b:s4+s21], $0x80, s29, s21, $0xb8;
	[tilespmem:$0x1C440] =	vst v63  }
0x2db: {  	_ = 	snop  }
0x2dc: {  	[tilespmem:s22], [sflag:$0x1] =	stream.indirect.gather [hbm4b:s4+s21], $0x80, s0, s21, $0xb8;
	[tilespmem:$0x1C440] =	vst v63  }
0x2dd: {  	_ =	swait.ge [sflag:s23], $0x4000  }
0x2de: {  	[sflag:s23] =	ssyncset.done $0x0  }
0x2df: {  	s31 =	simm.s32 $0xA000;
	[sflag:s23] =	ssyncadd.s32 $0xFFFFC000  }
0x2e0: {  	[spmem:s1] =	stream.indirect.scatter.add.f32 [tilespmem:s20], [sflag:$0x2], $0x80, s31, s21, $0xb8;
	[tilespmem:$0x1C440] =	vst v63  }
0x2e1: {  	_ =	swait.ge [sflag:s23], $0x4000  }
0x2e2: {  	[sflag:s23] =	ssyncset.done $0x0  }
0x2e3: {  	p3 =	sne.s32 s3, $0x1;
	[sflag:s23] =	ssyncadd.s32 $0xFFFFC000  }
0x2e4: {  	[spmem:s1] =	stream.indirect.scatter.add.f32 [tilespmem:s22], [sflag:$0x2], $0x80, s30, s21, $0xb8;
	[tilespmem:$0x1C440] =	vst v63  }
.Ltmp41:
0x2e5: {  	_ =	swait.ge [sflag:s26], $0x4000;
	(pc) =	sbr.rel @!p3 .LBB2_64-.Ltmp41, $4  }
0x2e6: {  	[sflag:s26] =	ssyncset.done $0x0  }
0x2e7: {  	[sflag:s26] =	ssyncadd.s32 $0xFFFFC000  }
0x2e8: {  	p2 =	por $0x1, $0x1;
	s29 =	sadd.s32 $0xFFFFFFFF, s3;
	_ =	swait.ge [sflag:s26], $0x4000  }
0x2e9: {  	s3 =	simm.s32 $0xA080;
	s0 =	simm.s32 $0x3580;
	[sflag:s26] =	ssyncset.done $0x0  }
.LBB2_65:
0x2ea: {  	s31 =	sadd.s32 $0xFFFFFF80, s0;
	[sflag:s26] =	ssyncadd.s32 $0xFFFFC000;
	s3 =	sadd.s32 $0x100, s3  }
0x2eb: {  	[tilespmem:s20], [sflag:$0x1] =	stream.indirect.gather [hbm4b:s4+s21], $0x80, s31, s21, $0xb8;
	[tilespmem:$0x1C440] =	vst v63  }
0x2ec: {  	p3 =	sne.s32 s29, $0x1;
	s29 =	sadd.s32 $0xFFFFFFFF, s29  }
0x2ed: {  	[tilespmem:s22], [sflag:$0x1] =	stream.indirect.gather [hbm4b:s4+s21], $0x80, s0, s21, $0xb8;
	[tilespmem:$0x1C440] =	vst v63  }
0x2ee: {  	_ =	swait.ge [sflag:s23], $0x4000  }
0x2ef: {  	[sflag:s23] =	ssyncset.done $0x0  }
0x2f0: {  	s31 =	sadd.s32 $0xFFFFFF80, s3;
	[sflag:s23] =	ssyncadd.s32 $0xFFFFC000  }
0x2f1: {  	[spmem:s1] =	stream.indirect.scatter.add.f32 [tilespmem:s20], [sflag:$0x2], $0x80, s31, s21, $0xb8;
	[tilespmem:$0x1C440] =	vst v63  }
0x2f2: {  	_ =	swait.ge [sflag:s23], $0x4000  }
0x2f3: {  	[sflag:s23] =	ssyncset.done $0x0  }
0x2f4: {  	[sflag:s23] =	ssyncadd.s32 $0xFFFFC000  }
0x2f5: {  	[spmem:s1] =	stream.indirect.scatter.add.f32 [tilespmem:s22], [sflag:$0x2], $0x80, s3, s21, $0xb8;
	[tilespmem:$0x1C440] =	vst v63  }
.Ltmp42:
0x2f6: {  	_ =	swait.ge [sflag:s26], $0x4000;
	(pc) =	sbr.rel @p3 .LBB2_65-.Ltmp42, $4  }
0x2f7: {  	[sflag:s26] =	ssyncset.done $0x0  }
0x2f8: {  	[sflag:s26] =	ssyncadd.s32 $0xFFFFC000  }
0x2f9: {  	_ =	swait.ge [sflag:s26], $0x4000  }
0x2fa: {  	s0 =	sadd.s32 $0x100, s0;
	[sflag:s26] =	ssyncset.done $0x0  }
.LBB2_66:
0x2fb: {  	s29 =	sadd.s32 $0xFFFFFF80, s0;
	[sflag:s26] =	ssyncadd.s32 @p2 $0xFFFFC000  }
0x2fc: {  	[tilespmem:s20], [sflag:$0x1] =	stream.indirect.gather [hbm4b:s4+s21], $0x80, s29, s21, $0xb8;
	[tilespmem:$0x1C440] =	vst v63  }
0x2fd: {  	_ = 	snop  }
0x2fe: {  	[tilespmem:s22], [sflag:$0x1] =	stream.indirect.gather [hbm4b:s4+s21], $0x80, s0, s21, $0xb8;
	[tilespmem:$0x1C440] =	vst v63  }
0x2ff: {  	s0 =	sadd.s32 @p2 $0x100, s3;
	_ =	swait.ge [sflag:s23], $0x4000  }
0x300: {  	s30 =	smov.u32 @p2 s0;
	[sflag:s23] =	ssyncset.done $0x0  }
0x301: {  	s0 =	sadd.s32 $0xFFFFFF80, s30;
	[sflag:s23] =	ssyncadd.s32 $0xFFFFC000  }
0x302: {  	[spmem:s1] =	stream.indirect.scatter.add.f32 [tilespmem:s20], [sflag:$0x2], $0x80, s0, s21, $0xb8;
	[tilespmem:$0x1C440] =	vst v63  }
0x303: {  	_ =	swait.ge [sflag:s23], $0x4000  }
0x304: {  	[sflag:s23] =	ssyncset.done $0x0  }
0x305: {  	[sflag:s23] =	ssyncadd.s32 $0xFFFFC000  }
0x306: {  	[spmem:s1] =	stream.indirect.scatter.add.f32 [tilespmem:s22], [sflag:$0x2], $0x80, s30, s21, $0xb8;
	[tilespmem:$0x1C440] =	vst v63  }
0x307: {  	_ =	swait.ge [sflag:s26], $0x4000  }
.Ltmp43:
0x308: {  	[sflag:s26] =	ssyncset.done $0x0;
	(pc) =	sbr.rel .LBB2_67-.Ltmp43, $4  }
0x309: {  	[sflag:s26] =	ssyncadd.s32 $0xFFFFC000  }
0x30a: {  	_ =	swait.ge [sflag:s26], $0x4000  }
0x30b: {  	[sflag:s26] =	ssyncset.done $0x0  }
0x30c: {  	[sflag:s26] =	ssyncadd.s32 $0xFFFFC000  }
.LBB2_13:
.Ltmp44:
0x30d: {  	(pc) =	sbr.rel .LBB2_17-.Ltmp44, $2  }
0x30e: {  	_ =	sdelay $0x2  }
0x30f: {  	s0 =	simm.s32 $0xA040  }
.LBB2_18:
.Ltmp45:
0x310: {  	(pc) =	sbr.rel .LBB2_22-.Ltmp45, $2  }
0x311: {  	_ =	sdelay $0x2  }
0x312: {  	s3 =	simm.s32 $0xA080  }
.LBB2_35:
.Ltmp46:
0x313: {  	(pc) =	sbr.rel .LBB2_39-.Ltmp46, $2  }
0x314: {  	_ =	sdelay $0x2  }
0x315: {  	s0 =	simm.s32 $0xA040  }
.LBB2_40:
.Ltmp47:
0x316: {  	(pc) =	sbr.rel .LBB2_44-.Ltmp47, $2  }
0x317: {  	_ =	sdelay $0x2  }
0x318: {  	s3 =	simm.s32 $0xA080  }
.LBB2_57:
.Ltmp48:
0x319: {  	(pc) =	sbr.rel .LBB2_61-.Ltmp48, $2  }
0x31a: {  	_ =	sdelay $0x2  }
0x31b: {  	s0 =	simm.s32 $0xA040  }
.LBB2_62:
.Ltmp49:
0x31c: {  	(pc) =	sbr.rel .LBB2_66-.Ltmp49, $2  }
0x31d: {  	_ =	sdelay $0x2  }
0x31e: {  	s3 =	simm.s32 $0xA080  }
.LBB2_15:
.Ltmp50:
0x31f: {  	(pc) =	sbr.rel .LBB2_17-.Ltmp50, $2  }
0x320: {  	_ =	sdelay $0x2  }
0x321: {  	s0 =	simm.s32 $0xA040  }
.LBB2_20:
.Ltmp51:
0x322: {  	(pc) =	sbr.rel .LBB2_22-.Ltmp51, $2  }
0x323: {  	_ =	sdelay $0x2  }
0x324: {  	s3 =	simm.s32 $0xA080  }
.LBB2_37:
.Ltmp52:
0x325: {  	(pc) =	sbr.rel .LBB2_39-.Ltmp52, $2  }
0x326: {  	_ =	sdelay $0x2  }
0x327: {  	s0 =	simm.s32 $0xA040  }
.LBB2_42:
.Ltmp53:
0x328: {  	(pc) =	sbr.rel .LBB2_44-.Ltmp53, $2  }
0x329: {  	_ =	sdelay $0x2  }
0x32a: {  	s3 =	simm.s32 $0xA080  }
.LBB2_59:
.Ltmp54:
0x32b: {  	(pc) =	sbr.rel .LBB2_61-.Ltmp54, $2  }
0x32c: {  	_ =	sdelay $0x2  }
0x32d: {  	s0 =	simm.s32 $0xA040  }
.LBB2_64:
.Ltmp55:
0x32e: {  	(pc) =	sbr.rel .LBB2_66-.Ltmp55, $2  }
0x32f: {  	_ =	sdelay $0x2  }
0x330: {  	s3 =	simm.s32 $0xA080  }
.LBB2_68:
0x331: {  	_ =	sfence.sel $0x180000  }
0x332: {  	[bflag:$0x0] =	sbarrier.arrive $0xFFFF  }
0x333: {  	_ =	strace $0x9000004A  }
0x334: {  	s0 =	stileid.u32;
	[bflag:$0x2] =	sbarrier.arrive $0xFFFF  }
0x335: {  	p0 =	sne.s32 s0, $0x0;
	s0 =	rddreg [dreg:$0x2]  }
0x336: {  	s0 =	sadd.s32 @!p0 $0x100000, s0  }
0x337: {  	[sflag:s0] =	ssyncadd.tile.s32 @!p0 $0x1;
	_ =	shalt  }
.Lfunc_end2:
_tile_overlayer_lowered:
.L_overlay_start_2:
0x338: {  	(tag) =	ssettag $0x2  }
0x339: {  	s0 =	rddreg [dreg:$0x0];
	s2 =	stileid.u32  }
0x33a: {  	s1 =	rddreg [dreg:$0x1];
	p0 =	sne.s32 s2, $0x0  }
0x33b: {  	s3 =	rddreg [dreg:$0x2];
	[bflag:$0x3] =	sbarrier.arrive $0xFFFF;
	s2 =	simm.s32 @!p0 $0x1C03  }
0x33c: {  	[timem:s3], [sflag:s2] =	dma.local @!p0 [hbm:s0], s1  }
0x33d: {  	s0 =	simm.s32 @!p0 $0x3  }
0x33e: {  	_ =	swait.ge @!p0 [sflag:s0], s1  }
0x33f: {  	s1 =	ssub.s32 @!p0 $0x0, s1;
	[sflag:s0] =	ssyncset.done @!p0 $0x0  }
0x340: {  	[sflag:s0] =	ssyncadd.s32 @!p0 s1  }
0x341: {  	[bflag:$0x3] =	sbarrier.arrive $0xFFFF  }
0x342: {  	_ =	shalt  }

// kernel: kernel.14.cloned.1.call-start
scs
__scs_entry_jumppad:
0x0: {  	(pc) =	sbr.rel $0x88, $3  }
0x1: {  	(tag) =	ssettag $0x0;
	lr =	simm.s32 $0x1  }
0x2: {  	[smem:$0x3F9B] =	sst lr;
	_ =	strace $0xD0000000  }
0x3: {  	_ = 	snop  }
0x4: {  	_ = 	snop  }
0x5: {  	_ = 	snop  }
0x6: {  	_ = 	snop  }
0x7: {  	_ = 	snop  }
__scs_overlays_trampoline_lowered:
0x8: {  	[smem:$0x3FAA] =	sst s0  }
0x9: {  	[smem:$0x3FAB] =	sst s1  }
0xa: {  	[smem:$0x3FAC] =	sst s2  }
0xb: {  	[smem:$0x3FAD] =	sst s3  }
0xc: {  	[smem:$0x3FAE] =	sst s4  }
0xd: {  	[smem:$0x3FAF] =	sst s5  }
0xe: {  	[smem:$0x3FB0] =	sst s6  }
0xf: {  	[smem:$0x3FB1] =	sst s7  }
0x10: {  	[smem:$0x3FB2] =	sst s8  }
0x11: {  	[smem:$0x3FB3] =	sst s9;
	s0 =	simm.s32 @!p0 $0x0  }
0x12: {  	s1 =	sld [smem:$0x3F99];
	s0 =	simm.s32 @p0 $0x1  }
0x13: {  	[smem:$0x3FB4] =	sst s0;
	s0 =	simm.s32 @!p1 $0x0  }
0x14: {  	s2 =	sld [smem:$0x3F98];
	s0 =	simm.s32 @p1 $0x1  }
0x15: {  	[smem:$0x3FB5] =	sst s0;
	s0 =	simm.s32 @!p2 $0x0  }
0x16: {  	s3 =	sld [smem:$0x3FDB];
	s0 =	simm.s32 @p2 $0x1  }
0x17: {  	s4 =	simm.s32 $0x1BF5;
	[smem:$0x3FB7] =	sst s0  }
0x18: {  	s0 =	sld [smem:$0x3F9A];
	_ =	swait.ge [sflag:s4], $0x0  }
0x19: {  	s7 =	sld [smem:$0x3F9B]  }
0x1a: {  	s8 =	sadd.s32 $0xFFFFE003, lr  }
0x1b: {  	s9 =	sadd.s32 $0xFFFFFEF7, lr;
	s5 =	simm.s32 $0xFFFFFFFF;
	p2 =	slt.u32 s8, $0xFFFFF086  }
0x1c: {  	p1 =	slt.u32 s9, $0xF7A;
	s5 =	simm.s32 @!p2 $0x0  }
0x1d: {  	s5 =	simm.s32 @p1 $0x1;
	p0 =	seq.s32 s7, s2  }
0x1e: {  	s7 =	smul.u32 @!p0 $0xF7A, s2;
	p2 =	seq.s32 @!p0 s5, $0x0  }
0x1f: {  	s9 =	smul.u32 $0xF7A, s1;
	s8 =	simm.s32 @!p0 $0x1BF5;
	p2 =	por !p2, p0  }
0x20: {  	[sflag:s8] =	ssyncset.s32 @!p0 $0xFFFFF086;
	s6 =	sadd.s32 @!p0 s3, s7;
	s7 =	simm.s32 @!p0 $0x108  }
0x21: {  	s3 =	sadd.s32 s3, s9;
	s6 =	sadd.s32 @!p0 $0x88, s6;
	s7 =	simm.s32 @p2 $0x1082  }
0x22: {  	[simem:s7], [sflag:s8] =	dma.local @!p0 [hbm:s6], $0xF7A  }
0x23: {  	s9 =	sor.u32 $0xD0000000, s2;
	s6 =	simm.s32 $0x108;
	_ =	swait.ge @!p0 [sflag:s8], $0x0  }
0x24: {  	s3 =	sadd.s32 $0x88, s3;
	s6 =	simm.s32 @!p1 $0x1082;
	[sflag:s4] =	ssyncset.s32 $0xFFFFF086  }
0x25: {  	[simem:s6], [sflag:s4] =	dma.local [hbm:s3], $0xF7A  }
0x26: {  	[smem:$0x3F9B] =	sst s1;
	(tag) =	ssettag s2;
	_ =	strace s9  }
0x27: {  	s1 =	sld [smem:$0x3FAB]  }
0x28: {  	s2 =	sld [smem:$0x3FAC]  }
0x29: {  	s4 =	sld [smem:$0x3FAE]  }
0x2a: {  	p0 =	seq.s32 s5, $0x0;
	s5 =	sld [smem:$0x3FAF]  }
0x2b: {  	s6 =	sld [smem:$0x3FB0]  }
0x2c: {  	s7 =	sld [smem:$0x3FB1]  }
0x2d: {  	s3 =	simm.s32 $0x108;
	s8 =	sld [smem:$0x3FB2]  }
0x2e: {  	s3 =	simm.s32 @!p0 $0x1082;
	s9 =	sld [smem:$0x3FB3]  }
0x2f: {  	lr =	sadd.s32 s0, s3;
	s0 =	sld [smem:$0x3FAA]  }
0x30: {  	s3 =	sld [smem:$0x3FAD]  }
0x31: {  	[smem:$0x3FB6] =	sst s10  }
0x32: {  	s10 =	sld [smem:$0x3FB4];
	_ =	sdelay $0x3  }
0x33: {  	p0 =	seq.s32 s10, $0x1;
	s10 =	sld [smem:$0x3FB6];
	_ =	sdelay $0x3  }
0x34: {  	[smem:$0x3FB6] =	sst s10  }
0x35: {  	s10 =	sld [smem:$0x3FB5];
	_ =	sdelay $0x3  }
0x36: {  	p1 =	seq.s32 s10, $0x1;
	s10 =	sld [smem:$0x3FB6];
	_ =	sdelay $0x3  }
0x37: {  	[smem:$0x3FB6] =	sst s10  }
0x38: {  	s10 =	sld [smem:$0x3FB7]  }
0x39: {  	_ = 	snop;
	(pc) =	sbr.ind lr, $3  }
0x3a: {  	_ = 	snop  }
0x3b: {  	_ = 	snop  }
0x3c: {  	p2 =	seq.s32 s10, $0x1;
	s10 =	sld [smem:$0x3FB6]  }
0x3d: {  	_ =	shalt  }
0x3e: {  	_ =	shalt  }
0x3f: {  	_ =	shalt  }
0x40: {  	_ =	shalt  }
0x41: {  	_ =	shalt  }
0x42: {  	_ =	shalt  }
0x43: {  	_ =	shalt  }
0x44: {  	_ =	shalt  }
0x45: {  	_ =	shalt  }
0x46: {  	_ =	shalt  }
0x47: {  	_ =	shalt  }
0x48: {  	_ =	shalt  }
0x49: {  	_ =	shalt  }
0x4a: {  	_ =	shalt  }
0x4b: {  	_ =	shalt  }
0x4c: {  	_ =	shalt  }
0x4d: {  	_ =	shalt  }
0x4e: {  	_ =	shalt  }
0x4f: {  	_ =	shalt  }
0x50: {  	_ =	shalt  }
0x51: {  	_ =	shalt  }
0x52: {  	_ =	shalt  }
0x53: {  	_ =	shalt  }
0x54: {  	_ =	shalt  }
0x55: {  	_ =	shalt  }
0x56: {  	_ =	shalt  }
0x57: {  	_ =	shalt  }
0x58: {  	_ =	shalt  }
0x59: {  	_ =	shalt  }
0x5a: {  	_ =	shalt  }
0x5b: {  	_ =	shalt  }
0x5c: {  	_ =	shalt  }
0x5d: {  	_ =	shalt  }
0x5e: {  	_ =	shalt  }
0x5f: {  	_ =	shalt  }
0x60: {  	_ =	shalt  }
0x61: {  	_ =	shalt  }
0x62: {  	_ =	shalt  }
0x63: {  	_ =	shalt  }
0x64: {  	_ =	shalt  }
0x65: {  	_ =	shalt  }
0x66: {  	_ =	shalt  }
0x67: {  	_ =	shalt  }
0x68: {  	_ =	shalt  }
0x69: {  	_ =	shalt  }
0x6a: {  	_ =	shalt  }
0x6b: {  	_ =	shalt  }
0x6c: {  	_ =	shalt  }
0x6d: {  	_ =	shalt  }
0x6e: {  	_ =	shalt  }
0x6f: {  	_ =	shalt  }
0x70: {  	_ =	shalt  }
0x71: {  	_ =	shalt  }
0x72: {  	_ =	shalt  }
0x73: {  	_ =	shalt  }
0x74: {  	_ =	shalt  }
0x75: {  	_ =	shalt  }
0x76: {  	_ =	shalt  }
0x77: {  	_ =	shalt  }
0x78: {  	_ =	shalt  }
0x79: {  	_ =	shalt  }
0x7a: {  	_ =	shalt  }
0x7b: {  	_ =	shalt  }
0x7c: {  	_ =	shalt  }
0x7d: {  	_ =	shalt  }
0x7e: {  	_ =	shalt  }
0x7f: {  	_ =	shalt  }
0x80: {  	_ =	shalt  }
0x81: {  	_ =	shalt  }
0x82: {  	_ =	shalt  }
0x83: {  	_ =	shalt  }
0x84: {  	_ =	shalt  }
0x85: {  	_ =	shalt  }
0x86: {  	_ =	shalt  }
0x87: {  	_ =	shalt  }
.Lfunc_end0:
.L_simem_size_0:
called_computation.2_lowered:
.L_overlay_start_0:
0x88: {  	s2 =	sld [smem:$0x3FD9]  }
0x89: {  	s3 =	sld [smem:$0x3FFE];
	_ =	sdelay $0x1  }
0x8a: {  	s1 =	srdreg.scid  }
0x8b: {  	s0 =	sand.u32 $0x1, s1  }
0x8c: {  	s16 =	sshll.u32 s0, $0xA;
	s2 =	sadd.s32 s3, s2  }
0x8d: {  	s2 =	sadd.s32 s2, s16  }
0x8e: {  	[smem:$0x3FC2] =	sst s2  }
0x8f: {  	_ = 	snop  }
0x90: {  	(tm) =	ssettm $0x1  }
0x91: {  	s17 =	sld [smem:$0x3FFB];
	_ =	sdelay $0x3  }
0x92: {  	_ =	strace s17  }
0x93: {  	s2 =	sld [smem:$0x3FFC];
	_ =	sdelay $0x3  }
0x94: {  	_ =	strace s2  }
0x95: {  	s2 =	sld [smem:$0x3FFD];
	_ =	sdelay $0x3  }
0x96: {  	_ =	strace s2  }
0x97: {  	_ =	strace $0x8FFFFFFF  }
0x98: {  	s18 =	sld [smem:$0x3FDB];
	_ =	sdelay $0x1  }
0x99: {  	s19 =	simm.s32 $_scs_section_size  }
0x9a: {  	s4 =	simm.s32 $_size__tile_overlayer_lowered;
	s5 =	simm.s32 $_tile_overlayer_lowered  }
0x9b: {  	s22 =	simm.s32 $0x1BFF;
	s21 =	sshll.u32 s5, $0x1;
	s2 =	sadd.s32 s19, s18  }
0x9c: {  	s6 =	simm.s32 $0x0;
	s20 =	sshll.u32 s4, $0x1;
	s4 =	sadd.s32 s21, s2  }
0x9d: {  	[timem:s6], [sflag:s22] =	dma.local [hbm:s4], s20  }
0x9e: {  	_ =	swait.ge [sflag:s22], s20  }
0x9f: {  	s3 =	ssub.s32 $0x0, s20;
	[sflag:s22] =	ssyncset.done $0x0  }
0xa0: {  	[sflag:s22] =	ssyncadd.s32 s3;
	_ =	sdelay $0x1  }
0xa1: {  	s23 =	simm.s32 $0x1B8B  }
0xa2: {  	_ =	swait.ge [sflag:s23], $0x1  }
0xa3: {  	[sflag:s23] =	ssyncset.done $0x0  }
0xa4: {  	s25 =	simm.s32 $0x1B8E;
	s24 =	sld [smem:$0x3FFE];
	[sflag:s23] =	ssyncadd.s32 $0xFFFFFFFF  }
0xa5: {  	s26 =	simm.s32 $execute0_lowered;
	[smem:$0x3FD2] =	sst s25  }
0xa6: {  	s4 =	sshll.u32 s26, $0x1;
	_ =	strace $0x8000004C;
	[dreg:$0x1] =	wrdreg $0xFFFFFFFF  }
0xa7: {  	s28 =	simm.s32 $_size_execute0_lowered;
	s2 =	sadd.s32 s2, s4;
	[dreg:$0x0] =	wrdreg $0x0  }
0xa8: {  	s4 =	sshll.u32 s28, $0x1;
	[dreg:$0x2] =	wrdreg s2  }
0xa9: {  	[dreg:$0x3] =	wrdreg s4  }
0xaa: {  	[dreg:$0x4] =	wrdreg $0xC0  }
0xab: {  	_ =	task [dreg:s6], $0x5FFFF  }
0xac: {  	[dreg:$0x1] =	wrdreg $0xFFFFFFFF  }
0xad: {  	[dreg:$0x0] =	wrdreg $0x60  }
0xae: {  	[dreg:$0x2] =	wrdreg s24  }
0xaf: {  	[dreg:$0x3] =	wrdreg $0x9  }
0xb0: {  	_ =	task.clear_ibuf [dreg:s6], $0x4FFFF;
	_ =	strace $0x9000004C  }
0xb1: {  	s29 =	simm.s32 $0x9;
	_ =	strace $0x8000004E  }
0xb2: {  	_ =	swait.ge [sflag:s29], $0x1  }
0xb3: {  	[sflag:s29] =	ssyncadd.s32 $0xFFFFFFFF  }
0xb4: {  	_ =	strace $0x9000004E  }
0xb5: {  	_ =	sfence  }
0xb6: {  	s30 =	sld [smem:$0x0];
	_ =	sdelay $0x2  }
0xb7: {  	s31 =	sshll.u32 s1, $0xD;
	s1 =	sshrl.u32 s1, $0x2  }
0xb8: {  	s3 =	sand.u32 $0x4000, s31;
	s1 =	sadd.s32 s1, s30  }
0xb9: {  	s0 =	sor.u32 s3, s0;
	s1 =	sshll.u32 s1, $0x11  }
0xba: {  	s0 =	sor.u32 s1, s0  }
0xbb: {  	s0 =	sadd.s32 $0x8F2B, s0  }
0xbc: {  	[sflag:s0] =	ssyncadd.remote.s32 $0x1  }
0xbd: {  	_ =	sfence.sel $0xFFFF  }
0xbe: {  	[dreg:$0x0] =	wrdreg $0xFFFFFFFF;
	(pc) =	sbr.abs _section_cstart, $3  }
0xbf: {  	[dreg:$0x1] =	wrdreg $0xFFFFFFFF  }
0xc0: {  	_ =	task.clear_ibuf [dreg:s6], $0x2FFFF;
	_ =	strace $0x9FFFFFFF  }
0xc1: {  	(tm) =	ssettm $0x7FFFFFFF  }
tec
execute0_lowered:
.L_overlay_start_1:
0x0: {  	(tag) =	ssettag $0x1  }
0x1: {  	s0 =	srdreg.scid;
	s6 =	rddreg [dreg:$0x0];
	s2 =	simm.s32 $0x0  }
0x2: {  	s10 =	simm.s32 $0x2800;
	s11 =	simm.s32 $0x80;
	s12 =	simm.s32 $0x5000  }
0x3: {  	s13 =	simm.s32 $0x5080;
	s14 =	simm.s32 $0x5100;
	s15 =	simm.s32 $0x5180  }
0x4: {  	s16 =	simm.s32 $0x1;
	s17 =	simm.s32 $0x5200;
	s3 =	sand.u32 $0x1, s0  }
0x5: {  	s18 =	simm.s32 $0x0;
	s0 =	stileid.u32;
	s1 =	sshll.u32 s3, $0x4  }
0x6: {  	[smem:$0x7FF] =	sst s2;
	s7 =	ssub.s32 $0x2, s3;
	s4 =	sor.u32 s0, s1  }
0x7: {  	s3 =	sadd.s32 $0x2600, s6;
	s8 =	sshrl.u32 s7, $0x1;
	s5 =	smul.u32 $0x500, s4  }
0x8: {  	s1 =	rddreg [dreg:$0x1];
	s4 =	smul.u32 $0xA00, s4;
	s8 =	ssub.s32 s7, s8  }
0x9: {  	_ =	strace $0x8000004D;
	s8 =	smax.u32 s8, $0x1;
	s5 =	sadd.s32 s5, s6  }
0xa: {  	s9 =	sadd.s32 s4, s6;
	s6 =	sadd.s32 $0x2B00, s6;
	s4 =	sadd.s32 $0x20600, s5  }
0xb: {  	v0 =	vimm.f32 $0.0e+00;
	s5 =	sadd.s32 $0x2A600, s5;
	s7 =	sadd.s32 $0x3000, s9;
	s9 =	simm.s32 $0x2  }
.LBB2_1:
0xc: {  	[tilespmem:s2], [sflag:$0x2] =	stream.linear.gather [hbm4b:s4+s2], $0x2800, $0x38;
	[tilespmem:$0xA200] =	vst v63  }
0xd: {  	_ =	swait.ge [sflag:s9], $0x2800  }
0xe: {  	[sflag:s9] =	ssyncset.done $0x0  }
0xf: {  	[sflag:s9] =	ssyncadd.s32 $0xFFFFD800  }
0x10: {  	[tilespmem:s10], [sflag:$0x2] =	stream.linear.gather [hbm4b:s5+s2], $0x2800, $0x38;
	[tilespmem:$0xA200] =	vst v63  }
0x11: {  	_ =	swait.ge [sflag:s9], $0x2800  }
0x12: {  	s19 =	sand.u32 $0x70, s2;
	s20 =	sand.u32 $0x7F00, s2;
	[sflag:s9] =	ssyncset.done $0x0  }
0x13: {  	s20 =	sor.u32 s19, s20;
	[sflag:s9] =	ssyncadd.s32 $0xFFFFD800  }
0x14: {  	[tilespmem:s20+$0x5280] =	vst v0  }
0x15: {  	s19 =	simm.s32 $0x10;
	[tilespmem:s20+$0x5200] =	vst v0;
	s20 =	simm.s32 $0x0  }
.LBB2_2:
0x16: {  	p0 =	seq.s32 s19, $0x27F0  }
.Ltmp0:
0x17: {  	s21 =	sand.u32 $0x70, s19;
	s20 =	sadd.s32 $0x20, s20;
	(pc) =	sbr.rel @!p0 .LBB2_2-.Ltmp0, $4  }
0x18: {  	s19 =	sadd.s32 $0x10, s19;
	s22 =	sand.u32 $0x7F00, s20  }
0x19: {  	s21 =	sor.u32 s21, s22  }
0x1a: {  	[tilespmem:s21+$0x5280] =	vst v0  }
0x1b: {  	[tilespmem:s21+$0x5200] =	vst v0  }
0x1c: {  	s19 =	simm.s32 $0x0  }
.LBB2_4:
0x1d: {  	s20 =	sshra.s32 s19, $0x2  }
0x1e: {  	[tilespmem:s12], [sflag:$0x1] =	stream.indirect.gather [hbm4b:s3+s11], $0x1, s20, s11, $0xb8;
	[tilespmem:$0xA200] =	vst v63  }
0x1f: {  	_ = 	snop  }
0x20: {  	[tilespmem:s13], [sflag:$0x1] =	stream.indirect.gather [hbm4b:s6+s11], $0x1, s20, s11, $0xb8;
	[tilespmem:$0xA200] =	vst v63  }
0x21: {  	s21 =	sadd.s32 $0x80, s20  }
0x22: {  	[tilespmem:s14], [sflag:$0x1] =	stream.indirect.gather [hbm4b:s3+s11], $0x1, s21, s11, $0xb8;
	[tilespmem:$0xA200] =	vst v63  }
0x23: {  	_ = 	snop  }
0x24: {  	[tilespmem:s15], [sflag:$0x1] =	stream.indirect.gather [hbm4b:s6+s11], $0x1, s21, s11, $0xb8;
	[tilespmem:$0xA200] =	vst v63  }
0x25: {  	_ =	swait.ge [sflag:s16], $0x80  }
0x26: {  	[sflag:s16] =	ssyncset.done $0x0  }
0x27: {  	[sflag:s16] =	ssyncadd.s32 $0xFFFFFF80  }
0x28: {  	v1 =	vld [tilespmem:s20+$0x2800];
	_ =	sdelay $0x4  }
0x29: {  	v2 =	vshll.u32 v1, $0x1  }
0x2a: {  	v1 =	vand.u32 $0x7F, v1;
	v2 =	vand.u32 $0xFFFFFF00, v2  }
0x2b: {  	v3 =	vld [tilespmem:$0x5000];
	v1 =	vor.u32 v1, v2;
	_ =	sdelay $0x4  }
0x2c: {  	[tilespmem:v1+s17+$0x0] =	vst.idx.add.f32.msk $0xffff, v3  }
0x2d: {  	v1 =	vld [tilespmem:s20+$0x2810];
	_ =	sdelay $0x4  }
0x2e: {  	v2 =	vshll.u32 v1, $0x1  }
0x2f: {  	v1 =	vand.u32 $0x7F, v1;
	v2 =	vand.u32 $0xFFFFFF00, v2  }
0x30: {  	v3 =	vld [tilespmem:$0x5010];
	v1 =	vor.u32 v1, v2;
	_ =	sdelay $0x4  }
0x31: {  	[tilespmem:v1+s17+$0x0] =	vst.idx.add.f32.msk $0xffff, v3  }
0x32: {  	v1 =	vld [tilespmem:s20+$0x2820];
	_ =	sdelay $0x4  }
0x33: {  	v2 =	vshll.u32 v1, $0x1  }
0x34: {  	v1 =	vand.u32 $0x7F, v1;
	v2 =	vand.u32 $0xFFFFFF00, v2  }
0x35: {  	v3 =	vld [tilespmem:$0x5020];
	v1 =	vor.u32 v1, v2;
	_ =	sdelay $0x4  }
0x36: {  	[tilespmem:v1+s17+$0x0] =	vst.idx.add.f32.msk $0xffff, v3  }
0x37: {  	v1 =	vld [tilespmem:s20+$0x2830];
	_ =	sdelay $0x4  }
0x38: {  	v2 =	vshll.u32 v1, $0x1  }
0x39: {  	v1 =	vand.u32 $0x7F, v1;
	v2 =	vand.u32 $0xFFFFFF00, v2  }
0x3a: {  	v3 =	vld [tilespmem:$0x5030];
	v1 =	vor.u32 v1, v2;
	_ =	sdelay $0x4  }
0x3b: {  	[tilespmem:v1+s17+$0x0] =	vst.idx.add.f32.msk $0xffff, v3  }
0x3c: {  	v1 =	vld [tilespmem:s20+$0x2840];
	_ =	sdelay $0x4  }
0x3d: {  	v2 =	vshll.u32 v1, $0x1  }
0x3e: {  	v1 =	vand.u32 $0x7F, v1;
	v2 =	vand.u32 $0xFFFFFF00, v2  }
0x3f: {  	v3 =	vld [tilespmem:$0x5040];
	v1 =	vor.u32 v1, v2;
	_ =	sdelay $0x4  }
0x40: {  	[tilespmem:v1+s17+$0x0] =	vst.idx.add.f32.msk $0xffff, v3  }
0x41: {  	v1 =	vld [tilespmem:s20+$0x2850];
	_ =	sdelay $0x4  }
0x42: {  	v2 =	vshll.u32 v1, $0x1  }
0x43: {  	v1 =	vand.u32 $0x7F, v1;
	v2 =	vand.u32 $0xFFFFFF00, v2  }
0x44: {  	v3 =	vld [tilespmem:$0x5050];
	v1 =	vor.u32 v1, v2;
	_ =	sdelay $0x4  }
0x45: {  	[tilespmem:v1+s17+$0x0] =	vst.idx.add.f32.msk $0xffff, v3  }
0x46: {  	v1 =	vld [tilespmem:s20+$0x2860];
	_ =	sdelay $0x4  }
0x47: {  	v2 =	vshll.u32 v1, $0x1  }
0x48: {  	v1 =	vand.u32 $0x7F, v1;
	v2 =	vand.u32 $0xFFFFFF00, v2  }
0x49: {  	v3 =	vld [tilespmem:$0x5060];
	v1 =	vor.u32 v1, v2;
	_ =	sdelay $0x4  }
0x4a: {  	[tilespmem:v1+s17+$0x0] =	vst.idx.add.f32.msk $0xffff, v3  }
0x4b: {  	v1 =	vld [tilespmem:s20+$0x2870];
	_ =	sdelay $0x4  }
0x4c: {  	v2 =	vshll.u32 v1, $0x1  }
0x4d: {  	v1 =	vand.u32 $0x7F, v1;
	v2 =	vand.u32 $0xFFFFFF00, v2  }
0x4e: {  	v3 =	vld [tilespmem:$0x5070];
	v1 =	vor.u32 v1, v2;
	_ =	sdelay $0x4  }
0x4f: {  	[tilespmem:v1+s17+$0x0] =	vst.idx.add.f32.msk $0xffff, v3  }
0x50: {  	_ =	swait.ge [sflag:s16], $0x80  }
0x51: {  	[sflag:s16] =	ssyncset.done $0x0  }
0x52: {  	[sflag:s16] =	ssyncadd.s32 $0xFFFFFF80  }
0x53: {  	v1 =	vld [tilespmem:s20+$0x2800];
	_ =	sdelay $0x4  }
0x54: {  	v2 =	vshll.u32 v1, $0x1  }
0x55: {  	v1 =	vand.u32 $0x7F, v1;
	v2 =	vand.u32 $0xFFFFFF00, v2  }
0x56: {  	v1 =	vor.u32 v2, v1  }
0x57: {  	v2 =	vld [tilespmem:$0x5080];
	v1 =	vor.u32 $0x80, v1;
	_ =	sdelay $0x4  }
0x58: {  	[tilespmem:v1+s17+$0x0] =	vst.idx.add.f32.msk $0xffff, v2  }
0x59: {  	v1 =	vld [tilespmem:s20+$0x2810];
	_ =	sdelay $0x4  }
0x5a: {  	v2 =	vshll.u32 v1, $0x1  }
0x5b: {  	v1 =	vand.u32 $0x7F, v1;
	v2 =	vand.u32 $0xFFFFFF00, v2  }
0x5c: {  	v1 =	vor.u32 v2, v1  }
0x5d: {  	v2 =	vld [tilespmem:$0x5090];
	v1 =	vor.u32 $0x80, v1;
	_ =	sdelay $0x4  }
0x5e: {  	[tilespmem:v1+s17+$0x0] =	vst.idx.add.f32.msk $0xffff, v2  }
0x5f: {  	v1 =	vld [tilespmem:s20+$0x2820];
	_ =	sdelay $0x4  }
0x60: {  	v2 =	vshll.u32 v1, $0x1  }
0x61: {  	v1 =	vand.u32 $0x7F, v1;
	v2 =	vand.u32 $0xFFFFFF00, v2  }
0x62: {  	v1 =	vor.u32 v2, v1  }
0x63: {  	v2 =	vld [tilespmem:$0x50A0];
	v1 =	vor.u32 $0x80, v1;
	_ =	sdelay $0x4  }
0x64: {  	[tilespmem:v1+s17+$0x0] =	vst.idx.add.f32.msk $0xffff, v2  }
0x65: {  	v1 =	vld [tilespmem:s20+$0x2830];
	_ =	sdelay $0x4  }
0x66: {  	v2 =	vshll.u32 v1, $0x1  }
0x67: {  	v1 =	vand.u32 $0x7F, v1;
	v2 =	vand.u32 $0xFFFFFF00, v2  }
0x68: {  	v1 =	vor.u32 v2, v1  }
0x69: {  	v2 =	vld [tilespmem:$0x50B0];
	v1 =	vor.u32 $0x80, v1;
	_ =	sdelay $0x4  }
0x6a: {  	[tilespmem:v1+s17+$0x0] =	vst.idx.add.f32.msk $0xffff, v2  }
0x6b: {  	v1 =	vld [tilespmem:s20+$0x2840];
	_ =	sdelay $0x4  }
0x6c: {  	v2 =	vshll.u32 v1, $0x1  }
0x6d: {  	v1 =	vand.u32 $0x7F, v1;
	v2 =	vand.u32 $0xFFFFFF00, v2  }
0x6e: {  	v1 =	vor.u32 v2, v1  }
0x6f: {  	v2 =	vld [tilespmem:$0x50C0];
	v1 =	vor.u32 $0x80, v1;
	_ =	sdelay $0x4  }
0x70: {  	[tilespmem:v1+s17+$0x0] =	vst.idx.add.f32.msk $0xffff, v2  }
0x71: {  	v1 =	vld [tilespmem:s20+$0x2850];
	_ =	sdelay $0x4  }
0x72: {  	v2 =	vshll.u32 v1, $0x1  }
0x73: {  	v1 =	vand.u32 $0x7F, v1;
	v2 =	vand.u32 $0xFFFFFF00, v2  }
0x74: {  	v1 =	vor.u32 v2, v1  }
0x75: {  	v2 =	vld [tilespmem:$0x50D0];
	v1 =	vor.u32 $0x80, v1;
	_ =	sdelay $0x4  }
0x76: {  	[tilespmem:v1+s17+$0x0] =	vst.idx.add.f32.msk $0xffff, v2  }
0x77: {  	v1 =	vld [tilespmem:s20+$0x2860];
	_ =	sdelay $0x4  }
0x78: {  	v2 =	vshll.u32 v1, $0x1  }
0x79: {  	v1 =	vand.u32 $0x7F, v1;
	v2 =	vand.u32 $0xFFFFFF00, v2  }
0x7a: {  	v1 =	vor.u32 v2, v1  }
0x7b: {  	v2 =	vld [tilespmem:$0x50E0];
	v1 =	vor.u32 $0x80, v1;
	_ =	sdelay $0x4  }
0x7c: {  	[tilespmem:v1+s17+$0x0] =	vst.idx.add.f32.msk $0xffff, v2  }
0x7d: {  	v1 =	vld [tilespmem:s20+$0x2870];
	_ =	sdelay $0x4  }
0x7e: {  	v2 =	vshll.u32 v1, $0x1  }
0x7f: {  	v1 =	vand.u32 $0x7F, v1;
	v2 =	vand.u32 $0xFFFFFF00, v2  }
0x80: {  	v1 =	vor.u32 v2, v1  }
0x81: {  	v2 =	vld [tilespmem:$0x50F0];
	v1 =	vor.u32 $0x80, v1;
	_ =	sdelay $0x4  }
0x82: {  	[tilespmem:v1+s17+$0x0] =	vst.idx.add.f32.msk $0xffff, v2  }
0x83: {  	_ =	swait.ge [sflag:s16], $0x80  }
0x84: {  	[sflag:s16] =	ssyncset.done $0x0  }
0x85: {  	[sflag:s16] =	ssyncadd.s32 $0xFFFFFF80  }
0x86: {  	v1 =	vld [tilespmem:s20+$0x2880];
	_ =	sdelay $0x4  }
0x87: {  	v2 =	vshll.u32 v1, $0x1  }
0x88: {  	v1 =	vand.u32 $0x7F, v1;
	v2 =	vand.u32 $0xFFFFFF00, v2  }
0x89: {  	v3 =	vld [tilespmem:$0x5100];
	v1 =	vor.u32 v1, v2;
	_ =	sdelay $0x4  }
0x8a: {  	[tilespmem:v1+s17+$0x0] =	vst.idx.add.f32.msk $0xffff, v3  }
0x8b: {  	v1 =	vld [tilespmem:s20+$0x2890];
	_ =	sdelay $0x4  }
0x8c: {  	v2 =	vshll.u32 v1, $0x1  }
0x8d: {  	v1 =	vand.u32 $0x7F, v1;
	v2 =	vand.u32 $0xFFFFFF00, v2  }
0x8e: {  	v3 =	vld [tilespmem:$0x5110];
	v1 =	vor.u32 v1, v2;
	_ =	sdelay $0x4  }
0x8f: {  	[tilespmem:v1+s17+$0x0] =	vst.idx.add.f32.msk $0xffff, v3  }
0x90: {  	v1 =	vld [tilespmem:s20+$0x28A0];
	_ =	sdelay $0x4  }
0x91: {  	v2 =	vshll.u32 v1, $0x1  }
0x92: {  	v1 =	vand.u32 $0x7F, v1;
	v2 =	vand.u32 $0xFFFFFF00, v2  }
0x93: {  	v3 =	vld [tilespmem:$0x5120];
	v1 =	vor.u32 v1, v2;
	_ =	sdelay $0x4  }
0x94: {  	[tilespmem:v1+s17+$0x0] =	vst.idx.add.f32.msk $0xffff, v3  }
0x95: {  	v1 =	vld [tilespmem:s20+$0x28B0];
	_ =	sdelay $0x4  }
0x96: {  	v2 =	vshll.u32 v1, $0x1  }
0x97: {  	v1 =	vand.u32 $0x7F, v1;
	v2 =	vand.u32 $0xFFFFFF00, v2  }
0x98: {  	v3 =	vld [tilespmem:$0x5130];
	v1 =	vor.u32 v1, v2;
	_ =	sdelay $0x4  }
0x99: {  	[tilespmem:v1+s17+$0x0] =	vst.idx.add.f32.msk $0xffff, v3  }
0x9a: {  	v1 =	vld [tilespmem:s20+$0x28C0];
	_ =	sdelay $0x4  }
0x9b: {  	v2 =	vshll.u32 v1, $0x1  }
0x9c: {  	v1 =	vand.u32 $0x7F, v1;
	v2 =	vand.u32 $0xFFFFFF00, v2  }
0x9d: {  	v3 =	vld [tilespmem:$0x5140];
	v1 =	vor.u32 v1, v2;
	_ =	sdelay $0x4  }
0x9e: {  	[tilespmem:v1+s17+$0x0] =	vst.idx.add.f32.msk $0xffff, v3  }
0x9f: {  	v1 =	vld [tilespmem:s20+$0x28D0];
	_ =	sdelay $0x4  }
0xa0: {  	v2 =	vshll.u32 v1, $0x1  }
0xa1: {  	v1 =	vand.u32 $0x7F, v1;
	v2 =	vand.u32 $0xFFFFFF00, v2  }
0xa2: {  	v3 =	vld [tilespmem:$0x5150];
	v1 =	vor.u32 v1, v2;
	_ =	sdelay $0x4  }
0xa3: {  	[tilespmem:v1+s17+$0x0] =	vst.idx.add.f32.msk $0xffff, v3  }
0xa4: {  	v1 =	vld [tilespmem:s20+$0x28E0];
	_ =	sdelay $0x4  }
0xa5: {  	v2 =	vshll.u32 v1, $0x1  }
0xa6: {  	v1 =	vand.u32 $0x7F, v1;
	v2 =	vand.u32 $0xFFFFFF00, v2  }
0xa7: {  	v3 =	vld [tilespmem:$0x5160];
	v1 =	vor.u32 v1, v2;
	_ =	sdelay $0x4  }
0xa8: {  	[tilespmem:v1+s17+$0x0] =	vst.idx.add.f32.msk $0xffff, v3  }
0xa9: {  	v1 =	vld [tilespmem:s20+$0x28F0];
	_ =	sdelay $0x4  }
0xaa: {  	v2 =	vshll.u32 v1, $0x1  }
0xab: {  	v1 =	vand.u32 $0x7F, v1;
	v2 =	vand.u32 $0xFFFFFF00, v2  }
0xac: {  	v3 =	vld [tilespmem:$0x5170];
	v1 =	vor.u32 v1, v2;
	_ =	sdelay $0x4  }
0xad: {  	[tilespmem:v1+s17+$0x0] =	vst.idx.add.f32.msk $0xffff, v3  }
0xae: {  	_ =	swait.ge [sflag:s16], $0x80  }
0xaf: {  	[sflag:s16] =	ssyncset.done $0x0  }
0xb0: {  	[sflag:s16] =	ssyncadd.s32 $0xFFFFFF80  }
0xb1: {  	v1 =	vld [tilespmem:s20+$0x2880];
	_ =	sdelay $0x4  }
0xb2: {  	v2 =	vshll.u32 v1, $0x1  }
0xb3: {  	v1 =	vand.u32 $0x7F, v1;
	v2 =	vand.u32 $0xFFFFFF00, v2  }
0xb4: {  	v1 =	vor.u32 v2, v1  }
0xb5: {  	v2 =	vld [tilespmem:$0x5180];
	v1 =	vor.u32 $0x80, v1;
	_ =	sdelay $0x4  }
0xb6: {  	[tilespmem:v1+s17+$0x0] =	vst.idx.add.f32.msk $0xffff, v2  }
0xb7: {  	v1 =	vld [tilespmem:s20+$0x2890];
	_ =	sdelay $0x4  }
0xb8: {  	v2 =	vshll.u32 v1, $0x1  }
0xb9: {  	v1 =	vand.u32 $0x7F, v1;
	v2 =	vand.u32 $0xFFFFFF00, v2  }
0xba: {  	v1 =	vor.u32 v2, v1  }
0xbb: {  	v2 =	vld [tilespmem:$0x5190];
	v1 =	vor.u32 $0x80, v1;
	_ =	sdelay $0x4  }
0xbc: {  	[tilespmem:v1+s17+$0x0] =	vst.idx.add.f32.msk $0xffff, v2  }
0xbd: {  	v1 =	vld [tilespmem:s20+$0x28A0];
	_ =	sdelay $0x4  }
0xbe: {  	v2 =	vshll.u32 v1, $0x1  }
0xbf: {  	v1 =	vand.u32 $0x7F, v1;
	v2 =	vand.u32 $0xFFFFFF00, v2  }
0xc0: {  	v1 =	vor.u32 v2, v1  }
0xc1: {  	v2 =	vld [tilespmem:$0x51A0];
	v1 =	vor.u32 $0x80, v1;
	_ =	sdelay $0x4  }
0xc2: {  	[tilespmem:v1+s17+$0x0] =	vst.idx.add.f32.msk $0xffff, v2  }
0xc3: {  	v1 =	vld [tilespmem:s20+$0x28B0];
	_ =	sdelay $0x4  }
0xc4: {  	v2 =	vshll.u32 v1, $0x1  }
0xc5: {  	v1 =	vand.u32 $0x7F, v1;
	v2 =	vand.u32 $0xFFFFFF00, v2  }
0xc6: {  	v1 =	vor.u32 v2, v1  }
0xc7: {  	v2 =	vld [tilespmem:$0x51B0];
	v1 =	vor.u32 $0x80, v1;
	_ =	sdelay $0x4  }
0xc8: {  	[tilespmem:v1+s17+$0x0] =	vst.idx.add.f32.msk $0xffff, v2  }
0xc9: {  	v1 =	vld [tilespmem:s20+$0x28C0];
	_ =	sdelay $0x4  }
0xca: {  	v2 =	vshll.u32 v1, $0x1  }
0xcb: {  	v1 =	vand.u32 $0x7F, v1;
	v2 =	vand.u32 $0xFFFFFF00, v2  }
0xcc: {  	v1 =	vor.u32 v2, v1  }
0xcd: {  	v2 =	vld [tilespmem:$0x51C0];
	v1 =	vor.u32 $0x80, v1;
	_ =	sdelay $0x4  }
0xce: {  	[tilespmem:v1+s17+$0x0] =	vst.idx.add.f32.msk $0xffff, v2  }
0xcf: {  	v1 =	vld [tilespmem:s20+$0x28D0];
	_ =	sdelay $0x4  }
0xd0: {  	v2 =	vshll.u32 v1, $0x1  }
0xd1: {  	v1 =	vand.u32 $0x7F, v1;
	v2 =	vand.u32 $0xFFFFFF00, v2  }
0xd2: {  	v1 =	vor.u32 v2, v1  }
0xd3: {  	v2 =	vld [tilespmem:$0x51D0];
	v1 =	vor.u32 $0x80, v1;
	_ =	sdelay $0x4  }
0xd4: {  	[tilespmem:v1+s17+$0x0] =	vst.idx.add.f32.msk $0xffff, v2  }
0xd5: {  	v1 =	vld [tilespmem:s20+$0x28E0];
	_ =	sdelay $0x4  }
0xd6: {  	v2 =	vshll.u32 v1, $0x1  }
0xd7: {  	v1 =	vand.u32 $0x7F, v1;
	v2 =	vand.u32 $0xFFFFFF00, v2  }
0xd8: {  	v1 =	vor.u32 v2, v1  }
0xd9: {  	v2 =	vld [tilespmem:$0x51E0];
	v1 =	vor.u32 $0x80, v1;
	_ =	sdelay $0x4  }
0xda: {  	[tilespmem:v1+s17+$0x0] =	vst.idx.add.f32.msk $0xffff, v2  }
0xdb: {  	v1 =	vld [tilespmem:s20+$0x28F0];
	_ =	sdelay $0x4  }
0xdc: {  	v2 =	vshll.u32 v1, $0x1  }
0xdd: {  	v1 =	vand.u32 $0x7F, v1;
	v2 =	vand.u32 $0xFFFFFF00, v2  }
0xde: {  	v1 =	vor.u32 v2, v1  }
0xdf: {  	p0 =	sne.s32 s19, $0x9C00;
	v2 =	vld [tilespmem:$0x51F0];
	v1 =	vor.u32 $0x80, v1  }
.Ltmp1:
0xe0: {  	_ = 	snop;
	(pc) =	sbr.rel @p0 .LBB2_4-.Ltmp1, $2  }
0xe1: {  	_ =	sdelay $0x2  }
0xe2: {  	s19 =	sadd.s32 $0x400, s19;
	[tilespmem:v1+s17+$0x0] =	vst.idx.add.f32.msk $0xffff, v2  }
0xe3: {  	s18 =	sadd.s32 $0x1, s18  }
0xe4: {  	p0 =	sne.s32 s18, s8  }
.Ltmp2:
0xe5: {  	_ = 	snop;
	(pc) =	sbr.rel @p0 .LBB2_1-.Ltmp2, $4  }
0xe6: {  	[hbm4b:s7+s2] =	stream.linear.scatter [tilespmem:s17], [sflag:$0x2], $0x5000, $0x38;
	[tilespmem:$0xA200] =	vst v63  }
0xe7: {  	_ =	swait.ge [sflag:s9], $0x5000  }
0xe8: {  	[sflag:s9] =	ssyncset.done $0x0  }
0xe9: {  	[sflag:s9] =	ssyncadd.s32 $0xFFFFB000  }
0xea: {  	_ =	sfence.sel $0x180000  }
0xeb: {  	[bflag:$0x0] =	sbarrier.arrive $0xFFFF  }
0xec: {  	p0 =	sne.s32 s0, $0x0;
	_ =	strace $0x9000004D  }
0xed: {  	s0 =	sadd.s32 @!p0 $0x100000, s1;
	[bflag:$0x2] =	sbarrier.arrive $0xFFFF  }
0xee: {  	[sflag:s0] =	ssyncadd.tile.s32 @!p0 $0x1;
	_ =	shalt  }
.Lfunc_end2:
_tile_overlayer_lowered:
.L_overlay_start_2:
0xef: {  	(tag) =	ssettag $0x2  }
0xf0: {  	s0 =	rddreg [dreg:$0x0];
	s2 =	stileid.u32  }
0xf1: {  	s1 =	rddreg [dreg:$0x1];
	p0 =	sne.s32 s2, $0x0  }
0xf2: {  	s3 =	rddreg [dreg:$0x2];
	[bflag:$0x3] =	sbarrier.arrive $0xFFFF;
	s2 =	simm.s32 @!p0 $0x1C02  }
0xf3: {  	[timem:s3], [sflag:s2] =	dma.local @!p0 [hbm:s0], s1  }
0xf4: {  	s0 =	simm.s32 @!p0 $0x2  }
0xf5: {  	_ =	swait.ge @!p0 [sflag:s0], s1  }
0xf6: {  	s1 =	ssub.s32 @!p0 $0x0, s1;
	[sflag:s0] =	ssyncset.done @!p0 $0x0  }
0xf7: {  	[sflag:s0] =	ssyncadd.s32 @!p0 s1  }
0xf8: {  	[bflag:$0x3] =	sbarrier.arrive $0xFFFF  }
0xf9: {  	_ =	shalt  }

// kernel: kernel.8.cloned.1.call-start
scs
__scs_entry_jumppad:
0x0: {  	(pc) =	sbr.rel $0x88, $3  }
0x1: {  	(tag) =	ssettag $0x0;
	lr =	simm.s32 $0x1  }
0x2: {  	[smem:$0x3F9B] =	sst lr;
	_ =	strace $0xD0000000  }
0x3: {  	_ = 	snop  }
0x4: {  	_ = 	snop  }
0x5: {  	_ = 	snop  }
0x6: {  	_ = 	snop  }
0x7: {  	_ = 	snop  }
__scs_overlays_trampoline_lowered:
0x8: {  	[smem:$0x3FAA] =	sst s0  }
0x9: {  	[smem:$0x3FAB] =	sst s1  }
0xa: {  	[smem:$0x3FAC] =	sst s2  }
0xb: {  	[smem:$0x3FAD] =	sst s3  }
0xc: {  	[smem:$0x3FAE] =	sst s4  }
0xd: {  	[smem:$0x3FAF] =	sst s5  }
0xe: {  	[smem:$0x3FB0] =	sst s6  }
0xf: {  	[smem:$0x3FB1] =	sst s7  }
0x10: {  	[smem:$0x3FB2] =	sst s8  }
0x11: {  	[smem:$0x3FB3] =	sst s9;
	s0 =	simm.s32 @!p0 $0x0  }
0x12: {  	s1 =	sld [smem:$0x3F99];
	s0 =	simm.s32 @p0 $0x1  }
0x13: {  	[smem:$0x3FB4] =	sst s0;
	s0 =	simm.s32 @!p1 $0x0  }
0x14: {  	s2 =	sld [smem:$0x3F98];
	s0 =	simm.s32 @p1 $0x1  }
0x15: {  	[smem:$0x3FB5] =	sst s0;
	s0 =	simm.s32 @!p2 $0x0  }
0x16: {  	s3 =	sld [smem:$0x3FDB];
	s0 =	simm.s32 @p2 $0x1  }
0x17: {  	s4 =	simm.s32 $0x1BF5;
	[smem:$0x3FB7] =	sst s0  }
0x18: {  	s0 =	sld [smem:$0x3F9A];
	_ =	swait.ge [sflag:s4], $0x0  }
0x19: {  	s7 =	sld [smem:$0x3F9B]  }
0x1a: {  	s8 =	sadd.s32 $0xFFFFE003, lr  }
0x1b: {  	s9 =	sadd.s32 $0xFFFFFEF7, lr;
	s5 =	simm.s32 $0xFFFFFFFF;
	p2 =	slt.u32 s8, $0xFFFFF086  }
0x1c: {  	p1 =	slt.u32 s9, $0xF7A;
	s5 =	simm.s32 @!p2 $0x0  }
0x1d: {  	s5 =	simm.s32 @p1 $0x1;
	p0 =	seq.s32 s7, s2  }
0x1e: {  	s7 =	smul.u32 @!p0 $0xF7A, s2;
	p2 =	seq.s32 @!p0 s5, $0x0  }
0x1f: {  	s9 =	smul.u32 $0xF7A, s1;
	s8 =	simm.s32 @!p0 $0x1BF5;
	p2 =	por !p2, p0  }
0x20: {  	[sflag:s8] =	ssyncset.s32 @!p0 $0xFFFFF086;
	s6 =	sadd.s32 @!p0 s3, s7;
	s7 =	simm.s32 @!p0 $0x108  }
0x21: {  	s3 =	sadd.s32 s3, s9;
	s6 =	sadd.s32 @!p0 $0x88, s6;
	s7 =	simm.s32 @p2 $0x1082  }
0x22: {  	[simem:s7], [sflag:s8] =	dma.local @!p0 [hbm:s6], $0xF7A  }
0x23: {  	s9 =	sor.u32 $0xD0000000, s2;
	s6 =	simm.s32 $0x108;
	_ =	swait.ge @!p0 [sflag:s8], $0x0  }
0x24: {  	s3 =	sadd.s32 $0x88, s3;
	s6 =	simm.s32 @!p1 $0x1082;
	[sflag:s4] =	ssyncset.s32 $0xFFFFF086  }
0x25: {  	[simem:s6], [sflag:s4] =	dma.local [hbm:s3], $0xF7A  }
0x26: {  	[smem:$0x3F9B] =	sst s1;
	(tag) =	ssettag s2;
	_ =	strace s9  }
0x27: {  	s1 =	sld [smem:$0x3FAB]  }
0x28: {  	s2 =	sld [smem:$0x3FAC]  }
0x29: {  	s4 =	sld [smem:$0x3FAE]  }
0x2a: {  	p0 =	seq.s32 s5, $0x0;
	s5 =	sld [smem:$0x3FAF]  }
0x2b: {  	s6 =	sld [smem:$0x3FB0]  }
0x2c: {  	s7 =	sld [smem:$0x3FB1]  }
0x2d: {  	s3 =	simm.s32 $0x108;
	s8 =	sld [smem:$0x3FB2]  }
0x2e: {  	s3 =	simm.s32 @!p0 $0x1082;
	s9 =	sld [smem:$0x3FB3]  }
0x2f: {  	lr =	sadd.s32 s0, s3;
	s0 =	sld [smem:$0x3FAA]  }
0x30: {  	s3 =	sld [smem:$0x3FAD]  }
0x31: {  	[smem:$0x3FB6] =	sst s10  }
0x32: {  	s10 =	sld [smem:$0x3FB4];
	_ =	sdelay $0x3  }
0x33: {  	p0 =	seq.s32 s10, $0x1;
	s10 =	sld [smem:$0x3FB6];
	_ =	sdelay $0x3  }
0x34: {  	[smem:$0x3FB6] =	sst s10  }
0x35: {  	s10 =	sld [smem:$0x3FB5];
	_ =	sdelay $0x3  }
0x36: {  	p1 =	seq.s32 s10, $0x1;
	s10 =	sld [smem:$0x3FB6];
	_ =	sdelay $0x3  }
0x37: {  	[smem:$0x3FB6] =	sst s10  }
0x38: {  	s10 =	sld [smem:$0x3FB7]  }
0x39: {  	_ = 	snop;
	(pc) =	sbr.ind lr, $3  }
0x3a: {  	_ = 	snop  }
0x3b: {  	_ = 	snop  }
0x3c: {  	p2 =	seq.s32 s10, $0x1;
	s10 =	sld [smem:$0x3FB6]  }
0x3d: {  	_ =	shalt  }
0x3e: {  	_ =	shalt  }
0x3f: {  	_ =	shalt  }
0x40: {  	_ =	shalt  }
0x41: {  	_ =	shalt  }
0x42: {  	_ =	shalt  }
0x43: {  	_ =	shalt  }
0x44: {  	_ =	shalt  }
0x45: {  	_ =	shalt  }
0x46: {  	_ =	shalt  }
0x47: {  	_ =	shalt  }
0x48: {  	_ =	shalt  }
0x49: {  	_ =	shalt  }
0x4a: {  	_ =	shalt  }
0x4b: {  	_ =	shalt  }
0x4c: {  	_ =	shalt  }
0x4d: {  	_ =	shalt  }
0x4e: {  	_ =	shalt  }
0x4f: {  	_ =	shalt  }
0x50: {  	_ =	shalt  }
0x51: {  	_ =	shalt  }
0x52: {  	_ =	shalt  }
0x53: {  	_ =	shalt  }
0x54: {  	_ =	shalt  }
0x55: {  	_ =	shalt  }
0x56: {  	_ =	shalt  }
0x57: {  	_ =	shalt  }
0x58: {  	_ =	shalt  }
0x59: {  	_ =	shalt  }
0x5a: {  	_ =	shalt  }
0x5b: {  	_ =	shalt  }
0x5c: {  	_ =	shalt  }
0x5d: {  	_ =	shalt  }
0x5e: {  	_ =	shalt  }
0x5f: {  	_ =	shalt  }
0x60: {  	_ =	shalt  }
0x61: {  	_ =	shalt  }
0x62: {  	_ =	shalt  }
0x63: {  	_ =	shalt  }
0x64: {  	_ =	shalt  }
0x65: {  	_ =	shalt  }
0x66: {  	_ =	shalt  }
0x67: {  	_ =	shalt  }
0x68: {  	_ =	shalt  }
0x69: {  	_ =	shalt  }
0x6a: {  	_ =	shalt  }
0x6b: {  	_ =	shalt  }
0x6c: {  	_ =	shalt  }
0x6d: {  	_ =	shalt  }
0x6e: {  	_ =	shalt  }
0x6f: {  	_ =	shalt  }
0x70: {  	_ =	shalt  }
0x71: {  	_ =	shalt  }
0x72: {  	_ =	shalt  }
0x73: {  	_ =	shalt  }
0x74: {  	_ =	shalt  }
0x75: {  	_ =	shalt  }
0x76: {  	_ =	shalt  }
0x77: {  	_ =	shalt  }
0x78: {  	_ =	shalt  }
0x79: {  	_ =	shalt  }
0x7a: {  	_ =	shalt  }
0x7b: {  	_ =	shalt  }
0x7c: {  	_ =	shalt  }
0x7d: {  	_ =	shalt  }
0x7e: {  	_ =	shalt  }
0x7f: {  	_ =	shalt  }
0x80: {  	_ =	shalt  }
0x81: {  	_ =	shalt  }
0x82: {  	_ =	shalt  }
0x83: {  	_ =	shalt  }
0x84: {  	_ =	shalt  }
0x85: {  	_ =	shalt  }
0x86: {  	_ =	shalt  }
0x87: {  	_ =	shalt  }
.Lfunc_end0:
.L_simem_size_0:
called_computation_lowered:
.L_overlay_start_0:
0x88: {  	s2 =	sld [smem:$0x3FD9]  }
0x89: {  	s3 =	sld [smem:$0x3FFE];
	_ =	sdelay $0x1  }
0x8a: {  	s1 =	srdreg.scid  }
0x8b: {  	s0 =	sand.u32 $0x1, s1  }
0x8c: {  	s16 =	sshll.u32 s0, $0xA;
	s2 =	sadd.s32 s3, s2  }
0x8d: {  	s2 =	sadd.s32 s2, s16  }
0x8e: {  	[smem:$0x3FC2] =	sst s2  }
0x8f: {  	_ = 	snop  }
0x90: {  	(tm) =	ssettm $0x1  }
0x91: {  	s17 =	sld [smem:$0x3FFB];
	_ =	sdelay $0x3  }
0x92: {  	_ =	strace s17  }
0x93: {  	s2 =	sld [smem:$0x3FFC];
	_ =	sdelay $0x3  }
0x94: {  	_ =	strace s2  }
0x95: {  	s2 =	sld [smem:$0x3FFD];
	_ =	sdelay $0x3  }
0x96: {  	_ =	strace s2  }
0x97: {  	_ =	strace $0x8FFFFFFF  }
0x98: {  	s18 =	sld [smem:$0x3FDB];
	_ =	sdelay $0x1  }
0x99: {  	s19 =	simm.s32 $_scs_section_size  }
0x9a: {  	s4 =	simm.s32 $_size__tile_overlayer_lowered;
	s5 =	simm.s32 $_tile_overlayer_lowered  }
0x9b: {  	s22 =	simm.s32 $0x1BFF;
	s21 =	sshll.u32 s5, $0x1;
	s2 =	sadd.s32 s19, s18  }
0x9c: {  	s6 =	simm.s32 $0x0;
	s20 =	sshll.u32 s4, $0x1;
	s4 =	sadd.s32 s21, s2  }
0x9d: {  	[timem:s6], [sflag:s22] =	dma.local [hbm:s4], s20  }
0x9e: {  	_ =	swait.ge [sflag:s22], s20  }
0x9f: {  	s3 =	ssub.s32 $0x0, s20;
	[sflag:s22] =	ssyncset.done $0x0  }
0xa0: {  	[sflag:s22] =	ssyncadd.s32 s3;
	_ =	sdelay $0x1  }
0xa1: {  	s23 =	simm.s32 $0x1B8B  }
0xa2: {  	_ =	swait.ge [sflag:s23], $0x1  }
0xa3: {  	[sflag:s23] =	ssyncset.done $0x0  }
0xa4: {  	s25 =	simm.s32 $0x1B8E;
	s24 =	sld [smem:$0x3FFE];
	[sflag:s23] =	ssyncadd.s32 $0xFFFFFFFF  }
0xa5: {  	s26 =	simm.s32 $execute0_lowered;
	[smem:$0x3FD2] =	sst s25  }
0xa6: {  	s4 =	sshll.u32 s26, $0x1;
	_ =	strace $0x80000046;
	[dreg:$0x1] =	wrdreg $0xFFFFFFFF  }
0xa7: {  	s28 =	simm.s32 $_size_execute0_lowered;
	s2 =	sadd.s32 s2, s4;
	[dreg:$0x0] =	wrdreg $0x0  }
0xa8: {  	s4 =	sshll.u32 s28, $0x1;
	[dreg:$0x2] =	wrdreg s2  }
0xa9: {  	[dreg:$0x3] =	wrdreg s4  }
0xaa: {  	[dreg:$0x4] =	wrdreg $0xC0  }
0xab: {  	_ =	task [dreg:s6], $0x5FFFF  }
0xac: {  	[dreg:$0x1] =	wrdreg $0xFFFFFFFF  }
0xad: {  	[dreg:$0x0] =	wrdreg $0x60  }
0xae: {  	[dreg:$0x2] =	wrdreg s24  }
0xaf: {  	[dreg:$0x3] =	wrdreg $0x9  }
0xb0: {  	_ =	task.clear_ibuf [dreg:s6], $0x4FFFF;
	_ =	strace $0x90000046  }
0xb1: {  	s29 =	simm.s32 $0x9;
	_ =	strace $0x80000048  }
0xb2: {  	_ =	swait.ge [sflag:s29], $0x1  }
0xb3: {  	[sflag:s29] =	ssyncadd.s32 $0xFFFFFFFF  }
0xb4: {  	_ =	strace $0x90000048  }
0xb5: {  	_ =	sfence  }
0xb6: {  	s30 =	sld [smem:$0x0];
	_ =	sdelay $0x2  }
0xb7: {  	s31 =	sshll.u32 s1, $0xD;
	s1 =	sshrl.u32 s1, $0x2  }
0xb8: {  	s3 =	sand.u32 $0x4000, s31;
	s1 =	sadd.s32 s1, s30  }
0xb9: {  	s0 =	sor.u32 s3, s0;
	s1 =	sshll.u32 s1, $0x11  }
0xba: {  	s0 =	sor.u32 s1, s0  }
0xbb: {  	s0 =	sadd.s32 $0x8F2B, s0  }
0xbc: {  	[sflag:s0] =	ssyncadd.remote.s32 $0x1  }
0xbd: {  	_ =	sfence.sel $0xFFFF  }
0xbe: {  	[dreg:$0x0] =	wrdreg $0xFFFFFFFF;
	(pc) =	sbr.abs _section_cstart, $3  }
0xbf: {  	[dreg:$0x1] =	wrdreg $0xFFFFFFFF  }
0xc0: {  	_ =	task.clear_ibuf [dreg:s6], $0x2FFFF;
	_ =	strace $0x9FFFFFFF  }
0xc1: {  	(tm) =	ssettm $0x7FFFFFFF  }
tec
execute0_lowered:
.L_overlay_start_1:
0x0: {  	(tag) =	ssettag $0x1  }
0x1: {  	s0 =	srdreg.scid  }
0x2: {  	s5 =	rddreg [dreg:$0x0];
	s3 =	sand.u32 $0x1, s0  }
0x3: {  	s2 =	simm.s32 $0x0;
	s0 =	stileid.u32;
	s1 =	sshll.u32 s3, $0x4  }
0x4: {  	s8 =	simm.s32 $0x80;
	s9 =	simm.s32 $0x400;
	s4 =	sor.u32 s0, s1  }
0x5: {  	s10 =	simm.s32 $0x0;
	[smem:$0x7FF] =	sst s2;
	s1 =	sshrl.u32 s4, $0x3  }
0x6: {  	s7 =	sshll.u32 s0, $0x7;
	s3 =	ssub.s32 $0x2, s3;
	s6 =	smul.u32 $0x14000, s1  }
0x7: {  	s7 =	sand.u32 $0x380, s7;
	s31 =	sshrl.u32 s3, $0x1;
	s4 =	smul.u32 $0x500, s4  }
0x8: {  	s1 =	rddreg [dreg:$0x1];
	_ =	strace $0x80000047;
	s6 =	sor.u32 s7, s6  }
0x9: {  	s4 =	sadd.s32 s4, s5;
	s7 =	simm.s32 $0x2800;
	s6 =	sshrl.u32 s6, $0x3  }
0xa: {  	s5 =	sadd.s32 s6, s5;
	s6 =	ssub.s32 s3, s31;
	s3 =	sadd.s32 $0x2A600, s4  }
0xb: {  	v0 =	vimm.f32 $0.0e+00;
	v1 =	vimm.f32 $1.000000000e+00;
	s4 =	sadd.s32 $0x34600, s5;
	s5 =	smax.u32 s6, $0x1;
	s6 =	simm.s32 $0x1  }
.LBB2_1:
0xc: {  	[tilespmem:s2], [sflag:$0x1] =	stream.linear.gather [hbm4b:s3+s2], $0x2800, $0x38;
	[tilespmem:$0x5000] =	vst v63  }
0xd: {  	_ =	swait.ge [sflag:s6], $0x2800  }
0xe: {  	[sflag:s6] =	ssyncset.done $0x0  }
0xf: {  	s11 =	simm.s32 $0x0;
	[sflag:s6] =	ssyncadd.s32 $0xFFFFD800  }
.LBB2_2:
0x10: {  	p0 =	sne.s32 s11, $0x9FC0  }
.Ltmp0:
0x11: {  	_ = 	snop;
	(pc) =	sbr.rel @p0 .LBB2_2-.Ltmp0, $3  }
0x12: {  	_ =	sdelay $0x1  }
0x13: {  	s12 =	sshra.s32 s11, $0x2  }
0x14: {  	s11 =	sadd.s32 $0x40, s11;
	[tilespmem:s12+$0x2800] =	vst v0  }
0x15: {  	s11 =	simm.s32 $0x0  }
.LBB2_4:
0x16: {  	s12 =	sshra.s32 s11, $0x2  }
0x17: {  	v2 =	vld [tilespmem:s12+$0x0];
	_ =	sdelay $0x7  }
0x18: {  	[tilespmem:v2+s7+$0x0] =	vst.idx.add.f32.msk $0xffff, v1  }
0x19: {  	v2 =	vld [tilespmem:s12+$0x10];
	_ =	sdelay $0x7  }
0x1a: {  	[tilespmem:v2+s7+$0x0] =	vst.idx.add.f32.msk $0xffff, v1  }
0x1b: {  	v2 =	vld [tilespmem:s12+$0x20];
	_ =	sdelay $0x7  }
0x1c: {  	[tilespmem:v2+s7+$0x0] =	vst.idx.add.f32.msk $0xffff, v1  }
0x1d: {  	v2 =	vld [tilespmem:s12+$0x30];
	_ =	sdelay $0x7  }
0x1e: {  	[tilespmem:v2+s7+$0x0] =	vst.idx.add.f32.msk $0xffff, v1  }
0x1f: {  	v2 =	vld [tilespmem:s12+$0x40];
	_ =	sdelay $0x7  }
0x20: {  	[tilespmem:v2+s7+$0x0] =	vst.idx.add.f32.msk $0xffff, v1  }
0x21: {  	v2 =	vld [tilespmem:s12+$0x50];
	_ =	sdelay $0x7  }
0x22: {  	[tilespmem:v2+s7+$0x0] =	vst.idx.add.f32.msk $0xffff, v1  }
0x23: {  	v2 =	vld [tilespmem:s12+$0x60];
	_ =	sdelay $0x7  }
0x24: {  	[tilespmem:v2+s7+$0x0] =	vst.idx.add.f32.msk $0xffff, v1  }
0x25: {  	v2 =	vld [tilespmem:s12+$0x70];
	_ =	sdelay $0x2  }
0x26: {  	p0 =	sne.s32 s11, $0x9E00  }
.Ltmp1:
0x27: {  	_ = 	snop;
	(pc) =	sbr.rel @p0 .LBB2_4-.Ltmp1, $2  }
0x28: {  	_ =	sdelay $0x2  }
0x29: {  	s11 =	sadd.s32 $0x200, s11;
	[tilespmem:v2+s7+$0x0] =	vst.idx.add.f32.msk $0xffff, v1  }
0x2a: {  	s10 =	sadd.s32 $0x1, s10  }
0x2b: {  	p0 =	sne.s32 s10, s5  }
.Ltmp2:
0x2c: {  	_ = 	snop;
	(pc) =	sbr.rel @p0 .LBB2_1-.Ltmp2, $4  }
0x2d: {  	[hbm4b:s4+s8] =	stream.strided.scatter [tilespmem:s7], [sflag:$0x1], $0x2800, s9, s8, $0x38;
	[tilespmem:$0x5000] =	vst v63  }
0x2e: {  	_ =	swait.ge [sflag:s6], $0x2800  }
0x2f: {  	[sflag:s6] =	ssyncset.done $0x0  }
0x30: {  	[sflag:s6] =	ssyncadd.s32 $0xFFFFD800  }
0x31: {  	_ =	sfence.sel $0x180000  }
0x32: {  	[bflag:$0x0] =	sbarrier.arrive $0xFFFF  }
0x33: {  	p0 =	sne.s32 s0, $0x0;
	_ =	strace $0x90000047  }
0x34: {  	s0 =	sadd.s32 @!p0 $0x100000, s1;
	[bflag:$0x2] =	sbarrier.arrive $0xFFFF  }
0x35: {  	[sflag:s0] =	ssyncadd.tile.s32 @!p0 $0x1;
	_ =	shalt  }
.Lfunc_end2:
_tile_overlayer_lowered:
.L_overlay_start_2:
0x36: {  	(tag) =	ssettag $0x2  }
0x37: {  	s0 =	rddreg [dreg:$0x0];
	s2 =	stileid.u32  }
0x38: {  	s1 =	rddreg [dreg:$0x1];
	p0 =	sne.s32 s2, $0x0  }
0x39: {  	s3 =	rddreg [dreg:$0x2];
	[bflag:$0x3] =	sbarrier.arrive $0xFFFF;
	s2 =	simm.s32 @!p0 $0x1C01  }
0x3a: {  	[timem:s3], [sflag:s2] =	dma.local @!p0 [hbm:s0], s1  }
0x3b: {  	s0 =	simm.s32 @!p0 $0x1  }
0x3c: {  	_ =	swait.ge @!p0 [sflag:s0], s1  }
0x3d: {  	s1 =	ssub.s32 @!p0 $0x0, s1;
	[sflag:s0] =	ssyncset.done @!p0 $0x0  }
0x3e: {  	[sflag:s0] =	ssyncadd.s32 @!p0 s1  }
0x3f: {  	[bflag:$0x3] =	sbarrier.arrive $0xFFFF  }
0x40: {  	_ =	shalt  }

</sc_bundles>
